<compile_context>
chip_gen: v7x
topology: tpu7x:2x2x1
jax: 0.10.2.dev20260603
libtpu: 0.0.44.dev20260713+nightly
codegen_flags: <defaults>
</compile_context>

<pallas_src>
import functools

import jax
import jax.numpy as jnp
from jax import lax
from jax.experimental import pallas as pl
from jax.experimental.pallas import tpu as pltpu
from jax.experimental.pallas import tpu_sc as plsc

L = 16
MAXLEN = 2048
CHUNK = 128
ZROWS = 64


def _regulator_body(B, T, D, x_hbm, dur_hbm, out_hbm, mel_hbm,
                    dur_v, cum_v, start_v, arr_v, idx_v, mel_v,
                    rows0, rows1, rows2, zbuf, gsem0, gsem1, gsem2):
    b = lax.axis_index("s")
    h = lax.axis_index("c")

    pltpu.sync_copy(dur_hbm.at[b], dur_v)

    iota = lax.iota(jnp.int32, L)

    def cum_step(i, carry):
        for u in range(2):
            v = dur_v[pl.ds((2 * i + u) * L, L)]
            s = plsc.cumsum(v) + carry
            cum_v[pl.ds((2 * i + u) * L, L)] = s
            start_v[pl.ds((2 * i + u) * L, L)] = s - v
            carry = s[L - 1]
        return carry

    total = lax.fori_loop(0, T // L // 2, cum_step, jnp.int32(0))

    zeros16 = jnp.zeros((L,), jnp.int32)

    limit = jnp.minimum(total, MAXLEN)
    kmax = jnp.minimum((limit // CHUNK + 1) * (CHUNK // L), MAXLEN // L)
    kmax2 = (kmax + 1) // 2

    def zero_step(i, carry):
        for u in range(2):
            arr_v[pl.ds((2 * i + u) * L, L)] = zeros16
        return carry

    lax.fori_loop(0, kmax2, zero_step, jnp.int32(0))

    def scatter_step(i, carry):
        for u in range(2):
            d = dur_v[pl.ds((2 * i + u) * L, L)]
            st = start_v[pl.ds((2 * i + u) * L, L)]
            ids = iota + (2 * i + u) * L
            plsc.store_scatter(arr_v, [st], ids, mask=(d > 0) & (st < MAXLEN))
        return carry

    lax.fori_loop(0, T // L // 2, scatter_step, jnp.int32(0))

    base = b * T

    def cummax_step(i, carry):
        for u in range(2):
            m = jnp.maximum(plsc.cummax(arr_v[pl.ds((2 * i + u) * L, L)]), carry)
            j = iota + (2 * i + u) * L
            idx_v[pl.ds((2 * i + u) * L, L)] = jnp.where(j < limit, m, 0) + base
            carry = m[L - 1]
        return carry

    lax.fori_loop(0, kmax2, cummax_step, jnp.int32(0))

    @pl.when(h == 0)
    def _():
        mel_v[...] = jnp.full((L,), total, jnp.int32)
        pltpu.sync_copy(mel_v, mel_hbm.at[b])

    zerosf = jnp.zeros((L,), jnp.float32)

    def zbuf_step(r, carry):
        for ci in range(D // L):
            zbuf[r, pl.ds(ci * L, L)] = zerosf
        return carry

    lax.fori_loop(0, ZROWS, zbuf_step, jnp.int32(0))

    nrounds = MAXLEN // CHUNK // 2
    bufs = (rows0, rows1, rows2)
    sems = (gsem0, gsem1, gsem2)
    nb = len(bufs)
    h_eff = (h + b) % 2
    offs = [None] * nrounds
    conds = [None] * nrounds
    for k in range(nrounds):
        offs[k] = (2 * k + h_eff) * CHUNK
        conds[k] = offs[k] < limit

    copies = [None] * nrounds

    def start(k):
        @pl.when(conds[k])
        def _():
            pltpu.async_copy(
                x_hbm.at[idx_v.at[pl.ds(offs[k], CHUNK)]],
                bufs[k % nb], sems[k % nb])

    def wait(k):
        @pl.when(conds[k])
        def _():
            pltpu.make_async_copy(
                x_hbm.at[idx_v.at[pl.ds(offs[k], CHUNK)]],
                bufs[k % nb], sems[k % nb]).wait()

    start(0)
    start(1)
    for k in range(nrounds):
        wait(k)
        if k + 2 < nrounds:
            start(k + 2)

        @pl.when(conds[k])
        def _(k=k):
            r0 = jnp.clip(limit - offs[k], 0, CHUNK)

            def zrow_step(r, carry):
                for ci in range(D // L):
                    bufs[k % nb][r, pl.ds(ci * L, L)] = zerosf
                return carry

            lax.fori_loop(r0, CHUNK, zrow_step, jnp.int32(0))
            pltpu.sync_copy(bufs[k % nb], out_hbm.at[b, pl.ds(offs[k], CHUNK)])

        @pl.when(jnp.logical_not(conds[k]))
        def _(k=k):
            for z in range(CHUNK // ZROWS):
                pltpu.sync_copy(
                    zbuf, out_hbm.at[b, pl.ds(offs[k] + z * ZROWS, ZROWS)])


def kernel(x, duration, max_len):
    B, T, D = x.shape
    xp = x.reshape(B * T, D)

    body = functools.partial(_regulator_body, B, T, D)
    out, mel = pl.kernel(
        body,
        out_type=(jax.ShapeDtypeStruct((B, MAXLEN, D), x.dtype),
                  jax.ShapeDtypeStruct((B, L), jnp.int32)),
        mesh=plsc.VectorSubcoreMesh(core_axis_name="c", subcore_axis_name="s"),
        compiler_params=pltpu.CompilerParams(needs_layout_passes=False),
        scratch_types=(
            pltpu.VMEM((T,), jnp.int32),
            pltpu.VMEM((T,), jnp.int32),
            pltpu.VMEM((T,), jnp.int32),
            pltpu.VMEM((MAXLEN,), jnp.int32),
            pltpu.VMEM((MAXLEN,), jnp.int32),
            pltpu.VMEM((L,), jnp.int32),
            pltpu.VMEM((CHUNK, D), jnp.float32),
            pltpu.VMEM((CHUNK, D), jnp.float32),
            pltpu.VMEM((CHUNK, D), jnp.float32),
            pltpu.VMEM((ZROWS, D), jnp.float32),
            pltpu.SemaphoreType.DMA,
            pltpu.SemaphoreType.DMA,
            pltpu.SemaphoreType.DMA,
        ),
    )(xp, duration)
    return out, mel[:, 0]

# --- scband reference (transcript-rebuilt; emitter-appended) ---
"""Pipeline reference for scband-length-regulator-46780783788700 (READ-ONLY COPY).

The authoritative reference and input builder live on the scoring server;
editing this copy changes nothing except your own understanding.
"""

import jax, jax.numpy as jnp
import numpy as np


def setup_inputs(seed: int = 0) -> dict:
    key = jax.random.key(seed)
    k1, k2 = jax.random.split(key)
    x = jax.random.normal(k1, (16, 512, 256), dtype=jnp.float32)
    duration = jax.random.randint(k2, (16, 512), 0, 4, dtype=jnp.int32)
    return {"x": x, "duration": duration, "max_len": 2048}


def reference(x, duration, max_len):
    # Faithful port of FastSpeech2 LengthRegulator.forward:
    # each phoneme vector x[b, i] is repeated duration[b, i] times along time,
    # results are concatenated per batch element and zero-padded to max_len.
    B, T, d = x.shape
    pos = jnp.arange(2048)

    def per_batch(xb, db):
        cum = jnp.cumsum(db)
        total = cum[-1]
        # searchsorted(cum, j, 'right') gives the phoneme index whose
        # duration interval contains output frame j (equivalent to
        # repeat-with-total_repeat_length, i.e. torch expand + cat).
        idx = jnp.searchsorted(cum, pos, side='right')
        idx = jnp.minimum(idx, T - 1)
        out = jnp.take(xb, idx, axis=0)
        # zero-pad beyond the true expanded length (matches utils.pad)
        mask = (pos < jnp.minimum(total, max_len)).astype(xb.dtype)[:, None]
        return out * mask, total

    output, mel_len = jax.vmap(per_batch)(x, duration)
    return output, mel_len.astype(jnp.int32)

if __name__ == "__main__":
    import jax
    _d = setup_inputs()
    print(jax.jit(kernel)(*tuple(_d.values())))

</pallas_src>

<mosaic_0001>
#map = affine_map<(d0, d1) -> (0, 0)>
#map1 = affine_map<(d0, d1) -> (0, 0, 0)>
module attributes {stable_mosaic.version = 14 : i64} {
  func.func @_regulator_body(%arg0: i32, %arg1: i32, %arg2: memref<8192x256xf32, #tpu.memory_space<hbm>>, %arg3: memref<16x512xi32, #tpu.memory_space<hbm>>, %arg4: memref<16x2048x256xf32, #tpu.memory_space<hbm>>, %arg5: memref<16x16xi32, #tpu.memory_space<hbm>>, %arg6: memref<512xi32, #tpu.memory_space<vmem>>, %arg7: memref<512xi32, #tpu.memory_space<vmem>>, %arg8: memref<512xi32, #tpu.memory_space<vmem>>, %arg9: memref<2048xi32, #tpu.memory_space<vmem>>, %arg10: memref<2048xi32, #tpu.memory_space<vmem>>, %arg11: memref<16xi32, #tpu.memory_space<vmem>>, %arg12: memref<128x256xf32, #tpu.memory_space<vmem>>, %arg13: memref<128x256xf32, #tpu.memory_space<vmem>>, %arg14: memref<128x256xf32, #tpu.memory_space<vmem>>, %arg15: memref<64x256xf32, #tpu.memory_space<vmem>>, %arg16: memref<!tpu.dma_semaphore, #tpu.memory_space<semaphore_mem>>, %arg17: memref<!tpu.dma_semaphore, #tpu.memory_space<semaphore_mem>>, %arg18: memref<!tpu.dma_semaphore, #tpu.memory_space<semaphore_mem>>) attributes {dimension_semantics = [#tpu.dimension_semantics<core_parallel>, #tpu.dimension_semantics<subcore_parallel>], iteration_bounds = array<i64: 2, 16>, scalar_prefetch = 0 : i64, scratch_operands = 13 : i64, tpu.core_type = #tpu.core_type<sc_vector_subcore>, window_params = [{transform_indices = #map}, {transform_indices = #map}, {transform_indices = #map1}, {transform_indices = #map}]} {
    "tpu.region"() ({
      %run_scoped3A = tpu.sem_alloc : memref<!tpu.dma_semaphore, #tpu.memory_space<semaphore_mem>>
      %dma_start3A = arith.constant 0 : i32
      %dma_start3A_260 = tpu.memref_slice %arg3[%arg1, %dma_start3A] : memref<16x512xi32, #tpu.memory_space<hbm>> -> memref<1x512xi32, #tpu.memory_space<hbm>>
      %dma_start3A_261 = tpu.memref_squeeze %dma_start3A_260 : memref<1x512xi32, #tpu.memory_space<hbm>> -> memref<512xi32, #tpu.memory_space<hbm>>
      %dma_start3A_262 = arith.constant 0 : i32
      %dma_start3A_263 = tpu.memref_slice %arg3[%arg1, %dma_start3A_262] : memref<16x512xi32, #tpu.memory_space<hbm>> -> memref<1x512xi32, #tpu.memory_space<hbm>>
      %dma_start3A_264 = tpu.memref_squeeze %dma_start3A_263 : memref<1x512xi32, #tpu.memory_space<hbm>> -> memref<512xi32, #tpu.memory_space<hbm>>
      tpu.enqueue_dma source(%dma_start3A_264 : memref<512xi32, #tpu.memory_space<hbm>>) target(%arg6 : memref<512xi32, #tpu.memory_space<vmem>>) target_semaphore(%run_scoped3A : memref<!tpu.dma_semaphore, #tpu.memory_space<semaphore_mem>>)
      %dma_wait3A = arith.constant 0 : i32
      %dma_wait3A_265 = tpu.memref_slice %arg3[%arg1, %dma_wait3A] : memref<16x512xi32, #tpu.memory_space<hbm>> -> memref<1x512xi32, #tpu.memory_space<hbm>>
      %dma_wait3A_266 = tpu.memref_squeeze %dma_wait3A_265 : memref<1x512xi32, #tpu.memory_space<hbm>> -> memref<512xi32, #tpu.memory_space<hbm>>
      %dma_wait3A_267 = arith.constant 0 : i32
      %dma_wait3A_268 = tpu.memref_slice %arg3[%arg1, %dma_wait3A_267] : memref<16x512xi32, #tpu.memory_space<hbm>> -> memref<1x512xi32, #tpu.memory_space<hbm>>
      %dma_wait3A_269 = tpu.memref_squeeze %dma_wait3A_268 : memref<1x512xi32, #tpu.memory_space<hbm>> -> memref<512xi32, #tpu.memory_space<hbm>>
      tpu.wait_dma2 semaphore(%run_scoped3A : memref<!tpu.dma_semaphore, #tpu.memory_space<semaphore_mem>>) src(%dma_wait3A_269 : memref<512xi32, #tpu.memory_space<hbm>>) dst(%arg6 : memref<512xi32, #tpu.memory_space<vmem>>)
      tpu.yield
    }) : () -> ()
    %iota3A = tpu.iota {dimensions = array<i32: 0>} : vector<16xi32>
    %scan3A = arith.constant 0 : i32
    %scan3A_0 = arith.constant 0 : i32
    %scan3A_1 = arith.constant 16 : i32
    %scan3A_2 = arith.addi %scan3A_0, %scan3A_1 : i32
    %scan3A_3 = arith.constant 1 : i32
    %scan3A_4 = scf.for %scan3A_260 = %scan3A_0 to %scan3A_2 step %scan3A_3 iter_args(%scan3A_261 = %scan3A) -> (i32)  : i32 {
      %mul3A_262 = arith.constant 2 : i32
      %mul3A_263 = arith.muli %mul3A_262, %scan3A_260 : i32
      %add3A_264 = arith.constant 0 : i32
      %add3A_265 = arith.addi %mul3A_263, %add3A_264 : i32
      %mul3A_266 = arith.constant 16 : i32
      %mul3A_267 = arith.muli %add3A_265, %mul3A_266 : i32
      %get3A = arith.index_cast %mul3A_267 : i32 to index
      %get3A_268 = tpu.vector_load %arg6[%get3A] {strides = array<i32>} : memref<512xi32, #tpu.memory_space<vmem>>, vector<16xi32>,
      %broadcast_in_dim3A_269 = arith.constant true
      %broadcast_in_dim3A_270 = vector.broadcast %broadcast_in_dim3A_269 : i1 to vector<16xi1>
      %masked_cumsum3A = tpu.scan <sum>, %get3A_268 masked %broadcast_in_dim3A_270 : vector<16xi32>, vector<16xi1> -> vector<16xi32>
      %add3A_271 = vector.broadcast %scan3A_261 : i32 to vector<16xi32>
      %add3A_272 = arith.addi %masked_cumsum3A, %add3A_271 : vector<16xi32>
      %mul3A_273 = arith.constant 2 : i32
      %mul3A_274 = arith.muli %mul3A_273, %scan3A_260 : i32
      %add3A_275 = arith.constant 0 : i32
      %add3A_276 = arith.addi %mul3A_274, %add3A_275 : i32
      %mul3A_277 = arith.constant 16 : i32
      %mul3A_278 = arith.muli %add3A_276, %mul3A_277 : i32
      %swap3A = arith.index_cast %mul3A_278 : i32 to index
      %swap3A_279 = tpu.vector_load %arg7[%swap3A] {strides = array<i32>} : memref<512xi32, #tpu.memory_space<vmem>>, vector<16xi32>,
      tpu.vector_store %arg7[%swap3A], %add3A_272 {strides = array<i32>} : memref<512xi32, #tpu.memory_space<vmem>>, vector<16xi32>,
      %sub3A_280 = arith.subi %add3A_272, %get3A_268 : vector<16xi32>
      %mul3A_281 = arith.constant 2 : i32
      %mul3A_282 = arith.muli %mul3A_281, %scan3A_260 : i32
      %add3A_283 = arith.constant 0 : i32
      %add3A_284 = arith.addi %mul3A_282, %add3A_283 : i32
      %mul3A_285 = arith.constant 16 : i32
      %mul3A_286 = arith.muli %add3A_284, %mul3A_285 : i32
      %swap3A_287 = arith.index_cast %mul3A_286 : i32 to index
      %swap3A_288 = tpu.vector_load %arg8[%swap3A_287] {strides = array<i32>} : memref<512xi32, #tpu.memory_space<vmem>>, vector<16xi32>,
      tpu.vector_store %arg8[%swap3A_287], %sub3A_280 {strides = array<i32>} : memref<512xi32, #tpu.memory_space<vmem>>, vector<16xi32>,
      %slice3A = vector.extract_strided_slice %add3A_272 {offsets = [15], sizes = [1], strides = [1]} : vector<16xi32> to vector<1xi32>
      %squeeze3A = vector.extract %slice3A[0] : i32 from vector<1xi32>
      %mul3A_289 = arith.constant 2 : i32
      %mul3A_290 = arith.muli %mul3A_289, %scan3A_260 : i32
      %add3A_291 = arith.constant 1 : i32
      %add3A_292 = arith.addi %mul3A_290, %add3A_291 : i32
      %mul3A_293 = arith.constant 16 : i32
      %mul3A_294 = arith.muli %add3A_292, %mul3A_293 : i32
      %get3A_295 = arith.index_cast %mul3A_294 : i32 to index
      %get3A_296 = tpu.vector_load %arg6[%get3A_295] {strides = array<i32>} : memref<512xi32, #tpu.memory_space<vmem>>, vector<16xi32>,
      %broadcast_in_dim3A_297 = arith.constant true
      %broadcast_in_dim3A_298 = vector.broadcast %broadcast_in_dim3A_297 : i1 to vector<16xi1>
      %masked_cumsum3A_299 = tpu.scan <sum>, %get3A_296 masked %broadcast_in_dim3A_298 : vector<16xi32>, vector<16xi1> -> vector<16xi32>
      %add3A_300 = vector.broadcast %squeeze3A : i32 to vector<16xi32>
      %add3A_301 = arith.addi %masked_cumsum3A_299, %add3A_300 : vector<16xi32>
      %mul3A_302 = arith.constant 2 : i32
      %mul3A_303 = arith.muli %mul3A_302, %scan3A_260 : i32
      %add3A_304 = arith.constant 1 : i32
      %add3A_305 = arith.addi %mul3A_303, %add3A_304 : i32
      %mul3A_306 = arith.constant 16 : i32
      %mul3A_307 = arith.muli %add3A_305, %mul3A_306 : i32
      %swap3A_308 = arith.index_cast %mul3A_307 : i32 to index
      %swap3A_309 = tpu.vector_load %arg7[%swap3A_308] {strides = array<i32>} : memref<512xi32, #tpu.memory_space<vmem>>, vector<16xi32>,
      tpu.vector_store %arg7[%swap3A_308], %add3A_301 {strides = array<i32>} : memref<512xi32, #tpu.memory_space<vmem>>, vector<16xi32>,
      %sub3A_310 = arith.subi %add3A_301, %get3A_296 : vector<16xi32>
      %mul3A_311 = arith.constant 2 : i32
      %mul3A_312 = arith.muli %mul3A_311, %scan3A_260 : i32
      %add3A_313 = arith.constant 1 : i32
      %add3A_314 = arith.addi %mul3A_312, %add3A_313 : i32
      %mul3A_315 = arith.constant 16 : i32
      %mul3A_316 = arith.muli %add3A_314, %mul3A_315 : i32
      %swap3A_317 = arith.index_cast %mul3A_316 : i32 to index
      %swap3A_318 = tpu.vector_load %arg8[%swap3A_317] {strides = array<i32>} : memref<512xi32, #tpu.memory_space<vmem>>, vector<16xi32>,
      tpu.vector_store %arg8[%swap3A_317], %sub3A_310 {strides = array<i32>} : memref<512xi32, #tpu.memory_space<vmem>>, vector<16xi32>,
      %slice3A_319 = vector.extract_strided_slice %add3A_301 {offsets = [15], sizes = [1], strides = [1]} : vector<16xi32> to vector<1xi32>
      %squeeze3A_320 = vector.extract %slice3A_319[0] : i32 from vector<1xi32>
      scf.yield %squeeze3A_320 : i32
    }
    %scan3A_5 = arith.constant 16 : i32
    %broadcast_in_dim3A = arith.constant 0 : i32
    %broadcast_in_dim3A_6 = vector.broadcast %broadcast_in_dim3A : i32 to vector<16xi32>
    %min3A = arith.constant 2048 : i32
    %min3A_7 = arith.minsi %scan3A_4, %min3A : i32
    %jit3A = arith.constant 128 : i32
    %div3A = arith.divsi %min3A_7, %jit3A : i32
    %sign3A = arith.constant 0 : i32
    %sign3A_8 = arith.cmpi sgt, %min3A_7, %sign3A : i32
    %sign3A_9 = arith.extui %sign3A_8 : i1 to i32
    %sign3A_10 = arith.constant 0 : i32
    %sign3A_11 = arith.cmpi slt, %min3A_7, %sign3A_10 : i32
    %sign3A_12 = arith.extui %sign3A_11 : i1 to i32
    %sign3A_13 = arith.subi %sign3A_9, %sign3A_12 : i32
    %sign3A_14 = arith.constant 0 : i32
    %sign3A_15 = arith.cmpi sgt, %jit3A, %sign3A_14 : i32
    %sign3A_16 = arith.extui %sign3A_15 : i1 to i32
    %sign3A_17 = arith.constant 0 : i32
    %sign3A_18 = arith.cmpi slt, %jit3A, %sign3A_17 : i32
    %sign3A_19 = arith.extui %sign3A_18 : i1 to i32
    %sign3A_20 = arith.subi %sign3A_16, %sign3A_19 : i32
    %ne3A = arith.cmpi ne, %sign3A_13, %sign3A_20 : i32
    %rem3A = arith.remsi %min3A_7, %jit3A : i32
    %ne3A_21 = arith.constant 0 : i32
    %ne3A_22 = arith.cmpi ne, %rem3A, %ne3A_21 : i32
    %and3A = arith.andi %ne3A, %ne3A_22 : i1
    %sub3A = arith.constant 1 : i32
    %sub3A_23 = arith.subi %div3A, %sub3A : i32
    %select_n3A = arith.select %and3A, %sub3A_23, %div3A : i32
    %add3A = arith.constant 1 : i32
    %add3A_24 = arith.addi %select_n3A, %add3A : i32
    %mul3A = arith.constant 8 : i32
    %mul3A_25 = arith.muli %add3A_24, %mul3A : i32
    %min3A_26 = arith.constant 128 : i32
    %min3A_27 = arith.minsi %mul3A_25, %min3A_26 : i32
    %add3A_28 = arith.constant 1 : i32
    %add3A_29 = arith.addi %min3A_27, %add3A_28 : i32
    %jit3A_30 = arith.constant 2 : i32
    %div3A_31 = arith.divsi %add3A_29, %jit3A_30 : i32
    %sign3A_32 = arith.constant 0 : i32
    %sign3A_33 = arith.cmpi sgt, %add3A_29, %sign3A_32 : i32
    %sign3A_34 = arith.extui %sign3A_33 : i1 to i32
    %sign3A_35 = arith.constant 0 : i32
    %sign3A_36 = arith.cmpi slt, %add3A_29, %sign3A_35 : i32
    %sign3A_37 = arith.extui %sign3A_36 : i1 to i32
    %sign3A_38 = arith.subi %sign3A_34, %sign3A_37 : i32
    %sign3A_39 = arith.constant 0 : i32
    %sign3A_40 = arith.cmpi sgt, %jit3A_30, %sign3A_39 : i32
    %sign3A_41 = arith.extui %sign3A_40 : i1 to i32
    %sign3A_42 = arith.constant 0 : i32
    %sign3A_43 = arith.cmpi slt, %jit3A_30, %sign3A_42 : i32
    %sign3A_44 = arith.extui %sign3A_43 : i1 to i32
    %sign3A_45 = arith.subi %sign3A_41, %sign3A_44 : i32
    %ne3A_46 = arith.cmpi ne, %sign3A_38, %sign3A_45 : i32
    %rem3A_47 = arith.remsi %add3A_29, %jit3A_30 : i32
    %ne3A_48 = arith.constant 0 : i32
    %ne3A_49 = arith.cmpi ne, %rem3A_47, %ne3A_48 : i32
    %and3A_50 = arith.andi %ne3A_46, %ne3A_49 : i1
    %sub3A_51 = arith.constant 1 : i32
    %sub3A_52 = arith.subi %div3A_31, %sub3A_51 : i32
    %select_n3A_53 = arith.select %and3A_50, %sub3A_52, %div3A_31 : i32
    %while3A = arith.constant 0 : i32
    %while3A_54 = arith.constant 0 : i32
    %while3A_55 = arith.subi %select_n3A_53, %while3A_54 : i32
    %while3A_56 = arith.addi %while3A_54, %while3A_55 : i32
    %while3A_57 = arith.constant 1 : i32
    %while3A_58 = arith.divsi %while3A_55, %while3A_57 : i32
    %while3A_59 = arith.muli %while3A_58, %while3A_57 : i32
    %while3A_60 = arith.addi %while3A_54, %while3A_59 : i32
    %while3A_61 = arith.constant 1 : i32
    scf.for %while3A_260 = %while3A_54 to %while3A_60 step %while3A_61  : i32 {
      %mul3A_261 = arith.constant 2 : i32
      %mul3A_262 = arith.muli %mul3A_261, %while3A_260 : i32
      %add3A_263 = arith.constant 0 : i32
      %add3A_264 = arith.addi %mul3A_262, %add3A_263 : i32
      %mul3A_265 = arith.constant 16 : i32
      %mul3A_266 = arith.muli %add3A_264, %mul3A_265 : i32
      %swap3A = arith.index_cast %mul3A_266 : i32 to index
      %swap3A_267 = tpu.vector_load %arg9[%swap3A] {strides = array<i32>} : memref<2048xi32, #tpu.memory_space<vmem>>, vector<16xi32>,
      tpu.vector_store %arg9[%swap3A], %broadcast_in_dim3A_6 {strides = array<i32>} : memref<2048xi32, #tpu.memory_space<vmem>>, vector<16xi32>,
      %mul3A_268 = arith.constant 2 : i32
      %mul3A_269 = arith.muli %mul3A_268, %while3A_260 : i32
      %add3A_270 = arith.constant 1 : i32
      %add3A_271 = arith.addi %mul3A_269, %add3A_270 : i32
      %mul3A_272 = arith.constant 16 : i32
      %mul3A_273 = arith.muli %add3A_271, %mul3A_272 : i32
      %swap3A_274 = arith.index_cast %mul3A_273 : i32 to index
      %swap3A_275 = tpu.vector_load %arg9[%swap3A_274] {strides = array<i32>} : memref<2048xi32, #tpu.memory_space<vmem>>, vector<16xi32>,
      tpu.vector_store %arg9[%swap3A_274], %broadcast_in_dim3A_6 {strides = array<i32>} : memref<2048xi32, #tpu.memory_space<vmem>>, vector<16xi32>,
    }
    %while3A_62 = arith.constant 1 : i32
    scf.for %while3A_260 = %while3A_60 to %while3A_56 step %while3A_62  : i32 {
      %mul3A_261 = arith.constant 2 : i32
      %mul3A_262 = arith.muli %mul3A_261, %while3A_260 : i32
      %add3A_263 = arith.constant 0 : i32
      %add3A_264 = arith.addi %mul3A_262, %add3A_263 : i32
      %mul3A_265 = arith.constant 16 : i32
      %mul3A_266 = arith.muli %add3A_264, %mul3A_265 : i32
      %swap3A = arith.index_cast %mul3A_266 : i32 to index
      %swap3A_267 = tpu.vector_load %arg9[%swap3A] {strides = array<i32>} : memref<2048xi32, #tpu.memory_space<vmem>>, vector<16xi32>,
      tpu.vector_store %arg9[%swap3A], %broadcast_in_dim3A_6 {strides = array<i32>} : memref<2048xi32, #tpu.memory_space<vmem>>, vector<16xi32>,
      %mul3A_268 = arith.constant 2 : i32
      %mul3A_269 = arith.muli %mul3A_268, %while3A_260 : i32
      %add3A_270 = arith.constant 1 : i32
      %add3A_271 = arith.addi %mul3A_269, %add3A_270 : i32
      %mul3A_272 = arith.constant 16 : i32
      %mul3A_273 = arith.muli %add3A_271, %mul3A_272 : i32
      %swap3A_274 = arith.index_cast %mul3A_273 : i32 to index
      %swap3A_275 = tpu.vector_load %arg9[%swap3A_274] {strides = array<i32>} : memref<2048xi32, #tpu.memory_space<vmem>>, vector<16xi32>,
      tpu.vector_store %arg9[%swap3A_274], %broadcast_in_dim3A_6 {strides = array<i32>} : memref<2048xi32, #tpu.memory_space<vmem>>, vector<16xi32>,
    }
    %scan3A_63 = arith.constant 0 : i32
    %scan3A_64 = arith.constant 0 : i32
    %scan3A_65 = arith.constant 16 : i32
    %scan3A_66 = arith.addi %scan3A_64, %scan3A_65 : i32
    %scan3A_67 = arith.constant 1 : i32
    scf.for %scan3A_260 = %scan3A_64 to %scan3A_66 step %scan3A_67  : i32 {
      %mul3A_261 = arith.constant 2 : i32
      %mul3A_262 = arith.muli %mul3A_261, %scan3A_260 : i32
      %add3A_263 = arith.constant 0 : i32
      %add3A_264 = arith.addi %mul3A_262, %add3A_263 : i32
      %mul3A_265 = arith.constant 16 : i32
      %mul3A_266 = arith.muli %add3A_264, %mul3A_265 : i32
      %get3A = arith.index_cast %mul3A_266 : i32 to index
      %get3A_267 = tpu.vector_load %arg6[%get3A] {strides = array<i32>} : memref<512xi32, #tpu.memory_space<vmem>>, vector<16xi32>,
      %mul3A_268 = arith.constant 2 : i32
      %mul3A_269 = arith.muli %mul3A_268, %scan3A_260 : i32
      %add3A_270 = arith.constant 0 : i32
      %add3A_271 = arith.addi %mul3A_269, %add3A_270 : i32
      %mul3A_272 = arith.constant 16 : i32
      %mul3A_273 = arith.muli %add3A_271, %mul3A_272 : i32
      %get3A_274 = arith.index_cast %mul3A_273 : i32 to index
      %get3A_275 = tpu.vector_load %arg8[%get3A_274] {strides = array<i32>} : memref<512xi32, #tpu.memory_space<vmem>>, vector<16xi32>,
      %mul3A_276 = arith.constant 2 : i32
      %mul3A_277 = arith.muli %mul3A_276, %scan3A_260 : i32
      %add3A_278 = arith.constant 0 : i32
      %add3A_279 = arith.addi %mul3A_277, %add3A_278 : i32
      %mul3A_280 = arith.constant 16 : i32
      %mul3A_281 = arith.muli %add3A_279, %mul3A_280 : i32
      %add3A_282 = vector.broadcast %mul3A_281 : i32 to vector<16xi32>
      %add3A_283 = arith.addi %iota3A, %add3A_282 : vector<16xi32>
      %gt3A = arith.constant 0 : i32
      %gt3A_284 = vector.broadcast %gt3A : i32 to vector<16xi32>
      %gt3A_285 = arith.cmpi sgt, %get3A_267, %gt3A_284 : vector<16xi32>
      %lt3A_286 = arith.constant 2048 : i32
      %lt3A_287 = vector.broadcast %lt3A_286 : i32 to vector<16xi32>
      %lt3A_288 = arith.cmpi slt, %get3A_275, %lt3A_287 : vector<16xi32>
      %and3A_289 = arith.andi %gt3A_285, %lt3A_288 : vector<16xi1>
      tpu.vector_store_idx %arg9[%get3A_275], %add3A_283 masked %and3A_289 : memref<2048xi32, #tpu.memory_space<vmem>>[vector<16xi32>], vector<16xi32>, vector<16xi1>
      %mul3A_290 = arith.constant 2 : i32
      %mul3A_291 = arith.muli %mul3A_290, %scan3A_260 : i32
      %add3A_292 = arith.constant 1 : i32
      %add3A_293 = arith.addi %mul3A_291, %add3A_292 : i32
      %mul3A_294 = arith.constant 16 : i32
      %mul3A_295 = arith.muli %add3A_293, %mul3A_294 : i32
      %get3A_296 = arith.index_cast %mul3A_295 : i32 to index
      %get3A_297 = tpu.vector_load %arg6[%get3A_296] {strides = array<i32>} : memref<512xi32, #tpu.memory_space<vmem>>, vector<16xi32>,
      %mul3A_298 = arith.constant 2 : i32
      %mul3A_299 = arith.muli %mul3A_298, %scan3A_260 : i32
      %add3A_300 = arith.constant 1 : i32
      %add3A_301 = arith.addi %mul3A_299, %add3A_300 : i32
      %mul3A_302 = arith.constant 16 : i32
      %mul3A_303 = arith.muli %add3A_301, %mul3A_302 : i32
      %get3A_304 = arith.index_cast %mul3A_303 : i32 to index
      %get3A_305 = tpu.vector_load %arg8[%get3A_304] {strides = array<i32>} : memref<512xi32, #tpu.memory_space<vmem>>, vector<16xi32>,
      %mul3A_306 = arith.constant 2 : i32
      %mul3A_307 = arith.muli %mul3A_306, %scan3A_260 : i32
      %add3A_308 = arith.constant 1 : i32
      %add3A_309 = arith.addi %mul3A_307, %add3A_308 : i32
      %mul3A_310 = arith.constant 16 : i32
      %mul3A_311 = arith.muli %add3A_309, %mul3A_310 : i32
      %add3A_312 = vector.broadcast %mul3A_311 : i32 to vector<16xi32>
      %add3A_313 = arith.addi %iota3A, %add3A_312 : vector<16xi32>
      %gt3A_314 = arith.constant 0 : i32
      %gt3A_315 = vector.broadcast %gt3A_314 : i32 to vector<16xi32>
      %gt3A_316 = arith.cmpi sgt, %get3A_297, %gt3A_315 : vector<16xi32>
      %lt3A_317 = arith.constant 2048 : i32
      %lt3A_318 = vector.broadcast %lt3A_317 : i32 to vector<16xi32>
      %lt3A_319 = arith.cmpi slt, %get3A_305, %lt3A_318 : vector<16xi32>
      %and3A_320 = arith.andi %gt3A_316, %lt3A_319 : vector<16xi1>
      tpu.vector_store_idx %arg9[%get3A_305], %add3A_313 masked %and3A_320 : memref<2048xi32, #tpu.memory_space<vmem>>[vector<16xi32>], vector<16xi32>, vector<16xi1>
    }
    %scan3A_68 = arith.constant 16 : i32
    %mul3A_69 = arith.constant 512 : i32
    %mul3A_70 = arith.muli %arg1, %mul3A_69 : i32
    %while3A_71 = arith.constant 0 : i32
    %while3A_72 = arith.constant 0 : i32
    %while3A_73 = arith.subi %select_n3A_53, %while3A_71 : i32
    %while3A_74 = arith.addi %while3A_71, %while3A_73 : i32
    %while3A_75 = arith.constant 1 : i32
    %while3A_76 = arith.divsi %while3A_73, %while3A_75 : i32
    %while3A_77 = arith.muli %while3A_76, %while3A_75 : i32
    %while3A_78 = arith.addi %while3A_71, %while3A_77 : i32
    %while3A_79 = arith.constant 1 : i32
    %while3A_80 = scf.for %while3A_260 = %while3A_71 to %while3A_78 step %while3A_79 iter_args(%while3A_261 = %while3A_72) -> (i32)  : i32 {
      %mul3A_262 = arith.constant 2 : i32
      %mul3A_263 = arith.muli %mul3A_262, %while3A_260 : i32
      %add3A_264 = arith.constant 0 : i32
      %add3A_265 = arith.addi %mul3A_263, %add3A_264 : i32
      %mul3A_266 = arith.constant 16 : i32
      %mul3A_267 = arith.muli %add3A_265, %mul3A_266 : i32
      %get3A = arith.index_cast %mul3A_267 : i32 to index
      %get3A_268 = tpu.vector_load %arg9[%get3A] {strides = array<i32>} : memref<2048xi32, #tpu.memory_space<vmem>>, vector<16xi32>,
      %broadcast_in_dim3A_269 = arith.constant true
      %broadcast_in_dim3A_270 = vector.broadcast %broadcast_in_dim3A_269 : i1 to vector<16xi1>
      %masked_cummax3A = arith.constant -2147483648 : i32
      %masked_cummax3A_271 = vector.broadcast %masked_cummax3A : i32 to vector<16xi32>
      %masked_cummax3A_272 = arith.xori %get3A_268, %masked_cummax3A_271 : vector<16xi32>
      %masked_cummax3A_273 = tpu.scan <max>, %masked_cummax3A_272 masked %broadcast_in_dim3A_270 : vector<16xi32>, vector<16xi1> -> vector<16xi32>
      %masked_cummax3A_274 = arith.xori %masked_cummax3A_273, %masked_cummax3A_271 : vector<16xi32>
      %max3A = vector.broadcast %while3A_261 : i32 to vector<16xi32>
      %max3A_275 = arith.maxsi %masked_cummax3A_274, %max3A : vector<16xi32>
      %mul3A_276 = arith.constant 2 : i32
      %mul3A_277 = arith.muli %mul3A_276, %while3A_260 : i32
      %add3A_278 = arith.constant 0 : i32
      %add3A_279 = arith.addi %mul3A_277, %add3A_278 : i32
      %mul3A_280 = arith.constant 16 : i32
      %mul3A_281 = arith.muli %add3A_279, %mul3A_280 : i32
      %add3A_282 = vector.broadcast %mul3A_281 : i32 to vector<16xi32>
      %add3A_283 = arith.addi %iota3A, %add3A_282 : vector<16xi32>
      %lt3A_284 = vector.broadcast %min3A_7 : i32 to vector<16xi32>
      %lt3A_285 = arith.cmpi slt, %add3A_283, %lt3A_284 : vector<16xi32>
      %jit3A_286 = arith.constant 0 : i32
      %broadcast_in_dim3A_287 = vector.broadcast %jit3A_286 : i32 to vector<16xi32>
      %select_n3A_288 = arith.select %lt3A_285, %max3A_275, %broadcast_in_dim3A_287 : vector<16xi1>, vector<16xi32>
      %add3A_289 = vector.broadcast %mul3A_70 : i32 to vector<16xi32>
      %add3A_290 = arith.addi %select_n3A_288, %add3A_289 : vector<16xi32>
      %mul3A_291 = arith.constant 2 : i32
      %mul3A_292 = arith.muli %mul3A_291, %while3A_260 : i32
      %add3A_293 = arith.constant 0 : i32
      %add3A_294 = arith.addi %mul3A_292, %add3A_293 : i32
      %mul3A_295 = arith.constant 16 : i32
      %mul3A_296 = arith.muli %add3A_294, %mul3A_295 : i32
      %swap3A = arith.index_cast %mul3A_296 : i32 to index
      %swap3A_297 = tpu.vector_load %arg10[%swap3A] {strides = array<i32>} : memref<2048xi32, #tpu.memory_space<vmem>>, vector<16xi32>,
      tpu.vector_store %arg10[%swap3A], %add3A_290 {strides = array<i32>} : memref<2048xi32, #tpu.memory_space<vmem>>, vector<16xi32>,
      %slice3A = vector.extract_strided_slice %max3A_275 {offsets = [15], sizes = [1], strides = [1]} : vector<16xi32> to vector<1xi32>
      %squeeze3A = vector.extract %slice3A[0] : i32 from vector<1xi32>
      %mul3A_298 = arith.constant 2 : i32
      %mul3A_299 = arith.muli %mul3A_298, %while3A_260 : i32
      %add3A_300 = arith.constant 1 : i32
      %add3A_301 = arith.addi %mul3A_299, %add3A_300 : i32
      %mul3A_302 = arith.constant 16 : i32
      %mul3A_303 = arith.muli %add3A_301, %mul3A_302 : i32
      %get3A_304 = arith.index_cast %mul3A_303 : i32 to index
      %get3A_305 = tpu.vector_load %arg9[%get3A_304] {strides = array<i32>} : memref<2048xi32, #tpu.memory_space<vmem>>, vector<16xi32>,
      %broadcast_in_dim3A_306 = arith.constant true
      %broadcast_in_dim3A_307 = vector.broadcast %broadcast_in_dim3A_306 : i1 to vector<16xi1>
      %masked_cummax3A_308 = arith.constant -2147483648 : i32
      %masked_cummax3A_309 = vector.broadcast %masked_cummax3A_308 : i32 to vector<16xi32>
      %masked_cummax3A_310 = arith.xori %get3A_305, %masked_cummax3A_309 : vector<16xi32>
      %masked_cummax3A_311 = tpu.scan <max>, %masked_cummax3A_310 masked %broadcast_in_dim3A_307 : vector<16xi32>, vector<16xi1> -> vector<16xi32>
      %masked_cummax3A_312 = arith.xori %masked_cummax3A_311, %masked_cummax3A_309 : vector<16xi32>
      %max3A_313 = vector.broadcast %squeeze3A : i32 to vector<16xi32>
      %max3A_314 = arith.maxsi %masked_cummax3A_312, %max3A_313 : vector<16xi32>
      %mul3A_315 = arith.constant 2 : i32
      %mul3A_316 = arith.muli %mul3A_315, %while3A_260 : i32
      %add3A_317 = arith.constant 1 : i32
      %add3A_318 = arith.addi %mul3A_316, %add3A_317 : i32
      %mul3A_319 = arith.constant 16 : i32
      %mul3A_320 = arith.muli %add3A_318, %mul3A_319 : i32
      %add3A_321 = vector.broadcast %mul3A_320 : i32 to vector<16xi32>
      %add3A_322 = arith.addi %iota3A, %add3A_321 : vector<16xi32>
      %lt3A_323 = vector.broadcast %min3A_7 : i32 to vector<16xi32>
      %lt3A_324 = arith.cmpi slt, %add3A_322, %lt3A_323 : vector<16xi32>
      %jit3A_325 = arith.constant 0 : i32
      %broadcast_in_dim3A_326 = vector.broadcast %jit3A_325 : i32 to vector<16xi32>
      %select_n3A_327 = arith.select %lt3A_324, %max3A_314, %broadcast_in_dim3A_326 : vector<16xi1>, vector<16xi32>
      %add3A_328 = vector.broadcast %mul3A_70 : i32 to vector<16xi32>
      %add3A_329 = arith.addi %select_n3A_327, %add3A_328 : vector<16xi32>
      %mul3A_330 = arith.constant 2 : i32
      %mul3A_331 = arith.muli %mul3A_330, %while3A_260 : i32
      %add3A_332 = arith.constant 1 : i32
      %add3A_333 = arith.addi %mul3A_331, %add3A_332 : i32
      %mul3A_334 = arith.constant 16 : i32
      %mul3A_335 = arith.muli %add3A_333, %mul3A_334 : i32
      %swap3A_336 = arith.index_cast %mul3A_335 : i32 to index
      %swap3A_337 = tpu.vector_load %arg10[%swap3A_336] {strides = array<i32>} : memref<2048xi32, #tpu.memory_space<vmem>>, vector<16xi32>,
      tpu.vector_store %arg10[%swap3A_336], %add3A_329 {strides = array<i32>} : memref<2048xi32, #tpu.memory_space<vmem>>, vector<16xi32>,
      %slice3A_338 = vector.extract_strided_slice %max3A_314 {offsets = [15], sizes = [1], strides = [1]} : vector<16xi32> to vector<1xi32>
      %squeeze3A_339 = vector.extract %slice3A_338[0] : i32 from vector<1xi32>
      scf.yield %squeeze3A_339 : i32
    }
    %while3A_81 = arith.constant 1 : i32
    %while3A_82 = scf.for %while3A_260 = %while3A_78 to %while3A_74 step %while3A_81 iter_args(%while3A_261 = %while3A_80) -> (i32)  : i32 {
      %mul3A_262 = arith.constant 2 : i32
      %mul3A_263 = arith.muli %mul3A_262, %while3A_260 : i32
      %add3A_264 = arith.constant 0 : i32
      %add3A_265 = arith.addi %mul3A_263, %add3A_264 : i32
      %mul3A_266 = arith.constant 16 : i32
      %mul3A_267 = arith.muli %add3A_265, %mul3A_266 : i32
      %get3A = arith.index_cast %mul3A_267 : i32 to index
      %get3A_268 = tpu.vector_load %arg9[%get3A] {strides = array<i32>} : memref<2048xi32, #tpu.memory_space<vmem>>, vector<16xi32>,
      %broadcast_in_dim3A_269 = arith.constant true
      %broadcast_in_dim3A_270 = vector.broadcast %broadcast_in_dim3A_269 : i1 to vector<16xi1>
      %masked_cummax3A = arith.constant -2147483648 : i32
      %masked_cummax3A_271 = vector.broadcast %masked_cummax3A : i32 to vector<16xi32>
      %masked_cummax3A_272 = arith.xori %get3A_268, %masked_cummax3A_271 : vector<16xi32>
      %masked_cummax3A_273 = tpu.scan <max>, %masked_cummax3A_272 masked %broadcast_in_dim3A_270 : vector<16xi32>, vector<16xi1> -> vector<16xi32>
      %masked_cummax3A_274 = arith.xori %masked_cummax3A_273, %masked_cummax3A_271 : vector<16xi32>
      %max3A = vector.broadcast %while3A_261 : i32 to vector<16xi32>
      %max3A_275 = arith.maxsi %masked_cummax3A_274, %max3A : vector<16xi32>
      %mul3A_276 = arith.constant 2 : i32
      %mul3A_277 = arith.muli %mul3A_276, %while3A_260 : i32
      %add3A_278 = arith.constant 0 : i32
      %add3A_279 = arith.addi %mul3A_277, %add3A_278 : i32
      %mul3A_280 = arith.constant 16 : i32
      %mul3A_281 = arith.muli %add3A_279, %mul3A_280 : i32
      %add3A_282 = vector.broadcast %mul3A_281 : i32 to vector<16xi32>
      %add3A_283 = arith.addi %iota3A, %add3A_282 : vector<16xi32>
      %lt3A_284 = vector.broadcast %min3A_7 : i32 to vector<16xi32>
      %lt3A_285 = arith.cmpi slt, %add3A_283, %lt3A_284 : vector<16xi32>
      %jit3A_286 = arith.constant 0 : i32
      %broadcast_in_dim3A_287 = vector.broadcast %jit3A_286 : i32 to vector<16xi32>
      %select_n3A_288 = arith.select %lt3A_285, %max3A_275, %broadcast_in_dim3A_287 : vector<16xi1>, vector<16xi32>
      %add3A_289 = vector.broadcast %mul3A_70 : i32 to vector<16xi32>
      %add3A_290 = arith.addi %select_n3A_288, %add3A_289 : vector<16xi32>
      %mul3A_291 = arith.constant 2 : i32
      %mul3A_292 = arith.muli %mul3A_291, %while3A_260 : i32
      %add3A_293 = arith.constant 0 : i32
      %add3A_294 = arith.addi %mul3A_292, %add3A_293 : i32
      %mul3A_295 = arith.constant 16 : i32
      %mul3A_296 = arith.muli %add3A_294, %mul3A_295 : i32
      %swap3A = arith.index_cast %mul3A_296 : i32 to index
      %swap3A_297 = tpu.vector_load %arg10[%swap3A] {strides = array<i32>} : memref<2048xi32, #tpu.memory_space<vmem>>, vector<16xi32>,
      tpu.vector_store %arg10[%swap3A], %add3A_290 {strides = array<i32>} : memref<2048xi32, #tpu.memory_space<vmem>>, vector<16xi32>,
      %slice3A = vector.extract_strided_slice %max3A_275 {offsets = [15], sizes = [1], strides = [1]} : vector<16xi32> to vector<1xi32>
      %squeeze3A = vector.extract %slice3A[0] : i32 from vector<1xi32>
      %mul3A_298 = arith.constant 2 : i32
      %mul3A_299 = arith.muli %mul3A_298, %while3A_260 : i32
      %add3A_300 = arith.constant 1 : i32
      %add3A_301 = arith.addi %mul3A_299, %add3A_300 : i32
      %mul3A_302 = arith.constant 16 : i32
      %mul3A_303 = arith.muli %add3A_301, %mul3A_302 : i32
      %get3A_304 = arith.index_cast %mul3A_303 : i32 to index
      %get3A_305 = tpu.vector_load %arg9[%get3A_304] {strides = array<i32>} : memref<2048xi32, #tpu.memory_space<vmem>>, vector<16xi32>,
      %broadcast_in_dim3A_306 = arith.constant true
      %broadcast_in_dim3A_307 = vector.broadcast %broadcast_in_dim3A_306 : i1 to vector<16xi1>
      %masked_cummax3A_308 = arith.constant -2147483648 : i32
      %masked_cummax3A_309 = vector.broadcast %masked_cummax3A_308 : i32 to vector<16xi32>
      %masked_cummax3A_310 = arith.xori %get3A_305, %masked_cummax3A_309 : vector<16xi32>
      %masked_cummax3A_311 = tpu.scan <max>, %masked_cummax3A_310 masked %broadcast_in_dim3A_307 : vector<16xi32>, vector<16xi1> -> vector<16xi32>
      %masked_cummax3A_312 = arith.xori %masked_cummax3A_311, %masked_cummax3A_309 : vector<16xi32>
      %max3A_313 = vector.broadcast %squeeze3A : i32 to vector<16xi32>
      %max3A_314 = arith.maxsi %masked_cummax3A_312, %max3A_313 : vector<16xi32>
      %mul3A_315 = arith.constant 2 : i32
      %mul3A_316 = arith.muli %mul3A_315, %while3A_260 : i32
      %add3A_317 = arith.constant 1 : i32
      %add3A_318 = arith.addi %mul3A_316, %add3A_317 : i32
      %mul3A_319 = arith.constant 16 : i32
      %mul3A_320 = arith.muli %add3A_318, %mul3A_319 : i32
      %add3A_321 = vector.broadcast %mul3A_320 : i32 to vector<16xi32>
      %add3A_322 = arith.addi %iota3A, %add3A_321 : vector<16xi32>
      %lt3A_323 = vector.broadcast %min3A_7 : i32 to vector<16xi32>
      %lt3A_324 = arith.cmpi slt, %add3A_322, %lt3A_323 : vector<16xi32>
      %jit3A_325 = arith.constant 0 : i32
      %broadcast_in_dim3A_326 = vector.broadcast %jit3A_325 : i32 to vector<16xi32>
      %select_n3A_327 = arith.select %lt3A_324, %max3A_314, %broadcast_in_dim3A_326 : vector<16xi1>, vector<16xi32>
      %add3A_328 = vector.broadcast %mul3A_70 : i32 to vector<16xi32>
      %add3A_329 = arith.addi %select_n3A_327, %add3A_328 : vector<16xi32>
      %mul3A_330 = arith.constant 2 : i32
      %mul3A_331 = arith.muli %mul3A_330, %while3A_260 : i32
      %add3A_332 = arith.constant 1 : i32
      %add3A_333 = arith.addi %mul3A_331, %add3A_332 : i32
      %mul3A_334 = arith.constant 16 : i32
      %mul3A_335 = arith.muli %add3A_333, %mul3A_334 : i32
      %swap3A_336 = arith.index_cast %mul3A_335 : i32 to index
      %swap3A_337 = tpu.vector_load %arg10[%swap3A_336] {strides = array<i32>} : memref<2048xi32, #tpu.memory_space<vmem>>, vector<16xi32>,
      tpu.vector_store %arg10[%swap3A_336], %add3A_329 {strides = array<i32>} : memref<2048xi32, #tpu.memory_space<vmem>>, vector<16xi32>,
      %slice3A_338 = vector.extract_strided_slice %max3A_314 {offsets = [15], sizes = [1], strides = [1]} : vector<16xi32> to vector<1xi32>
      %squeeze3A_339 = vector.extract %slice3A_338[0] : i32 from vector<1xi32>
      scf.yield %squeeze3A_339 : i32
    }
    %eq3A = arith.constant 0 : i32
    %eq3A_83 = arith.cmpi eq, %arg0, %eq3A : i32
    %convert_element_type3A = arith.extui %eq3A_83 : i1 to i32
    %cond3A = arith.constant 0 : i32
    %cond3A_84 = arith.cmpi ne, %convert_element_type3A, %cond3A : i32
    scf.if %cond3A_84 {
      %broadcast_in_dim3A_260 = vector.broadcast %scan3A_4 : i32 to vector<16xi32>
      %swap3A = arith.constant 0 : index
      %swap3A_261 = tpu.vector_load %arg11[%swap3A] {strides = array<i32>} : memref<16xi32, #tpu.memory_space<vmem>>, vector<16xi32>,
      tpu.vector_store %arg11[%swap3A], %broadcast_in_dim3A_260 {strides = array<i32>} : memref<16xi32, #tpu.memory_space<vmem>>, vector<16xi32>,
      "tpu.region"() ({
        %run_scoped3A = tpu.sem_alloc : memref<!tpu.dma_semaphore, #tpu.memory_space<semaphore_mem>>
        %dma_start3A = arith.constant 0 : i32
        %dma_start3A_262 = tpu.memref_slice %arg5[%arg1, %dma_start3A] : memref<16x16xi32, #tpu.memory_space<hbm>> -> memref<1x16xi32, #tpu.memory_space<hbm>>
        %dma_start3A_263 = tpu.memref_squeeze %dma_start3A_262 : memref<1x16xi32, #tpu.memory_space<hbm>> -> memref<16xi32, #tpu.memory_space<hbm>>
        %dma_start3A_264 = arith.constant 0 : i32
        %dma_start3A_265 = tpu.memref_slice %arg5[%arg1, %dma_start3A_264] : memref<16x16xi32, #tpu.memory_space<hbm>> -> memref<1x16xi32, #tpu.memory_space<hbm>>
        %dma_start3A_266 = tpu.memref_squeeze %dma_start3A_265 : memref<1x16xi32, #tpu.memory_space<hbm>> -> memref<16xi32, #tpu.memory_space<hbm>>
        tpu.enqueue_dma source(%arg11 : memref<16xi32, #tpu.memory_space<vmem>>) target(%dma_start3A_266 : memref<16xi32, #tpu.memory_space<hbm>>) target_semaphore(%run_scoped3A : memref<!tpu.dma_semaphore, #tpu.memory_space<semaphore_mem>>)
        %dma_wait3A = arith.constant 0 : i32
        %dma_wait3A_267 = tpu.memref_slice %arg5[%arg1, %dma_wait3A] : memref<16x16xi32, #tpu.memory_space<hbm>> -> memref<1x16xi32, #tpu.memory_space<hbm>>
        %dma_wait3A_268 = tpu.memref_squeeze %dma_wait3A_267 : memref<1x16xi32, #tpu.memory_space<hbm>> -> memref<16xi32, #tpu.memory_space<hbm>>
        %dma_wait3A_269 = arith.constant 0 : i32
        %dma_wait3A_270 = tpu.memref_slice %arg5[%arg1, %dma_wait3A_269] : memref<16x16xi32, #tpu.memory_space<hbm>> -> memref<1x16xi32, #tpu.memory_space<hbm>>
        %dma_wait3A_271 = tpu.memref_squeeze %dma_wait3A_270 : memref<1x16xi32, #tpu.memory_space<hbm>> -> memref<16xi32, #tpu.memory_space<hbm>>
        tpu.wait_dma2 semaphore(%run_scoped3A : memref<!tpu.dma_semaphore, #tpu.memory_space<semaphore_mem>>) src(%arg11 : memref<16xi32, #tpu.memory_space<vmem>>) dst(%dma_wait3A_271 : memref<16xi32, #tpu.memory_space<hbm>>)
        tpu.yield
      }) : () -> ()
    } else {
    }
    %broadcast_in_dim3A_85 = arith.constant 0.000000e+00 : f32
    %broadcast_in_dim3A_86 = vector.broadcast %broadcast_in_dim3A_85 : f32 to vector<16xf32>
    %scan3A_87 = arith.constant 0 : i32
    %scan3A_88 = arith.constant 0 : i32
    %scan3A_89 = arith.constant 64 : i32
    %scan3A_90 = arith.addi %scan3A_88, %scan3A_89 : i32
    %scan3A_91 = arith.constant 1 : i32
    scf.for %scan3A_260 = %scan3A_88 to %scan3A_90 step %scan3A_91  : i32 {
      %swap3A = arith.index_cast %scan3A_260 : i32 to index
      %swap3A_261 = arith.constant 0 : index
      %swap3A_262 = tpu.vector_load %arg15[%swap3A, %swap3A_261] {strides = array<i32>} : memref<64x256xf32, #tpu.memory_space<vmem>>, vector<16xf32>,
      tpu.vector_store %arg15[%swap3A, %swap3A_261], %broadcast_in_dim3A_86 {strides = array<i32>} : memref<64x256xf32, #tpu.memory_space<vmem>>, vector<16xf32>,
      %swap3A_263 = arith.index_cast %scan3A_260 : i32 to index
      %swap3A_264 = arith.constant 16 : index
      %swap3A_265 = tpu.vector_load %arg15[%swap3A_263, %swap3A_264] {strides = array<i32>} : memref<64x256xf32, #tpu.memory_space<vmem>>, vector<16xf32>,
      tpu.vector_store %arg15[%swap3A_263, %swap3A_264], %broadcast_in_dim3A_86 {strides = array<i32>} : memref<64x256xf32, #tpu.memory_space<vmem>>, vector<16xf32>,
      %swap3A_266 = arith.index_cast %scan3A_260 : i32 to index
      %swap3A_267 = arith.constant 32 : index
      %swap3A_268 = tpu.vector_load %arg15[%swap3A_266, %swap3A_267] {strides = array<i32>} : memref<64x256xf32, #tpu.memory_space<vmem>>, vector<16xf32>,
      tpu.vector_store %arg15[%swap3A_266, %swap3A_267], %broadcast_in_dim3A_86 {strides = array<i32>} : memref<64x256xf32, #tpu.memory_space<vmem>>, vector<16xf32>,
      %swap3A_269 = arith.index_cast %scan3A_260 : i32 to index
      %swap3A_270 = arith.constant 48 : index
      %swap3A_271 = tpu.vector_load %arg15[%swap3A_269, %swap3A_270] {strides = array<i32>} : memref<64x256xf32, #tpu.memory_space<vmem>>, vector<16xf32>,
      tpu.vector_store %arg15[%swap3A_269, %swap3A_270], %broadcast_in_dim3A_86 {strides = array<i32>} : memref<64x256xf32, #tpu.memory_space<vmem>>, vector<16xf32>,
      %swap3A_272 = arith.index_cast %scan3A_260 : i32 to index
      %swap3A_273 = arith.constant 64 : index
      %swap3A_274 = tpu.vector_load %arg15[%swap3A_272, %swap3A_273] {strides = array<i32>} : memref<64x256xf32, #tpu.memory_space<vmem>>, vector<16xf32>,
      tpu.vector_store %arg15[%swap3A_272, %swap3A_273], %broadcast_in_dim3A_86 {strides = array<i32>} : memref<64x256xf32, #tpu.memory_space<vmem>>, vector<16xf32>,
      %swap3A_275 = arith.index_cast %scan3A_260 : i32 to index
      %swap3A_276 = arith.constant 80 : index
      %swap3A_277 = tpu.vector_load %arg15[%swap3A_275, %swap3A_276] {strides = array<i32>} : memref<64x256xf32, #tpu.memory_space<vmem>>, vector<16xf32>,
      tpu.vector_store %arg15[%swap3A_275, %swap3A_276], %broadcast_in_dim3A_86 {strides = array<i32>} : memref<64x256xf32, #tpu.memory_space<vmem>>, vector<16xf32>,
      %swap3A_278 = arith.index_cast %scan3A_260 : i32 to index
      %swap3A_279 = arith.constant 96 : index
      %swap3A_280 = tpu.vector_load %arg15[%swap3A_278, %swap3A_279] {strides = array<i32>} : memref<64x256xf32, #tpu.memory_space<vmem>>, vector<16xf32>,
      tpu.vector_store %arg15[%swap3A_278, %swap3A_279], %broadcast_in_dim3A_86 {strides = array<i32>} : memref<64x256xf32, #tpu.memory_space<vmem>>, vector<16xf32>,
      %swap3A_281 = arith.index_cast %scan3A_260 : i32 to index
      %swap3A_282 = arith.constant 112 : index
      %swap3A_283 = tpu.vector_load %arg15[%swap3A_281, %swap3A_282] {strides = array<i32>} : memref<64x256xf32, #tpu.memory_space<vmem>>, vector<16xf32>,
      tpu.vector_store %arg15[%swap3A_281, %swap3A_282], %broadcast_in_dim3A_86 {strides = array<i32>} : memref<64x256xf32, #tpu.memory_space<vmem>>, vector<16xf32>,
      %swap3A_284 = arith.index_cast %scan3A_260 : i32 to index
      %swap3A_285 = arith.constant 128 : index
      %swap3A_286 = tpu.vector_load %arg15[%swap3A_284, %swap3A_285] {strides = array<i32>} : memref<64x256xf32, #tpu.memory_space<vmem>>, vector<16xf32>,
      tpu.vector_store %arg15[%swap3A_284, %swap3A_285], %broadcast_in_dim3A_86 {strides = array<i32>} : memref<64x256xf32, #tpu.memory_space<vmem>>, vector<16xf32>,
      %swap3A_287 = arith.index_cast %scan3A_260 : i32 to index
      %swap3A_288 = arith.constant 144 : index
      %swap3A_289 = tpu.vector_load %arg15[%swap3A_287, %swap3A_288] {strides = array<i32>} : memref<64x256xf32, #tpu.memory_space<vmem>>, vector<16xf32>,
      tpu.vector_store %arg15[%swap3A_287, %swap3A_288], %broadcast_in_dim3A_86 {strides = array<i32>} : memref<64x256xf32, #tpu.memory_space<vmem>>, vector<16xf32>,
      %swap3A_290 = arith.index_cast %scan3A_260 : i32 to index
      %swap3A_291 = arith.constant 160 : index
      %swap3A_292 = tpu.vector_load %arg15[%swap3A_290, %swap3A_291] {strides = array<i32>} : memref<64x256xf32, #tpu.memory_space<vmem>>, vector<16xf32>,
      tpu.vector_store %arg15[%swap3A_290, %swap3A_291], %broadcast_in_dim3A_86 {strides = array<i32>} : memref<64x256xf32, #tpu.memory_space<vmem>>, vector<16xf32>,
      %swap3A_293 = arith.index_cast %scan3A_260 : i32 to index
      %swap3A_294 = arith.constant 176 : index
      %swap3A_295 = tpu.vector_load %arg15[%swap3A_293, %swap3A_294] {strides = array<i32>} : memref<64x256xf32, #tpu.memory_space<vmem>>, vector<16xf32>,
      tpu.vector_store %arg15[%swap3A_293, %swap3A_294], %broadcast_in_dim3A_86 {strides = array<i32>} : memref<64x256xf32, #tpu.memory_space<vmem>>, vector<16xf32>,
      %swap3A_296 = arith.index_cast %scan3A_260 : i32 to index
      %swap3A_297 = arith.constant 192 : index
      %swap3A_298 = tpu.vector_load %arg15[%swap3A_296, %swap3A_297] {strides = array<i32>} : memref<64x256xf32, #tpu.memory_space<vmem>>, vector<16xf32>,
      tpu.vector_store %arg15[%swap3A_296, %swap3A_297], %broadcast_in_dim3A_86 {strides = array<i32>} : memref<64x256xf32, #tpu.memory_space<vmem>>, vector<16xf32>,
      %swap3A_299 = arith.index_cast %scan3A_260 : i32 to index
      %swap3A_300 = arith.constant 208 : index
      %swap3A_301 = tpu.vector_load %arg15[%swap3A_299, %swap3A_300] {strides = array<i32>} : memref<64x256xf32, #tpu.memory_space<vmem>>, vector<16xf32>,
      tpu.vector_store %arg15[%swap3A_299, %swap3A_300], %broadcast_in_dim3A_86 {strides = array<i32>} : memref<64x256xf32, #tpu.memory_space<vmem>>, vector<16xf32>,
      %swap3A_302 = arith.index_cast %scan3A_260 : i32 to index
      %swap3A_303 = arith.constant 224 : index
      %swap3A_304 = tpu.vector_load %arg15[%swap3A_302, %swap3A_303] {strides = array<i32>} : memref<64x256xf32, #tpu.memory_space<vmem>>, vector<16xf32>,
      tpu.vector_store %arg15[%swap3A_302, %swap3A_303], %broadcast_in_dim3A_86 {strides = array<i32>} : memref<64x256xf32, #tpu.memory_space<vmem>>, vector<16xf32>,
      %swap3A_305 = arith.index_cast %scan3A_260 : i32 to index
      %swap3A_306 = arith.constant 240 : index
      %swap3A_307 = tpu.vector_load %arg15[%swap3A_305, %swap3A_306] {strides = array<i32>} : memref<64x256xf32, #tpu.memory_space<vmem>>, vector<16xf32>,
      tpu.vector_store %arg15[%swap3A_305, %swap3A_306], %broadcast_in_dim3A_86 {strides = array<i32>} : memref<64x256xf32, #tpu.memory_space<vmem>>, vector<16xf32>,
    }
    %scan3A_92 = arith.constant 64 : i32
    %add3A_93 = arith.addi %arg0, %arg1 : i32
    %jit3A_94 = arith.constant 2 : i32
    %eq3A_95 = arith.constant 0 : i32
    %eq3A_96 = arith.cmpi eq, %jit3A_94, %eq3A_95 : i32
    %jit3A_97 = arith.constant 1 : i32
    %select_n3A_98 = arith.select %eq3A_96, %jit3A_97, %jit3A_94 : i32
    %rem3A_99 = arith.remsi %add3A_93, %select_n3A_98 : i32
    %ne3A_100 = arith.constant 0 : i32
    %ne3A_101 = arith.cmpi ne, %rem3A_99, %ne3A_100 : i32
    %lt3A = arith.constant 0 : i32
    %lt3A_102 = arith.cmpi slt, %rem3A_99, %lt3A : i32
    %lt3A_103 = arith.constant 0 : i32
    %lt3A_104 = arith.cmpi slt, %select_n3A_98, %lt3A_103 : i32
    %ne3A_105 = arith.xori %lt3A_102, %lt3A_104 : i1
    %and3A_106 = arith.andi %ne3A_105, %ne3A_101 : i1
    %add3A_107 = arith.addi %rem3A_99, %select_n3A_98 : i32
    %select_n3A_108 = arith.select %and3A_106, %add3A_107, %rem3A_99 : i32
    %add3A_109 = arith.constant 0 : i32
    %add3A_110 = arith.addi %add3A_109, %select_n3A_108 : i32
    %mul3A_111 = arith.constant 128 : i32
    %mul3A_112 = arith.muli %add3A_110, %mul3A_111 : i32
    %lt3A_113 = arith.cmpi slt, %mul3A_112, %min3A_7 : i32
    %add3A_114 = arith.constant 2 : i32
    %add3A_115 = arith.addi %add3A_114, %select_n3A_108 : i32
    %mul3A_116 = arith.constant 128 : i32
    %mul3A_117 = arith.muli %add3A_115, %mul3A_116 : i32
    %lt3A_118 = arith.cmpi slt, %mul3A_117, %min3A_7 : i32
    %add3A_119 = arith.constant 4 : i32
    %add3A_120 = arith.addi %add3A_119, %select_n3A_108 : i32
    %mul3A_121 = arith.constant 128 : i32
    %mul3A_122 = arith.muli %add3A_120, %mul3A_121 : i32
    %lt3A_123 = arith.cmpi slt, %mul3A_122, %min3A_7 : i32
    %add3A_124 = arith.constant 6 : i32
    %add3A_125 = arith.addi %add3A_124, %select_n3A_108 : i32
    %mul3A_126 = arith.constant 128 : i32
    %mul3A_127 = arith.muli %add3A_125, %mul3A_126 : i32
    %lt3A_128 = arith.cmpi slt, %mul3A_127, %min3A_7 : i32
    %add3A_129 = arith.constant 8 : i32
    %add3A_130 = arith.addi %add3A_129, %select_n3A_108 : i32
    %mul3A_131 = arith.constant 128 : i32
    %mul3A_132 = arith.muli %add3A_130, %mul3A_131 : i32
    %lt3A_133 = arith.cmpi slt, %mul3A_132, %min3A_7 : i32
    %add3A_134 = arith.constant 10 : i32
    %add3A_135 = arith.addi %add3A_134, %select_n3A_108 : i32
    %mul3A_136 = arith.constant 128 : i32
    %mul3A_137 = arith.muli %add3A_135, %mul3A_136 : i32
    %lt3A_138 = arith.cmpi slt, %mul3A_137, %min3A_7 : i32
    %add3A_139 = arith.constant 12 : i32
    %add3A_140 = arith.addi %add3A_139, %select_n3A_108 : i32
    %mul3A_141 = arith.constant 128 : i32
    %mul3A_142 = arith.muli %add3A_140, %mul3A_141 : i32
    %lt3A_143 = arith.cmpi slt, %mul3A_142, %min3A_7 : i32
    %add3A_144 = arith.constant 14 : i32
    %add3A_145 = arith.addi %add3A_144, %select_n3A_108 : i32
    %mul3A_146 = arith.constant 128 : i32
    %mul3A_147 = arith.muli %add3A_145, %mul3A_146 : i32
    %lt3A_148 = arith.cmpi slt, %mul3A_147, %min3A_7 : i32
    %convert_element_type3A_149 = arith.extui %lt3A_113 : i1 to i32
    %cond3A_150 = arith.constant 0 : i32
    %cond3A_151 = arith.cmpi ne, %convert_element_type3A_149, %cond3A_150 : i32
    scf.if %cond3A_151 {
      %dma_start3A = tpu.memref_slice %arg10[%mul3A_112] : memref<2048xi32, #tpu.memory_space<vmem>> -> memref<128xi32, #tpu.memory_space<vmem>>
      %dma_start3A_260 = arith.constant 0 : i32
      %dma_start3A_261 = arith.constant 0 : i32
      %dma_start3A_262 = tpu.memref_slice %arg2[%dma_start3A_260, %dma_start3A_261] : memref<8192x256xf32, #tpu.memory_space<hbm>> -> memref<8192x256xf32, #tpu.memory_space<hbm>>
      tpu.enqueue_indirect_dma source(%dma_start3A_262 : memref<8192x256xf32, #tpu.memory_space<hbm>>) target(%arg12 : memref<128x256xf32, #tpu.memory_space<vmem>>) offsets(%dma_start3A : memref<128xi32, #tpu.memory_space<vmem>>) semaphore(%arg16 : memref<!tpu.dma_semaphore, #tpu.memory_space<semaphore_mem>>)
    } else {
    }
    %convert_element_type3A_152 = arith.extui %lt3A_118 : i1 to i32
    %cond3A_153 = arith.constant 0 : i32
    %cond3A_154 = arith.cmpi ne, %convert_element_type3A_152, %cond3A_153 : i32
    scf.if %cond3A_154 {
      %dma_start3A = tpu.memref_slice %arg10[%mul3A_117] : memref<2048xi32, #tpu.memory_space<vmem>> -> memref<128xi32, #tpu.memory_space<vmem>>
      %dma_start3A_260 = arith.constant 0 : i32
      %dma_start3A_261 = arith.constant 0 : i32
      %dma_start3A_262 = tpu.memref_slice %arg2[%dma_start3A_260, %dma_start3A_261] : memref<8192x256xf32, #tpu.memory_space<hbm>> -> memref<8192x256xf32, #tpu.memory_space<hbm>>
      tpu.enqueue_indirect_dma source(%dma_start3A_262 : memref<8192x256xf32, #tpu.memory_space<hbm>>) target(%arg13 : memref<128x256xf32, #tpu.memory_space<vmem>>) offsets(%dma_start3A : memref<128xi32, #tpu.memory_space<vmem>>) semaphore(%arg17 : memref<!tpu.dma_semaphore, #tpu.memory_space<semaphore_mem>>)
    } else {
    }
    %convert_element_type3A_155 = arith.extui %lt3A_113 : i1 to i32
    %cond3A_156 = arith.constant 0 : i32
    %cond3A_157 = arith.cmpi ne, %convert_element_type3A_155, %cond3A_156 : i32
    scf.if %cond3A_157 {
      %dma_wait3A = tpu.memref_slice %arg10[%mul3A_112] : memref<2048xi32, #tpu.memory_space<vmem>> -> memref<128xi32, #tpu.memory_space<vmem>>
      %dma_wait3A_260 = arith.constant 0 : i32
      %dma_wait3A_261 = arith.constant 0 : i32
      %dma_wait3A_262 = tpu.memref_slice %arg2[%dma_wait3A_260, %dma_wait3A_261] : memref<8192x256xf32, #tpu.memory_space<hbm>> -> memref<8192x256xf32, #tpu.memory_space<hbm>>
      tpu.wait_indirect_dma semaphore(%arg16 : memref<!tpu.dma_semaphore, #tpu.memory_space<semaphore_mem>>) src(%dma_wait3A_262 : memref<8192x256xf32, #tpu.memory_space<hbm>>) dst(%arg12 : memref<128x256xf32, #tpu.memory_space<vmem>>)
    } else {
    }
    %convert_element_type3A_158 = arith.extui %lt3A_123 : i1 to i32
    %cond3A_159 = arith.constant 0 : i32
    %cond3A_160 = arith.cmpi ne, %convert_element_type3A_158, %cond3A_159 : i32
    scf.if %cond3A_160 {
      %dma_start3A = tpu.memref_slice %arg10[%mul3A_122] : memref<2048xi32, #tpu.memory_space<vmem>> -> memref<128xi32, #tpu.memory_space<vmem>>
      %dma_start3A_260 = arith.constant 0 : i32
      %dma_start3A_261 = arith.constant 0 : i32
      %dma_start3A_262 = tpu.memref_slice %arg2[%dma_start3A_260, %dma_start3A_261] : memref<8192x256xf32, #tpu.memory_space<hbm>> -> memref<8192x256xf32, #tpu.memory_space<hbm>>
      tpu.enqueue_indirect_dma source(%dma_start3A_262 : memref<8192x256xf32, #tpu.memory_space<hbm>>) target(%arg14 : memref<128x256xf32, #tpu.memory_space<vmem>>) offsets(%dma_start3A : memref<128xi32, #tpu.memory_space<vmem>>) semaphore(%arg18 : memref<!tpu.dma_semaphore, #tpu.memory_space<semaphore_mem>>)
    } else {
    }
    %convert_element_type3A_161 = arith.extui %lt3A_113 : i1 to i32
    %cond3A_162 = arith.constant 0 : i32
    %cond3A_163 = arith.cmpi ne, %convert_element_type3A_161, %cond3A_162 : i32
    scf.if %cond3A_163 {
      %sub3A_260 = arith.subi %min3A_7, %mul3A_112 : i32
      %jit3A_261 = arith.constant 0 : i32
      %jit3A_262 = arith.constant 128 : i32
      %max3A = arith.maxsi %jit3A_261, %sub3A_260 : i32
      %min3A_263 = arith.minsi %jit3A_262, %max3A : i32
      %while3A_264 = arith.constant 0 : i32
      %while3A_265 = arith.constant 128 : i32
      %while3A_266 = arith.subi %while3A_265, %min3A_263 : i32
      %while3A_267 = arith.addi %min3A_263, %while3A_266 : i32
      %while3A_268 = arith.constant 1 : i32
      %while3A_269 = arith.divsi %while3A_266, %while3A_268 : i32
      %while3A_270 = arith.muli %while3A_269, %while3A_268 : i32
      %while3A_271 = arith.addi %min3A_263, %while3A_270 : i32
      %while3A_272 = arith.constant 1 : i32
      scf.for %while3A_274 = %min3A_263 to %while3A_271 step %while3A_272  : i32 {
        %swap3A = arith.index_cast %while3A_274 : i32 to index
        %swap3A_275 = arith.constant 0 : index
        %swap3A_276 = tpu.vector_load %arg12[%swap3A, %swap3A_275] {strides = array<i32>} : memref<128x256xf32, #tpu.memory_space<vmem>>, vector<16xf32>,
        tpu.vector_store %arg12[%swap3A, %swap3A_275], %broadcast_in_dim3A_86 {strides = array<i32>} : memref<128x256xf32, #tpu.memory_space<vmem>>, vector<16xf32>,
        %swap3A_277 = arith.index_cast %while3A_274 : i32 to index
        %swap3A_278 = arith.constant 16 : index
        %swap3A_279 = tpu.vector_load %arg12[%swap3A_277, %swap3A_278] {strides = array<i32>} : memref<128x256xf32, #tpu.memory_space<vmem>>, vector<16xf32>,
        tpu.vector_store %arg12[%swap3A_277, %swap3A_278], %broadcast_in_dim3A_86 {strides = array<i32>} : memref<128x256xf32, #tpu.memory_space<vmem>>, vector<16xf32>,
        %swap3A_280 = arith.index_cast %while3A_274 : i32 to index
        %swap3A_281 = arith.constant 32 : index
        %swap3A_282 = tpu.vector_load %arg12[%swap3A_280, %swap3A_281] {strides = array<i32>} : memref<128x256xf32, #tpu.memory_space<vmem>>, vector<16xf32>,
        tpu.vector_store %arg12[%swap3A_280, %swap3A_281], %broadcast_in_dim3A_86 {strides = array<i32>} : memref<128x256xf32, #tpu.memory_space<vmem>>, vector<16xf32>,
        %swap3A_283 = arith.index_cast %while3A_274 : i32 to index
        %swap3A_284 = arith.constant 48 : index
        %swap3A_285 = tpu.vector_load %arg12[%swap3A_283, %swap3A_284] {strides = array<i32>} : memref<128x256xf32, #tpu.memory_space<vmem>>, vector<16xf32>,
        tpu.vector_store %arg12[%swap3A_283, %swap3A_284], %broadcast_in_dim3A_86 {strides = array<i32>} : memref<128x256xf32, #tpu.memory_space<vmem>>, vector<16xf32>,
        %swap3A_286 = arith.index_cast %while3A_274 : i32 to index
        %swap3A_287 = arith.constant 64 : index
        %swap3A_288 = tpu.vector_load %arg12[%swap3A_286, %swap3A_287] {strides = array<i32>} : memref<128x256xf32, #tpu.memory_space<vmem>>, vector<16xf32>,
        tpu.vector_store %arg12[%swap3A_286, %swap3A_287], %broadcast_in_dim3A_86 {strides = array<i32>} : memref<128x256xf32, #tpu.memory_space<vmem>>, vector<16xf32>,
        %swap3A_289 = arith.index_cast %while3A_274 : i32 to index
        %swap3A_290 = arith.constant 80 : index
        %swap3A_291 = tpu.vector_load %arg12[%swap3A_289, %swap3A_290] {strides = array<i32>} : memref<128x256xf32, #tpu.memory_space<vmem>>, vector<16xf32>,
        tpu.vector_store %arg12[%swap3A_289, %swap3A_290], %broadcast_in_dim3A_86 {strides = array<i32>} : memref<128x256xf32, #tpu.memory_space<vmem>>, vector<16xf32>,
        %swap3A_292 = arith.index_cast %while3A_274 : i32 to index
        %swap3A_293 = arith.constant 96 : index
        %swap3A_294 = tpu.vector_load %arg12[%swap3A_292, %swap3A_293] {strides = array<i32>} : memref<128x256xf32, #tpu.memory_space<vmem>>, vector<16xf32>,
        tpu.vector_store %arg12[%swap3A_292, %swap3A_293], %broadcast_in_dim3A_86 {strides = array<i32>} : memref<128x256xf32, #tpu.memory_space<vmem>>, vector<16xf32>,
        %swap3A_295 = arith.index_cast %while3A_274 : i32 to index
        %swap3A_296 = arith.constant 112 : index
        %swap3A_297 = tpu.vector_load %arg12[%swap3A_295, %swap3A_296] {strides = array<i32>} : memref<128x256xf32, #tpu.memory_space<vmem>>, vector<16xf32>,
        tpu.vector_store %arg12[%swap3A_295, %swap3A_296], %broadcast_in_dim3A_86 {strides = array<i32>} : memref<128x256xf32, #tpu.memory_space<vmem>>, vector<16xf32>,
        %swap3A_298 = arith.index_cast %while3A_274 : i32 to index
        %swap3A_299 = arith.constant 128 : index
        %swap3A_300 = tpu.vector_load %arg12[%swap3A_298, %swap3A_299] {strides = array<i32>} : memref<128x256xf32, #tpu.memory_space<vmem>>, vector<16xf32>,
        tpu.vector_store %arg12[%swap3A_298, %swap3A_299], %broadcast_in_dim3A_86 {strides = array<i32>} : memref<128x256xf32, #tpu.memory_space<vmem>>, vector<16xf32>,
        %swap3A_301 = arith.index_cast %while3A_274 : i32 to index
        %swap3A_302 = arith.constant 144 : index
        %swap3A_303 = tpu.vector_load %arg12[%swap3A_301, %swap3A_302] {strides = array<i32>} : memref<128x256xf32, #tpu.memory_space<vmem>>, vector<16xf32>,
        tpu.vector_store %arg12[%swap3A_301, %swap3A_302], %broadcast_in_dim3A_86 {strides = array<i32>} : memref<128x256xf32, #tpu.memory_space<vmem>>, vector<16xf32>,
        %swap3A_304 = arith.index_cast %while3A_274 : i32 to index
        %swap3A_305 = arith.constant 160 : index
        %swap3A_306 = tpu.vector_load %arg12[%swap3A_304, %swap3A_305] {strides = array<i32>} : memref<128x256xf32, #tpu.memory_space<vmem>>, vector<16xf32>,
        tpu.vector_store %arg12[%swap3A_304, %swap3A_305], %broadcast_in_dim3A_86 {strides = array<i32>} : memref<128x256xf32, #tpu.memory_space<vmem>>, vector<16xf32>,
        %swap3A_307 = arith.index_cast %while3A_274 : i32 to index
        %swap3A_308 = arith.constant 176 : index
        %swap3A_309 = tpu.vector_load %arg12[%swap3A_307, %swap3A_308] {strides = array<i32>} : memref<128x256xf32, #tpu.memory_space<vmem>>, vector<16xf32>,
        tpu.vector_store %arg12[%swap3A_307, %swap3A_308], %broadcast_in_dim3A_86 {strides = array<i32>} : memref<128x256xf32, #tpu.memory_space<vmem>>, vector<16xf32>,
        %swap3A_310 = arith.index_cast %while3A_274 : i32 to index
        %swap3A_311 = arith.constant 192 : index
        %swap3A_312 = tpu.vector_load %arg12[%swap3A_310, %swap3A_311] {strides = array<i32>} : memref<128x256xf32, #tpu.memory_space<vmem>>, vector<16xf32>,
        tpu.vector_store %arg12[%swap3A_310, %swap3A_311], %broadcast_in_dim3A_86 {strides = array<i32>} : memref<128x256xf32, #tpu.memory_space<vmem>>, vector<16xf32>,
        %swap3A_313 = arith.index_cast %while3A_274 : i32 to index
        %swap3A_314 = arith.constant 208 : index
        %swap3A_315 = tpu.vector_load %arg12[%swap3A_313, %swap3A_314] {strides = array<i32>} : memref<128x256xf32, #tpu.memory_space<vmem>>, vector<16xf32>,
        tpu.vector_store %arg12[%swap3A_313, %swap3A_314], %broadcast_in_dim3A_86 {strides = array<i32>} : memref<128x256xf32, #tpu.memory_space<vmem>>, vector<16xf32>,
        %swap3A_316 = arith.index_cast %while3A_274 : i32 to index
        %swap3A_317 = arith.constant 224 : index
        %swap3A_318 = tpu.vector_load %arg12[%swap3A_316, %swap3A_317] {strides = array<i32>} : memref<128x256xf32, #tpu.memory_space<vmem>>, vector<16xf32>,
        tpu.vector_store %arg12[%swap3A_316, %swap3A_317], %broadcast_in_dim3A_86 {strides = array<i32>} : memref<128x256xf32, #tpu.memory_space<vmem>>, vector<16xf32>,
        %swap3A_319 = arith.index_cast %while3A_274 : i32 to index
        %swap3A_320 = arith.constant 240 : index
        %swap3A_321 = tpu.vector_load %arg12[%swap3A_319, %swap3A_320] {strides = array<i32>} : memref<128x256xf32, #tpu.memory_space<vmem>>, vector<16xf32>,
        tpu.vector_store %arg12[%swap3A_319, %swap3A_320], %broadcast_in_dim3A_86 {strides = array<i32>} : memref<128x256xf32, #tpu.memory_space<vmem>>, vector<16xf32>,
      }
      %while3A_273 = arith.constant 1 : i32
      scf.for %while3A_274 = %while3A_271 to %while3A_267 step %while3A_273  : i32 {
        %swap3A = arith.index_cast %while3A_274 : i32 to index
        %swap3A_275 = arith.constant 0 : index
        %swap3A_276 = tpu.vector_load %arg12[%swap3A, %swap3A_275] {strides = array<i32>} : memref<128x256xf32, #tpu.memory_space<vmem>>, vector<16xf32>,
        tpu.vector_store %arg12[%swap3A, %swap3A_275], %broadcast_in_dim3A_86 {strides = array<i32>} : memref<128x256xf32, #tpu.memory_space<vmem>>, vector<16xf32>,
        %swap3A_277 = arith.index_cast %while3A_274 : i32 to index
        %swap3A_278 = arith.constant 16 : index
        %swap3A_279 = tpu.vector_load %arg12[%swap3A_277, %swap3A_278] {strides = array<i32>} : memref<128x256xf32, #tpu.memory_space<vmem>>, vector<16xf32>,
        tpu.vector_store %arg12[%swap3A_277, %swap3A_278], %broadcast_in_dim3A_86 {strides = array<i32>} : memref<128x256xf32, #tpu.memory_space<vmem>>, vector<16xf32>,
        %swap3A_280 = arith.index_cast %while3A_274 : i32 to index
        %swap3A_281 = arith.constant 32 : index
        %swap3A_282 = tpu.vector_load %arg12[%swap3A_280, %swap3A_281] {strides = array<i32>} : memref<128x256xf32, #tpu.memory_space<vmem>>, vector<16xf32>,
        tpu.vector_store %arg12[%swap3A_280, %swap3A_281], %broadcast_in_dim3A_86 {strides = array<i32>} : memref<128x256xf32, #tpu.memory_space<vmem>>, vector<16xf32>,
        %swap3A_283 = arith.index_cast %while3A_274 : i32 to index
        %swap3A_284 = arith.constant 48 : index
        %swap3A_285 = tpu.vector_load %arg12[%swap3A_283, %swap3A_284] {strides = array<i32>} : memref<128x256xf32, #tpu.memory_space<vmem>>, vector<16xf32>,
        tpu.vector_store %arg12[%swap3A_283, %swap3A_284], %broadcast_in_dim3A_86 {strides = array<i32>} : memref<128x256xf32, #tpu.memory_space<vmem>>, vector<16xf32>,
        %swap3A_286 = arith.index_cast %while3A_274 : i32 to index
        %swap3A_287 = arith.constant 64 : index
        %swap3A_288 = tpu.vector_load %arg12[%swap3A_286, %swap3A_287] {strides = array<i32>} : memref<128x256xf32, #tpu.memory_space<vmem>>, vector<16xf32>,
        tpu.vector_store %arg12[%swap3A_286, %swap3A_287], %broadcast_in_dim3A_86 {strides = array<i32>} : memref<128x256xf32, #tpu.memory_space<vmem>>, vector<16xf32>,
        %swap3A_289 = arith.index_cast %while3A_274 : i32 to index
        %swap3A_290 = arith.constant 80 : index
        %swap3A_291 = tpu.vector_load %arg12[%swap3A_289, %swap3A_290] {strides = array<i32>} : memref<128x256xf32, #tpu.memory_space<vmem>>, vector<16xf32>,
        tpu.vector_store %arg12[%swap3A_289, %swap3A_290], %broadcast_in_dim3A_86 {strides = array<i32>} : memref<128x256xf32, #tpu.memory_space<vmem>>, vector<16xf32>,
        %swap3A_292 = arith.index_cast %while3A_274 : i32 to index
        %swap3A_293 = arith.constant 96 : index
        %swap3A_294 = tpu.vector_load %arg12[%swap3A_292, %swap3A_293] {strides = array<i32>} : memref<128x256xf32, #tpu.memory_space<vmem>>, vector<16xf32>,
        tpu.vector_store %arg12[%swap3A_292, %swap3A_293], %broadcast_in_dim3A_86 {strides = array<i32>} : memref<128x256xf32, #tpu.memory_space<vmem>>, vector<16xf32>,
        %swap3A_295 = arith.index_cast %while3A_274 : i32 to index
        %swap3A_296 = arith.constant 112 : index
        %swap3A_297 = tpu.vector_load %arg12[%swap3A_295, %swap3A_296] {strides = array<i32>} : memref<128x256xf32, #tpu.memory_space<vmem>>, vector<16xf32>,
        tpu.vector_store %arg12[%swap3A_295, %swap3A_296], %broadcast_in_dim3A_86 {strides = array<i32>} : memref<128x256xf32, #tpu.memory_space<vmem>>, vector<16xf32>,
        %swap3A_298 = arith.index_cast %while3A_274 : i32 to index
        %swap3A_299 = arith.constant 128 : index
        %swap3A_300 = tpu.vector_load %arg12[%swap3A_298, %swap3A_299] {strides = array<i32>} : memref<128x256xf32, #tpu.memory_space<vmem>>, vector<16xf32>,
        tpu.vector_store %arg12[%swap3A_298, %swap3A_299], %broadcast_in_dim3A_86 {strides = array<i32>} : memref<128x256xf32, #tpu.memory_space<vmem>>, vector<16xf32>,
        %swap3A_301 = arith.index_cast %while3A_274 : i32 to index
        %swap3A_302 = arith.constant 144 : index
        %swap3A_303 = tpu.vector_load %arg12[%swap3A_301, %swap3A_302] {strides = array<i32>} : memref<128x256xf32, #tpu.memory_space<vmem>>, vector<16xf32>,
        tpu.vector_store %arg12[%swap3A_301, %swap3A_302], %broadcast_in_dim3A_86 {strides = array<i32>} : memref<128x256xf32, #tpu.memory_space<vmem>>, vector<16xf32>,
        %swap3A_304 = arith.index_cast %while3A_274 : i32 to index
        %swap3A_305 = arith.constant 160 : index
        %swap3A_306 = tpu.vector_load %arg12[%swap3A_304, %swap3A_305] {strides = array<i32>} : memref<128x256xf32, #tpu.memory_space<vmem>>, vector<16xf32>,
        tpu.vector_store %arg12[%swap3A_304, %swap3A_305], %broadcast_in_dim3A_86 {strides = array<i32>} : memref<128x256xf32, #tpu.memory_space<vmem>>, vector<16xf32>,
        %swap3A_307 = arith.index_cast %while3A_274 : i32 to index
        %swap3A_308 = arith.constant 176 : index
        %swap3A_309 = tpu.vector_load %arg12[%swap3A_307, %swap3A_308] {strides = array<i32>} : memref<128x256xf32, #tpu.memory_space<vmem>>, vector<16xf32>,
        tpu.vector_store %arg12[%swap3A_307, %swap3A_308], %broadcast_in_dim3A_86 {strides = array<i32>} : memref<128x256xf32, #tpu.memory_space<vmem>>, vector<16xf32>,
        %swap3A_310 = arith.index_cast %while3A_274 : i32 to index
        %swap3A_311 = arith.constant 192 : index
        %swap3A_312 = tpu.vector_load %arg12[%swap3A_310, %swap3A_311] {strides = array<i32>} : memref<128x256xf32, #tpu.memory_space<vmem>>, vector<16xf32>,
        tpu.vector_store %arg12[%swap3A_310, %swap3A_311], %broadcast_in_dim3A_86 {strides = array<i32>} : memref<128x256xf32, #tpu.memory_space<vmem>>, vector<16xf32>,
        %swap3A_313 = arith.index_cast %while3A_274 : i32 to index
        %swap3A_314 = arith.constant 208 : index
        %swap3A_315 = tpu.vector_load %arg12[%swap3A_313, %swap3A_314] {strides = array<i32>} : memref<128x256xf32, #tpu.memory_space<vmem>>, vector<16xf32>,
        tpu.vector_store %arg12[%swap3A_313, %swap3A_314], %broadcast_in_dim3A_86 {strides = array<i32>} : memref<128x256xf32, #tpu.memory_space<vmem>>, vector<16xf32>,
        %swap3A_316 = arith.index_cast %while3A_274 : i32 to index
        %swap3A_317 = arith.constant 224 : index
        %swap3A_318 = tpu.vector_load %arg12[%swap3A_316, %swap3A_317] {strides = array<i32>} : memref<128x256xf32, #tpu.memory_space<vmem>>, vector<16xf32>,
        tpu.vector_store %arg12[%swap3A_316, %swap3A_317], %broadcast_in_dim3A_86 {strides = array<i32>} : memref<128x256xf32, #tpu.memory_space<vmem>>, vector<16xf32>,
        %swap3A_319 = arith.index_cast %while3A_274 : i32 to index
        %swap3A_320 = arith.constant 240 : index
        %swap3A_321 = tpu.vector_load %arg12[%swap3A_319, %swap3A_320] {strides = array<i32>} : memref<128x256xf32, #tpu.memory_space<vmem>>, vector<16xf32>,
        tpu.vector_store %arg12[%swap3A_319, %swap3A_320], %broadcast_in_dim3A_86 {strides = array<i32>} : memref<128x256xf32, #tpu.memory_space<vmem>>, vector<16xf32>,
      }
      "tpu.region"() ({
        %run_scoped3A = tpu.sem_alloc : memref<!tpu.dma_semaphore, #tpu.memory_space<semaphore_mem>>
        %dma_start3A = arith.constant 0 : i32
        %dma_start3A_274 = tpu.memref_slice %arg4[%arg1, %mul3A_112, %dma_start3A] : memref<16x2048x256xf32, #tpu.memory_space<hbm>> -> memref<1x128x256xf32, #tpu.memory_space<hbm>>
        %dma_start3A_275 = tpu.memref_squeeze %dma_start3A_274 : memref<1x128x256xf32, #tpu.memory_space<hbm>> -> memref<128x256xf32, #tpu.memory_space<hbm>>
        %dma_start3A_276 = arith.constant 0 : i32
        %dma_start3A_277 = tpu.memref_slice %arg4[%arg1, %mul3A_112, %dma_start3A_276] : memref<16x2048x256xf32, #tpu.memory_space<hbm>> -> memref<1x128x256xf32, #tpu.memory_space<hbm>>
        %dma_start3A_278 = tpu.memref_squeeze %dma_start3A_277 : memref<1x128x256xf32, #tpu.memory_space<hbm>> -> memref<128x256xf32, #tpu.memory_space<hbm>>
        tpu.enqueue_dma source(%arg12 : memref<128x256xf32, #tpu.memory_space<vmem>>) target(%dma_start3A_278 : memref<128x256xf32, #tpu.memory_space<hbm>>) target_semaphore(%run_scoped3A : memref<!tpu.dma_semaphore, #tpu.memory_space<semaphore_mem>>)
        %dma_wait3A = arith.constant 0 : i32
        %dma_wait3A_279 = tpu.memref_slice %arg4[%arg1, %mul3A_112, %dma_wait3A] : memref<16x2048x256xf32, #tpu.memory_space<hbm>> -> memref<1x128x256xf32, #tpu.memory_space<hbm>>
        %dma_wait3A_280 = tpu.memref_squeeze %dma_wait3A_279 : memref<1x128x256xf32, #tpu.memory_space<hbm>> -> memref<128x256xf32, #tpu.memory_space<hbm>>
        %dma_wait3A_281 = arith.constant 0 : i32
        %dma_wait3A_282 = tpu.memref_slice %arg4[%arg1, %mul3A_112, %dma_wait3A_281] : memref<16x2048x256xf32, #tpu.memory_space<hbm>> -> memref<1x128x256xf32, #tpu.memory_space<hbm>>
        %dma_wait3A_283 = tpu.memref_squeeze %dma_wait3A_282 : memref<1x128x256xf32, #tpu.memory_space<hbm>> -> memref<128x256xf32, #tpu.memory_space<hbm>>
        tpu.wait_dma2 semaphore(%run_scoped3A : memref<!tpu.dma_semaphore, #tpu.memory_space<semaphore_mem>>) src(%arg12 : memref<128x256xf32, #tpu.memory_space<vmem>>) dst(%dma_wait3A_283 : memref<128x256xf32, #tpu.memory_space<hbm>>)
        tpu.yield
      }) : () -> ()
    } else {
    }
    %not3A = arith.constant true
    %not3A_164 = arith.xori %lt3A_113, %not3A : i1
    %convert_element_type3A_165 = arith.extui %not3A_164 : i1 to i32
    %cond3A_166 = arith.constant 0 : i32
    %cond3A_167 = arith.cmpi ne, %convert_element_type3A_165, %cond3A_166 : i32
    scf.if %cond3A_167 {
      %add3A_260 = arith.constant 0 : i32
      %add3A_261 = arith.addi %mul3A_112, %add3A_260 : i32
      "tpu.region"() ({
        %run_scoped3A = tpu.sem_alloc : memref<!tpu.dma_semaphore, #tpu.memory_space<semaphore_mem>>
        %dma_start3A = arith.constant 0 : i32
        %dma_start3A_264 = tpu.memref_slice %arg4[%arg1, %add3A_261, %dma_start3A] : memref<16x2048x256xf32, #tpu.memory_space<hbm>> -> memref<1x64x256xf32, #tpu.memory_space<hbm>>
        %dma_start3A_265 = tpu.memref_squeeze %dma_start3A_264 : memref<1x64x256xf32, #tpu.memory_space<hbm>> -> memref<64x256xf32, #tpu.memory_space<hbm>>
        %dma_start3A_266 = arith.constant 0 : i32
        %dma_start3A_267 = tpu.memref_slice %arg4[%arg1, %add3A_261, %dma_start3A_266] : memref<16x2048x256xf32, #tpu.memory_space<hbm>> -> memref<1x64x256xf32, #tpu.memory_space<hbm>>
        %dma_start3A_268 = tpu.memref_squeeze %dma_start3A_267 : memref<1x64x256xf32, #tpu.memory_space<hbm>> -> memref<64x256xf32, #tpu.memory_space<hbm>>
        tpu.enqueue_dma source(%arg15 : memref<64x256xf32, #tpu.memory_space<vmem>>) target(%dma_start3A_268 : memref<64x256xf32, #tpu.memory_space<hbm>>) target_semaphore(%run_scoped3A : memref<!tpu.dma_semaphore, #tpu.memory_space<semaphore_mem>>)
        %dma_wait3A = arith.constant 0 : i32
        %dma_wait3A_269 = tpu.memref_slice %arg4[%arg1, %add3A_261, %dma_wait3A] : memref<16x2048x256xf32, #tpu.memory_space<hbm>> -> memref<1x64x256xf32, #tpu.memory_space<hbm>>
        %dma_wait3A_270 = tpu.memref_squeeze %dma_wait3A_269 : memref<1x64x256xf32, #tpu.memory_space<hbm>> -> memref<64x256xf32, #tpu.memory_space<hbm>>
        %dma_wait3A_271 = arith.constant 0 : i32
        %dma_wait3A_272 = tpu.memref_slice %arg4[%arg1, %add3A_261, %dma_wait3A_271] : memref<16x2048x256xf32, #tpu.memory_space<hbm>> -> memref<1x64x256xf32, #tpu.memory_space<hbm>>
        %dma_wait3A_273 = tpu.memref_squeeze %dma_wait3A_272 : memref<1x64x256xf32, #tpu.memory_space<hbm>> -> memref<64x256xf32, #tpu.memory_space<hbm>>
        tpu.wait_dma2 semaphore(%run_scoped3A : memref<!tpu.dma_semaphore, #tpu.memory_space<semaphore_mem>>) src(%arg15 : memref<64x256xf32, #tpu.memory_space<vmem>>) dst(%dma_wait3A_273 : memref<64x256xf32, #tpu.memory_space<hbm>>)
        tpu.yield
      }) : () -> ()
      %add3A_262 = arith.constant 64 : i32
      %add3A_263 = arith.addi %mul3A_112, %add3A_262 : i32
      "tpu.region"() ({
        %run_scoped3A = tpu.sem_alloc : memref<!tpu.dma_semaphore, #tpu.memory_space<semaphore_mem>>
        %dma_start3A = arith.constant 0 : i32
        %dma_start3A_264 = tpu.memref_slice %arg4[%arg1, %add3A_263, %dma_start3A] : memref<16x2048x256xf32, #tpu.memory_space<hbm>> -> memref<1x64x256xf32, #tpu.memory_space<hbm>>
        %dma_start3A_265 = tpu.memref_squeeze %dma_start3A_264 : memref<1x64x256xf32, #tpu.memory_space<hbm>> -> memref<64x256xf32, #tpu.memory_space<hbm>>
        %dma_start3A_266 = arith.constant 0 : i32
        %dma_start3A_267 = tpu.memref_slice %arg4[%arg1, %add3A_263, %dma_start3A_266] : memref<16x2048x256xf32, #tpu.memory_space<hbm>> -> memref<1x64x256xf32, #tpu.memory_space<hbm>>
        %dma_start3A_268 = tpu.memref_squeeze %dma_start3A_267 : memref<1x64x256xf32, #tpu.memory_space<hbm>> -> memref<64x256xf32, #tpu.memory_space<hbm>>
        tpu.enqueue_dma source(%arg15 : memref<64x256xf32, #tpu.memory_space<vmem>>) target(%dma_start3A_268 : memref<64x256xf32, #tpu.memory_space<hbm>>) target_semaphore(%run_scoped3A : memref<!tpu.dma_semaphore, #tpu.memory_space<semaphore_mem>>)
        %dma_wait3A = arith.constant 0 : i32
        %dma_wait3A_269 = tpu.memref_slice %arg4[%arg1, %add3A_263, %dma_wait3A] : memref<16x2048x256xf32, #tpu.memory_space<hbm>> -> memref<1x64x256xf32, #tpu.memory_space<hbm>>
        %dma_wait3A_270 = tpu.memref_squeeze %dma_wait3A_269 : memref<1x64x256xf32, #tpu.memory_space<hbm>> -> memref<64x256xf32, #tpu.memory_space<hbm>>
        %dma_wait3A_271 = arith.constant 0 : i32
        %dma_wait3A_272 = tpu.memref_slice %arg4[%arg1, %add3A_263, %dma_wait3A_271] : memref<16x2048x256xf32, #tpu.memory_space<hbm>> -> memref<1x64x256xf32, #tpu.memory_space<hbm>>
        %dma_wait3A_273 = tpu.memref_squeeze %dma_wait3A_272 : memref<1x64x256xf32, #tpu.memory_space<hbm>> -> memref<64x256xf32, #tpu.memory_space<hbm>>
        tpu.wait_dma2 semaphore(%run_scoped3A : memref<!tpu.dma_semaphore, #tpu.memory_space<semaphore_mem>>) src(%arg15 : memref<64x256xf32, #tpu.memory_space<vmem>>) dst(%dma_wait3A_273 : memref<64x256xf32, #tpu.memory_space<hbm>>)
        tpu.yield
      }) : () -> ()
    } else {
    }
    %convert_element_type3A_168 = arith.extui %lt3A_118 : i1 to i32
    %cond3A_169 = arith.constant 0 : i32
    %cond3A_170 = arith.cmpi ne, %convert_element_type3A_168, %cond3A_169 : i32
    scf.if %cond3A_170 {
      %dma_wait3A = tpu.memref_slice %arg10[%mul3A_117] : memref<2048xi32, #tpu.memory_space<vmem>> -> memref<128xi32, #tpu.memory_space<vmem>>
      %dma_wait3A_260 = arith.constant 0 : i32
      %dma_wait3A_261 = arith.constant 0 : i32
      %dma_wait3A_262 = tpu.memref_slice %arg2[%dma_wait3A_260, %dma_wait3A_261] : memref<8192x256xf32, #tpu.memory_space<hbm>> -> memref<8192x256xf32, #tpu.memory_space<hbm>>
      tpu.wait_indirect_dma semaphore(%arg17 : memref<!tpu.dma_semaphore, #tpu.memory_space<semaphore_mem>>) src(%dma_wait3A_262 : memref<8192x256xf32, #tpu.memory_space<hbm>>) dst(%arg13 : memref<128x256xf32, #tpu.memory_space<vmem>>)
    } else {
    }
    %convert_element_type3A_171 = arith.extui %lt3A_128 : i1 to i32
    %cond3A_172 = arith.constant 0 : i32
    %cond3A_173 = arith.cmpi ne, %convert_element_type3A_171, %cond3A_172 : i32
    scf.if %cond3A_173 {
      %dma_start3A = tpu.memref_slice %arg10[%mul3A_127] : memref<2048xi32, #tpu.memory_space<vmem>> -> memref<128xi32, #tpu.memory_space<vmem>>
      %dma_start3A_260 = arith.constant 0 : i32
      %dma_start3A_261 = arith.constant 0 : i32
      %dma_start3A_262 = tpu.memref_slice %arg2[%dma_start3A_260, %dma_start3A_261] : memref<8192x256xf32, #tpu.memory_space<hbm>> -> memref<8192x256xf32, #tpu.memory_space<hbm>>
      tpu.enqueue_indirect_dma source(%dma_start3A_262 : memref<8192x256xf32, #tpu.memory_space<hbm>>) target(%arg12 : memref<128x256xf32, #tpu.memory_space<vmem>>) offsets(%dma_start3A : memref<128xi32, #tpu.memory_space<vmem>>) semaphore(%arg16 : memref<!tpu.dma_semaphore, #tpu.memory_space<semaphore_mem>>)
    } else {
    }
    %convert_element_type3A_174 = arith.extui %lt3A_118 : i1 to i32
    %cond3A_175 = arith.constant 0 : i32
    %cond3A_176 = arith.cmpi ne, %convert_element_type3A_174, %cond3A_175 : i32
    scf.if %cond3A_176 {
      %sub3A_260 = arith.subi %min3A_7, %mul3A_117 : i32
      %jit3A_261 = arith.constant 0 : i32
      %jit3A_262 = arith.constant 128 : i32
      %max3A = arith.maxsi %jit3A_261, %sub3A_260 : i32
      %min3A_263 = arith.minsi %jit3A_262, %max3A : i32
      %while3A_264 = arith.constant 0 : i32
      %while3A_265 = arith.constant 128 : i32
      %while3A_266 = arith.subi %while3A_265, %min3A_263 : i32
      %while3A_267 = arith.addi %min3A_263, %while3A_266 : i32
      %while3A_268 = arith.constant 1 : i32
      %while3A_269 = arith.divsi %while3A_266, %while3A_268 : i32
      %while3A_270 = arith.muli %while3A_269, %while3A_268 : i32
      %while3A_271 = arith.addi %min3A_263, %while3A_270 : i32
      %while3A_272 = arith.constant 1 : i32
      scf.for %while3A_274 = %min3A_263 to %while3A_271 step %while3A_272  : i32 {
        %swap3A = arith.index_cast %while3A_274 : i32 to index
        %swap3A_275 = arith.constant 0 : index
        %swap3A_276 = tpu.vector_load %arg13[%swap3A, %swap3A_275] {strides = array<i32>} : memref<128x256xf32, #tpu.memory_space<vmem>>, vector<16xf32>,
        tpu.vector_store %arg13[%swap3A, %swap3A_275], %broadcast_in_dim3A_86 {strides = array<i32>} : memref<128x256xf32, #tpu.memory_space<vmem>>, vector<16xf32>,
        %swap3A_277 = arith.index_cast %while3A_274 : i32 to index
        %swap3A_278 = arith.constant 16 : index
        %swap3A_279 = tpu.vector_load %arg13[%swap3A_277, %swap3A_278] {strides = array<i32>} : memref<128x256xf32, #tpu.memory_space<vmem>>, vector<16xf32>,
        tpu.vector_store %arg13[%swap3A_277, %swap3A_278], %broadcast_in_dim3A_86 {strides = array<i32>} : memref<128x256xf32, #tpu.memory_space<vmem>>, vector<16xf32>,
        %swap3A_280 = arith.index_cast %while3A_274 : i32 to index
        %swap3A_281 = arith.constant 32 : index
        %swap3A_282 = tpu.vector_load %arg13[%swap3A_280, %swap3A_281] {strides = array<i32>} : memref<128x256xf32, #tpu.memory_space<vmem>>, vector<16xf32>,
        tpu.vector_store %arg13[%swap3A_280, %swap3A_281], %broadcast_in_dim3A_86 {strides = array<i32>} : memref<128x256xf32, #tpu.memory_space<vmem>>, vector<16xf32>,
        %swap3A_283 = arith.index_cast %while3A_274 : i32 to index
        %swap3A_284 = arith.constant 48 : index
        %swap3A_285 = tpu.vector_load %arg13[%swap3A_283, %swap3A_284] {strides = array<i32>} : memref<128x256xf32, #tpu.memory_space<vmem>>, vector<16xf32>,
        tpu.vector_store %arg13[%swap3A_283, %swap3A_284], %broadcast_in_dim3A_86 {strides = array<i32>} : memref<128x256xf32, #tpu.memory_space<vmem>>, vector<16xf32>,
        %swap3A_286 = arith.index_cast %while3A_274 : i32 to index
        %swap3A_287 = arith.constant 64 : index
        %swap3A_288 = tpu.vector_load %arg13[%swap3A_286, %swap3A_287] {strides = array<i32>} : memref<128x256xf32, #tpu.memory_space<vmem>>, vector<16xf32>,
        tpu.vector_store %arg13[%swap3A_286, %swap3A_287], %broadcast_in_dim3A_86 {strides = array<i32>} : memref<128x256xf32, #tpu.memory_space<vmem>>, vector<16xf32>,
        %swap3A_289 = arith.index_cast %while3A_274 : i32 to index
        %swap3A_290 = arith.constant 80 : index
        %swap3A_291 = tpu.vector_load %arg13[%swap3A_289, %swap3A_290] {strides = array<i32>} : memref<128x256xf32, #tpu.memory_space<vmem>>, vector<16xf32>,
        tpu.vector_store %arg13[%swap3A_289, %swap3A_290], %broadcast_in_dim3A_86 {strides = array<i32>} : memref<128x256xf32, #tpu.memory_space<vmem>>, vector<16xf32>,
        %swap3A_292 = arith.index_cast %while3A_274 : i32 to index
        %swap3A_293 = arith.constant 96 : index
        %swap3A_294 = tpu.vector_load %arg13[%swap3A_292, %swap3A_293] {strides = array<i32>} : memref<128x256xf32, #tpu.memory_space<vmem>>, vector<16xf32>,
        tpu.vector_store %arg13[%swap3A_292, %swap3A_293], %broadcast_in_dim3A_86 {strides = array<i32>} : memref<128x256xf32, #tpu.memory_space<vmem>>, vector<16xf32>,
        %swap3A_295 = arith.index_cast %while3A_274 : i32 to index
        %swap3A_296 = arith.constant 112 : index
        %swap3A_297 = tpu.vector_load %arg13[%swap3A_295, %swap3A_296] {strides = array<i32>} : memref<128x256xf32, #tpu.memory_space<vmem>>, vector<16xf32>,
        tpu.vector_store %arg13[%swap3A_295, %swap3A_296], %broadcast_in_dim3A_86 {strides = array<i32>} : memref<128x256xf32, #tpu.memory_space<vmem>>, vector<16xf32>,
        %swap3A_298 = arith.index_cast %while3A_274 : i32 to index
        %swap3A_299 = arith.constant 128 : index
        %swap3A_300 = tpu.vector_load %arg13[%swap3A_298, %swap3A_299] {strides = array<i32>} : memref<128x256xf32, #tpu.memory_space<vmem>>, vector<16xf32>,
        tpu.vector_store %arg13[%swap3A_298, %swap3A_299], %broadcast_in_dim3A_86 {strides = array<i32>} : memref<128x256xf32, #tpu.memory_space<vmem>>, vector<16xf32>,
        %swap3A_301 = arith.index_cast %while3A_274 : i32 to index
        %swap3A_302 = arith.constant 144 : index
        %swap3A_303 = tpu.vector_load %arg13[%swap3A_301, %swap3A_302] {strides = array<i32>} : memref<128x256xf32, #tpu.memory_space<vmem>>, vector<16xf32>,
        tpu.vector_store %arg13[%swap3A_301, %swap3A_302], %broadcast_in_dim3A_86 {strides = array<i32>} : memref<128x256xf32, #tpu.memory_space<vmem>>, vector<16xf32>,
        %swap3A_304 = arith.index_cast %while3A_274 : i32 to index
        %swap3A_305 = arith.constant 160 : index
        %swap3A_306 = tpu.vector_load %arg13[%swap3A_304, %swap3A_305] {strides = array<i32>} : memref<128x256xf32, #tpu.memory_space<vmem>>, vector<16xf32>,
        tpu.vector_store %arg13[%swap3A_304, %swap3A_305], %broadcast_in_dim3A_86 {strides = array<i32>} : memref<128x256xf32, #tpu.memory_space<vmem>>, vector<16xf32>,
        %swap3A_307 = arith.index_cast %while3A_274 : i32 to index
        %swap3A_308 = arith.constant 176 : index
        %swap3A_309 = tpu.vector_load %arg13[%swap3A_307, %swap3A_308] {strides = array<i32>} : memref<128x256xf32, #tpu.memory_space<vmem>>, vector<16xf32>,
        tpu.vector_store %arg13[%swap3A_307, %swap3A_308], %broadcast_in_dim3A_86 {strides = array<i32>} : memref<128x256xf32, #tpu.memory_space<vmem>>, vector<16xf32>,
        %swap3A_310 = arith.index_cast %while3A_274 : i32 to index
        %swap3A_311 = arith.constant 192 : index
        %swap3A_312 = tpu.vector_load %arg13[%swap3A_310, %swap3A_311] {strides = array<i32>} : memref<128x256xf32, #tpu.memory_space<vmem>>, vector<16xf32>,
        tpu.vector_store %arg13[%swap3A_310, %swap3A_311], %broadcast_in_dim3A_86 {strides = array<i32>} : memref<128x256xf32, #tpu.memory_space<vmem>>, vector<16xf32>,
        %swap3A_313 = arith.index_cast %while3A_274 : i32 to index
        %swap3A_314 = arith.constant 208 : index
        %swap3A_315 = tpu.vector_load %arg13[%swap3A_313, %swap3A_314] {strides = array<i32>} : memref<128x256xf32, #tpu.memory_space<vmem>>, vector<16xf32>,
        tpu.vector_store %arg13[%swap3A_313, %swap3A_314], %broadcast_in_dim3A_86 {strides = array<i32>} : memref<128x256xf32, #tpu.memory_space<vmem>>, vector<16xf32>,
        %swap3A_316 = arith.index_cast %while3A_274 : i32 to index
        %swap3A_317 = arith.constant 224 : index
        %swap3A_318 = tpu.vector_load %arg13[%swap3A_316, %swap3A_317] {strides = array<i32>} : memref<128x256xf32, #tpu.memory_space<vmem>>, vector<16xf32>,
        tpu.vector_store %arg13[%swap3A_316, %swap3A_317], %broadcast_in_dim3A_86 {strides = array<i32>} : memref<128x256xf32, #tpu.memory_space<vmem>>, vector<16xf32>,
        %swap3A_319 = arith.index_cast %while3A_274 : i32 to index
        %swap3A_320 = arith.constant 240 : index
        %swap3A_321 = tpu.vector_load %arg13[%swap3A_319, %swap3A_320] {strides = array<i32>} : memref<128x256xf32, #tpu.memory_space<vmem>>, vector<16xf32>,
        tpu.vector_store %arg13[%swap3A_319, %swap3A_320], %broadcast_in_dim3A_86 {strides = array<i32>} : memref<128x256xf32, #tpu.memory_space<vmem>>, vector<16xf32>,
      }
      %while3A_273 = arith.constant 1 : i32
      scf.for %while3A_274 = %while3A_271 to %while3A_267 step %while3A_273  : i32 {
        %swap3A = arith.index_cast %while3A_274 : i32 to index
        %swap3A_275 = arith.constant 0 : index
        %swap3A_276 = tpu.vector_load %arg13[%swap3A, %swap3A_275] {strides = array<i32>} : memref<128x256xf32, #tpu.memory_space<vmem>>, vector<16xf32>,
        tpu.vector_store %arg13[%swap3A, %swap3A_275], %broadcast_in_dim3A_86 {strides = array<i32>} : memref<128x256xf32, #tpu.memory_space<vmem>>, vector<16xf32>,
        %swap3A_277 = arith.index_cast %while3A_274 : i32 to index
        %swap3A_278 = arith.constant 16 : index
        %swap3A_279 = tpu.vector_load %arg13[%swap3A_277, %swap3A_278] {strides = array<i32>} : memref<128x256xf32, #tpu.memory_space<vmem>>, vector<16xf32>,
        tpu.vector_store %arg13[%swap3A_277, %swap3A_278], %broadcast_in_dim3A_86 {strides = array<i32>} : memref<128x256xf32, #tpu.memory_space<vmem>>, vector<16xf32>,
        %swap3A_280 = arith.index_cast %while3A_274 : i32 to index
        %swap3A_281 = arith.constant 32 : index
        %swap3A_282 = tpu.vector_load %arg13[%swap3A_280, %swap3A_281] {strides = array<i32>} : memref<128x256xf32, #tpu.memory_space<vmem>>, vector<16xf32>,
        tpu.vector_store %arg13[%swap3A_280, %swap3A_281], %broadcast_in_dim3A_86 {strides = array<i32>} : memref<128x256xf32, #tpu.memory_space<vmem>>, vector<16xf32>,
        %swap3A_283 = arith.index_cast %while3A_274 : i32 to index
        %swap3A_284 = arith.constant 48 : index
        %swap3A_285 = tpu.vector_load %arg13[%swap3A_283, %swap3A_284] {strides = array<i32>} : memref<128x256xf32, #tpu.memory_space<vmem>>, vector<16xf32>,
        tpu.vector_store %arg13[%swap3A_283, %swap3A_284], %broadcast_in_dim3A_86 {strides = array<i32>} : memref<128x256xf32, #tpu.memory_space<vmem>>, vector<16xf32>,
        %swap3A_286 = arith.index_cast %while3A_274 : i32 to index
        %swap3A_287 = arith.constant 64 : index
        %swap3A_288 = tpu.vector_load %arg13[%swap3A_286, %swap3A_287] {strides = array<i32>} : memref<128x256xf32, #tpu.memory_space<vmem>>, vector<16xf32>,
        tpu.vector_store %arg13[%swap3A_286, %swap3A_287], %broadcast_in_dim3A_86 {strides = array<i32>} : memref<128x256xf32, #tpu.memory_space<vmem>>, vector<16xf32>,
        %swap3A_289 = arith.index_cast %while3A_274 : i32 to index
        %swap3A_290 = arith.constant 80 : index
        %swap3A_291 = tpu.vector_load %arg13[%swap3A_289, %swap3A_290] {strides = array<i32>} : memref<128x256xf32, #tpu.memory_space<vmem>>, vector<16xf32>,
        tpu.vector_store %arg13[%swap3A_289, %swap3A_290], %broadcast_in_dim3A_86 {strides = array<i32>} : memref<128x256xf32, #tpu.memory_space<vmem>>, vector<16xf32>,
        %swap3A_292 = arith.index_cast %while3A_274 : i32 to index
        %swap3A_293 = arith.constant 96 : index
        %swap3A_294 = tpu.vector_load %arg13[%swap3A_292, %swap3A_293] {strides = array<i32>} : memref<128x256xf32, #tpu.memory_space<vmem>>, vector<16xf32>,
        tpu.vector_store %arg13[%swap3A_292, %swap3A_293], %broadcast_in_dim3A_86 {strides = array<i32>} : memref<128x256xf32, #tpu.memory_space<vmem>>, vector<16xf32>,
        %swap3A_295 = arith.index_cast %while3A_274 : i32 to index
        %swap3A_296 = arith.constant 112 : index
        %swap3A_297 = tpu.vector_load %arg13[%swap3A_295, %swap3A_296] {strides = array<i32>} : memref<128x256xf32, #tpu.memory_space<vmem>>, vector<16xf32>,
        tpu.vector_store %arg13[%swap3A_295, %swap3A_296], %broadcast_in_dim3A_86 {strides = array<i32>} : memref<128x256xf32, #tpu.memory_space<vmem>>, vector<16xf32>,
        %swap3A_298 = arith.index_cast %while3A_274 : i32 to index
        %swap3A_299 = arith.constant 128 : index
        %swap3A_300 = tpu.vector_load %arg13[%swap3A_298, %swap3A_299] {strides = array<i32>} : memref<128x256xf32, #tpu.memory_space<vmem>>, vector<16xf32>,
        tpu.vector_store %arg13[%swap3A_298, %swap3A_299], %broadcast_in_dim3A_86 {strides = array<i32>} : memref<128x256xf32, #tpu.memory_space<vmem>>, vector<16xf32>,
        %swap3A_301 = arith.index_cast %while3A_274 : i32 to index
        %swap3A_302 = arith.constant 144 : index
        %swap3A_303 = tpu.vector_load %arg13[%swap3A_301, %swap3A_302] {strides = array<i32>} : memref<128x256xf32, #tpu.memory_space<vmem>>, vector<16xf32>,
        tpu.vector_store %arg13[%swap3A_301, %swap3A_302], %broadcast_in_dim3A_86 {strides = array<i32>} : memref<128x256xf32, #tpu.memory_space<vmem>>, vector<16xf32>,
        %swap3A_304 = arith.index_cast %while3A_274 : i32 to index
        %swap3A_305 = arith.constant 160 : index
        %swap3A_306 = tpu.vector_load %arg13[%swap3A_304, %swap3A_305] {strides = array<i32>} : memref<128x256xf32, #tpu.memory_space<vmem>>, vector<16xf32>,
        tpu.vector_store %arg13[%swap3A_304, %swap3A_305], %broadcast_in_dim3A_86 {strides = array<i32>} : memref<128x256xf32, #tpu.memory_space<vmem>>, vector<16xf32>,
        %swap3A_307 = arith.index_cast %while3A_274 : i32 to index
        %swap3A_308 = arith.constant 176 : index
        %swap3A_309 = tpu.vector_load %arg13[%swap3A_307, %swap3A_308] {strides = array<i32>} : memref<128x256xf32, #tpu.memory_space<vmem>>, vector<16xf32>,
        tpu.vector_store %arg13[%swap3A_307, %swap3A_308], %broadcast_in_dim3A_86 {strides = array<i32>} : memref<128x256xf32, #tpu.memory_space<vmem>>, vector<16xf32>,
        %swap3A_310 = arith.index_cast %while3A_274 : i32 to index
        %swap3A_311 = arith.constant 192 : index
        %swap3A_312 = tpu.vector_load %arg13[%swap3A_310, %swap3A_311] {strides = array<i32>} : memref<128x256xf32, #tpu.memory_space<vmem>>, vector<16xf32>,
        tpu.vector_store %arg13[%swap3A_310, %swap3A_311], %broadcast_in_dim3A_86 {strides = array<i32>} : memref<128x256xf32, #tpu.memory_space<vmem>>, vector<16xf32>,
        %swap3A_313 = arith.index_cast %while3A_274 : i32 to index
        %swap3A_314 = arith.constant 208 : index
        %swap3A_315 = tpu.vector_load %arg13[%swap3A_313, %swap3A_314] {strides = array<i32>} : memref<128x256xf32, #tpu.memory_space<vmem>>, vector<16xf32>,
        tpu.vector_store %arg13[%swap3A_313, %swap3A_314], %broadcast_in_dim3A_86 {strides = array<i32>} : memref<128x256xf32, #tpu.memory_space<vmem>>, vector<16xf32>,
        %swap3A_316 = arith.index_cast %while3A_274 : i32 to index
        %swap3A_317 = arith.constant 224 : index
        %swap3A_318 = tpu.vector_load %arg13[%swap3A_316, %swap3A_317] {strides = array<i32>} : memref<128x256xf32, #tpu.memory_space<vmem>>, vector<16xf32>,
        tpu.vector_store %arg13[%swap3A_316, %swap3A_317], %broadcast_in_dim3A_86 {strides = array<i32>} : memref<128x256xf32, #tpu.memory_space<vmem>>, vector<16xf32>,
        %swap3A_319 = arith.index_cast %while3A_274 : i32 to index
        %swap3A_320 = arith.constant 240 : index
        %swap3A_321 = tpu.vector_load %arg13[%swap3A_319, %swap3A_320] {strides = array<i32>} : memref<128x256xf32, #tpu.memory_space<vmem>>, vector<16xf32>,
        tpu.vector_store %arg13[%swap3A_319, %swap3A_320], %broadcast_in_dim3A_86 {strides = array<i32>} : memref<128x256xf32, #tpu.memory_space<vmem>>, vector<16xf32>,
      }
      "tpu.region"() ({
        %run_scoped3A = tpu.sem_alloc : memref<!tpu.dma_semaphore, #tpu.memory_space<semaphore_mem>>
        %dma_start3A = arith.constant 0 : i32
        %dma_start3A_274 = tpu.memref_slice %arg4[%arg1, %mul3A_117, %dma_start3A] : memref<16x2048x256xf32, #tpu.memory_space<hbm>> -> memref<1x128x256xf32, #tpu.memory_space<hbm>>
        %dma_start3A_275 = tpu.memref_squeeze %dma_start3A_274 : memref<1x128x256xf32, #tpu.memory_space<hbm>> -> memref<128x256xf32, #tpu.memory_space<hbm>>
        %dma_start3A_276 = arith.constant 0 : i32
        %dma_start3A_277 = tpu.memref_slice %arg4[%arg1, %mul3A_117, %dma_start3A_276] : memref<16x2048x256xf32, #tpu.memory_space<hbm>> -> memref<1x128x256xf32, #tpu.memory_space<hbm>>
        %dma_start3A_278 = tpu.memref_squeeze %dma_start3A_277 : memref<1x128x256xf32, #tpu.memory_space<hbm>> -> memref<128x256xf32, #tpu.memory_space<hbm>>
        tpu.enqueue_dma source(%arg13 : memref<128x256xf32, #tpu.memory_space<vmem>>) target(%dma_start3A_278 : memref<128x256xf32, #tpu.memory_space<hbm>>) target_semaphore(%run_scoped3A : memref<!tpu.dma_semaphore, #tpu.memory_space<semaphore_mem>>)
        %dma_wait3A = arith.constant 0 : i32
        %dma_wait3A_279 = tpu.memref_slice %arg4[%arg1, %mul3A_117, %dma_wait3A] : memref<16x2048x256xf32, #tpu.memory_space<hbm>> -> memref<1x128x256xf32, #tpu.memory_space<hbm>>
        %dma_wait3A_280 = tpu.memref_squeeze %dma_wait3A_279 : memref<1x128x256xf32, #tpu.memory_space<hbm>> -> memref<128x256xf32, #tpu.memory_space<hbm>>
        %dma_wait3A_281 = arith.constant 0 : i32
        %dma_wait3A_282 = tpu.memref_slice %arg4[%arg1, %mul3A_117, %dma_wait3A_281] : memref<16x2048x256xf32, #tpu.memory_space<hbm>> -> memref<1x128x256xf32, #tpu.memory_space<hbm>>
        %dma_wait3A_283 = tpu.memref_squeeze %dma_wait3A_282 : memref<1x128x256xf32, #tpu.memory_space<hbm>> -> memref<128x256xf32, #tpu.memory_space<hbm>>
        tpu.wait_dma2 semaphore(%run_scoped3A : memref<!tpu.dma_semaphore, #tpu.memory_space<semaphore_mem>>) src(%arg13 : memref<128x256xf32, #tpu.memory_space<vmem>>) dst(%dma_wait3A_283 : memref<128x256xf32, #tpu.memory_space<hbm>>)
        tpu.yield
      }) : () -> ()
    } else {
    }
    %not3A_177 = arith.constant true
    %not3A_178 = arith.xori %lt3A_118, %not3A_177 : i1
    %convert_element_type3A_179 = arith.extui %not3A_178 : i1 to i32
    %cond3A_180 = arith.constant 0 : i32
    %cond3A_181 = arith.cmpi ne, %convert_element_type3A_179, %cond3A_180 : i32
    scf.if %cond3A_181 {
      %add3A_260 = arith.constant 0 : i32
      %add3A_261 = arith.addi %mul3A_117, %add3A_260 : i32
      "tpu.region"() ({
        %run_scoped3A = tpu.sem_alloc : memref<!tpu.dma_semaphore, #tpu.memory_space<semaphore_mem>>
        %dma_start3A = arith.constant 0 : i32
        %dma_start3A_264 = tpu.memref_slice %arg4[%arg1, %add3A_261, %dma_start3A] : memref<16x2048x256xf32, #tpu.memory_space<hbm>> -> memref<1x64x256xf32, #tpu.memory_space<hbm>>
        %dma_start3A_265 = tpu.memref_squeeze %dma_start3A_264 : memref<1x64x256xf32, #tpu.memory_space<hbm>> -> memref<64x256xf32, #tpu.memory_space<hbm>>
        %dma_start3A_266 = arith.constant 0 : i32
        %dma_start3A_267 = tpu.memref_slice %arg4[%arg1, %add3A_261, %dma_start3A_266] : memref<16x2048x256xf32, #tpu.memory_space<hbm>> -> memref<1x64x256xf32, #tpu.memory_space<hbm>>
        %dma_start3A_268 = tpu.memref_squeeze %dma_start3A_267 : memref<1x64x256xf32, #tpu.memory_space<hbm>> -> memref<64x256xf32, #tpu.memory_space<hbm>>
        tpu.enqueue_dma source(%arg15 : memref<64x256xf32, #tpu.memory_space<vmem>>) target(%dma_start3A_268 : memref<64x256xf32, #tpu.memory_space<hbm>>) target_semaphore(%run_scoped3A : memref<!tpu.dma_semaphore, #tpu.memory_space<semaphore_mem>>)
        %dma_wait3A = arith.constant 0 : i32
        %dma_wait3A_269 = tpu.memref_slice %arg4[%arg1, %add3A_261, %dma_wait3A] : memref<16x2048x256xf32, #tpu.memory_space<hbm>> -> memref<1x64x256xf32, #tpu.memory_space<hbm>>
        %dma_wait3A_270 = tpu.memref_squeeze %dma_wait3A_269 : memref<1x64x256xf32, #tpu.memory_space<hbm>> -> memref<64x256xf32, #tpu.memory_space<hbm>>
        %dma_wait3A_271 = arith.constant 0 : i32
        %dma_wait3A_272 = tpu.memref_slice %arg4[%arg1, %add3A_261, %dma_wait3A_271] : memref<16x2048x256xf32, #tpu.memory_space<hbm>> -> memref<1x64x256xf32, #tpu.memory_space<hbm>>
        %dma_wait3A_273 = tpu.memref_squeeze %dma_wait3A_272 : memref<1x64x256xf32, #tpu.memory_space<hbm>> -> memref<64x256xf32, #tpu.memory_space<hbm>>
        tpu.wait_dma2 semaphore(%run_scoped3A : memref<!tpu.dma_semaphore, #tpu.memory_space<semaphore_mem>>) src(%arg15 : memref<64x256xf32, #tpu.memory_space<vmem>>) dst(%dma_wait3A_273 : memref<64x256xf32, #tpu.memory_space<hbm>>)
        tpu.yield
      }) : () -> ()
      %add3A_262 = arith.constant 64 : i32
      %add3A_263 = arith.addi %mul3A_117, %add3A_262 : i32
      "tpu.region"() ({
        %run_scoped3A = tpu.sem_alloc : memref<!tpu.dma_semaphore, #tpu.memory_space<semaphore_mem>>
        %dma_start3A = arith.constant 0 : i32
        %dma_start3A_264 = tpu.memref_slice %arg4[%arg1, %add3A_263, %dma_start3A] : memref<16x2048x256xf32, #tpu.memory_space<hbm>> -> memref<1x64x256xf32, #tpu.memory_space<hbm>>
        %dma_start3A_265 = tpu.memref_squeeze %dma_start3A_264 : memref<1x64x256xf32, #tpu.memory_space<hbm>> -> memref<64x256xf32, #tpu.memory_space<hbm>>
        %dma_start3A_266 = arith.constant 0 : i32
        %dma_start3A_267 = tpu.memref_slice %arg4[%arg1, %add3A_263, %dma_start3A_266] : memref<16x2048x256xf32, #tpu.memory_space<hbm>> -> memref<1x64x256xf32, #tpu.memory_space<hbm>>
        %dma_start3A_268 = tpu.memref_squeeze %dma_start3A_267 : memref<1x64x256xf32, #tpu.memory_space<hbm>> -> memref<64x256xf32, #tpu.memory_space<hbm>>
        tpu.enqueue_dma source(%arg15 : memref<64x256xf32, #tpu.memory_space<vmem>>) target(%dma_start3A_268 : memref<64x256xf32, #tpu.memory_space<hbm>>) target_semaphore(%run_scoped3A : memref<!tpu.dma_semaphore, #tpu.memory_space<semaphore_mem>>)
        %dma_wait3A = arith.constant 0 : i32
        %dma_wait3A_269 = tpu.memref_slice %arg4[%arg1, %add3A_263, %dma_wait3A] : memref<16x2048x256xf32, #tpu.memory_space<hbm>> -> memref<1x64x256xf32, #tpu.memory_space<hbm>>
        %dma_wait3A_270 = tpu.memref_squeeze %dma_wait3A_269 : memref<1x64x256xf32, #tpu.memory_space<hbm>> -> memref<64x256xf32, #tpu.memory_space<hbm>>
        %dma_wait3A_271 = arith.constant 0 : i32
        %dma_wait3A_272 = tpu.memref_slice %arg4[%arg1, %add3A_263, %dma_wait3A_271] : memref<16x2048x256xf32, #tpu.memory_space<hbm>> -> memref<1x64x256xf32, #tpu.memory_space<hbm>>
        %dma_wait3A_273 = tpu.memref_squeeze %dma_wait3A_272 : memref<1x64x256xf32, #tpu.memory_space<hbm>> -> memref<64x256xf32, #tpu.memory_space<hbm>>
        tpu.wait_dma2 semaphore(%run_scoped3A : memref<!tpu.dma_semaphore, #tpu.memory_space<semaphore_mem>>) src(%arg15 : memref<64x256xf32, #tpu.memory_space<vmem>>) dst(%dma_wait3A_273 : memref<64x256xf32, #tpu.memory_space<hbm>>)
        tpu.yield
      }) : () -> ()
    } else {
    }
    %convert_element_type3A_182 = arith.extui %lt3A_123 : i1 to i32
    %cond3A_183 = arith.constant 0 : i32
    %cond3A_184 = arith.cmpi ne, %convert_element_type3A_182, %cond3A_183 : i32
    scf.if %cond3A_184 {
      %dma_wait3A = tpu.memref_slice %arg10[%mul3A_122] : memref<2048xi32, #tpu.memory_space<vmem>> -> memref<128xi32, #tpu.memory_space<vmem>>
      %dma_wait3A_260 = arith.constant 0 : i32
      %dma_wait3A_261 = arith.constant 0 : i32
      %dma_wait3A_262 = tpu.memref_slice %arg2[%dma_wait3A_260, %dma_wait3A_261] : memref<8192x256xf32, #tpu.memory_space<hbm>> -> memref<8192x256xf32, #tpu.memory_space<hbm>>
      tpu.wait_indirect_dma semaphore(%arg18 : memref<!tpu.dma_semaphore, #tpu.memory_space<semaphore_mem>>) src(%dma_wait3A_262 : memref<8192x256xf32, #tpu.memory_space<hbm>>) dst(%arg14 : memref<128x256xf32, #tpu.memory_space<vmem>>)
    } else {
    }
    %convert_element_type3A_185 = arith.extui %lt3A_133 : i1 to i32
    %cond3A_186 = arith.constant 0 : i32
    %cond3A_187 = arith.cmpi ne, %convert_element_type3A_185, %cond3A_186 : i32
    scf.if %cond3A_187 {
      %dma_start3A = tpu.memref_slice %arg10[%mul3A_132] : memref<2048xi32, #tpu.memory_space<vmem>> -> memref<128xi32, #tpu.memory_space<vmem>>
      %dma_start3A_260 = arith.constant 0 : i32
      %dma_start3A_261 = arith.constant 0 : i32
      %dma_start3A_262 = tpu.memref_slice %arg2[%dma_start3A_260, %dma_start3A_261] : memref<8192x256xf32, #tpu.memory_space<hbm>> -> memref<8192x256xf32, #tpu.memory_space<hbm>>
      tpu.enqueue_indirect_dma source(%dma_start3A_262 : memref<8192x256xf32, #tpu.memory_space<hbm>>) target(%arg13 : memref<128x256xf32, #tpu.memory_space<vmem>>) offsets(%dma_start3A : memref<128xi32, #tpu.memory_space<vmem>>) semaphore(%arg17 : memref<!tpu.dma_semaphore, #tpu.memory_space<semaphore_mem>>)
    } else {
    }
    %convert_element_type3A_188 = arith.extui %lt3A_123 : i1 to i32
    %cond3A_189 = arith.constant 0 : i32
    %cond3A_190 = arith.cmpi ne, %convert_element_type3A_188, %cond3A_189 : i32
    scf.if %cond3A_190 {
      %sub3A_260 = arith.subi %min3A_7, %mul3A_122 : i32
      %jit3A_261 = arith.constant 0 : i32
      %jit3A_262 = arith.constant 128 : i32
      %max3A = arith.maxsi %jit3A_261, %sub3A_260 : i32
      %min3A_263 = arith.minsi %jit3A_262, %max3A : i32
      %while3A_264 = arith.constant 0 : i32
      %while3A_265 = arith.constant 128 : i32
      %while3A_266 = arith.subi %while3A_265, %min3A_263 : i32
      %while3A_267 = arith.addi %min3A_263, %while3A_266 : i32
      %while3A_268 = arith.constant 1 : i32
      %while3A_269 = arith.divsi %while3A_266, %while3A_268 : i32
      %while3A_270 = arith.muli %while3A_269, %while3A_268 : i32
      %while3A_271 = arith.addi %min3A_263, %while3A_270 : i32
      %while3A_272 = arith.constant 1 : i32
      scf.for %while3A_274 = %min3A_263 to %while3A_271 step %while3A_272  : i32 {
        %swap3A = arith.index_cast %while3A_274 : i32 to index
        %swap3A_275 = arith.constant 0 : index
        %swap3A_276 = tpu.vector_load %arg14[%swap3A, %swap3A_275] {strides = array<i32>} : memref<128x256xf32, #tpu.memory_space<vmem>>, vector<16xf32>,
        tpu.vector_store %arg14[%swap3A, %swap3A_275], %broadcast_in_dim3A_86 {strides = array<i32>} : memref<128x256xf32, #tpu.memory_space<vmem>>, vector<16xf32>,
        %swap3A_277 = arith.index_cast %while3A_274 : i32 to index
        %swap3A_278 = arith.constant 16 : index
        %swap3A_279 = tpu.vector_load %arg14[%swap3A_277, %swap3A_278] {strides = array<i32>} : memref<128x256xf32, #tpu.memory_space<vmem>>, vector<16xf32>,
        tpu.vector_store %arg14[%swap3A_277, %swap3A_278], %broadcast_in_dim3A_86 {strides = array<i32>} : memref<128x256xf32, #tpu.memory_space<vmem>>, vector<16xf32>,
        %swap3A_280 = arith.index_cast %while3A_274 : i32 to index
        %swap3A_281 = arith.constant 32 : index
        %swap3A_282 = tpu.vector_load %arg14[%swap3A_280, %swap3A_281] {strides = array<i32>} : memref<128x256xf32, #tpu.memory_space<vmem>>, vector<16xf32>,
        tpu.vector_store %arg14[%swap3A_280, %swap3A_281], %broadcast_in_dim3A_86 {strides = array<i32>} : memref<128x256xf32, #tpu.memory_space<vmem>>, vector<16xf32>,
        %swap3A_283 = arith.index_cast %while3A_274 : i32 to index
        %swap3A_284 = arith.constant 48 : index
        %swap3A_285 = tpu.vector_load %arg14[%swap3A_283, %swap3A_284] {strides = array<i32>} : memref<128x256xf32, #tpu.memory_space<vmem>>, vector<16xf32>,
        tpu.vector_store %arg14[%swap3A_283, %swap3A_284], %broadcast_in_dim3A_86 {strides = array<i32>} : memref<128x256xf32, #tpu.memory_space<vmem>>, vector<16xf32>,
        %swap3A_286 = arith.index_cast %while3A_274 : i32 to index
        %swap3A_287 = arith.constant 64 : index
        %swap3A_288 = tpu.vector_load %arg14[%swap3A_286, %swap3A_287] {strides = array<i32>} : memref<128x256xf32, #tpu.memory_space<vmem>>, vector<16xf32>,
        tpu.vector_store %arg14[%swap3A_286, %swap3A_287], %broadcast_in_dim3A_86 {strides = array<i32>} : memref<128x256xf32, #tpu.memory_space<vmem>>, vector<16xf32>,
        %swap3A_289 = arith.index_cast %while3A_274 : i32 to index
        %swap3A_290 = arith.constant 80 : index
        %swap3A_291 = tpu.vector_load %arg14[%swap3A_289, %swap3A_290] {strides = array<i32>} : memref<128x256xf32, #tpu.memory_space<vmem>>, vector<16xf32>,
        tpu.vector_store %arg14[%swap3A_289, %swap3A_290], %broadcast_in_dim3A_86 {strides = array<i32>} : memref<128x256xf32, #tpu.memory_space<vmem>>, vector<16xf32>,
        %swap3A_292 = arith.index_cast %while3A_274 : i32 to index
        %swap3A_293 = arith.constant 96 : index
        %swap3A_294 = tpu.vector_load %arg14[%swap3A_292, %swap3A_293] {strides = array<i32>} : memref<128x256xf32, #tpu.memory_space<vmem>>, vector<16xf32>,
        tpu.vector_store %arg14[%swap3A_292, %swap3A_293], %broadcast_in_dim3A_86 {strides = array<i32>} : memref<128x256xf32, #tpu.memory_space<vmem>>, vector<16xf32>,
        %swap3A_295 = arith.index_cast %while3A_274 : i32 to index
        %swap3A_296 = arith.constant 112 : index
        %swap3A_297 = tpu.vector_load %arg14[%swap3A_295, %swap3A_296] {strides = array<i32>} : memref<128x256xf32, #tpu.memory_space<vmem>>, vector<16xf32>,
        tpu.vector_store %arg14[%swap3A_295, %swap3A_296], %broadcast_in_dim3A_86 {strides = array<i32>} : memref<128x256xf32, #tpu.memory_space<vmem>>, vector<16xf32>,
        %swap3A_298 = arith.index_cast %while3A_274 : i32 to index
        %swap3A_299 = arith.constant 128 : index
        %swap3A_300 = tpu.vector_load %arg14[%swap3A_298, %swap3A_299] {strides = array<i32>} : memref<128x256xf32, #tpu.memory_space<vmem>>, vector<16xf32>,
        tpu.vector_store %arg14[%swap3A_298, %swap3A_299], %broadcast_in_dim3A_86 {strides = array<i32>} : memref<128x256xf32, #tpu.memory_space<vmem>>, vector<16xf32>,
        %swap3A_301 = arith.index_cast %while3A_274 : i32 to index
        %swap3A_302 = arith.constant 144 : index
        %swap3A_303 = tpu.vector_load %arg14[%swap3A_301, %swap3A_302] {strides = array<i32>} : memref<128x256xf32, #tpu.memory_space<vmem>>, vector<16xf32>,
        tpu.vector_store %arg14[%swap3A_301, %swap3A_302], %broadcast_in_dim3A_86 {strides = array<i32>} : memref<128x256xf32, #tpu.memory_space<vmem>>, vector<16xf32>,
        %swap3A_304 = arith.index_cast %while3A_274 : i32 to index
        %swap3A_305 = arith.constant 160 : index
        %swap3A_306 = tpu.vector_load %arg14[%swap3A_304, %swap3A_305] {strides = array<i32>} : memref<128x256xf32, #tpu.memory_space<vmem>>, vector<16xf32>,
        tpu.vector_store %arg14[%swap3A_304, %swap3A_305], %broadcast_in_dim3A_86 {strides = array<i32>} : memref<128x256xf32, #tpu.memory_space<vmem>>, vector<16xf32>,
        %swap3A_307 = arith.index_cast %while3A_274 : i32 to index
        %swap3A_308 = arith.constant 176 : index
        %swap3A_309 = tpu.vector_load %arg14[%swap3A_307, %swap3A_308] {strides = array<i32>} : memref<128x256xf32, #tpu.memory_space<vmem>>, vector<16xf32>,
        tpu.vector_store %arg14[%swap3A_307, %swap3A_308], %broadcast_in_dim3A_86 {strides = array<i32>} : memref<128x256xf32, #tpu.memory_space<vmem>>, vector<16xf32>,
        %swap3A_310 = arith.index_cast %while3A_274 : i32 to index
        %swap3A_311 = arith.constant 192 : index
        %swap3A_312 = tpu.vector_load %arg14[%swap3A_310, %swap3A_311] {strides = array<i32>} : memref<128x256xf32, #tpu.memory_space<vmem>>, vector<16xf32>,
        tpu.vector_store %arg14[%swap3A_310, %swap3A_311], %broadcast_in_dim3A_86 {strides = array<i32>} : memref<128x256xf32, #tpu.memory_space<vmem>>, vector<16xf32>,
        %swap3A_313 = arith.index_cast %while3A_274 : i32 to index
        %swap3A_314 = arith.constant 208 : index
        %swap3A_315 = tpu.vector_load %arg14[%swap3A_313, %swap3A_314] {strides = array<i32>} : memref<128x256xf32, #tpu.memory_space<vmem>>, vector<16xf32>,
        tpu.vector_store %arg14[%swap3A_313, %swap3A_314], %broadcast_in_dim3A_86 {strides = array<i32>} : memref<128x256xf32, #tpu.memory_space<vmem>>, vector<16xf32>,
        %swap3A_316 = arith.index_cast %while3A_274 : i32 to index
        %swap3A_317 = arith.constant 224 : index
        %swap3A_318 = tpu.vector_load %arg14[%swap3A_316, %swap3A_317] {strides = array<i32>} : memref<128x256xf32, #tpu.memory_space<vmem>>, vector<16xf32>,
        tpu.vector_store %arg14[%swap3A_316, %swap3A_317], %broadcast_in_dim3A_86 {strides = array<i32>} : memref<128x256xf32, #tpu.memory_space<vmem>>, vector<16xf32>,
        %swap3A_319 = arith.index_cast %while3A_274 : i32 to index
        %swap3A_320 = arith.constant 240 : index
        %swap3A_321 = tpu.vector_load %arg14[%swap3A_319, %swap3A_320] {strides = array<i32>} : memref<128x256xf32, #tpu.memory_space<vmem>>, vector<16xf32>,
        tpu.vector_store %arg14[%swap3A_319, %swap3A_320], %broadcast_in_dim3A_86 {strides = array<i32>} : memref<128x256xf32, #tpu.memory_space<vmem>>, vector<16xf32>,
      }
      %while3A_273 = arith.constant 1 : i32
      scf.for %while3A_274 = %while3A_271 to %while3A_267 step %while3A_273  : i32 {
        %swap3A = arith.index_cast %while3A_274 : i32 to index
        %swap3A_275 = arith.constant 0 : index
        %swap3A_276 = tpu.vector_load %arg14[%swap3A, %swap3A_275] {strides = array<i32>} : memref<128x256xf32, #tpu.memory_space<vmem>>, vector<16xf32>,
        tpu.vector_store %arg14[%swap3A, %swap3A_275], %broadcast_in_dim3A_86 {strides = array<i32>} : memref<128x256xf32, #tpu.memory_space<vmem>>, vector<16xf32>,
        %swap3A_277 = arith.index_cast %while3A_274 : i32 to index
        %swap3A_278 = arith.constant 16 : index
        %swap3A_279 = tpu.vector_load %arg14[%swap3A_277, %swap3A_278] {strides = array<i32>} : memref<128x256xf32, #tpu.memory_space<vmem>>, vector<16xf32>,
        tpu.vector_store %arg14[%swap3A_277, %swap3A_278], %broadcast_in_dim3A_86 {strides = array<i32>} : memref<128x256xf32, #tpu.memory_space<vmem>>, vector<16xf32>,
        %swap3A_280 = arith.index_cast %while3A_274 : i32 to index
        %swap3A_281 = arith.constant 32 : index
        %swap3A_282 = tpu.vector_load %arg14[%swap3A_280, %swap3A_281] {strides = array<i32>} : memref<128x256xf32, #tpu.memory_space<vmem>>, vector<16xf32>,
        tpu.vector_store %arg14[%swap3A_280, %swap3A_281], %broadcast_in_dim3A_86 {strides = array<i32>} : memref<128x256xf32, #tpu.memory_space<vmem>>, vector<16xf32>,
        %swap3A_283 = arith.index_cast %while3A_274 : i32 to index
        %swap3A_284 = arith.constant 48 : index
        %swap3A_285 = tpu.vector_load %arg14[%swap3A_283, %swap3A_284] {strides = array<i32>} : memref<128x256xf32, #tpu.memory_space<vmem>>, vector<16xf32>,
        tpu.vector_store %arg14[%swap3A_283, %swap3A_284], %broadcast_in_dim3A_86 {strides = array<i32>} : memref<128x256xf32, #tpu.memory_space<vmem>>, vector<16xf32>,
        %swap3A_286 = arith.index_cast %while3A_274 : i32 to index
        %swap3A_287 = arith.constant 64 : index
        %swap3A_288 = tpu.vector_load %arg14[%swap3A_286, %swap3A_287] {strides = array<i32>} : memref<128x256xf32, #tpu.memory_space<vmem>>, vector<16xf32>,
        tpu.vector_store %arg14[%swap3A_286, %swap3A_287], %broadcast_in_dim3A_86 {strides = array<i32>} : memref<128x256xf32, #tpu.memory_space<vmem>>, vector<16xf32>,
        %swap3A_289 = arith.index_cast %while3A_274 : i32 to index
        %swap3A_290 = arith.constant 80 : index
        %swap3A_291 = tpu.vector_load %arg14[%swap3A_289, %swap3A_290] {strides = array<i32>} : memref<128x256xf32, #tpu.memory_space<vmem>>, vector<16xf32>,
        tpu.vector_store %arg14[%swap3A_289, %swap3A_290], %broadcast_in_dim3A_86 {strides = array<i32>} : memref<128x256xf32, #tpu.memory_space<vmem>>, vector<16xf32>,
        %swap3A_292 = arith.index_cast %while3A_274 : i32 to index
        %swap3A_293 = arith.constant 96 : index
        %swap3A_294 = tpu.vector_load %arg14[%swap3A_292, %swap3A_293] {strides = array<i32>} : memref<128x256xf32, #tpu.memory_space<vmem>>, vector<16xf32>,
        tpu.vector_store %arg14[%swap3A_292, %swap3A_293], %broadcast_in_dim3A_86 {strides = array<i32>} : memref<128x256xf32, #tpu.memory_space<vmem>>, vector<16xf32>,
        %swap3A_295 = arith.index_cast %while3A_274 : i32 to index
        %swap3A_296 = arith.constant 112 : index
        %swap3A_297 = tpu.vector_load %arg14[%swap3A_295, %swap3A_296] {strides = array<i32>} : memref<128x256xf32, #tpu.memory_space<vmem>>, vector<16xf32>,
        tpu.vector_store %arg14[%swap3A_295, %swap3A_296], %broadcast_in_dim3A_86 {strides = array<i32>} : memref<128x256xf32, #tpu.memory_space<vmem>>, vector<16xf32>,
        %swap3A_298 = arith.index_cast %while3A_274 : i32 to index
        %swap3A_299 = arith.constant 128 : index
        %swap3A_300 = tpu.vector_load %arg14[%swap3A_298, %swap3A_299] {strides = array<i32>} : memref<128x256xf32, #tpu.memory_space<vmem>>, vector<16xf32>,
        tpu.vector_store %arg14[%swap3A_298, %swap3A_299], %broadcast_in_dim3A_86 {strides = array<i32>} : memref<128x256xf32, #tpu.memory_space<vmem>>, vector<16xf32>,
        %swap3A_301 = arith.index_cast %while3A_274 : i32 to index
        %swap3A_302 = arith.constant 144 : index
        %swap3A_303 = tpu.vector_load %arg14[%swap3A_301, %swap3A_302] {strides = array<i32>} : memref<128x256xf32, #tpu.memory_space<vmem>>, vector<16xf32>,
        tpu.vector_store %arg14[%swap3A_301, %swap3A_302], %broadcast_in_dim3A_86 {strides = array<i32>} : memref<128x256xf32, #tpu.memory_space<vmem>>, vector<16xf32>,
        %swap3A_304 = arith.index_cast %while3A_274 : i32 to index
        %swap3A_305 = arith.constant 160 : index
        %swap3A_306 = tpu.vector_load %arg14[%swap3A_304, %swap3A_305] {strides = array<i32>} : memref<128x256xf32, #tpu.memory_space<vmem>>, vector<16xf32>,
        tpu.vector_store %arg14[%swap3A_304, %swap3A_305], %broadcast_in_dim3A_86 {strides = array<i32>} : memref<128x256xf32, #tpu.memory_space<vmem>>, vector<16xf32>,
        %swap3A_307 = arith.index_cast %while3A_274 : i32 to index
        %swap3A_308 = arith.constant 176 : index
        %swap3A_309 = tpu.vector_load %arg14[%swap3A_307, %swap3A_308] {strides = array<i32>} : memref<128x256xf32, #tpu.memory_space<vmem>>, vector<16xf32>,
        tpu.vector_store %arg14[%swap3A_307, %swap3A_308], %broadcast_in_dim3A_86 {strides = array<i32>} : memref<128x256xf32, #tpu.memory_space<vmem>>, vector<16xf32>,
        %swap3A_310 = arith.index_cast %while3A_274 : i32 to index
        %swap3A_311 = arith.constant 192 : index
        %swap3A_312 = tpu.vector_load %arg14[%swap3A_310, %swap3A_311] {strides = array<i32>} : memref<128x256xf32, #tpu.memory_space<vmem>>, vector<16xf32>,
        tpu.vector_store %arg14[%swap3A_310, %swap3A_311], %broadcast_in_dim3A_86 {strides = array<i32>} : memref<128x256xf32, #tpu.memory_space<vmem>>, vector<16xf32>,
        %swap3A_313 = arith.index_cast %while3A_274 : i32 to index
        %swap3A_314 = arith.constant 208 : index
        %swap3A_315 = tpu.vector_load %arg14[%swap3A_313, %swap3A_314] {strides = array<i32>} : memref<128x256xf32, #tpu.memory_space<vmem>>, vector<16xf32>,
        tpu.vector_store %arg14[%swap3A_313, %swap3A_314], %broadcast_in_dim3A_86 {strides = array<i32>} : memref<128x256xf32, #tpu.memory_space<vmem>>, vector<16xf32>,
        %swap3A_316 = arith.index_cast %while3A_274 : i32 to index
        %swap3A_317 = arith.constant 224 : index
        %swap3A_318 = tpu.vector_load %arg14[%swap3A_316, %swap3A_317] {strides = array<i32>} : memref<128x256xf32, #tpu.memory_space<vmem>>, vector<16xf32>,
        tpu.vector_store %arg14[%swap3A_316, %swap3A_317], %broadcast_in_dim3A_86 {strides = array<i32>} : memref<128x256xf32, #tpu.memory_space<vmem>>, vector<16xf32>,
        %swap3A_319 = arith.index_cast %while3A_274 : i32 to index
        %swap3A_320 = arith.constant 240 : index
        %swap3A_321 = tpu.vector_load %arg14[%swap3A_319, %swap3A_320] {strides = array<i32>} : memref<128x256xf32, #tpu.memory_space<vmem>>, vector<16xf32>,
        tpu.vector_store %arg14[%swap3A_319, %swap3A_320], %broadcast_in_dim3A_86 {strides = array<i32>} : memref<128x256xf32, #tpu.memory_space<vmem>>, vector<16xf32>,
      }
      "tpu.region"() ({
        %run_scoped3A = tpu.sem_alloc : memref<!tpu.dma_semaphore, #tpu.memory_space<semaphore_mem>>
        %dma_start3A = arith.constant 0 : i32
        %dma_start3A_274 = tpu.memref_slice %arg4[%arg1, %mul3A_122, %dma_start3A] : memref<16x2048x256xf32, #tpu.memory_space<hbm>> -> memref<1x128x256xf32, #tpu.memory_space<hbm>>
        %dma_start3A_275 = tpu.memref_squeeze %dma_start3A_274 : memref<1x128x256xf32, #tpu.memory_space<hbm>> -> memref<128x256xf32, #tpu.memory_space<hbm>>
        %dma_start3A_276 = arith.constant 0 : i32
        %dma_start3A_277 = tpu.memref_slice %arg4[%arg1, %mul3A_122, %dma_start3A_276] : memref<16x2048x256xf32, #tpu.memory_space<hbm>> -> memref<1x128x256xf32, #tpu.memory_space<hbm>>
        %dma_start3A_278 = tpu.memref_squeeze %dma_start3A_277 : memref<1x128x256xf32, #tpu.memory_space<hbm>> -> memref<128x256xf32, #tpu.memory_space<hbm>>
        tpu.enqueue_dma source(%arg14 : memref<128x256xf32, #tpu.memory_space<vmem>>) target(%dma_start3A_278 : memref<128x256xf32, #tpu.memory_space<hbm>>) target_semaphore(%run_scoped3A : memref<!tpu.dma_semaphore, #tpu.memory_space<semaphore_mem>>)
        %dma_wait3A = arith.constant 0 : i32
        %dma_wait3A_279 = tpu.memref_slice %arg4[%arg1, %mul3A_122, %dma_wait3A] : memref<16x2048x256xf32, #tpu.memory_space<hbm>> -> memref<1x128x256xf32, #tpu.memory_space<hbm>>
        %dma_wait3A_280 = tpu.memref_squeeze %dma_wait3A_279 : memref<1x128x256xf32, #tpu.memory_space<hbm>> -> memref<128x256xf32, #tpu.memory_space<hbm>>
        %dma_wait3A_281 = arith.constant 0 : i32
        %dma_wait3A_282 = tpu.memref_slice %arg4[%arg1, %mul3A_122, %dma_wait3A_281] : memref<16x2048x256xf32, #tpu.memory_space<hbm>> -> memref<1x128x256xf32, #tpu.memory_space<hbm>>
        %dma_wait3A_283 = tpu.memref_squeeze %dma_wait3A_282 : memref<1x128x256xf32, #tpu.memory_space<hbm>> -> memref<128x256xf32, #tpu.memory_space<hbm>>
        tpu.wait_dma2 semaphore(%run_scoped3A : memref<!tpu.dma_semaphore, #tpu.memory_space<semaphore_mem>>) src(%arg14 : memref<128x256xf32, #tpu.memory_space<vmem>>) dst(%dma_wait3A_283 : memref<128x256xf32, #tpu.memory_space<hbm>>)
        tpu.yield
      }) : () -> ()
    } else {
    }
    %not3A_191 = arith.constant true
    %not3A_192 = arith.xori %lt3A_123, %not3A_191 : i1
    %convert_element_type3A_193 = arith.extui %not3A_192 : i1 to i32
    %cond3A_194 = arith.constant 0 : i32
    %cond3A_195 = arith.cmpi ne, %convert_element_type3A_193, %cond3A_194 : i32
    scf.if %cond3A_195 {
      %add3A_260 = arith.constant 0 : i32
      %add3A_261 = arith.addi %mul3A_122, %add3A_260 : i32
      "tpu.region"() ({
        %run_scoped3A = tpu.sem_alloc : memref<!tpu.dma_semaphore, #tpu.memory_space<semaphore_mem>>
        %dma_start3A = arith.constant 0 : i32
        %dma_start3A_264 = tpu.memref_slice %arg4[%arg1, %add3A_261, %dma_start3A] : memref<16x2048x256xf32, #tpu.memory_space<hbm>> -> memref<1x64x256xf32, #tpu.memory_space<hbm>>
        %dma_start3A_265 = tpu.memref_squeeze %dma_start3A_264 : memref<1x64x256xf32, #tpu.memory_space<hbm>> -> memref<64x256xf32, #tpu.memory_space<hbm>>
        %dma_start3A_266 = arith.constant 0 : i32
        %dma_start3A_267 = tpu.memref_slice %arg4[%arg1, %add3A_261, %dma_start3A_266] : memref<16x2048x256xf32, #tpu.memory_space<hbm>> -> memref<1x64x256xf32, #tpu.memory_space<hbm>>
        %dma_start3A_268 = tpu.memref_squeeze %dma_start3A_267 : memref<1x64x256xf32, #tpu.memory_space<hbm>> -> memref<64x256xf32, #tpu.memory_space<hbm>>
        tpu.enqueue_dma source(%arg15 : memref<64x256xf32, #tpu.memory_space<vmem>>) target(%dma_start3A_268 : memref<64x256xf32, #tpu.memory_space<hbm>>) target_semaphore(%run_scoped3A : memref<!tpu.dma_semaphore, #tpu.memory_space<semaphore_mem>>)
        %dma_wait3A = arith.constant 0 : i32
        %dma_wait3A_269 = tpu.memref_slice %arg4[%arg1, %add3A_261, %dma_wait3A] : memref<16x2048x256xf32, #tpu.memory_space<hbm>> -> memref<1x64x256xf32, #tpu.memory_space<hbm>>
        %dma_wait3A_270 = tpu.memref_squeeze %dma_wait3A_269 : memref<1x64x256xf32, #tpu.memory_space<hbm>> -> memref<64x256xf32, #tpu.memory_space<hbm>>
        %dma_wait3A_271 = arith.constant 0 : i32
        %dma_wait3A_272 = tpu.memref_slice %arg4[%arg1, %add3A_261, %dma_wait3A_271] : memref<16x2048x256xf32, #tpu.memory_space<hbm>> -> memref<1x64x256xf32, #tpu.memory_space<hbm>>
        %dma_wait3A_273 = tpu.memref_squeeze %dma_wait3A_272 : memref<1x64x256xf32, #tpu.memory_space<hbm>> -> memref<64x256xf32, #tpu.memory_space<hbm>>
        tpu.wait_dma2 semaphore(%run_scoped3A : memref<!tpu.dma_semaphore, #tpu.memory_space<semaphore_mem>>) src(%arg15 : memref<64x256xf32, #tpu.memory_space<vmem>>) dst(%dma_wait3A_273 : memref<64x256xf32, #tpu.memory_space<hbm>>)
        tpu.yield
      }) : () -> ()
      %add3A_262 = arith.constant 64 : i32
      %add3A_263 = arith.addi %mul3A_122, %add3A_262 : i32
      "tpu.region"() ({
        %run_scoped3A = tpu.sem_alloc : memref<!tpu.dma_semaphore, #tpu.memory_space<semaphore_mem>>
        %dma_start3A = arith.constant 0 : i32
        %dma_start3A_264 = tpu.memref_slice %arg4[%arg1, %add3A_263, %dma_start3A] : memref<16x2048x256xf32, #tpu.memory_space<hbm>> -> memref<1x64x256xf32, #tpu.memory_space<hbm>>
        %dma_start3A_265 = tpu.memref_squeeze %dma_start3A_264 : memref<1x64x256xf32, #tpu.memory_space<hbm>> -> memref<64x256xf32, #tpu.memory_space<hbm>>
        %dma_start3A_266 = arith.constant 0 : i32
        %dma_start3A_267 = tpu.memref_slice %arg4[%arg1, %add3A_263, %dma_start3A_266] : memref<16x2048x256xf32, #tpu.memory_space<hbm>> -> memref<1x64x256xf32, #tpu.memory_space<hbm>>
        %dma_start3A_268 = tpu.memref_squeeze %dma_start3A_267 : memref<1x64x256xf32, #tpu.memory_space<hbm>> -> memref<64x256xf32, #tpu.memory_space<hbm>>
        tpu.enqueue_dma source(%arg15 : memref<64x256xf32, #tpu.memory_space<vmem>>) target(%dma_start3A_268 : memref<64x256xf32, #tpu.memory_space<hbm>>) target_semaphore(%run_scoped3A : memref<!tpu.dma_semaphore, #tpu.memory_space<semaphore_mem>>)
        %dma_wait3A = arith.constant 0 : i32
        %dma_wait3A_269 = tpu.memref_slice %arg4[%arg1, %add3A_263, %dma_wait3A] : memref<16x2048x256xf32, #tpu.memory_space<hbm>> -> memref<1x64x256xf32, #tpu.memory_space<hbm>>
        %dma_wait3A_270 = tpu.memref_squeeze %dma_wait3A_269 : memref<1x64x256xf32, #tpu.memory_space<hbm>> -> memref<64x256xf32, #tpu.memory_space<hbm>>
        %dma_wait3A_271 = arith.constant 0 : i32
        %dma_wait3A_272 = tpu.memref_slice %arg4[%arg1, %add3A_263, %dma_wait3A_271] : memref<16x2048x256xf32, #tpu.memory_space<hbm>> -> memref<1x64x256xf32, #tpu.memory_space<hbm>>
        %dma_wait3A_273 = tpu.memref_squeeze %dma_wait3A_272 : memref<1x64x256xf32, #tpu.memory_space<hbm>> -> memref<64x256xf32, #tpu.memory_space<hbm>>
        tpu.wait_dma2 semaphore(%run_scoped3A : memref<!tpu.dma_semaphore, #tpu.memory_space<semaphore_mem>>) src(%arg15 : memref<64x256xf32, #tpu.memory_space<vmem>>) dst(%dma_wait3A_273 : memref<64x256xf32, #tpu.memory_space<hbm>>)
        tpu.yield
      }) : () -> ()
    } else {
    }
    %convert_element_type3A_196 = arith.extui %lt3A_128 : i1 to i32
    %cond3A_197 = arith.constant 0 : i32
    %cond3A_198 = arith.cmpi ne, %convert_element_type3A_196, %cond3A_197 : i32
    scf.if %cond3A_198 {
      %dma_wait3A = tpu.memref_slice %arg10[%mul3A_127] : memref<2048xi32, #tpu.memory_space<vmem>> -> memref<128xi32, #tpu.memory_space<vmem>>
      %dma_wait3A_260 = arith.constant 0 : i32
      %dma_wait3A_261 = arith.constant 0 : i32
      %dma_wait3A_262 = tpu.memref_slice %arg2[%dma_wait3A_260, %dma_wait3A_261] : memref<8192x256xf32, #tpu.memory_space<hbm>> -> memref<8192x256xf32, #tpu.memory_space<hbm>>
      tpu.wait_indirect_dma semaphore(%arg16 : memref<!tpu.dma_semaphore, #tpu.memory_space<semaphore_mem>>) src(%dma_wait3A_262 : memref<8192x256xf32, #tpu.memory_space<hbm>>) dst(%arg12 : memref<128x256xf32, #tpu.memory_space<vmem>>)
    } else {
    }
    %convert_element_type3A_199 = arith.extui %lt3A_138 : i1 to i32
    %cond3A_200 = arith.constant 0 : i32
    %cond3A_201 = arith.cmpi ne, %convert_element_type3A_199, %cond3A_200 : i32
    scf.if %cond3A_201 {
      %dma_start3A = tpu.memref_slice %arg10[%mul3A_137] : memref<2048xi32, #tpu.memory_space<vmem>> -> memref<128xi32, #tpu.memory_space<vmem>>
      %dma_start3A_260 = arith.constant 0 : i32
      %dma_start3A_261 = arith.constant 0 : i32
      %dma_start3A_262 = tpu.memref_slice %arg2[%dma_start3A_260, %dma_start3A_261] : memref<8192x256xf32, #tpu.memory_space<hbm>> -> memref<8192x256xf32, #tpu.memory_space<hbm>>
      tpu.enqueue_indirect_dma source(%dma_start3A_262 : memref<8192x256xf32, #tpu.memory_space<hbm>>) target(%arg14 : memref<128x256xf32, #tpu.memory_space<vmem>>) offsets(%dma_start3A : memref<128xi32, #tpu.memory_space<vmem>>) semaphore(%arg18 : memref<!tpu.dma_semaphore, #tpu.memory_space<semaphore_mem>>)
    } else {
    }
    %convert_element_type3A_202 = arith.extui %lt3A_128 : i1 to i32
    %cond3A_203 = arith.constant 0 : i32
    %cond3A_204 = arith.cmpi ne, %convert_element_type3A_202, %cond3A_203 : i32
    scf.if %cond3A_204 {
      %sub3A_260 = arith.subi %min3A_7, %mul3A_127 : i32
      %jit3A_261 = arith.constant 0 : i32
      %jit3A_262 = arith.constant 128 : i32
      %max3A = arith.maxsi %jit3A_261, %sub3A_260 : i32
      %min3A_263 = arith.minsi %jit3A_262, %max3A : i32
      %while3A_264 = arith.constant 0 : i32
      %while3A_265 = arith.constant 128 : i32
      %while3A_266 = arith.subi %while3A_265, %min3A_263 : i32
      %while3A_267 = arith.addi %min3A_263, %while3A_266 : i32
      %while3A_268 = arith.constant 1 : i32
      %while3A_269 = arith.divsi %while3A_266, %while3A_268 : i32
      %while3A_270 = arith.muli %while3A_269, %while3A_268 : i32
      %while3A_271 = arith.addi %min3A_263, %while3A_270 : i32
      %while3A_272 = arith.constant 1 : i32
      scf.for %while3A_274 = %min3A_263 to %while3A_271 step %while3A_272  : i32 {
        %swap3A = arith.index_cast %while3A_274 : i32 to index
        %swap3A_275 = arith.constant 0 : index
        %swap3A_276 = tpu.vector_load %arg12[%swap3A, %swap3A_275] {strides = array<i32>} : memref<128x256xf32, #tpu.memory_space<vmem>>, vector<16xf32>,
        tpu.vector_store %arg12[%swap3A, %swap3A_275], %broadcast_in_dim3A_86 {strides = array<i32>} : memref<128x256xf32, #tpu.memory_space<vmem>>, vector<16xf32>,
        %swap3A_277 = arith.index_cast %while3A_274 : i32 to index
        %swap3A_278 = arith.constant 16 : index
        %swap3A_279 = tpu.vector_load %arg12[%swap3A_277, %swap3A_278] {strides = array<i32>} : memref<128x256xf32, #tpu.memory_space<vmem>>, vector<16xf32>,
        tpu.vector_store %arg12[%swap3A_277, %swap3A_278], %broadcast_in_dim3A_86 {strides = array<i32>} : memref<128x256xf32, #tpu.memory_space<vmem>>, vector<16xf32>,
        %swap3A_280 = arith.index_cast %while3A_274 : i32 to index
        %swap3A_281 = arith.constant 32 : index
        %swap3A_282 = tpu.vector_load %arg12[%swap3A_280, %swap3A_281] {strides = array<i32>} : memref<128x256xf32, #tpu.memory_space<vmem>>, vector<16xf32>,
        tpu.vector_store %arg12[%swap3A_280, %swap3A_281], %broadcast_in_dim3A_86 {strides = array<i32>} : memref<128x256xf32, #tpu.memory_space<vmem>>, vector<16xf32>,
        %swap3A_283 = arith.index_cast %while3A_274 : i32 to index
        %swap3A_284 = arith.constant 48 : index
        %swap3A_285 = tpu.vector_load %arg12[%swap3A_283, %swap3A_284] {strides = array<i32>} : memref<128x256xf32, #tpu.memory_space<vmem>>, vector<16xf32>,
        tpu.vector_store %arg12[%swap3A_283, %swap3A_284], %broadcast_in_dim3A_86 {strides = array<i32>} : memref<128x256xf32, #tpu.memory_space<vmem>>, vector<16xf32>,
        %swap3A_286 = arith.index_cast %while3A_274 : i32 to index
        %swap3A_287 = arith.constant 64 : index
        %swap3A_288 = tpu.vector_load %arg12[%swap3A_286, %swap3A_287] {strides = array<i32>} : memref<128x256xf32, #tpu.memory_space<vmem>>, vector<16xf32>,
        tpu.vector_store %arg12[%swap3A_286, %swap3A_287], %broadcast_in_dim3A_86 {strides = array<i32>} : memref<128x256xf32, #tpu.memory_space<vmem>>, vector<16xf32>,
        %swap3A_289 = arith.index_cast %while3A_274 : i32 to index
        %swap3A_290 = arith.constant 80 : index
        %swap3A_291 = tpu.vector_load %arg12[%swap3A_289, %swap3A_290] {strides = array<i32>} : memref<128x256xf32, #tpu.memory_space<vmem>>, vector<16xf32>,
        tpu.vector_store %arg12[%swap3A_289, %swap3A_290], %broadcast_in_dim3A_86 {strides = array<i32>} : memref<128x256xf32, #tpu.memory_space<vmem>>, vector<16xf32>,
        %swap3A_292 = arith.index_cast %while3A_274 : i32 to index
        %swap3A_293 = arith.constant 96 : index
        %swap3A_294 = tpu.vector_load %arg12[%swap3A_292, %swap3A_293] {strides = array<i32>} : memref<128x256xf32, #tpu.memory_space<vmem>>, vector<16xf32>,
        tpu.vector_store %arg12[%swap3A_292, %swap3A_293], %broadcast_in_dim3A_86 {strides = array<i32>} : memref<128x256xf32, #tpu.memory_space<vmem>>, vector<16xf32>,
        %swap3A_295 = arith.index_cast %while3A_274 : i32 to index
        %swap3A_296 = arith.constant 112 : index
        %swap3A_297 = tpu.vector_load %arg12[%swap3A_295, %swap3A_296] {strides = array<i32>} : memref<128x256xf32, #tpu.memory_space<vmem>>, vector<16xf32>,
        tpu.vector_store %arg12[%swap3A_295, %swap3A_296], %broadcast_in_dim3A_86 {strides = array<i32>} : memref<128x256xf32, #tpu.memory_space<vmem>>, vector<16xf32>,
        %swap3A_298 = arith.index_cast %while3A_274 : i32 to index
        %swap3A_299 = arith.constant 128 : index
        %swap3A_300 = tpu.vector_load %arg12[%swap3A_298, %swap3A_299] {strides = array<i32>} : memref<128x256xf32, #tpu.memory_space<vmem>>, vector<16xf32>,
        tpu.vector_store %arg12[%swap3A_298, %swap3A_299], %broadcast_in_dim3A_86 {strides = array<i32>} : memref<128x256xf32, #tpu.memory_space<vmem>>, vector<16xf32>,
        %swap3A_301 = arith.index_cast %while3A_274 : i32 to index
        %swap3A_302 = arith.constant 144 : index
        %swap3A_303 = tpu.vector_load %arg12[%swap3A_301, %swap3A_302] {strides = array<i32>} : memref<128x256xf32, #tpu.memory_space<vmem>>, vector<16xf32>,
        tpu.vector_store %arg12[%swap3A_301, %swap3A_302], %broadcast_in_dim3A_86 {strides = array<i32>} : memref<128x256xf32, #tpu.memory_space<vmem>>, vector<16xf32>,
        %swap3A_304 = arith.index_cast %while3A_274 : i32 to index
        %swap3A_305 = arith.constant 160 : index
        %swap3A_306 = tpu.vector_load %arg12[%swap3A_304, %swap3A_305] {strides = array<i32>} : memref<128x256xf32, #tpu.memory_space<vmem>>, vector<16xf32>,
        tpu.vector_store %arg12[%swap3A_304, %swap3A_305], %broadcast_in_dim3A_86 {strides = array<i32>} : memref<128x256xf32, #tpu.memory_space<vmem>>, vector<16xf32>,
        %swap3A_307 = arith.index_cast %while3A_274 : i32 to index
        %swap3A_308 = arith.constant 176 : index
        %swap3A_309 = tpu.vector_load %arg12[%swap3A_307, %swap3A_308] {strides = array<i32>} : memref<128x256xf32, #tpu.memory_space<vmem>>, vector<16xf32>,
        tpu.vector_store %arg12[%swap3A_307, %swap3A_308], %broadcast_in_dim3A_86 {strides = array<i32>} : memref<128x256xf32, #tpu.memory_space<vmem>>, vector<16xf32>,
        %swap3A_310 = arith.index_cast %while3A_274 : i32 to index
        %swap3A_311 = arith.constant 192 : index
        %swap3A_312 = tpu.vector_load %arg12[%swap3A_310, %swap3A_311] {strides = array<i32>} : memref<128x256xf32, #tpu.memory_space<vmem>>, vector<16xf32>,
        tpu.vector_store %arg12[%swap3A_310, %swap3A_311], %broadcast_in_dim3A_86 {strides = array<i32>} : memref<128x256xf32, #tpu.memory_space<vmem>>, vector<16xf32>,
        %swap3A_313 = arith.index_cast %while3A_274 : i32 to index
        %swap3A_314 = arith.constant 208 : index
        %swap3A_315 = tpu.vector_load %arg12[%swap3A_313, %swap3A_314] {strides = array<i32>} : memref<128x256xf32, #tpu.memory_space<vmem>>, vector<16xf32>,
        tpu.vector_store %arg12[%swap3A_313, %swap3A_314], %broadcast_in_dim3A_86 {strides = array<i32>} : memref<128x256xf32, #tpu.memory_space<vmem>>, vector<16xf32>,
        %swap3A_316 = arith.index_cast %while3A_274 : i32 to index
        %swap3A_317 = arith.constant 224 : index
        %swap3A_318 = tpu.vector_load %arg12[%swap3A_316, %swap3A_317] {strides = array<i32>} : memref<128x256xf32, #tpu.memory_space<vmem>>, vector<16xf32>,
        tpu.vector_store %arg12[%swap3A_316, %swap3A_317], %broadcast_in_dim3A_86 {strides = array<i32>} : memref<128x256xf32, #tpu.memory_space<vmem>>, vector<16xf32>,
        %swap3A_319 = arith.index_cast %while3A_274 : i32 to index
        %swap3A_320 = arith.constant 240 : index
        %swap3A_321 = tpu.vector_load %arg12[%swap3A_319, %swap3A_320] {strides = array<i32>} : memref<128x256xf32, #tpu.memory_space<vmem>>, vector<16xf32>,
        tpu.vector_store %arg12[%swap3A_319, %swap3A_320], %broadcast_in_dim3A_86 {strides = array<i32>} : memref<128x256xf32, #tpu.memory_space<vmem>>, vector<16xf32>,
      }
      %while3A_273 = arith.constant 1 : i32
      scf.for %while3A_274 = %while3A_271 to %while3A_267 step %while3A_273  : i32 {
        %swap3A = arith.index_cast %while3A_274 : i32 to index
        %swap3A_275 = arith.constant 0 : index
        %swap3A_276 = tpu.vector_load %arg12[%swap3A, %swap3A_275] {strides = array<i32>} : memref<128x256xf32, #tpu.memory_space<vmem>>, vector<16xf32>,
        tpu.vector_store %arg12[%swap3A, %swap3A_275], %broadcast_in_dim3A_86 {strides = array<i32>} : memref<128x256xf32, #tpu.memory_space<vmem>>, vector<16xf32>,
        %swap3A_277 = arith.index_cast %while3A_274 : i32 to index
        %swap3A_278 = arith.constant 16 : index
        %swap3A_279 = tpu.vector_load %arg12[%swap3A_277, %swap3A_278] {strides = array<i32>} : memref<128x256xf32, #tpu.memory_space<vmem>>, vector<16xf32>,
        tpu.vector_store %arg12[%swap3A_277, %swap3A_278], %broadcast_in_dim3A_86 {strides = array<i32>} : memref<128x256xf32, #tpu.memory_space<vmem>>, vector<16xf32>,
        %swap3A_280 = arith.index_cast %while3A_274 : i32 to index
        %swap3A_281 = arith.constant 32 : index
        %swap3A_282 = tpu.vector_load %arg12[%swap3A_280, %swap3A_281] {strides = array<i32>} : memref<128x256xf32, #tpu.memory_space<vmem>>, vector<16xf32>,
        tpu.vector_store %arg12[%swap3A_280, %swap3A_281], %broadcast_in_dim3A_86 {strides = array<i32>} : memref<128x256xf32, #tpu.memory_space<vmem>>, vector<16xf32>,
        %swap3A_283 = arith.index_cast %while3A_274 : i32 to index
        %swap3A_284 = arith.constant 48 : index
        %swap3A_285 = tpu.vector_load %arg12[%swap3A_283, %swap3A_284] {strides = array<i32>} : memref<128x256xf32, #tpu.memory_space<vmem>>, vector<16xf32>,
        tpu.vector_store %arg12[%swap3A_283, %swap3A_284], %broadcast_in_dim3A_86 {strides = array<i32>} : memref<128x256xf32, #tpu.memory_space<vmem>>, vector<16xf32>,
        %swap3A_286 = arith.index_cast %while3A_274 : i32 to index
        %swap3A_287 = arith.constant 64 : index
        %swap3A_288 = tpu.vector_load %arg12[%swap3A_286, %swap3A_287] {strides = array<i32>} : memref<128x256xf32, #tpu.memory_space<vmem>>, vector<16xf32>,
        tpu.vector_store %arg12[%swap3A_286, %swap3A_287], %broadcast_in_dim3A_86 {strides = array<i32>} : memref<128x256xf32, #tpu.memory_space<vmem>>, vector<16xf32>,
        %swap3A_289 = arith.index_cast %while3A_274 : i32 to index
        %swap3A_290 = arith.constant 80 : index
        %swap3A_291 = tpu.vector_load %arg12[%swap3A_289, %swap3A_290] {strides = array<i32>} : memref<128x256xf32, #tpu.memory_space<vmem>>, vector<16xf32>,
        tpu.vector_store %arg12[%swap3A_289, %swap3A_290], %broadcast_in_dim3A_86 {strides = array<i32>} : memref<128x256xf32, #tpu.memory_space<vmem>>, vector<16xf32>,
        %swap3A_292 = arith.index_cast %while3A_274 : i32 to index
        %swap3A_293 = arith.constant 96 : index
        %swap3A_294 = tpu.vector_load %arg12[%swap3A_292, %swap3A_293] {strides = array<i32>} : memref<128x256xf32, #tpu.memory_space<vmem>>, vector<16xf32>,
        tpu.vector_store %arg12[%swap3A_292, %swap3A_293], %broadcast_in_dim3A_86 {strides = array<i32>} : memref<128x256xf32, #tpu.memory_space<vmem>>, vector<16xf32>,
        %swap3A_295 = arith.index_cast %while3A_274 : i32 to index
        %swap3A_296 = arith.constant 112 : index
        %swap3A_297 = tpu.vector_load %arg12[%swap3A_295, %swap3A_296] {strides = array<i32>} : memref<128x256xf32, #tpu.memory_space<vmem>>, vector<16xf32>,
        tpu.vector_store %arg12[%swap3A_295, %swap3A_296], %broadcast_in_dim3A_86 {strides = array<i32>} : memref<128x256xf32, #tpu.memory_space<vmem>>, vector<16xf32>,
        %swap3A_298 = arith.index_cast %while3A_274 : i32 to index
        %swap3A_299 = arith.constant 128 : index
        %swap3A_300 = tpu.vector_load %arg12[%swap3A_298, %swap3A_299] {strides = array<i32>} : memref<128x256xf32, #tpu.memory_space<vmem>>, vector<16xf32>,
        tpu.vector_store %arg12[%swap3A_298, %swap3A_299], %broadcast_in_dim3A_86 {strides = array<i32>} : memref<128x256xf32, #tpu.memory_space<vmem>>, vector<16xf32>,
        %swap3A_301 = arith.index_cast %while3A_274 : i32 to index
        %swap3A_302 = arith.constant 144 : index
        %swap3A_303 = tpu.vector_load %arg12[%swap3A_301, %swap3A_302] {strides = array<i32>} : memref<128x256xf32, #tpu.memory_space<vmem>>, vector<16xf32>,
        tpu.vector_store %arg12[%swap3A_301, %swap3A_302], %broadcast_in_dim3A_86 {strides = array<i32>} : memref<128x256xf32, #tpu.memory_space<vmem>>, vector<16xf32>,
        %swap3A_304 = arith.index_cast %while3A_274 : i32 to index
        %swap3A_305 = arith.constant 160 : index
        %swap3A_306 = tpu.vector_load %arg12[%swap3A_304, %swap3A_305] {strides = array<i32>} : memref<128x256xf32, #tpu.memory_space<vmem>>, vector<16xf32>,
        tpu.vector_store %arg12[%swap3A_304, %swap3A_305], %broadcast_in_dim3A_86 {strides = array<i32>} : memref<128x256xf32, #tpu.memory_space<vmem>>, vector<16xf32>,
        %swap3A_307 = arith.index_cast %while3A_274 : i32 to index
        %swap3A_308 = arith.constant 176 : index
        %swap3A_309 = tpu.vector_load %arg12[%swap3A_307, %swap3A_308] {strides = array<i32>} : memref<128x256xf32, #tpu.memory_space<vmem>>, vector<16xf32>,
        tpu.vector_store %arg12[%swap3A_307, %swap3A_308], %broadcast_in_dim3A_86 {strides = array<i32>} : memref<128x256xf32, #tpu.memory_space<vmem>>, vector<16xf32>,
        %swap3A_310 = arith.index_cast %while3A_274 : i32 to index
        %swap3A_311 = arith.constant 192 : index
        %swap3A_312 = tpu.vector_load %arg12[%swap3A_310, %swap3A_311] {strides = array<i32>} : memref<128x256xf32, #tpu.memory_space<vmem>>, vector<16xf32>,
        tpu.vector_store %arg12[%swap3A_310, %swap3A_311], %broadcast_in_dim3A_86 {strides = array<i32>} : memref<128x256xf32, #tpu.memory_space<vmem>>, vector<16xf32>,
        %swap3A_313 = arith.index_cast %while3A_274 : i32 to index
        %swap3A_314 = arith.constant 208 : index
        %swap3A_315 = tpu.vector_load %arg12[%swap3A_313, %swap3A_314] {strides = array<i32>} : memref<128x256xf32, #tpu.memory_space<vmem>>, vector<16xf32>,
        tpu.vector_store %arg12[%swap3A_313, %swap3A_314], %broadcast_in_dim3A_86 {strides = array<i32>} : memref<128x256xf32, #tpu.memory_space<vmem>>, vector<16xf32>,
        %swap3A_316 = arith.index_cast %while3A_274 : i32 to index
        %swap3A_317 = arith.constant 224 : index
        %swap3A_318 = tpu.vector_load %arg12[%swap3A_316, %swap3A_317] {strides = array<i32>} : memref<128x256xf32, #tpu.memory_space<vmem>>, vector<16xf32>,
        tpu.vector_store %arg12[%swap3A_316, %swap3A_317], %broadcast_in_dim3A_86 {strides = array<i32>} : memref<128x256xf32, #tpu.memory_space<vmem>>, vector<16xf32>,
        %swap3A_319 = arith.index_cast %while3A_274 : i32 to index
        %swap3A_320 = arith.constant 240 : index
        %swap3A_321 = tpu.vector_load %arg12[%swap3A_319, %swap3A_320] {strides = array<i32>} : memref<128x256xf32, #tpu.memory_space<vmem>>, vector<16xf32>,
        tpu.vector_store %arg12[%swap3A_319, %swap3A_320], %broadcast_in_dim3A_86 {strides = array<i32>} : memref<128x256xf32, #tpu.memory_space<vmem>>, vector<16xf32>,
      }
      "tpu.region"() ({
        %run_scoped3A = tpu.sem_alloc : memref<!tpu.dma_semaphore, #tpu.memory_space<semaphore_mem>>
        %dma_start3A = arith.constant 0 : i32
        %dma_start3A_274 = tpu.memref_slice %arg4[%arg1, %mul3A_127, %dma_start3A] : memref<16x2048x256xf32, #tpu.memory_space<hbm>> -> memref<1x128x256xf32, #tpu.memory_space<hbm>>
        %dma_start3A_275 = tpu.memref_squeeze %dma_start3A_274 : memref<1x128x256xf32, #tpu.memory_space<hbm>> -> memref<128x256xf32, #tpu.memory_space<hbm>>
        %dma_start3A_276 = arith.constant 0 : i32
        %dma_start3A_277 = tpu.memref_slice %arg4[%arg1, %mul3A_127, %dma_start3A_276] : memref<16x2048x256xf32, #tpu.memory_space<hbm>> -> memref<1x128x256xf32, #tpu.memory_space<hbm>>
        %dma_start3A_278 = tpu.memref_squeeze %dma_start3A_277 : memref<1x128x256xf32, #tpu.memory_space<hbm>> -> memref<128x256xf32, #tpu.memory_space<hbm>>
        tpu.enqueue_dma source(%arg12 : memref<128x256xf32, #tpu.memory_space<vmem>>) target(%dma_start3A_278 : memref<128x256xf32, #tpu.memory_space<hbm>>) target_semaphore(%run_scoped3A : memref<!tpu.dma_semaphore, #tpu.memory_space<semaphore_mem>>)
        %dma_wait3A = arith.constant 0 : i32
        %dma_wait3A_279 = tpu.memref_slice %arg4[%arg1, %mul3A_127, %dma_wait3A] : memref<16x2048x256xf32, #tpu.memory_space<hbm>> -> memref<1x128x256xf32, #tpu.memory_space<hbm>>
        %dma_wait3A_280 = tpu.memref_squeeze %dma_wait3A_279 : memref<1x128x256xf32, #tpu.memory_space<hbm>> -> memref<128x256xf32, #tpu.memory_space<hbm>>
        %dma_wait3A_281 = arith.constant 0 : i32
        %dma_wait3A_282 = tpu.memref_slice %arg4[%arg1, %mul3A_127, %dma_wait3A_281] : memref<16x2048x256xf32, #tpu.memory_space<hbm>> -> memref<1x128x256xf32, #tpu.memory_space<hbm>>
        %dma_wait3A_283 = tpu.memref_squeeze %dma_wait3A_282 : memref<1x128x256xf32, #tpu.memory_space<hbm>> -> memref<128x256xf32, #tpu.memory_space<hbm>>
        tpu.wait_dma2 semaphore(%run_scoped3A : memref<!tpu.dma_semaphore, #tpu.memory_space<semaphore_mem>>) src(%arg12 : memref<128x256xf32, #tpu.memory_space<vmem>>) dst(%dma_wait3A_283 : memref<128x256xf32, #tpu.memory_space<hbm>>)
        tpu.yield
      }) : () -> ()
    } else {
    }
    %not3A_205 = arith.constant true
    %not3A_206 = arith.xori %lt3A_128, %not3A_205 : i1
    %convert_element_type3A_207 = arith.extui %not3A_206 : i1 to i32
    %cond3A_208 = arith.constant 0 : i32
    %cond3A_209 = arith.cmpi ne, %convert_element_type3A_207, %cond3A_208 : i32
    scf.if %cond3A_209 {
      %add3A_260 = arith.constant 0 : i32
      %add3A_261 = arith.addi %mul3A_127, %add3A_260 : i32
      "tpu.region"() ({
        %run_scoped3A = tpu.sem_alloc : memref<!tpu.dma_semaphore, #tpu.memory_space<semaphore_mem>>
        %dma_start3A = arith.constant 0 : i32
        %dma_start3A_264 = tpu.memref_slice %arg4[%arg1, %add3A_261, %dma_start3A] : memref<16x2048x256xf32, #tpu.memory_space<hbm>> -> memref<1x64x256xf32, #tpu.memory_space<hbm>>
        %dma_start3A_265 = tpu.memref_squeeze %dma_start3A_264 : memref<1x64x256xf32, #tpu.memory_space<hbm>> -> memref<64x256xf32, #tpu.memory_space<hbm>>
        %dma_start3A_266 = arith.constant 0 : i32
        %dma_start3A_267 = tpu.memref_slice %arg4[%arg1, %add3A_261, %dma_start3A_266] : memref<16x2048x256xf32, #tpu.memory_space<hbm>> -> memref<1x64x256xf32, #tpu.memory_space<hbm>>
        %dma_start3A_268 = tpu.memref_squeeze %dma_start3A_267 : memref<1x64x256xf32, #tpu.memory_space<hbm>> -> memref<64x256xf32, #tpu.memory_space<hbm>>
        tpu.enqueue_dma source(%arg15 : memref<64x256xf32, #tpu.memory_space<vmem>>) target(%dma_start3A_268 : memref<64x256xf32, #tpu.memory_space<hbm>>) target_semaphore(%run_scoped3A : memref<!tpu.dma_semaphore, #tpu.memory_space<semaphore_mem>>)
        %dma_wait3A = arith.constant 0 : i32
        %dma_wait3A_269 = tpu.memref_slice %arg4[%arg1, %add3A_261, %dma_wait3A] : memref<16x2048x256xf32, #tpu.memory_space<hbm>> -> memref<1x64x256xf32, #tpu.memory_space<hbm>>
        %dma_wait3A_270 = tpu.memref_squeeze %dma_wait3A_269 : memref<1x64x256xf32, #tpu.memory_space<hbm>> -> memref<64x256xf32, #tpu.memory_space<hbm>>
        %dma_wait3A_271 = arith.constant 0 : i32
        %dma_wait3A_272 = tpu.memref_slice %arg4[%arg1, %add3A_261, %dma_wait3A_271] : memref<16x2048x256xf32, #tpu.memory_space<hbm>> -> memref<1x64x256xf32, #tpu.memory_space<hbm>>
        %dma_wait3A_273 = tpu.memref_squeeze %dma_wait3A_272 : memref<1x64x256xf32, #tpu.memory_space<hbm>> -> memref<64x256xf32, #tpu.memory_space<hbm>>
        tpu.wait_dma2 semaphore(%run_scoped3A : memref<!tpu.dma_semaphore, #tpu.memory_space<semaphore_mem>>) src(%arg15 : memref<64x256xf32, #tpu.memory_space<vmem>>) dst(%dma_wait3A_273 : memref<64x256xf32, #tpu.memory_space<hbm>>)
        tpu.yield
      }) : () -> ()
      %add3A_262 = arith.constant 64 : i32
      %add3A_263 = arith.addi %mul3A_127, %add3A_262 : i32
      "tpu.region"() ({
        %run_scoped3A = tpu.sem_alloc : memref<!tpu.dma_semaphore, #tpu.memory_space<semaphore_mem>>
        %dma_start3A = arith.constant 0 : i32
        %dma_start3A_264 = tpu.memref_slice %arg4[%arg1, %add3A_263, %dma_start3A] : memref<16x2048x256xf32, #tpu.memory_space<hbm>> -> memref<1x64x256xf32, #tpu.memory_space<hbm>>
        %dma_start3A_265 = tpu.memref_squeeze %dma_start3A_264 : memref<1x64x256xf32, #tpu.memory_space<hbm>> -> memref<64x256xf32, #tpu.memory_space<hbm>>
        %dma_start3A_266 = arith.constant 0 : i32
        %dma_start3A_267 = tpu.memref_slice %arg4[%arg1, %add3A_263, %dma_start3A_266] : memref<16x2048x256xf32, #tpu.memory_space<hbm>> -> memref<1x64x256xf32, #tpu.memory_space<hbm>>
        %dma_start3A_268 = tpu.memref_squeeze %dma_start3A_267 : memref<1x64x256xf32, #tpu.memory_space<hbm>> -> memref<64x256xf32, #tpu.memory_space<hbm>>
        tpu.enqueue_dma source(%arg15 : memref<64x256xf32, #tpu.memory_space<vmem>>) target(%dma_start3A_268 : memref<64x256xf32, #tpu.memory_space<hbm>>) target_semaphore(%run_scoped3A : memref<!tpu.dma_semaphore, #tpu.memory_space<semaphore_mem>>)
        %dma_wait3A = arith.constant 0 : i32
        %dma_wait3A_269 = tpu.memref_slice %arg4[%arg1, %add3A_263, %dma_wait3A] : memref<16x2048x256xf32, #tpu.memory_space<hbm>> -> memref<1x64x256xf32, #tpu.memory_space<hbm>>
        %dma_wait3A_270 = tpu.memref_squeeze %dma_wait3A_269 : memref<1x64x256xf32, #tpu.memory_space<hbm>> -> memref<64x256xf32, #tpu.memory_space<hbm>>
        %dma_wait3A_271 = arith.constant 0 : i32
        %dma_wait3A_272 = tpu.memref_slice %arg4[%arg1, %add3A_263, %dma_wait3A_271] : memref<16x2048x256xf32, #tpu.memory_space<hbm>> -> memref<1x64x256xf32, #tpu.memory_space<hbm>>
        %dma_wait3A_273 = tpu.memref_squeeze %dma_wait3A_272 : memref<1x64x256xf32, #tpu.memory_space<hbm>> -> memref<64x256xf32, #tpu.memory_space<hbm>>
        tpu.wait_dma2 semaphore(%run_scoped3A : memref<!tpu.dma_semaphore, #tpu.memory_space<semaphore_mem>>) src(%arg15 : memref<64x256xf32, #tpu.memory_space<vmem>>) dst(%dma_wait3A_273 : memref<64x256xf32, #tpu.memory_space<hbm>>)
        tpu.yield
      }) : () -> ()
    } else {
    }
    %convert_element_type3A_210 = arith.extui %lt3A_133 : i1 to i32
    %cond3A_211 = arith.constant 0 : i32
    %cond3A_212 = arith.cmpi ne, %convert_element_type3A_210, %cond3A_211 : i32
    scf.if %cond3A_212 {
      %dma_wait3A = tpu.memref_slice %arg10[%mul3A_132] : memref<2048xi32, #tpu.memory_space<vmem>> -> memref<128xi32, #tpu.memory_space<vmem>>
      %dma_wait3A_260 = arith.constant 0 : i32
      %dma_wait3A_261 = arith.constant 0 : i32
      %dma_wait3A_262 = tpu.memref_slice %arg2[%dma_wait3A_260, %dma_wait3A_261] : memref<8192x256xf32, #tpu.memory_space<hbm>> -> memref<8192x256xf32, #tpu.memory_space<hbm>>
      tpu.wait_indirect_dma semaphore(%arg17 : memref<!tpu.dma_semaphore, #tpu.memory_space<semaphore_mem>>) src(%dma_wait3A_262 : memref<8192x256xf32, #tpu.memory_space<hbm>>) dst(%arg13 : memref<128x256xf32, #tpu.memory_space<vmem>>)
    } else {
    }
    %convert_element_type3A_213 = arith.extui %lt3A_143 : i1 to i32
    %cond3A_214 = arith.constant 0 : i32
    %cond3A_215 = arith.cmpi ne, %convert_element_type3A_213, %cond3A_214 : i32
    scf.if %cond3A_215 {
      %dma_start3A = tpu.memref_slice %arg10[%mul3A_142] : memref<2048xi32, #tpu.memory_space<vmem>> -> memref<128xi32, #tpu.memory_space<vmem>>
      %dma_start3A_260 = arith.constant 0 : i32
      %dma_start3A_261 = arith.constant 0 : i32
      %dma_start3A_262 = tpu.memref_slice %arg2[%dma_start3A_260, %dma_start3A_261] : memref<8192x256xf32, #tpu.memory_space<hbm>> -> memref<8192x256xf32, #tpu.memory_space<hbm>>
      tpu.enqueue_indirect_dma source(%dma_start3A_262 : memref<8192x256xf32, #tpu.memory_space<hbm>>) target(%arg12 : memref<128x256xf32, #tpu.memory_space<vmem>>) offsets(%dma_start3A : memref<128xi32, #tpu.memory_space<vmem>>) semaphore(%arg16 : memref<!tpu.dma_semaphore, #tpu.memory_space<semaphore_mem>>)
    } else {
    }
    %convert_element_type3A_216 = arith.extui %lt3A_133 : i1 to i32
    %cond3A_217 = arith.constant 0 : i32
    %cond3A_218 = arith.cmpi ne, %convert_element_type3A_216, %cond3A_217 : i32
    scf.if %cond3A_218 {
      %sub3A_260 = arith.subi %min3A_7, %mul3A_132 : i32
      %jit3A_261 = arith.constant 0 : i32
      %jit3A_262 = arith.constant 128 : i32
      %max3A = arith.maxsi %jit3A_261, %sub3A_260 : i32
      %min3A_263 = arith.minsi %jit3A_262, %max3A : i32
      %while3A_264 = arith.constant 0 : i32
      %while3A_265 = arith.constant 128 : i32
      %while3A_266 = arith.subi %while3A_265, %min3A_263 : i32
      %while3A_267 = arith.addi %min3A_263, %while3A_266 : i32
      %while3A_268 = arith.constant 1 : i32
      %while3A_269 = arith.divsi %while3A_266, %while3A_268 : i32
      %while3A_270 = arith.muli %while3A_269, %while3A_268 : i32
      %while3A_271 = arith.addi %min3A_263, %while3A_270 : i32
      %while3A_272 = arith.constant 1 : i32
      scf.for %while3A_274 = %min3A_263 to %while3A_271 step %while3A_272  : i32 {
        %swap3A = arith.index_cast %while3A_274 : i32 to index
        %swap3A_275 = arith.constant 0 : index
        %swap3A_276 = tpu.vector_load %arg13[%swap3A, %swap3A_275] {strides = array<i32>} : memref<128x256xf32, #tpu.memory_space<vmem>>, vector<16xf32>,
        tpu.vector_store %arg13[%swap3A, %swap3A_275], %broadcast_in_dim3A_86 {strides = array<i32>} : memref<128x256xf32, #tpu.memory_space<vmem>>, vector<16xf32>,
        %swap3A_277 = arith.index_cast %while3A_274 : i32 to index
        %swap3A_278 = arith.constant 16 : index
        %swap3A_279 = tpu.vector_load %arg13[%swap3A_277, %swap3A_278] {strides = array<i32>} : memref<128x256xf32, #tpu.memory_space<vmem>>, vector<16xf32>,
        tpu.vector_store %arg13[%swap3A_277, %swap3A_278], %broadcast_in_dim3A_86 {strides = array<i32>} : memref<128x256xf32, #tpu.memory_space<vmem>>, vector<16xf32>,
        %swap3A_280 = arith.index_cast %while3A_274 : i32 to index
        %swap3A_281 = arith.constant 32 : index
        %swap3A_282 = tpu.vector_load %arg13[%swap3A_280, %swap3A_281] {strides = array<i32>} : memref<128x256xf32, #tpu.memory_space<vmem>>, vector<16xf32>,
        tpu.vector_store %arg13[%swap3A_280, %swap3A_281], %broadcast_in_dim3A_86 {strides = array<i32>} : memref<128x256xf32, #tpu.memory_space<vmem>>, vector<16xf32>,
        %swap3A_283 = arith.index_cast %while3A_274 : i32 to index
        %swap3A_284 = arith.constant 48 : index
        %swap3A_285 = tpu.vector_load %arg13[%swap3A_283, %swap3A_284] {strides = array<i32>} : memref<128x256xf32, #tpu.memory_space<vmem>>, vector<16xf32>,
        tpu.vector_store %arg13[%swap3A_283, %swap3A_284], %broadcast_in_dim3A_86 {strides = array<i32>} : memref<128x256xf32, #tpu.memory_space<vmem>>, vector<16xf32>,
        %swap3A_286 = arith.index_cast %while3A_274 : i32 to index
        %swap3A_287 = arith.constant 64 : index
        %swap3A_288 = tpu.vector_load %arg13[%swap3A_286, %swap3A_287] {strides = array<i32>} : memref<128x256xf32, #tpu.memory_space<vmem>>, vector<16xf32>,
        tpu.vector_store %arg13[%swap3A_286, %swap3A_287], %broadcast_in_dim3A_86 {strides = array<i32>} : memref<128x256xf32, #tpu.memory_space<vmem>>, vector<16xf32>,
        %swap3A_289 = arith.index_cast %while3A_274 : i32 to index
        %swap3A_290 = arith.constant 80 : index
        %swap3A_291 = tpu.vector_load %arg13[%swap3A_289, %swap3A_290] {strides = array<i32>} : memref<128x256xf32, #tpu.memory_space<vmem>>, vector<16xf32>,
        tpu.vector_store %arg13[%swap3A_289, %swap3A_290], %broadcast_in_dim3A_86 {strides = array<i32>} : memref<128x256xf32, #tpu.memory_space<vmem>>, vector<16xf32>,
        %swap3A_292 = arith.index_cast %while3A_274 : i32 to index
        %swap3A_293 = arith.constant 96 : index
        %swap3A_294 = tpu.vector_load %arg13[%swap3A_292, %swap3A_293] {strides = array<i32>} : memref<128x256xf32, #tpu.memory_space<vmem>>, vector<16xf32>,
        tpu.vector_store %arg13[%swap3A_292, %swap3A_293], %broadcast_in_dim3A_86 {strides = array<i32>} : memref<128x256xf32, #tpu.memory_space<vmem>>, vector<16xf32>,
        %swap3A_295 = arith.index_cast %while3A_274 : i32 to index
        %swap3A_296 = arith.constant 112 : index
        %swap3A_297 = tpu.vector_load %arg13[%swap3A_295, %swap3A_296] {strides = array<i32>} : memref<128x256xf32, #tpu.memory_space<vmem>>, vector<16xf32>,
        tpu.vector_store %arg13[%swap3A_295, %swap3A_296], %broadcast_in_dim3A_86 {strides = array<i32>} : memref<128x256xf32, #tpu.memory_space<vmem>>, vector<16xf32>,
        %swap3A_298 = arith.index_cast %while3A_274 : i32 to index
        %swap3A_299 = arith.constant 128 : index
        %swap3A_300 = tpu.vector_load %arg13[%swap3A_298, %swap3A_299] {strides = array<i32>} : memref<128x256xf32, #tpu.memory_space<vmem>>, vector<16xf32>,
        tpu.vector_store %arg13[%swap3A_298, %swap3A_299], %broadcast_in_dim3A_86 {strides = array<i32>} : memref<128x256xf32, #tpu.memory_space<vmem>>, vector<16xf32>,
        %swap3A_301 = arith.index_cast %while3A_274 : i32 to index
        %swap3A_302 = arith.constant 144 : index
        %swap3A_303 = tpu.vector_load %arg13[%swap3A_301, %swap3A_302] {strides = array<i32>} : memref<128x256xf32, #tpu.memory_space<vmem>>, vector<16xf32>,
        tpu.vector_store %arg13[%swap3A_301, %swap3A_302], %broadcast_in_dim3A_86 {strides = array<i32>} : memref<128x256xf32, #tpu.memory_space<vmem>>, vector<16xf32>,
        %swap3A_304 = arith.index_cast %while3A_274 : i32 to index
        %swap3A_305 = arith.constant 160 : index
        %swap3A_306 = tpu.vector_load %arg13[%swap3A_304, %swap3A_305] {strides = array<i32>} : memref<128x256xf32, #tpu.memory_space<vmem>>, vector<16xf32>,
        tpu.vector_store %arg13[%swap3A_304, %swap3A_305], %broadcast_in_dim3A_86 {strides = array<i32>} : memref<128x256xf32, #tpu.memory_space<vmem>>, vector<16xf32>,
        %swap3A_307 = arith.index_cast %while3A_274 : i32 to index
        %swap3A_308 = arith.constant 176 : index
        %swap3A_309 = tpu.vector_load %arg13[%swap3A_307, %swap3A_308] {strides = array<i32>} : memref<128x256xf32, #tpu.memory_space<vmem>>, vector<16xf32>,
        tpu.vector_store %arg13[%swap3A_307, %swap3A_308], %broadcast_in_dim3A_86 {strides = array<i32>} : memref<128x256xf32, #tpu.memory_space<vmem>>, vector<16xf32>,
        %swap3A_310 = arith.index_cast %while3A_274 : i32 to index
        %swap3A_311 = arith.constant 192 : index
        %swap3A_312 = tpu.vector_load %arg13[%swap3A_310, %swap3A_311] {strides = array<i32>} : memref<128x256xf32, #tpu.memory_space<vmem>>, vector<16xf32>,
        tpu.vector_store %arg13[%swap3A_310, %swap3A_311], %broadcast_in_dim3A_86 {strides = array<i32>} : memref<128x256xf32, #tpu.memory_space<vmem>>, vector<16xf32>,
        %swap3A_313 = arith.index_cast %while3A_274 : i32 to index
        %swap3A_314 = arith.constant 208 : index
        %swap3A_315 = tpu.vector_load %arg13[%swap3A_313, %swap3A_314] {strides = array<i32>} : memref<128x256xf32, #tpu.memory_space<vmem>>, vector<16xf32>,
        tpu.vector_store %arg13[%swap3A_313, %swap3A_314], %broadcast_in_dim3A_86 {strides = array<i32>} : memref<128x256xf32, #tpu.memory_space<vmem>>, vector<16xf32>,
        %swap3A_316 = arith.index_cast %while3A_274 : i32 to index
        %swap3A_317 = arith.constant 224 : index
        %swap3A_318 = tpu.vector_load %arg13[%swap3A_316, %swap3A_317] {strides = array<i32>} : memref<128x256xf32, #tpu.memory_space<vmem>>, vector<16xf32>,
        tpu.vector_store %arg13[%swap3A_316, %swap3A_317], %broadcast_in_dim3A_86 {strides = array<i32>} : memref<128x256xf32, #tpu.memory_space<vmem>>, vector<16xf32>,
        %swap3A_319 = arith.index_cast %while3A_274 : i32 to index
        %swap3A_320 = arith.constant 240 : index
        %swap3A_321 = tpu.vector_load %arg13[%swap3A_319, %swap3A_320] {strides = array<i32>} : memref<128x256xf32, #tpu.memory_space<vmem>>, vector<16xf32>,
        tpu.vector_store %arg13[%swap3A_319, %swap3A_320], %broadcast_in_dim3A_86 {strides = array<i32>} : memref<128x256xf32, #tpu.memory_space<vmem>>, vector<16xf32>,
      }
      %while3A_273 = arith.constant 1 : i32
      scf.for %while3A_274 = %while3A_271 to %while3A_267 step %while3A_273  : i32 {
        %swap3A = arith.index_cast %while3A_274 : i32 to index
        %swap3A_275 = arith.constant 0 : index
        %swap3A_276 = tpu.vector_load %arg13[%swap3A, %swap3A_275] {strides = array<i32>} : memref<128x256xf32, #tpu.memory_space<vmem>>, vector<16xf32>,
        tpu.vector_store %arg13[%swap3A, %swap3A_275], %broadcast_in_dim3A_86 {strides = array<i32>} : memref<128x256xf32, #tpu.memory_space<vmem>>, vector<16xf32>,
        %swap3A_277 = arith.index_cast %while3A_274 : i32 to index
        %swap3A_278 = arith.constant 16 : index
        %swap3A_279 = tpu.vector_load %arg13[%swap3A_277, %swap3A_278] {strides = array<i32>} : memref<128x256xf32, #tpu.memory_space<vmem>>, vector<16xf32>,
        tpu.vector_store %arg13[%swap3A_277, %swap3A_278], %broadcast_in_dim3A_86 {strides = array<i32>} : memref<128x256xf32, #tpu.memory_space<vmem>>, vector<16xf32>,
        %swap3A_280 = arith.index_cast %while3A_274 : i32 to index
        %swap3A_281 = arith.constant 32 : index
        %swap3A_282 = tpu.vector_load %arg13[%swap3A_280, %swap3A_281] {strides = array<i32>} : memref<128x256xf32, #tpu.memory_space<vmem>>, vector<16xf32>,
        tpu.vector_store %arg13[%swap3A_280, %swap3A_281], %broadcast_in_dim3A_86 {strides = array<i32>} : memref<128x256xf32, #tpu.memory_space<vmem>>, vector<16xf32>,
        %swap3A_283 = arith.index_cast %while3A_274 : i32 to index
        %swap3A_284 = arith.constant 48 : index
        %swap3A_285 = tpu.vector_load %arg13[%swap3A_283, %swap3A_284] {strides = array<i32>} : memref<128x256xf32, #tpu.memory_space<vmem>>, vector<16xf32>,
        tpu.vector_store %arg13[%swap3A_283, %swap3A_284], %broadcast_in_dim3A_86 {strides = array<i32>} : memref<128x256xf32, #tpu.memory_space<vmem>>, vector<16xf32>,
        %swap3A_286 = arith.index_cast %while3A_274 : i32 to index
        %swap3A_287 = arith.constant 64 : index
        %swap3A_288 = tpu.vector_load %arg13[%swap3A_286, %swap3A_287] {strides = array<i32>} : memref<128x256xf32, #tpu.memory_space<vmem>>, vector<16xf32>,
        tpu.vector_store %arg13[%swap3A_286, %swap3A_287], %broadcast_in_dim3A_86 {strides = array<i32>} : memref<128x256xf32, #tpu.memory_space<vmem>>, vector<16xf32>,
        %swap3A_289 = arith.index_cast %while3A_274 : i32 to index
        %swap3A_290 = arith.constant 80 : index
        %swap3A_291 = tpu.vector_load %arg13[%swap3A_289, %swap3A_290] {strides = array<i32>} : memref<128x256xf32, #tpu.memory_space<vmem>>, vector<16xf32>,
        tpu.vector_store %arg13[%swap3A_289, %swap3A_290], %broadcast_in_dim3A_86 {strides = array<i32>} : memref<128x256xf32, #tpu.memory_space<vmem>>, vector<16xf32>,
        %swap3A_292 = arith.index_cast %while3A_274 : i32 to index
        %swap3A_293 = arith.constant 96 : index
        %swap3A_294 = tpu.vector_load %arg13[%swap3A_292, %swap3A_293] {strides = array<i32>} : memref<128x256xf32, #tpu.memory_space<vmem>>, vector<16xf32>,
        tpu.vector_store %arg13[%swap3A_292, %swap3A_293], %broadcast_in_dim3A_86 {strides = array<i32>} : memref<128x256xf32, #tpu.memory_space<vmem>>, vector<16xf32>,
        %swap3A_295 = arith.index_cast %while3A_274 : i32 to index
        %swap3A_296 = arith.constant 112 : index
        %swap3A_297 = tpu.vector_load %arg13[%swap3A_295, %swap3A_296] {strides = array<i32>} : memref<128x256xf32, #tpu.memory_space<vmem>>, vector<16xf32>,
        tpu.vector_store %arg13[%swap3A_295, %swap3A_296], %broadcast_in_dim3A_86 {strides = array<i32>} : memref<128x256xf32, #tpu.memory_space<vmem>>, vector<16xf32>,
        %swap3A_298 = arith.index_cast %while3A_274 : i32 to index
        %swap3A_299 = arith.constant 128 : index
        %swap3A_300 = tpu.vector_load %arg13[%swap3A_298, %swap3A_299] {strides = array<i32>} : memref<128x256xf32, #tpu.memory_space<vmem>>, vector<16xf32>,
        tpu.vector_store %arg13[%swap3A_298, %swap3A_299], %broadcast_in_dim3A_86 {strides = array<i32>} : memref<128x256xf32, #tpu.memory_space<vmem>>, vector<16xf32>,
        %swap3A_301 = arith.index_cast %while3A_274 : i32 to index
        %swap3A_302 = arith.constant 144 : index
        %swap3A_303 = tpu.vector_load %arg13[%swap3A_301, %swap3A_302] {strides = array<i32>} : memref<128x256xf32, #tpu.memory_space<vmem>>, vector<16xf32>,
        tpu.vector_store %arg13[%swap3A_301, %swap3A_302], %broadcast_in_dim3A_86 {strides = array<i32>} : memref<128x256xf32, #tpu.memory_space<vmem>>, vector<16xf32>,
        %swap3A_304 = arith.index_cast %while3A_274 : i32 to index
        %swap3A_305 = arith.constant 160 : index
        %swap3A_306 = tpu.vector_load %arg13[%swap3A_304, %swap3A_305] {strides = array<i32>} : memref<128x256xf32, #tpu.memory_space<vmem>>, vector<16xf32>,
        tpu.vector_store %arg13[%swap3A_304, %swap3A_305], %broadcast_in_dim3A_86 {strides = array<i32>} : memref<128x256xf32, #tpu.memory_space<vmem>>, vector<16xf32>,
        %swap3A_307 = arith.index_cast %while3A_274 : i32 to index
        %swap3A_308 = arith.constant 176 : index
        %swap3A_309 = tpu.vector_load %arg13[%swap3A_307, %swap3A_308] {strides = array<i32>} : memref<128x256xf32, #tpu.memory_space<vmem>>, vector<16xf32>,
        tpu.vector_store %arg13[%swap3A_307, %swap3A_308], %broadcast_in_dim3A_86 {strides = array<i32>} : memref<128x256xf32, #tpu.memory_space<vmem>>, vector<16xf32>,
        %swap3A_310 = arith.index_cast %while3A_274 : i32 to index
        %swap3A_311 = arith.constant 192 : index
        %swap3A_312 = tpu.vector_load %arg13[%swap3A_310, %swap3A_311] {strides = array<i32>} : memref<128x256xf32, #tpu.memory_space<vmem>>, vector<16xf32>,
        tpu.vector_store %arg13[%swap3A_310, %swap3A_311], %broadcast_in_dim3A_86 {strides = array<i32>} : memref<128x256xf32, #tpu.memory_space<vmem>>, vector<16xf32>,
        %swap3A_313 = arith.index_cast %while3A_274 : i32 to index
        %swap3A_314 = arith.constant 208 : index
        %swap3A_315 = tpu.vector_load %arg13[%swap3A_313, %swap3A_314] {strides = array<i32>} : memref<128x256xf32, #tpu.memory_space<vmem>>, vector<16xf32>,
        tpu.vector_store %arg13[%swap3A_313, %swap3A_314], %broadcast_in_dim3A_86 {strides = array<i32>} : memref<128x256xf32, #tpu.memory_space<vmem>>, vector<16xf32>,
        %swap3A_316 = arith.index_cast %while3A_274 : i32 to index
        %swap3A_317 = arith.constant 224 : index
        %swap3A_318 = tpu.vector_load %arg13[%swap3A_316, %swap3A_317] {strides = array<i32>} : memref<128x256xf32, #tpu.memory_space<vmem>>, vector<16xf32>,
        tpu.vector_store %arg13[%swap3A_316, %swap3A_317], %broadcast_in_dim3A_86 {strides = array<i32>} : memref<128x256xf32, #tpu.memory_space<vmem>>, vector<16xf32>,
        %swap3A_319 = arith.index_cast %while3A_274 : i32 to index
        %swap3A_320 = arith.constant 240 : index
        %swap3A_321 = tpu.vector_load %arg13[%swap3A_319, %swap3A_320] {strides = array<i32>} : memref<128x256xf32, #tpu.memory_space<vmem>>, vector<16xf32>,
        tpu.vector_store %arg13[%swap3A_319, %swap3A_320], %broadcast_in_dim3A_86 {strides = array<i32>} : memref<128x256xf32, #tpu.memory_space<vmem>>, vector<16xf32>,
      }
      "tpu.region"() ({
        %run_scoped3A = tpu.sem_alloc : memref<!tpu.dma_semaphore, #tpu.memory_space<semaphore_mem>>
        %dma_start3A = arith.constant 0 : i32
        %dma_start3A_274 = tpu.memref_slice %arg4[%arg1, %mul3A_132, %dma_start3A] : memref<16x2048x256xf32, #tpu.memory_space<hbm>> -> memref<1x128x256xf32, #tpu.memory_space<hbm>>
        %dma_start3A_275 = tpu.memref_squeeze %dma_start3A_274 : memref<1x128x256xf32, #tpu.memory_space<hbm>> -> memref<128x256xf32, #tpu.memory_space<hbm>>
        %dma_start3A_276 = arith.constant 0 : i32
        %dma_start3A_277 = tpu.memref_slice %arg4[%arg1, %mul3A_132, %dma_start3A_276] : memref<16x2048x256xf32, #tpu.memory_space<hbm>> -> memref<1x128x256xf32, #tpu.memory_space<hbm>>
        %dma_start3A_278 = tpu.memref_squeeze %dma_start3A_277 : memref<1x128x256xf32, #tpu.memory_space<hbm>> -> memref<128x256xf32, #tpu.memory_space<hbm>>
        tpu.enqueue_dma source(%arg13 : memref<128x256xf32, #tpu.memory_space<vmem>>) target(%dma_start3A_278 : memref<128x256xf32, #tpu.memory_space<hbm>>) target_semaphore(%run_scoped3A : memref<!tpu.dma_semaphore, #tpu.memory_space<semaphore_mem>>)
        %dma_wait3A = arith.constant 0 : i32
        %dma_wait3A_279 = tpu.memref_slice %arg4[%arg1, %mul3A_132, %dma_wait3A] : memref<16x2048x256xf32, #tpu.memory_space<hbm>> -> memref<1x128x256xf32, #tpu.memory_space<hbm>>
        %dma_wait3A_280 = tpu.memref_squeeze %dma_wait3A_279 : memref<1x128x256xf32, #tpu.memory_space<hbm>> -> memref<128x256xf32, #tpu.memory_space<hbm>>
        %dma_wait3A_281 = arith.constant 0 : i32
        %dma_wait3A_282 = tpu.memref_slice %arg4[%arg1, %mul3A_132, %dma_wait3A_281] : memref<16x2048x256xf32, #tpu.memory_space<hbm>> -> memref<1x128x256xf32, #tpu.memory_space<hbm>>
        %dma_wait3A_283 = tpu.memref_squeeze %dma_wait3A_282 : memref<1x128x256xf32, #tpu.memory_space<hbm>> -> memref<128x256xf32, #tpu.memory_space<hbm>>
        tpu.wait_dma2 semaphore(%run_scoped3A : memref<!tpu.dma_semaphore, #tpu.memory_space<semaphore_mem>>) src(%arg13 : memref<128x256xf32, #tpu.memory_space<vmem>>) dst(%dma_wait3A_283 : memref<128x256xf32, #tpu.memory_space<hbm>>)
        tpu.yield
      }) : () -> ()
    } else {
    }
    %not3A_219 = arith.constant true
    %not3A_220 = arith.xori %lt3A_133, %not3A_219 : i1
    %convert_element_type3A_221 = arith.extui %not3A_220 : i1 to i32
    %cond3A_222 = arith.constant 0 : i32
    %cond3A_223 = arith.cmpi ne, %convert_element_type3A_221, %cond3A_222 : i32
    scf.if %cond3A_223 {
      %add3A_260 = arith.constant 0 : i32
      %add3A_261 = arith.addi %mul3A_132, %add3A_260 : i32
      "tpu.region"() ({
        %run_scoped3A = tpu.sem_alloc : memref<!tpu.dma_semaphore, #tpu.memory_space<semaphore_mem>>
        %dma_start3A = arith.constant 0 : i32
        %dma_start3A_264 = tpu.memref_slice %arg4[%arg1, %add3A_261, %dma_start3A] : memref<16x2048x256xf32, #tpu.memory_space<hbm>> -> memref<1x64x256xf32, #tpu.memory_space<hbm>>
        %dma_start3A_265 = tpu.memref_squeeze %dma_start3A_264 : memref<1x64x256xf32, #tpu.memory_space<hbm>> -> memref<64x256xf32, #tpu.memory_space<hbm>>
        %dma_start3A_266 = arith.constant 0 : i32
        %dma_start3A_267 = tpu.memref_slice %arg4[%arg1, %add3A_261, %dma_start3A_266] : memref<16x2048x256xf32, #tpu.memory_space<hbm>> -> memref<1x64x256xf32, #tpu.memory_space<hbm>>
        %dma_start3A_268 = tpu.memref_squeeze %dma_start3A_267 : memref<1x64x256xf32, #tpu.memory_space<hbm>> -> memref<64x256xf32, #tpu.memory_space<hbm>>
        tpu.enqueue_dma source(%arg15 : memref<64x256xf32, #tpu.memory_space<vmem>>) target(%dma_start3A_268 : memref<64x256xf32, #tpu.memory_space<hbm>>) target_semaphore(%run_scoped3A : memref<!tpu.dma_semaphore, #tpu.memory_space<semaphore_mem>>)
        %dma_wait3A = arith.constant 0 : i32
        %dma_wait3A_269 = tpu.memref_slice %arg4[%arg1, %add3A_261, %dma_wait3A] : memref<16x2048x256xf32, #tpu.memory_space<hbm>> -> memref<1x64x256xf32, #tpu.memory_space<hbm>>
        %dma_wait3A_270 = tpu.memref_squeeze %dma_wait3A_269 : memref<1x64x256xf32, #tpu.memory_space<hbm>> -> memref<64x256xf32, #tpu.memory_space<hbm>>
        %dma_wait3A_271 = arith.constant 0 : i32
        %dma_wait3A_272 = tpu.memref_slice %arg4[%arg1, %add3A_261, %dma_wait3A_271] : memref<16x2048x256xf32, #tpu.memory_space<hbm>> -> memref<1x64x256xf32, #tpu.memory_space<hbm>>
        %dma_wait3A_273 = tpu.memref_squeeze %dma_wait3A_272 : memref<1x64x256xf32, #tpu.memory_space<hbm>> -> memref<64x256xf32, #tpu.memory_space<hbm>>
        tpu.wait_dma2 semaphore(%run_scoped3A : memref<!tpu.dma_semaphore, #tpu.memory_space<semaphore_mem>>) src(%arg15 : memref<64x256xf32, #tpu.memory_space<vmem>>) dst(%dma_wait3A_273 : memref<64x256xf32, #tpu.memory_space<hbm>>)
        tpu.yield
      }) : () -> ()
      %add3A_262 = arith.constant 64 : i32
      %add3A_263 = arith.addi %mul3A_132, %add3A_262 : i32
      "tpu.region"() ({
        %run_scoped3A = tpu.sem_alloc : memref<!tpu.dma_semaphore, #tpu.memory_space<semaphore_mem>>
        %dma_start3A = arith.constant 0 : i32
        %dma_start3A_264 = tpu.memref_slice %arg4[%arg1, %add3A_263, %dma_start3A] : memref<16x2048x256xf32, #tpu.memory_space<hbm>> -> memref<1x64x256xf32, #tpu.memory_space<hbm>>
        %dma_start3A_265 = tpu.memref_squeeze %dma_start3A_264 : memref<1x64x256xf32, #tpu.memory_space<hbm>> -> memref<64x256xf32, #tpu.memory_space<hbm>>
        %dma_start3A_266 = arith.constant 0 : i32
        %dma_start3A_267 = tpu.memref_slice %arg4[%arg1, %add3A_263, %dma_start3A_266] : memref<16x2048x256xf32, #tpu.memory_space<hbm>> -> memref<1x64x256xf32, #tpu.memory_space<hbm>>
        %dma_start3A_268 = tpu.memref_squeeze %dma_start3A_267 : memref<1x64x256xf32, #tpu.memory_space<hbm>> -> memref<64x256xf32, #tpu.memory_space<hbm>>
        tpu.enqueue_dma source(%arg15 : memref<64x256xf32, #tpu.memory_space<vmem>>) target(%dma_start3A_268 : memref<64x256xf32, #tpu.memory_space<hbm>>) target_semaphore(%run_scoped3A : memref<!tpu.dma_semaphore, #tpu.memory_space<semaphore_mem>>)
        %dma_wait3A = arith.constant 0 : i32
        %dma_wait3A_269 = tpu.memref_slice %arg4[%arg1, %add3A_263, %dma_wait3A] : memref<16x2048x256xf32, #tpu.memory_space<hbm>> -> memref<1x64x256xf32, #tpu.memory_space<hbm>>
        %dma_wait3A_270 = tpu.memref_squeeze %dma_wait3A_269 : memref<1x64x256xf32, #tpu.memory_space<hbm>> -> memref<64x256xf32, #tpu.memory_space<hbm>>
        %dma_wait3A_271 = arith.constant 0 : i32
        %dma_wait3A_272 = tpu.memref_slice %arg4[%arg1, %add3A_263, %dma_wait3A_271] : memref<16x2048x256xf32, #tpu.memory_space<hbm>> -> memref<1x64x256xf32, #tpu.memory_space<hbm>>
        %dma_wait3A_273 = tpu.memref_squeeze %dma_wait3A_272 : memref<1x64x256xf32, #tpu.memory_space<hbm>> -> memref<64x256xf32, #tpu.memory_space<hbm>>
        tpu.wait_dma2 semaphore(%run_scoped3A : memref<!tpu.dma_semaphore, #tpu.memory_space<semaphore_mem>>) src(%arg15 : memref<64x256xf32, #tpu.memory_space<vmem>>) dst(%dma_wait3A_273 : memref<64x256xf32, #tpu.memory_space<hbm>>)
        tpu.yield
      }) : () -> ()
    } else {
    }
    %convert_element_type3A_224 = arith.extui %lt3A_138 : i1 to i32
    %cond3A_225 = arith.constant 0 : i32
    %cond3A_226 = arith.cmpi ne, %convert_element_type3A_224, %cond3A_225 : i32
    scf.if %cond3A_226 {
      %dma_wait3A = tpu.memref_slice %arg10[%mul3A_137] : memref<2048xi32, #tpu.memory_space<vmem>> -> memref<128xi32, #tpu.memory_space<vmem>>
      %dma_wait3A_260 = arith.constant 0 : i32
      %dma_wait3A_261 = arith.constant 0 : i32
      %dma_wait3A_262 = tpu.memref_slice %arg2[%dma_wait3A_260, %dma_wait3A_261] : memref<8192x256xf32, #tpu.memory_space<hbm>> -> memref<8192x256xf32, #tpu.memory_space<hbm>>
      tpu.wait_indirect_dma semaphore(%arg18 : memref<!tpu.dma_semaphore, #tpu.memory_space<semaphore_mem>>) src(%dma_wait3A_262 : memref<8192x256xf32, #tpu.memory_space<hbm>>) dst(%arg14 : memref<128x256xf32, #tpu.memory_space<vmem>>)
    } else {
    }
    %convert_element_type3A_227 = arith.extui %lt3A_148 : i1 to i32
    %cond3A_228 = arith.constant 0 : i32
    %cond3A_229 = arith.cmpi ne, %convert_element_type3A_227, %cond3A_228 : i32
    scf.if %cond3A_229 {
      %dma_start3A = tpu.memref_slice %arg10[%mul3A_147] : memref<2048xi32, #tpu.memory_space<vmem>> -> memref<128xi32, #tpu.memory_space<vmem>>
      %dma_start3A_260 = arith.constant 0 : i32
      %dma_start3A_261 = arith.constant 0 : i32
      %dma_start3A_262 = tpu.memref_slice %arg2[%dma_start3A_260, %dma_start3A_261] : memref<8192x256xf32, #tpu.memory_space<hbm>> -> memref<8192x256xf32, #tpu.memory_space<hbm>>
      tpu.enqueue_indirect_dma source(%dma_start3A_262 : memref<8192x256xf32, #tpu.memory_space<hbm>>) target(%arg13 : memref<128x256xf32, #tpu.memory_space<vmem>>) offsets(%dma_start3A : memref<128xi32, #tpu.memory_space<vmem>>) semaphore(%arg17 : memref<!tpu.dma_semaphore, #tpu.memory_space<semaphore_mem>>)
    } else {
    }
    %convert_element_type3A_230 = arith.extui %lt3A_138 : i1 to i32
    %cond3A_231 = arith.constant 0 : i32
    %cond3A_232 = arith.cmpi ne, %convert_element_type3A_230, %cond3A_231 : i32
    scf.if %cond3A_232 {
      %sub3A_260 = arith.subi %min3A_7, %mul3A_137 : i32
      %jit3A_261 = arith.constant 0 : i32
      %jit3A_262 = arith.constant 128 : i32
      %max3A = arith.maxsi %jit3A_261, %sub3A_260 : i32
      %min3A_263 = arith.minsi %jit3A_262, %max3A : i32
      %while3A_264 = arith.constant 0 : i32
      %while3A_265 = arith.constant 128 : i32
      %while3A_266 = arith.subi %while3A_265, %min3A_263 : i32
      %while3A_267 = arith.addi %min3A_263, %while3A_266 : i32
      %while3A_268 = arith.constant 1 : i32
      %while3A_269 = arith.divsi %while3A_266, %while3A_268 : i32
      %while3A_270 = arith.muli %while3A_269, %while3A_268 : i32
      %while3A_271 = arith.addi %min3A_263, %while3A_270 : i32
      %while3A_272 = arith.constant 1 : i32
      scf.for %while3A_274 = %min3A_263 to %while3A_271 step %while3A_272  : i32 {
        %swap3A = arith.index_cast %while3A_274 : i32 to index
        %swap3A_275 = arith.constant 0 : index
        %swap3A_276 = tpu.vector_load %arg14[%swap3A, %swap3A_275] {strides = array<i32>} : memref<128x256xf32, #tpu.memory_space<vmem>>, vector<16xf32>,
        tpu.vector_store %arg14[%swap3A, %swap3A_275], %broadcast_in_dim3A_86 {strides = array<i32>} : memref<128x256xf32, #tpu.memory_space<vmem>>, vector<16xf32>,
        %swap3A_277 = arith.index_cast %while3A_274 : i32 to index
        %swap3A_278 = arith.constant 16 : index
        %swap3A_279 = tpu.vector_load %arg14[%swap3A_277, %swap3A_278] {strides = array<i32>} : memref<128x256xf32, #tpu.memory_space<vmem>>, vector<16xf32>,
        tpu.vector_store %arg14[%swap3A_277, %swap3A_278], %broadcast_in_dim3A_86 {strides = array<i32>} : memref<128x256xf32, #tpu.memory_space<vmem>>, vector<16xf32>,
        %swap3A_280 = arith.index_cast %while3A_274 : i32 to index
        %swap3A_281 = arith.constant 32 : index
        %swap3A_282 = tpu.vector_load %arg14[%swap3A_280, %swap3A_281] {strides = array<i32>} : memref<128x256xf32, #tpu.memory_space<vmem>>, vector<16xf32>,
        tpu.vector_store %arg14[%swap3A_280, %swap3A_281], %broadcast_in_dim3A_86 {strides = array<i32>} : memref<128x256xf32, #tpu.memory_space<vmem>>, vector<16xf32>,
        %swap3A_283 = arith.index_cast %while3A_274 : i32 to index
        %swap3A_284 = arith.constant 48 : index
        %swap3A_285 = tpu.vector_load %arg14[%swap3A_283, %swap3A_284] {strides = array<i32>} : memref<128x256xf32, #tpu.memory_space<vmem>>, vector<16xf32>,
        tpu.vector_store %arg14[%swap3A_283, %swap3A_284], %broadcast_in_dim3A_86 {strides = array<i32>} : memref<128x256xf32, #tpu.memory_space<vmem>>, vector<16xf32>,
        %swap3A_286 = arith.index_cast %while3A_274 : i32 to index
        %swap3A_287 = arith.constant 64 : index
        %swap3A_288 = tpu.vector_load %arg14[%swap3A_286, %swap3A_287] {strides = array<i32>} : memref<128x256xf32, #tpu.memory_space<vmem>>, vector<16xf32>,
        tpu.vector_store %arg14[%swap3A_286, %swap3A_287], %broadcast_in_dim3A_86 {strides = array<i32>} : memref<128x256xf32, #tpu.memory_space<vmem>>, vector<16xf32>,
        %swap3A_289 = arith.index_cast %while3A_274 : i32 to index
        %swap3A_290 = arith.constant 80 : index
        %swap3A_291 = tpu.vector_load %arg14[%swap3A_289, %swap3A_290] {strides = array<i32>} : memref<128x256xf32, #tpu.memory_space<vmem>>, vector<16xf32>,
        tpu.vector_store %arg14[%swap3A_289, %swap3A_290], %broadcast_in_dim3A_86 {strides = array<i32>} : memref<128x256xf32, #tpu.memory_space<vmem>>, vector<16xf32>,
        %swap3A_292 = arith.index_cast %while3A_274 : i32 to index
        %swap3A_293 = arith.constant 96 : index
        %swap3A_294 = tpu.vector_load %arg14[%swap3A_292, %swap3A_293] {strides = array<i32>} : memref<128x256xf32, #tpu.memory_space<vmem>>, vector<16xf32>,
        tpu.vector_store %arg14[%swap3A_292, %swap3A_293], %broadcast_in_dim3A_86 {strides = array<i32>} : memref<128x256xf32, #tpu.memory_space<vmem>>, vector<16xf32>,
        %swap3A_295 = arith.index_cast %while3A_274 : i32 to index
        %swap3A_296 = arith.constant 112 : index
        %swap3A_297 = tpu.vector_load %arg14[%swap3A_295, %swap3A_296] {strides = array<i32>} : memref<128x256xf32, #tpu.memory_space<vmem>>, vector<16xf32>,
        tpu.vector_store %arg14[%swap3A_295, %swap3A_296], %broadcast_in_dim3A_86 {strides = array<i32>} : memref<128x256xf32, #tpu.memory_space<vmem>>, vector<16xf32>,
        %swap3A_298 = arith.index_cast %while3A_274 : i32 to index
        %swap3A_299 = arith.constant 128 : index
        %swap3A_300 = tpu.vector_load %arg14[%swap3A_298, %swap3A_299] {strides = array<i32>} : memref<128x256xf32, #tpu.memory_space<vmem>>, vector<16xf32>,
        tpu.vector_store %arg14[%swap3A_298, %swap3A_299], %broadcast_in_dim3A_86 {strides = array<i32>} : memref<128x256xf32, #tpu.memory_space<vmem>>, vector<16xf32>,
        %swap3A_301 = arith.index_cast %while3A_274 : i32 to index
        %swap3A_302 = arith.constant 144 : index
        %swap3A_303 = tpu.vector_load %arg14[%swap3A_301, %swap3A_302] {strides = array<i32>} : memref<128x256xf32, #tpu.memory_space<vmem>>, vector<16xf32>,
        tpu.vector_store %arg14[%swap3A_301, %swap3A_302], %broadcast_in_dim3A_86 {strides = array<i32>} : memref<128x256xf32, #tpu.memory_space<vmem>>, vector<16xf32>,
        %swap3A_304 = arith.index_cast %while3A_274 : i32 to index
        %swap3A_305 = arith.constant 160 : index
        %swap3A_306 = tpu.vector_load %arg14[%swap3A_304, %swap3A_305] {strides = array<i32>} : memref<128x256xf32, #tpu.memory_space<vmem>>, vector<16xf32>,
        tpu.vector_store %arg14[%swap3A_304, %swap3A_305], %broadcast_in_dim3A_86 {strides = array<i32>} : memref<128x256xf32, #tpu.memory_space<vmem>>, vector<16xf32>,
        %swap3A_307 = arith.index_cast %while3A_274 : i32 to index
        %swap3A_308 = arith.constant 176 : index
        %swap3A_309 = tpu.vector_load %arg14[%swap3A_307, %swap3A_308] {strides = array<i32>} : memref<128x256xf32, #tpu.memory_space<vmem>>, vector<16xf32>,
        tpu.vector_store %arg14[%swap3A_307, %swap3A_308], %broadcast_in_dim3A_86 {strides = array<i32>} : memref<128x256xf32, #tpu.memory_space<vmem>>, vector<16xf32>,
        %swap3A_310 = arith.index_cast %while3A_274 : i32 to index
        %swap3A_311 = arith.constant 192 : index
        %swap3A_312 = tpu.vector_load %arg14[%swap3A_310, %swap3A_311] {strides = array<i32>} : memref<128x256xf32, #tpu.memory_space<vmem>>, vector<16xf32>,
        tpu.vector_store %arg14[%swap3A_310, %swap3A_311], %broadcast_in_dim3A_86 {strides = array<i32>} : memref<128x256xf32, #tpu.memory_space<vmem>>, vector<16xf32>,
        %swap3A_313 = arith.index_cast %while3A_274 : i32 to index
        %swap3A_314 = arith.constant 208 : index
        %swap3A_315 = tpu.vector_load %arg14[%swap3A_313, %swap3A_314] {strides = array<i32>} : memref<128x256xf32, #tpu.memory_space<vmem>>, vector<16xf32>,
        tpu.vector_store %arg14[%swap3A_313, %swap3A_314], %broadcast_in_dim3A_86 {strides = array<i32>} : memref<128x256xf32, #tpu.memory_space<vmem>>, vector<16xf32>,
        %swap3A_316 = arith.index_cast %while3A_274 : i32 to index
        %swap3A_317 = arith.constant 224 : index
        %swap3A_318 = tpu.vector_load %arg14[%swap3A_316, %swap3A_317] {strides = array<i32>} : memref<128x256xf32, #tpu.memory_space<vmem>>, vector<16xf32>,
        tpu.vector_store %arg14[%swap3A_316, %swap3A_317], %broadcast_in_dim3A_86 {strides = array<i32>} : memref<128x256xf32, #tpu.memory_space<vmem>>, vector<16xf32>,
        %swap3A_319 = arith.index_cast %while3A_274 : i32 to index
        %swap3A_320 = arith.constant 240 : index
        %swap3A_321 = tpu.vector_load %arg14[%swap3A_319, %swap3A_320] {strides = array<i32>} : memref<128x256xf32, #tpu.memory_space<vmem>>, vector<16xf32>,
        tpu.vector_store %arg14[%swap3A_319, %swap3A_320], %broadcast_in_dim3A_86 {strides = array<i32>} : memref<128x256xf32, #tpu.memory_space<vmem>>, vector<16xf32>,
      }
      %while3A_273 = arith.constant 1 : i32
      scf.for %while3A_274 = %while3A_271 to %while3A_267 step %while3A_273  : i32 {
        %swap3A = arith.index_cast %while3A_274 : i32 to index
        %swap3A_275 = arith.constant 0 : index
        %swap3A_276 = tpu.vector_load %arg14[%swap3A, %swap3A_275] {strides = array<i32>} : memref<128x256xf32, #tpu.memory_space<vmem>>, vector<16xf32>,
        tpu.vector_store %arg14[%swap3A, %swap3A_275], %broadcast_in_dim3A_86 {strides = array<i32>} : memref<128x256xf32, #tpu.memory_space<vmem>>, vector<16xf32>,
        %swap3A_277 = arith.index_cast %while3A_274 : i32 to index
        %swap3A_278 = arith.constant 16 : index
        %swap3A_279 = tpu.vector_load %arg14[%swap3A_277, %swap3A_278] {strides = array<i32>} : memref<128x256xf32, #tpu.memory_space<vmem>>, vector<16xf32>,
        tpu.vector_store %arg14[%swap3A_277, %swap3A_278], %broadcast_in_dim3A_86 {strides = array<i32>} : memref<128x256xf32, #tpu.memory_space<vmem>>, vector<16xf32>,
        %swap3A_280 = arith.index_cast %while3A_274 : i32 to index
        %swap3A_281 = arith.constant 32 : index
        %swap3A_282 = tpu.vector_load %arg14[%swap3A_280, %swap3A_281] {strides = array<i32>} : memref<128x256xf32, #tpu.memory_space<vmem>>, vector<16xf32>,
        tpu.vector_store %arg14[%swap3A_280, %swap3A_281], %broadcast_in_dim3A_86 {strides = array<i32>} : memref<128x256xf32, #tpu.memory_space<vmem>>, vector<16xf32>,
        %swap3A_283 = arith.index_cast %while3A_274 : i32 to index
        %swap3A_284 = arith.constant 48 : index
        %swap3A_285 = tpu.vector_load %arg14[%swap3A_283, %swap3A_284] {strides = array<i32>} : memref<128x256xf32, #tpu.memory_space<vmem>>, vector<16xf32>,
        tpu.vector_store %arg14[%swap3A_283, %swap3A_284], %broadcast_in_dim3A_86 {strides = array<i32>} : memref<128x256xf32, #tpu.memory_space<vmem>>, vector<16xf32>,
        %swap3A_286 = arith.index_cast %while3A_274 : i32 to index
        %swap3A_287 = arith.constant 64 : index
        %swap3A_288 = tpu.vector_load %arg14[%swap3A_286, %swap3A_287] {strides = array<i32>} : memref<128x256xf32, #tpu.memory_space<vmem>>, vector<16xf32>,
        tpu.vector_store %arg14[%swap3A_286, %swap3A_287], %broadcast_in_dim3A_86 {strides = array<i32>} : memref<128x256xf32, #tpu.memory_space<vmem>>, vector<16xf32>,
        %swap3A_289 = arith.index_cast %while3A_274 : i32 to index
        %swap3A_290 = arith.constant 80 : index
        %swap3A_291 = tpu.vector_load %arg14[%swap3A_289, %swap3A_290] {strides = array<i32>} : memref<128x256xf32, #tpu.memory_space<vmem>>, vector<16xf32>,
        tpu.vector_store %arg14[%swap3A_289, %swap3A_290], %broadcast_in_dim3A_86 {strides = array<i32>} : memref<128x256xf32, #tpu.memory_space<vmem>>, vector<16xf32>,
        %swap3A_292 = arith.index_cast %while3A_274 : i32 to index
        %swap3A_293 = arith.constant 96 : index
        %swap3A_294 = tpu.vector_load %arg14[%swap3A_292, %swap3A_293] {strides = array<i32>} : memref<128x256xf32, #tpu.memory_space<vmem>>, vector<16xf32>,
        tpu.vector_store %arg14[%swap3A_292, %swap3A_293], %broadcast_in_dim3A_86 {strides = array<i32>} : memref<128x256xf32, #tpu.memory_space<vmem>>, vector<16xf32>,
        %swap3A_295 = arith.index_cast %while3A_274 : i32 to index
        %swap3A_296 = arith.constant 112 : index
        %swap3A_297 = tpu.vector_load %arg14[%swap3A_295, %swap3A_296] {strides = array<i32>} : memref<128x256xf32, #tpu.memory_space<vmem>>, vector<16xf32>,
        tpu.vector_store %arg14[%swap3A_295, %swap3A_296], %broadcast_in_dim3A_86 {strides = array<i32>} : memref<128x256xf32, #tpu.memory_space<vmem>>, vector<16xf32>,
        %swap3A_298 = arith.index_cast %while3A_274 : i32 to index
        %swap3A_299 = arith.constant 128 : index
        %swap3A_300 = tpu.vector_load %arg14[%swap3A_298, %swap3A_299] {strides = array<i32>} : memref<128x256xf32, #tpu.memory_space<vmem>>, vector<16xf32>,
        tpu.vector_store %arg14[%swap3A_298, %swap3A_299], %broadcast_in_dim3A_86 {strides = array<i32>} : memref<128x256xf32, #tpu.memory_space<vmem>>, vector<16xf32>,
        %swap3A_301 = arith.index_cast %while3A_274 : i32 to index
        %swap3A_302 = arith.constant 144 : index
        %swap3A_303 = tpu.vector_load %arg14[%swap3A_301, %swap3A_302] {strides = array<i32>} : memref<128x256xf32, #tpu.memory_space<vmem>>, vector<16xf32>,
        tpu.vector_store %arg14[%swap3A_301, %swap3A_302], %broadcast_in_dim3A_86 {strides = array<i32>} : memref<128x256xf32, #tpu.memory_space<vmem>>, vector<16xf32>,
        %swap3A_304 = arith.index_cast %while3A_274 : i32 to index
        %swap3A_305 = arith.constant 160 : index
        %swap3A_306 = tpu.vector_load %arg14[%swap3A_304, %swap3A_305] {strides = array<i32>} : memref<128x256xf32, #tpu.memory_space<vmem>>, vector<16xf32>,
        tpu.vector_store %arg14[%swap3A_304, %swap3A_305], %broadcast_in_dim3A_86 {strides = array<i32>} : memref<128x256xf32, #tpu.memory_space<vmem>>, vector<16xf32>,
        %swap3A_307 = arith.index_cast %while3A_274 : i32 to index
        %swap3A_308 = arith.constant 176 : index
        %swap3A_309 = tpu.vector_load %arg14[%swap3A_307, %swap3A_308] {strides = array<i32>} : memref<128x256xf32, #tpu.memory_space<vmem>>, vector<16xf32>,
        tpu.vector_store %arg14[%swap3A_307, %swap3A_308], %broadcast_in_dim3A_86 {strides = array<i32>} : memref<128x256xf32, #tpu.memory_space<vmem>>, vector<16xf32>,
        %swap3A_310 = arith.index_cast %while3A_274 : i32 to index
        %swap3A_311 = arith.constant 192 : index
        %swap3A_312 = tpu.vector_load %arg14[%swap3A_310, %swap3A_311] {strides = array<i32>} : memref<128x256xf32, #tpu.memory_space<vmem>>, vector<16xf32>,
        tpu.vector_store %arg14[%swap3A_310, %swap3A_311], %broadcast_in_dim3A_86 {strides = array<i32>} : memref<128x256xf32, #tpu.memory_space<vmem>>, vector<16xf32>,
        %swap3A_313 = arith.index_cast %while3A_274 : i32 to index
        %swap3A_314 = arith.constant 208 : index
        %swap3A_315 = tpu.vector_load %arg14[%swap3A_313, %swap3A_314] {strides = array<i32>} : memref<128x256xf32, #tpu.memory_space<vmem>>, vector<16xf32>,
        tpu.vector_store %arg14[%swap3A_313, %swap3A_314], %broadcast_in_dim3A_86 {strides = array<i32>} : memref<128x256xf32, #tpu.memory_space<vmem>>, vector<16xf32>,
        %swap3A_316 = arith.index_cast %while3A_274 : i32 to index
        %swap3A_317 = arith.constant 224 : index
        %swap3A_318 = tpu.vector_load %arg14[%swap3A_316, %swap3A_317] {strides = array<i32>} : memref<128x256xf32, #tpu.memory_space<vmem>>, vector<16xf32>,
        tpu.vector_store %arg14[%swap3A_316, %swap3A_317], %broadcast_in_dim3A_86 {strides = array<i32>} : memref<128x256xf32, #tpu.memory_space<vmem>>, vector<16xf32>,
        %swap3A_319 = arith.index_cast %while3A_274 : i32 to index
        %swap3A_320 = arith.constant 240 : index
        %swap3A_321 = tpu.vector_load %arg14[%swap3A_319, %swap3A_320] {strides = array<i32>} : memref<128x256xf32, #tpu.memory_space<vmem>>, vector<16xf32>,
        tpu.vector_store %arg14[%swap3A_319, %swap3A_320], %broadcast_in_dim3A_86 {strides = array<i32>} : memref<128x256xf32, #tpu.memory_space<vmem>>, vector<16xf32>,
      }
      "tpu.region"() ({
        %run_scoped3A = tpu.sem_alloc : memref<!tpu.dma_semaphore, #tpu.memory_space<semaphore_mem>>
        %dma_start3A = arith.constant 0 : i32
        %dma_start3A_274 = tpu.memref_slice %arg4[%arg1, %mul3A_137, %dma_start3A] : memref<16x2048x256xf32, #tpu.memory_space<hbm>> -> memref<1x128x256xf32, #tpu.memory_space<hbm>>
        %dma_start3A_275 = tpu.memref_squeeze %dma_start3A_274 : memref<1x128x256xf32, #tpu.memory_space<hbm>> -> memref<128x256xf32, #tpu.memory_space<hbm>>
        %dma_start3A_276 = arith.constant 0 : i32
        %dma_start3A_277 = tpu.memref_slice %arg4[%arg1, %mul3A_137, %dma_start3A_276] : memref<16x2048x256xf32, #tpu.memory_space<hbm>> -> memref<1x128x256xf32, #tpu.memory_space<hbm>>
        %dma_start3A_278 = tpu.memref_squeeze %dma_start3A_277 : memref<1x128x256xf32, #tpu.memory_space<hbm>> -> memref<128x256xf32, #tpu.memory_space<hbm>>
        tpu.enqueue_dma source(%arg14 : memref<128x256xf32, #tpu.memory_space<vmem>>) target(%dma_start3A_278 : memref<128x256xf32, #tpu.memory_space<hbm>>) target_semaphore(%run_scoped3A : memref<!tpu.dma_semaphore, #tpu.memory_space<semaphore_mem>>)
        %dma_wait3A = arith.constant 0 : i32
        %dma_wait3A_279 = tpu.memref_slice %arg4[%arg1, %mul3A_137, %dma_wait3A] : memref<16x2048x256xf32, #tpu.memory_space<hbm>> -> memref<1x128x256xf32, #tpu.memory_space<hbm>>
        %dma_wait3A_280 = tpu.memref_squeeze %dma_wait3A_279 : memref<1x128x256xf32, #tpu.memory_space<hbm>> -> memref<128x256xf32, #tpu.memory_space<hbm>>
        %dma_wait3A_281 = arith.constant 0 : i32
        %dma_wait3A_282 = tpu.memref_slice %arg4[%arg1, %mul3A_137, %dma_wait3A_281] : memref<16x2048x256xf32, #tpu.memory_space<hbm>> -> memref<1x128x256xf32, #tpu.memory_space<hbm>>
        %dma_wait3A_283 = tpu.memref_squeeze %dma_wait3A_282 : memref<1x128x256xf32, #tpu.memory_space<hbm>> -> memref<128x256xf32, #tpu.memory_space<hbm>>
        tpu.wait_dma2 semaphore(%run_scoped3A : memref<!tpu.dma_semaphore, #tpu.memory_space<semaphore_mem>>) src(%arg14 : memref<128x256xf32, #tpu.memory_space<vmem>>) dst(%dma_wait3A_283 : memref<128x256xf32, #tpu.memory_space<hbm>>)
        tpu.yield
      }) : () -> ()
    } else {
    }
    %not3A_233 = arith.constant true
    %not3A_234 = arith.xori %lt3A_138, %not3A_233 : i1
    %convert_element_type3A_235 = arith.extui %not3A_234 : i1 to i32
    %cond3A_236 = arith.constant 0 : i32
    %cond3A_237 = arith.cmpi ne, %convert_element_type3A_235, %cond3A_236 : i32
    scf.if %cond3A_237 {
      %add3A_260 = arith.constant 0 : i32
      %add3A_261 = arith.addi %mul3A_137, %add3A_260 : i32
      "tpu.region"() ({
        %run_scoped3A = tpu.sem_alloc : memref<!tpu.dma_semaphore, #tpu.memory_space<semaphore_mem>>
        %dma_start3A = arith.constant 0 : i32
        %dma_start3A_264 = tpu.memref_slice %arg4[%arg1, %add3A_261, %dma_start3A] : memref<16x2048x256xf32, #tpu.memory_space<hbm>> -> memref<1x64x256xf32, #tpu.memory_space<hbm>>
        %dma_start3A_265 = tpu.memref_squeeze %dma_start3A_264 : memref<1x64x256xf32, #tpu.memory_space<hbm>> -> memref<64x256xf32, #tpu.memory_space<hbm>>
        %dma_start3A_266 = arith.constant 0 : i32
        %dma_start3A_267 = tpu.memref_slice %arg4[%arg1, %add3A_261, %dma_start3A_266] : memref<16x2048x256xf32, #tpu.memory_space<hbm>> -> memref<1x64x256xf32, #tpu.memory_space<hbm>>
        %dma_start3A_268 = tpu.memref_squeeze %dma_start3A_267 : memref<1x64x256xf32, #tpu.memory_space<hbm>> -> memref<64x256xf32, #tpu.memory_space<hbm>>
        tpu.enqueue_dma source(%arg15 : memref<64x256xf32, #tpu.memory_space<vmem>>) target(%dma_start3A_268 : memref<64x256xf32, #tpu.memory_space<hbm>>) target_semaphore(%run_scoped3A : memref<!tpu.dma_semaphore, #tpu.memory_space<semaphore_mem>>)
        %dma_wait3A = arith.constant 0 : i32
        %dma_wait3A_269 = tpu.memref_slice %arg4[%arg1, %add3A_261, %dma_wait3A] : memref<16x2048x256xf32, #tpu.memory_space<hbm>> -> memref<1x64x256xf32, #tpu.memory_space<hbm>>
        %dma_wait3A_270 = tpu.memref_squeeze %dma_wait3A_269 : memref<1x64x256xf32, #tpu.memory_space<hbm>> -> memref<64x256xf32, #tpu.memory_space<hbm>>
        %dma_wait3A_271 = arith.constant 0 : i32
        %dma_wait3A_272 = tpu.memref_slice %arg4[%arg1, %add3A_261, %dma_wait3A_271] : memref<16x2048x256xf32, #tpu.memory_space<hbm>> -> memref<1x64x256xf32, #tpu.memory_space<hbm>>
        %dma_wait3A_273 = tpu.memref_squeeze %dma_wait3A_272 : memref<1x64x256xf32, #tpu.memory_space<hbm>> -> memref<64x256xf32, #tpu.memory_space<hbm>>
        tpu.wait_dma2 semaphore(%run_scoped3A : memref<!tpu.dma_semaphore, #tpu.memory_space<semaphore_mem>>) src(%arg15 : memref<64x256xf32, #tpu.memory_space<vmem>>) dst(%dma_wait3A_273 : memref<64x256xf32, #tpu.memory_space<hbm>>)
        tpu.yield
      }) : () -> ()
      %add3A_262 = arith.constant 64 : i32
      %add3A_263 = arith.addi %mul3A_137, %add3A_262 : i32
      "tpu.region"() ({
        %run_scoped3A = tpu.sem_alloc : memref<!tpu.dma_semaphore, #tpu.memory_space<semaphore_mem>>
        %dma_start3A = arith.constant 0 : i32
        %dma_start3A_264 = tpu.memref_slice %arg4[%arg1, %add3A_263, %dma_start3A] : memref<16x2048x256xf32, #tpu.memory_space<hbm>> -> memref<1x64x256xf32, #tpu.memory_space<hbm>>
        %dma_start3A_265 = tpu.memref_squeeze %dma_start3A_264 : memref<1x64x256xf32, #tpu.memory_space<hbm>> -> memref<64x256xf32, #tpu.memory_space<hbm>>
        %dma_start3A_266 = arith.constant 0 : i32
        %dma_start3A_267 = tpu.memref_slice %arg4[%arg1, %add3A_263, %dma_start3A_266] : memref<16x2048x256xf32, #tpu.memory_space<hbm>> -> memref<1x64x256xf32, #tpu.memory_space<hbm>>
        %dma_start3A_268 = tpu.memref_squeeze %dma_start3A_267 : memref<1x64x256xf32, #tpu.memory_space<hbm>> -> memref<64x256xf32, #tpu.memory_space<hbm>>
        tpu.enqueue_dma source(%arg15 : memref<64x256xf32, #tpu.memory_space<vmem>>) target(%dma_start3A_268 : memref<64x256xf32, #tpu.memory_space<hbm>>) target_semaphore(%run_scoped3A : memref<!tpu.dma_semaphore, #tpu.memory_space<semaphore_mem>>)
        %dma_wait3A = arith.constant 0 : i32
        %dma_wait3A_269 = tpu.memref_slice %arg4[%arg1, %add3A_263, %dma_wait3A] : memref<16x2048x256xf32, #tpu.memory_space<hbm>> -> memref<1x64x256xf32, #tpu.memory_space<hbm>>
        %dma_wait3A_270 = tpu.memref_squeeze %dma_wait3A_269 : memref<1x64x256xf32, #tpu.memory_space<hbm>> -> memref<64x256xf32, #tpu.memory_space<hbm>>
        %dma_wait3A_271 = arith.constant 0 : i32
        %dma_wait3A_272 = tpu.memref_slice %arg4[%arg1, %add3A_263, %dma_wait3A_271] : memref<16x2048x256xf32, #tpu.memory_space<hbm>> -> memref<1x64x256xf32, #tpu.memory_space<hbm>>
        %dma_wait3A_273 = tpu.memref_squeeze %dma_wait3A_272 : memref<1x64x256xf32, #tpu.memory_space<hbm>> -> memref<64x256xf32, #tpu.memory_space<hbm>>
        tpu.wait_dma2 semaphore(%run_scoped3A : memref<!tpu.dma_semaphore, #tpu.memory_space<semaphore_mem>>) src(%arg15 : memref<64x256xf32, #tpu.memory_space<vmem>>) dst(%dma_wait3A_273 : memref<64x256xf32, #tpu.memory_space<hbm>>)
        tpu.yield
      }) : () -> ()
    } else {
    }
    %convert_element_type3A_238 = arith.extui %lt3A_143 : i1 to i32
    %cond3A_239 = arith.constant 0 : i32
    %cond3A_240 = arith.cmpi ne, %convert_element_type3A_238, %cond3A_239 : i32
    scf.if %cond3A_240 {
      %dma_wait3A = tpu.memref_slice %arg10[%mul3A_142] : memref<2048xi32, #tpu.memory_space<vmem>> -> memref<128xi32, #tpu.memory_space<vmem>>
      %dma_wait3A_260 = arith.constant 0 : i32
      %dma_wait3A_261 = arith.constant 0 : i32
      %dma_wait3A_262 = tpu.memref_slice %arg2[%dma_wait3A_260, %dma_wait3A_261] : memref<8192x256xf32, #tpu.memory_space<hbm>> -> memref<8192x256xf32, #tpu.memory_space<hbm>>
      tpu.wait_indirect_dma semaphore(%arg16 : memref<!tpu.dma_semaphore, #tpu.memory_space<semaphore_mem>>) src(%dma_wait3A_262 : memref<8192x256xf32, #tpu.memory_space<hbm>>) dst(%arg12 : memref<128x256xf32, #tpu.memory_space<vmem>>)
    } else {
    }
    %convert_element_type3A_241 = arith.extui %lt3A_143 : i1 to i32
    %cond3A_242 = arith.constant 0 : i32
    %cond3A_243 = arith.cmpi ne, %convert_element_type3A_241, %cond3A_242 : i32
    scf.if %cond3A_243 {
      %sub3A_260 = arith.subi %min3A_7, %mul3A_142 : i32
      %jit3A_261 = arith.constant 0 : i32
      %jit3A_262 = arith.constant 128 : i32
      %max3A = arith.maxsi %jit3A_261, %sub3A_260 : i32
      %min3A_263 = arith.minsi %jit3A_262, %max3A : i32
      %while3A_264 = arith.constant 0 : i32
      %while3A_265 = arith.constant 128 : i32
      %while3A_266 = arith.subi %while3A_265, %min3A_263 : i32
      %while3A_267 = arith.addi %min3A_263, %while3A_266 : i32
      %while3A_268 = arith.constant 1 : i32
      %while3A_269 = arith.divsi %while3A_266, %while3A_268 : i32
      %while3A_270 = arith.muli %while3A_269, %while3A_268 : i32
      %while3A_271 = arith.addi %min3A_263, %while3A_270 : i32
      %while3A_272 = arith.constant 1 : i32
      scf.for %while3A_274 = %min3A_263 to %while3A_271 step %while3A_272  : i32 {
        %swap3A = arith.index_cast %while3A_274 : i32 to index
        %swap3A_275 = arith.constant 0 : index
        %swap3A_276 = tpu.vector_load %arg12[%swap3A, %swap3A_275] {strides = array<i32>} : memref<128x256xf32, #tpu.memory_space<vmem>>, vector<16xf32>,
        tpu.vector_store %arg12[%swap3A, %swap3A_275], %broadcast_in_dim3A_86 {strides = array<i32>} : memref<128x256xf32, #tpu.memory_space<vmem>>, vector<16xf32>,
        %swap3A_277 = arith.index_cast %while3A_274 : i32 to index
        %swap3A_278 = arith.constant 16 : index
        %swap3A_279 = tpu.vector_load %arg12[%swap3A_277, %swap3A_278] {strides = array<i32>} : memref<128x256xf32, #tpu.memory_space<vmem>>, vector<16xf32>,
        tpu.vector_store %arg12[%swap3A_277, %swap3A_278], %broadcast_in_dim3A_86 {strides = array<i32>} : memref<128x256xf32, #tpu.memory_space<vmem>>, vector<16xf32>,
        %swap3A_280 = arith.index_cast %while3A_274 : i32 to index
        %swap3A_281 = arith.constant 32 : index
        %swap3A_282 = tpu.vector_load %arg12[%swap3A_280, %swap3A_281] {strides = array<i32>} : memref<128x256xf32, #tpu.memory_space<vmem>>, vector<16xf32>,
        tpu.vector_store %arg12[%swap3A_280, %swap3A_281], %broadcast_in_dim3A_86 {strides = array<i32>} : memref<128x256xf32, #tpu.memory_space<vmem>>, vector<16xf32>,
        %swap3A_283 = arith.index_cast %while3A_274 : i32 to index
        %swap3A_284 = arith.constant 48 : index
        %swap3A_285 = tpu.vector_load %arg12[%swap3A_283, %swap3A_284] {strides = array<i32>} : memref<128x256xf32, #tpu.memory_space<vmem>>, vector<16xf32>,
        tpu.vector_store %arg12[%swap3A_283, %swap3A_284], %broadcast_in_dim3A_86 {strides = array<i32>} : memref<128x256xf32, #tpu.memory_space<vmem>>, vector<16xf32>,
        %swap3A_286 = arith.index_cast %while3A_274 : i32 to index
        %swap3A_287 = arith.constant 64 : index
        %swap3A_288 = tpu.vector_load %arg12[%swap3A_286, %swap3A_287] {strides = array<i32>} : memref<128x256xf32, #tpu.memory_space<vmem>>, vector<16xf32>,
        tpu.vector_store %arg12[%swap3A_286, %swap3A_287], %broadcast_in_dim3A_86 {strides = array<i32>} : memref<128x256xf32, #tpu.memory_space<vmem>>, vector<16xf32>,
        %swap3A_289 = arith.index_cast %while3A_274 : i32 to index
        %swap3A_290 = arith.constant 80 : index
        %swap3A_291 = tpu.vector_load %arg12[%swap3A_289, %swap3A_290] {strides = array<i32>} : memref<128x256xf32, #tpu.memory_space<vmem>>, vector<16xf32>,
        tpu.vector_store %arg12[%swap3A_289, %swap3A_290], %broadcast_in_dim3A_86 {strides = array<i32>} : memref<128x256xf32, #tpu.memory_space<vmem>>, vector<16xf32>,
        %swap3A_292 = arith.index_cast %while3A_274 : i32 to index
        %swap3A_293 = arith.constant 96 : index
        %swap3A_294 = tpu.vector_load %arg12[%swap3A_292, %swap3A_293] {strides = array<i32>} : memref<128x256xf32, #tpu.memory_space<vmem>>, vector<16xf32>,
        tpu.vector_store %arg12[%swap3A_292, %swap3A_293], %broadcast_in_dim3A_86 {strides = array<i32>} : memref<128x256xf32, #tpu.memory_space<vmem>>, vector<16xf32>,
        %swap3A_295 = arith.index_cast %while3A_274 : i32 to index
        %swap3A_296 = arith.constant 112 : index
        %swap3A_297 = tpu.vector_load %arg12[%swap3A_295, %swap3A_296] {strides = array<i32>} : memref<128x256xf32, #tpu.memory_space<vmem>>, vector<16xf32>,
        tpu.vector_store %arg12[%swap3A_295, %swap3A_296], %broadcast_in_dim3A_86 {strides = array<i32>} : memref<128x256xf32, #tpu.memory_space<vmem>>, vector<16xf32>,
        %swap3A_298 = arith.index_cast %while3A_274 : i32 to index
        %swap3A_299 = arith.constant 128 : index
        %swap3A_300 = tpu.vector_load %arg12[%swap3A_298, %swap3A_299] {strides = array<i32>} : memref<128x256xf32, #tpu.memory_space<vmem>>, vector<16xf32>,
        tpu.vector_store %arg12[%swap3A_298, %swap3A_299], %broadcast_in_dim3A_86 {strides = array<i32>} : memref<128x256xf32, #tpu.memory_space<vmem>>, vector<16xf32>,
        %swap3A_301 = arith.index_cast %while3A_274 : i32 to index
        %swap3A_302 = arith.constant 144 : index
        %swap3A_303 = tpu.vector_load %arg12[%swap3A_301, %swap3A_302] {strides = array<i32>} : memref<128x256xf32, #tpu.memory_space<vmem>>, vector<16xf32>,
        tpu.vector_store %arg12[%swap3A_301, %swap3A_302], %broadcast_in_dim3A_86 {strides = array<i32>} : memref<128x256xf32, #tpu.memory_space<vmem>>, vector<16xf32>,
        %swap3A_304 = arith.index_cast %while3A_274 : i32 to index
        %swap3A_305 = arith.constant 160 : index
        %swap3A_306 = tpu.vector_load %arg12[%swap3A_304, %swap3A_305] {strides = array<i32>} : memref<128x256xf32, #tpu.memory_space<vmem>>, vector<16xf32>,
        tpu.vector_store %arg12[%swap3A_304, %swap3A_305], %broadcast_in_dim3A_86 {strides = array<i32>} : memref<128x256xf32, #tpu.memory_space<vmem>>, vector<16xf32>,
        %swap3A_307 = arith.index_cast %while3A_274 : i32 to index
        %swap3A_308 = arith.constant 176 : index
        %swap3A_309 = tpu.vector_load %arg12[%swap3A_307, %swap3A_308] {strides = array<i32>} : memref<128x256xf32, #tpu.memory_space<vmem>>, vector<16xf32>,
        tpu.vector_store %arg12[%swap3A_307, %swap3A_308], %broadcast_in_dim3A_86 {strides = array<i32>} : memref<128x256xf32, #tpu.memory_space<vmem>>, vector<16xf32>,
        %swap3A_310 = arith.index_cast %while3A_274 : i32 to index
        %swap3A_311 = arith.constant 192 : index
        %swap3A_312 = tpu.vector_load %arg12[%swap3A_310, %swap3A_311] {strides = array<i32>} : memref<128x256xf32, #tpu.memory_space<vmem>>, vector<16xf32>,
        tpu.vector_store %arg12[%swap3A_310, %swap3A_311], %broadcast_in_dim3A_86 {strides = array<i32>} : memref<128x256xf32, #tpu.memory_space<vmem>>, vector<16xf32>,
        %swap3A_313 = arith.index_cast %while3A_274 : i32 to index
        %swap3A_314 = arith.constant 208 : index
        %swap3A_315 = tpu.vector_load %arg12[%swap3A_313, %swap3A_314] {strides = array<i32>} : memref<128x256xf32, #tpu.memory_space<vmem>>, vector<16xf32>,
        tpu.vector_store %arg12[%swap3A_313, %swap3A_314], %broadcast_in_dim3A_86 {strides = array<i32>} : memref<128x256xf32, #tpu.memory_space<vmem>>, vector<16xf32>,
        %swap3A_316 = arith.index_cast %while3A_274 : i32 to index
        %swap3A_317 = arith.constant 224 : index
        %swap3A_318 = tpu.vector_load %arg12[%swap3A_316, %swap3A_317] {strides = array<i32>} : memref<128x256xf32, #tpu.memory_space<vmem>>, vector<16xf32>,
        tpu.vector_store %arg12[%swap3A_316, %swap3A_317], %broadcast_in_dim3A_86 {strides = array<i32>} : memref<128x256xf32, #tpu.memory_space<vmem>>, vector<16xf32>,
        %swap3A_319 = arith.index_cast %while3A_274 : i32 to index
        %swap3A_320 = arith.constant 240 : index
        %swap3A_321 = tpu.vector_load %arg12[%swap3A_319, %swap3A_320] {strides = array<i32>} : memref<128x256xf32, #tpu.memory_space<vmem>>, vector<16xf32>,
        tpu.vector_store %arg12[%swap3A_319, %swap3A_320], %broadcast_in_dim3A_86 {strides = array<i32>} : memref<128x256xf32, #tpu.memory_space<vmem>>, vector<16xf32>,
      }
      %while3A_273 = arith.constant 1 : i32
      scf.for %while3A_274 = %while3A_271 to %while3A_267 step %while3A_273  : i32 {
        %swap3A = arith.index_cast %while3A_274 : i32 to index
        %swap3A_275 = arith.constant 0 : index
        %swap3A_276 = tpu.vector_load %arg12[%swap3A, %swap3A_275] {strides = array<i32>} : memref<128x256xf32, #tpu.memory_space<vmem>>, vector<16xf32>,
        tpu.vector_store %arg12[%swap3A, %swap3A_275], %broadcast_in_dim3A_86 {strides = array<i32>} : memref<128x256xf32, #tpu.memory_space<vmem>>, vector<16xf32>,
        %swap3A_277 = arith.index_cast %while3A_274 : i32 to index
        %swap3A_278 = arith.constant 16 : index
        %swap3A_279 = tpu.vector_load %arg12[%swap3A_277, %swap3A_278] {strides = array<i32>} : memref<128x256xf32, #tpu.memory_space<vmem>>, vector<16xf32>,
        tpu.vector_store %arg12[%swap3A_277, %swap3A_278], %broadcast_in_dim3A_86 {strides = array<i32>} : memref<128x256xf32, #tpu.memory_space<vmem>>, vector<16xf32>,
        %swap3A_280 = arith.index_cast %while3A_274 : i32 to index
        %swap3A_281 = arith.constant 32 : index
        %swap3A_282 = tpu.vector_load %arg12[%swap3A_280, %swap3A_281] {strides = array<i32>} : memref<128x256xf32, #tpu.memory_space<vmem>>, vector<16xf32>,
        tpu.vector_store %arg12[%swap3A_280, %swap3A_281], %broadcast_in_dim3A_86 {strides = array<i32>} : memref<128x256xf32, #tpu.memory_space<vmem>>, vector<16xf32>,
        %swap3A_283 = arith.index_cast %while3A_274 : i32 to index
        %swap3A_284 = arith.constant 48 : index
        %swap3A_285 = tpu.vector_load %arg12[%swap3A_283, %swap3A_284] {strides = array<i32>} : memref<128x256xf32, #tpu.memory_space<vmem>>, vector<16xf32>,
        tpu.vector_store %arg12[%swap3A_283, %swap3A_284], %broadcast_in_dim3A_86 {strides = array<i32>} : memref<128x256xf32, #tpu.memory_space<vmem>>, vector<16xf32>,
        %swap3A_286 = arith.index_cast %while3A_274 : i32 to index
        %swap3A_287 = arith.constant 64 : index
        %swap3A_288 = tpu.vector_load %arg12[%swap3A_286, %swap3A_287] {strides = array<i32>} : memref<128x256xf32, #tpu.memory_space<vmem>>, vector<16xf32>,
        tpu.vector_store %arg12[%swap3A_286, %swap3A_287], %broadcast_in_dim3A_86 {strides = array<i32>} : memref<128x256xf32, #tpu.memory_space<vmem>>, vector<16xf32>,
        %swap3A_289 = arith.index_cast %while3A_274 : i32 to index
        %swap3A_290 = arith.constant 80 : index
        %swap3A_291 = tpu.vector_load %arg12[%swap3A_289, %swap3A_290] {strides = array<i32>} : memref<128x256xf32, #tpu.memory_space<vmem>>, vector<16xf32>,
        tpu.vector_store %arg12[%swap3A_289, %swap3A_290], %broadcast_in_dim3A_86 {strides = array<i32>} : memref<128x256xf32, #tpu.memory_space<vmem>>, vector<16xf32>,
        %swap3A_292 = arith.index_cast %while3A_274 : i32 to index
        %swap3A_293 = arith.constant 96 : index
        %swap3A_294 = tpu.vector_load %arg12[%swap3A_292, %swap3A_293] {strides = array<i32>} : memref<128x256xf32, #tpu.memory_space<vmem>>, vector<16xf32>,
        tpu.vector_store %arg12[%swap3A_292, %swap3A_293], %broadcast_in_dim3A_86 {strides = array<i32>} : memref<128x256xf32, #tpu.memory_space<vmem>>, vector<16xf32>,
        %swap3A_295 = arith.index_cast %while3A_274 : i32 to index
        %swap3A_296 = arith.constant 112 : index
        %swap3A_297 = tpu.vector_load %arg12[%swap3A_295, %swap3A_296] {strides = array<i32>} : memref<128x256xf32, #tpu.memory_space<vmem>>, vector<16xf32>,
        tpu.vector_store %arg12[%swap3A_295, %swap3A_296], %broadcast_in_dim3A_86 {strides = array<i32>} : memref<128x256xf32, #tpu.memory_space<vmem>>, vector<16xf32>,
        %swap3A_298 = arith.index_cast %while3A_274 : i32 to index
        %swap3A_299 = arith.constant 128 : index
        %swap3A_300 = tpu.vector_load %arg12[%swap3A_298, %swap3A_299] {strides = array<i32>} : memref<128x256xf32, #tpu.memory_space<vmem>>, vector<16xf32>,
        tpu.vector_store %arg12[%swap3A_298, %swap3A_299], %broadcast_in_dim3A_86 {strides = array<i32>} : memref<128x256xf32, #tpu.memory_space<vmem>>, vector<16xf32>,
        %swap3A_301 = arith.index_cast %while3A_274 : i32 to index
        %swap3A_302 = arith.constant 144 : index
        %swap3A_303 = tpu.vector_load %arg12[%swap3A_301, %swap3A_302] {strides = array<i32>} : memref<128x256xf32, #tpu.memory_space<vmem>>, vector<16xf32>,
        tpu.vector_store %arg12[%swap3A_301, %swap3A_302], %broadcast_in_dim3A_86 {strides = array<i32>} : memref<128x256xf32, #tpu.memory_space<vmem>>, vector<16xf32>,
        %swap3A_304 = arith.index_cast %while3A_274 : i32 to index
        %swap3A_305 = arith.constant 160 : index
        %swap3A_306 = tpu.vector_load %arg12[%swap3A_304, %swap3A_305] {strides = array<i32>} : memref<128x256xf32, #tpu.memory_space<vmem>>, vector<16xf32>,
        tpu.vector_store %arg12[%swap3A_304, %swap3A_305], %broadcast_in_dim3A_86 {strides = array<i32>} : memref<128x256xf32, #tpu.memory_space<vmem>>, vector<16xf32>,
        %swap3A_307 = arith.index_cast %while3A_274 : i32 to index
        %swap3A_308 = arith.constant 176 : index
        %swap3A_309 = tpu.vector_load %arg12[%swap3A_307, %swap3A_308] {strides = array<i32>} : memref<128x256xf32, #tpu.memory_space<vmem>>, vector<16xf32>,
        tpu.vector_store %arg12[%swap3A_307, %swap3A_308], %broadcast_in_dim3A_86 {strides = array<i32>} : memref<128x256xf32, #tpu.memory_space<vmem>>, vector<16xf32>,
        %swap3A_310 = arith.index_cast %while3A_274 : i32 to index
        %swap3A_311 = arith.constant 192 : index
        %swap3A_312 = tpu.vector_load %arg12[%swap3A_310, %swap3A_311] {strides = array<i32>} : memref<128x256xf32, #tpu.memory_space<vmem>>, vector<16xf32>,
        tpu.vector_store %arg12[%swap3A_310, %swap3A_311], %broadcast_in_dim3A_86 {strides = array<i32>} : memref<128x256xf32, #tpu.memory_space<vmem>>, vector<16xf32>,
        %swap3A_313 = arith.index_cast %while3A_274 : i32 to index
        %swap3A_314 = arith.constant 208 : index
        %swap3A_315 = tpu.vector_load %arg12[%swap3A_313, %swap3A_314] {strides = array<i32>} : memref<128x256xf32, #tpu.memory_space<vmem>>, vector<16xf32>,
        tpu.vector_store %arg12[%swap3A_313, %swap3A_314], %broadcast_in_dim3A_86 {strides = array<i32>} : memref<128x256xf32, #tpu.memory_space<vmem>>, vector<16xf32>,
        %swap3A_316 = arith.index_cast %while3A_274 : i32 to index
        %swap3A_317 = arith.constant 224 : index
        %swap3A_318 = tpu.vector_load %arg12[%swap3A_316, %swap3A_317] {strides = array<i32>} : memref<128x256xf32, #tpu.memory_space<vmem>>, vector<16xf32>,
        tpu.vector_store %arg12[%swap3A_316, %swap3A_317], %broadcast_in_dim3A_86 {strides = array<i32>} : memref<128x256xf32, #tpu.memory_space<vmem>>, vector<16xf32>,
        %swap3A_319 = arith.index_cast %while3A_274 : i32 to index
        %swap3A_320 = arith.constant 240 : index
        %swap3A_321 = tpu.vector_load %arg12[%swap3A_319, %swap3A_320] {strides = array<i32>} : memref<128x256xf32, #tpu.memory_space<vmem>>, vector<16xf32>,
        tpu.vector_store %arg12[%swap3A_319, %swap3A_320], %broadcast_in_dim3A_86 {strides = array<i32>} : memref<128x256xf32, #tpu.memory_space<vmem>>, vector<16xf32>,
      }
      "tpu.region"() ({
        %run_scoped3A = tpu.sem_alloc : memref<!tpu.dma_semaphore, #tpu.memory_space<semaphore_mem>>
        %dma_start3A = arith.constant 0 : i32
        %dma_start3A_274 = tpu.memref_slice %arg4[%arg1, %mul3A_142, %dma_start3A] : memref<16x2048x256xf32, #tpu.memory_space<hbm>> -> memref<1x128x256xf32, #tpu.memory_space<hbm>>
        %dma_start3A_275 = tpu.memref_squeeze %dma_start3A_274 : memref<1x128x256xf32, #tpu.memory_space<hbm>> -> memref<128x256xf32, #tpu.memory_space<hbm>>
        %dma_start3A_276 = arith.constant 0 : i32
        %dma_start3A_277 = tpu.memref_slice %arg4[%arg1, %mul3A_142, %dma_start3A_276] : memref<16x2048x256xf32, #tpu.memory_space<hbm>> -> memref<1x128x256xf32, #tpu.memory_space<hbm>>
        %dma_start3A_278 = tpu.memref_squeeze %dma_start3A_277 : memref<1x128x256xf32, #tpu.memory_space<hbm>> -> memref<128x256xf32, #tpu.memory_space<hbm>>
        tpu.enqueue_dma source(%arg12 : memref<128x256xf32, #tpu.memory_space<vmem>>) target(%dma_start3A_278 : memref<128x256xf32, #tpu.memory_space<hbm>>) target_semaphore(%run_scoped3A : memref<!tpu.dma_semaphore, #tpu.memory_space<semaphore_mem>>)
        %dma_wait3A = arith.constant 0 : i32
        %dma_wait3A_279 = tpu.memref_slice %arg4[%arg1, %mul3A_142, %dma_wait3A] : memref<16x2048x256xf32, #tpu.memory_space<hbm>> -> memref<1x128x256xf32, #tpu.memory_space<hbm>>
        %dma_wait3A_280 = tpu.memref_squeeze %dma_wait3A_279 : memref<1x128x256xf32, #tpu.memory_space<hbm>> -> memref<128x256xf32, #tpu.memory_space<hbm>>
        %dma_wait3A_281 = arith.constant 0 : i32
        %dma_wait3A_282 = tpu.memref_slice %arg4[%arg1, %mul3A_142, %dma_wait3A_281] : memref<16x2048x256xf32, #tpu.memory_space<hbm>> -> memref<1x128x256xf32, #tpu.memory_space<hbm>>
        %dma_wait3A_283 = tpu.memref_squeeze %dma_wait3A_282 : memref<1x128x256xf32, #tpu.memory_space<hbm>> -> memref<128x256xf32, #tpu.memory_space<hbm>>
        tpu.wait_dma2 semaphore(%run_scoped3A : memref<!tpu.dma_semaphore, #tpu.memory_space<semaphore_mem>>) src(%arg12 : memref<128x256xf32, #tpu.memory_space<vmem>>) dst(%dma_wait3A_283 : memref<128x256xf32, #tpu.memory_space<hbm>>)
        tpu.yield
      }) : () -> ()
    } else {
    }
    %not3A_244 = arith.constant true
    %not3A_245 = arith.xori %lt3A_143, %not3A_244 : i1
    %convert_element_type3A_246 = arith.extui %not3A_245 : i1 to i32
    %cond3A_247 = arith.constant 0 : i32
    %cond3A_248 = arith.cmpi ne, %convert_element_type3A_246, %cond3A_247 : i32
    scf.if %cond3A_248 {
      %add3A_260 = arith.constant 0 : i32
      %add3A_261 = arith.addi %mul3A_142, %add3A_260 : i32
      "tpu.region"() ({
        %run_scoped3A = tpu.sem_alloc : memref<!tpu.dma_semaphore, #tpu.memory_space<semaphore_mem>>
        %dma_start3A = arith.constant 0 : i32
        %dma_start3A_264 = tpu.memref_slice %arg4[%arg1, %add3A_261, %dma_start3A] : memref<16x2048x256xf32, #tpu.memory_space<hbm>> -> memref<1x64x256xf32, #tpu.memory_space<hbm>>
        %dma_start3A_265 = tpu.memref_squeeze %dma_start3A_264 : memref<1x64x256xf32, #tpu.memory_space<hbm>> -> memref<64x256xf32, #tpu.memory_space<hbm>>
        %dma_start3A_266 = arith.constant 0 : i32
        %dma_start3A_267 = tpu.memref_slice %arg4[%arg1, %add3A_261, %dma_start3A_266] : memref<16x2048x256xf32, #tpu.memory_space<hbm>> -> memref<1x64x256xf32, #tpu.memory_space<hbm>>
        %dma_start3A_268 = tpu.memref_squeeze %dma_start3A_267 : memref<1x64x256xf32, #tpu.memory_space<hbm>> -> memref<64x256xf32, #tpu.memory_space<hbm>>
        tpu.enqueue_dma source(%arg15 : memref<64x256xf32, #tpu.memory_space<vmem>>) target(%dma_start3A_268 : memref<64x256xf32, #tpu.memory_space<hbm>>) target_semaphore(%run_scoped3A : memref<!tpu.dma_semaphore, #tpu.memory_space<semaphore_mem>>)
        %dma_wait3A = arith.constant 0 : i32
        %dma_wait3A_269 = tpu.memref_slice %arg4[%arg1, %add3A_261, %dma_wait3A] : memref<16x2048x256xf32, #tpu.memory_space<hbm>> -> memref<1x64x256xf32, #tpu.memory_space<hbm>>
        %dma_wait3A_270 = tpu.memref_squeeze %dma_wait3A_269 : memref<1x64x256xf32, #tpu.memory_space<hbm>> -> memref<64x256xf32, #tpu.memory_space<hbm>>
        %dma_wait3A_271 = arith.constant 0 : i32
        %dma_wait3A_272 = tpu.memref_slice %arg4[%arg1, %add3A_261, %dma_wait3A_271] : memref<16x2048x256xf32, #tpu.memory_space<hbm>> -> memref<1x64x256xf32, #tpu.memory_space<hbm>>
        %dma_wait3A_273 = tpu.memref_squeeze %dma_wait3A_272 : memref<1x64x256xf32, #tpu.memory_space<hbm>> -> memref<64x256xf32, #tpu.memory_space<hbm>>
        tpu.wait_dma2 semaphore(%run_scoped3A : memref<!tpu.dma_semaphore, #tpu.memory_space<semaphore_mem>>) src(%arg15 : memref<64x256xf32, #tpu.memory_space<vmem>>) dst(%dma_wait3A_273 : memref<64x256xf32, #tpu.memory_space<hbm>>)
        tpu.yield
      }) : () -> ()
      %add3A_262 = arith.constant 64 : i32
      %add3A_263 = arith.addi %mul3A_142, %add3A_262 : i32
      "tpu.region"() ({
        %run_scoped3A = tpu.sem_alloc : memref<!tpu.dma_semaphore, #tpu.memory_space<semaphore_mem>>
        %dma_start3A = arith.constant 0 : i32
        %dma_start3A_264 = tpu.memref_slice %arg4[%arg1, %add3A_263, %dma_start3A] : memref<16x2048x256xf32, #tpu.memory_space<hbm>> -> memref<1x64x256xf32, #tpu.memory_space<hbm>>
        %dma_start3A_265 = tpu.memref_squeeze %dma_start3A_264 : memref<1x64x256xf32, #tpu.memory_space<hbm>> -> memref<64x256xf32, #tpu.memory_space<hbm>>
        %dma_start3A_266 = arith.constant 0 : i32
        %dma_start3A_267 = tpu.memref_slice %arg4[%arg1, %add3A_263, %dma_start3A_266] : memref<16x2048x256xf32, #tpu.memory_space<hbm>> -> memref<1x64x256xf32, #tpu.memory_space<hbm>>
        %dma_start3A_268 = tpu.memref_squeeze %dma_start3A_267 : memref<1x64x256xf32, #tpu.memory_space<hbm>> -> memref<64x256xf32, #tpu.memory_space<hbm>>
        tpu.enqueue_dma source(%arg15 : memref<64x256xf32, #tpu.memory_space<vmem>>) target(%dma_start3A_268 : memref<64x256xf32, #tpu.memory_space<hbm>>) target_semaphore(%run_scoped3A : memref<!tpu.dma_semaphore, #tpu.memory_space<semaphore_mem>>)
        %dma_wait3A = arith.constant 0 : i32
        %dma_wait3A_269 = tpu.memref_slice %arg4[%arg1, %add3A_263, %dma_wait3A] : memref<16x2048x256xf32, #tpu.memory_space<hbm>> -> memref<1x64x256xf32, #tpu.memory_space<hbm>>
        %dma_wait3A_270 = tpu.memref_squeeze %dma_wait3A_269 : memref<1x64x256xf32, #tpu.memory_space<hbm>> -> memref<64x256xf32, #tpu.memory_space<hbm>>
        %dma_wait3A_271 = arith.constant 0 : i32
        %dma_wait3A_272 = tpu.memref_slice %arg4[%arg1, %add3A_263, %dma_wait3A_271] : memref<16x2048x256xf32, #tpu.memory_space<hbm>> -> memref<1x64x256xf32, #tpu.memory_space<hbm>>
        %dma_wait3A_273 = tpu.memref_squeeze %dma_wait3A_272 : memref<1x64x256xf32, #tpu.memory_space<hbm>> -> memref<64x256xf32, #tpu.memory_space<hbm>>
        tpu.wait_dma2 semaphore(%run_scoped3A : memref<!tpu.dma_semaphore, #tpu.memory_space<semaphore_mem>>) src(%arg15 : memref<64x256xf32, #tpu.memory_space<vmem>>) dst(%dma_wait3A_273 : memref<64x256xf32, #tpu.memory_space<hbm>>)
        tpu.yield
      }) : () -> ()
    } else {
    }
    %convert_element_type3A_249 = arith.extui %lt3A_148 : i1 to i32
    %cond3A_250 = arith.constant 0 : i32
    %cond3A_251 = arith.cmpi ne, %convert_element_type3A_249, %cond3A_250 : i32
    scf.if %cond3A_251 {
      %dma_wait3A = tpu.memref_slice %arg10[%mul3A_147] : memref<2048xi32, #tpu.memory_space<vmem>> -> memref<128xi32, #tpu.memory_space<vmem>>
      %dma_wait3A_260 = arith.constant 0 : i32
      %dma_wait3A_261 = arith.constant 0 : i32
      %dma_wait3A_262 = tpu.memref_slice %arg2[%dma_wait3A_260, %dma_wait3A_261] : memref<8192x256xf32, #tpu.memory_space<hbm>> -> memref<8192x256xf32, #tpu.memory_space<hbm>>
      tpu.wait_indirect_dma semaphore(%arg17 : memref<!tpu.dma_semaphore, #tpu.memory_space<semaphore_mem>>) src(%dma_wait3A_262 : memref<8192x256xf32, #tpu.memory_space<hbm>>) dst(%arg13 : memref<128x256xf32, #tpu.memory_space<vmem>>)
    } else {
    }
    %convert_element_type3A_252 = arith.extui %lt3A_148 : i1 to i32
    %cond3A_253 = arith.constant 0 : i32
    %cond3A_254 = arith.cmpi ne, %convert_element_type3A_252, %cond3A_253 : i32
    scf.if %cond3A_254 {
      %sub3A_260 = arith.subi %min3A_7, %mul3A_147 : i32
      %jit3A_261 = arith.constant 0 : i32
      %jit3A_262 = arith.constant 128 : i32
      %max3A = arith.maxsi %jit3A_261, %sub3A_260 : i32
      %min3A_263 = arith.minsi %jit3A_262, %max3A : i32
      %while3A_264 = arith.constant 0 : i32
      %while3A_265 = arith.constant 128 : i32
      %while3A_266 = arith.subi %while3A_265, %min3A_263 : i32
      %while3A_267 = arith.addi %min3A_263, %while3A_266 : i32
      %while3A_268 = arith.constant 1 : i32
      %while3A_269 = arith.divsi %while3A_266, %while3A_268 : i32
      %while3A_270 = arith.muli %while3A_269, %while3A_268 : i32
      %while3A_271 = arith.addi %min3A_263, %while3A_270 : i32
      %while3A_272 = arith.constant 1 : i32
      scf.for %while3A_274 = %min3A_263 to %while3A_271 step %while3A_272  : i32 {
        %swap3A = arith.index_cast %while3A_274 : i32 to index
        %swap3A_275 = arith.constant 0 : index
        %swap3A_276 = tpu.vector_load %arg13[%swap3A, %swap3A_275] {strides = array<i32>} : memref<128x256xf32, #tpu.memory_space<vmem>>, vector<16xf32>,
        tpu.vector_store %arg13[%swap3A, %swap3A_275], %broadcast_in_dim3A_86 {strides = array<i32>} : memref<128x256xf32, #tpu.memory_space<vmem>>, vector<16xf32>,
        %swap3A_277 = arith.index_cast %while3A_274 : i32 to index
        %swap3A_278 = arith.constant 16 : index
        %swap3A_279 = tpu.vector_load %arg13[%swap3A_277, %swap3A_278] {strides = array<i32>} : memref<128x256xf32, #tpu.memory_space<vmem>>, vector<16xf32>,
        tpu.vector_store %arg13[%swap3A_277, %swap3A_278], %broadcast_in_dim3A_86 {strides = array<i32>} : memref<128x256xf32, #tpu.memory_space<vmem>>, vector<16xf32>,
        %swap3A_280 = arith.index_cast %while3A_274 : i32 to index
        %swap3A_281 = arith.constant 32 : index
        %swap3A_282 = tpu.vector_load %arg13[%swap3A_280, %swap3A_281] {strides = array<i32>} : memref<128x256xf32, #tpu.memory_space<vmem>>, vector<16xf32>,
        tpu.vector_store %arg13[%swap3A_280, %swap3A_281], %broadcast_in_dim3A_86 {strides = array<i32>} : memref<128x256xf32, #tpu.memory_space<vmem>>, vector<16xf32>,
        %swap3A_283 = arith.index_cast %while3A_274 : i32 to index
        %swap3A_284 = arith.constant 48 : index
        %swap3A_285 = tpu.vector_load %arg13[%swap3A_283, %swap3A_284] {strides = array<i32>} : memref<128x256xf32, #tpu.memory_space<vmem>>, vector<16xf32>,
        tpu.vector_store %arg13[%swap3A_283, %swap3A_284], %broadcast_in_dim3A_86 {strides = array<i32>} : memref<128x256xf32, #tpu.memory_space<vmem>>, vector<16xf32>,
        %swap3A_286 = arith.index_cast %while3A_274 : i32 to index
        %swap3A_287 = arith.constant 64 : index
        %swap3A_288 = tpu.vector_load %arg13[%swap3A_286, %swap3A_287] {strides = array<i32>} : memref<128x256xf32, #tpu.memory_space<vmem>>, vector<16xf32>,
        tpu.vector_store %arg13[%swap3A_286, %swap3A_287], %broadcast_in_dim3A_86 {strides = array<i32>} : memref<128x256xf32, #tpu.memory_space<vmem>>, vector<16xf32>,
        %swap3A_289 = arith.index_cast %while3A_274 : i32 to index
        %swap3A_290 = arith.constant 80 : index
        %swap3A_291 = tpu.vector_load %arg13[%swap3A_289, %swap3A_290] {strides = array<i32>} : memref<128x256xf32, #tpu.memory_space<vmem>>, vector<16xf32>,
        tpu.vector_store %arg13[%swap3A_289, %swap3A_290], %broadcast_in_dim3A_86 {strides = array<i32>} : memref<128x256xf32, #tpu.memory_space<vmem>>, vector<16xf32>,
        %swap3A_292 = arith.index_cast %while3A_274 : i32 to index
        %swap3A_293 = arith.constant 96 : index
        %swap3A_294 = tpu.vector_load %arg13[%swap3A_292, %swap3A_293] {strides = array<i32>} : memref<128x256xf32, #tpu.memory_space<vmem>>, vector<16xf32>,
        tpu.vector_store %arg13[%swap3A_292, %swap3A_293], %broadcast_in_dim3A_86 {strides = array<i32>} : memref<128x256xf32, #tpu.memory_space<vmem>>, vector<16xf32>,
        %swap3A_295 = arith.index_cast %while3A_274 : i32 to index
        %swap3A_296 = arith.constant 112 : index
        %swap3A_297 = tpu.vector_load %arg13[%swap3A_295, %swap3A_296] {strides = array<i32>} : memref<128x256xf32, #tpu.memory_space<vmem>>, vector<16xf32>,
        tpu.vector_store %arg13[%swap3A_295, %swap3A_296], %broadcast_in_dim3A_86 {strides = array<i32>} : memref<128x256xf32, #tpu.memory_space<vmem>>, vector<16xf32>,
        %swap3A_298 = arith.index_cast %while3A_274 : i32 to index
        %swap3A_299 = arith.constant 128 : index
        %swap3A_300 = tpu.vector_load %arg13[%swap3A_298, %swap3A_299] {strides = array<i32>} : memref<128x256xf32, #tpu.memory_space<vmem>>, vector<16xf32>,
        tpu.vector_store %arg13[%swap3A_298, %swap3A_299], %broadcast_in_dim3A_86 {strides = array<i32>} : memref<128x256xf32, #tpu.memory_space<vmem>>, vector<16xf32>,
        %swap3A_301 = arith.index_cast %while3A_274 : i32 to index
        %swap3A_302 = arith.constant 144 : index
        %swap3A_303 = tpu.vector_load %arg13[%swap3A_301, %swap3A_302] {strides = array<i32>} : memref<128x256xf32, #tpu.memory_space<vmem>>, vector<16xf32>,
        tpu.vector_store %arg13[%swap3A_301, %swap3A_302], %broadcast_in_dim3A_86 {strides = array<i32>} : memref<128x256xf32, #tpu.memory_space<vmem>>, vector<16xf32>,
        %swap3A_304 = arith.index_cast %while3A_274 : i32 to index
        %swap3A_305 = arith.constant 160 : index
        %swap3A_306 = tpu.vector_load %arg13[%swap3A_304, %swap3A_305] {strides = array<i32>} : memref<128x256xf32, #tpu.memory_space<vmem>>, vector<16xf32>,
        tpu.vector_store %arg13[%swap3A_304, %swap3A_305], %broadcast_in_dim3A_86 {strides = array<i32>} : memref<128x256xf32, #tpu.memory_space<vmem>>, vector<16xf32>,
        %swap3A_307 = arith.index_cast %while3A_274 : i32 to index
        %swap3A_308 = arith.constant 176 : index
        %swap3A_309 = tpu.vector_load %arg13[%swap3A_307, %swap3A_308] {strides = array<i32>} : memref<128x256xf32, #tpu.memory_space<vmem>>, vector<16xf32>,
        tpu.vector_store %arg13[%swap3A_307, %swap3A_308], %broadcast_in_dim3A_86 {strides = array<i32>} : memref<128x256xf32, #tpu.memory_space<vmem>>, vector<16xf32>,
        %swap3A_310 = arith.index_cast %while3A_274 : i32 to index
        %swap3A_311 = arith.constant 192 : index
        %swap3A_312 = tpu.vector_load %arg13[%swap3A_310, %swap3A_311] {strides = array<i32>} : memref<128x256xf32, #tpu.memory_space<vmem>>, vector<16xf32>,
        tpu.vector_store %arg13[%swap3A_310, %swap3A_311], %broadcast_in_dim3A_86 {strides = array<i32>} : memref<128x256xf32, #tpu.memory_space<vmem>>, vector<16xf32>,
        %swap3A_313 = arith.index_cast %while3A_274 : i32 to index
        %swap3A_314 = arith.constant 208 : index
        %swap3A_315 = tpu.vector_load %arg13[%swap3A_313, %swap3A_314] {strides = array<i32>} : memref<128x256xf32, #tpu.memory_space<vmem>>, vector<16xf32>,
        tpu.vector_store %arg13[%swap3A_313, %swap3A_314], %broadcast_in_dim3A_86 {strides = array<i32>} : memref<128x256xf32, #tpu.memory_space<vmem>>, vector<16xf32>,
        %swap3A_316 = arith.index_cast %while3A_274 : i32 to index
        %swap3A_317 = arith.constant 224 : index
        %swap3A_318 = tpu.vector_load %arg13[%swap3A_316, %swap3A_317] {strides = array<i32>} : memref<128x256xf32, #tpu.memory_space<vmem>>, vector<16xf32>,
        tpu.vector_store %arg13[%swap3A_316, %swap3A_317], %broadcast_in_dim3A_86 {strides = array<i32>} : memref<128x256xf32, #tpu.memory_space<vmem>>, vector<16xf32>,
        %swap3A_319 = arith.index_cast %while3A_274 : i32 to index
        %swap3A_320 = arith.constant 240 : index
        %swap3A_321 = tpu.vector_load %arg13[%swap3A_319, %swap3A_320] {strides = array<i32>} : memref<128x256xf32, #tpu.memory_space<vmem>>, vector<16xf32>,
        tpu.vector_store %arg13[%swap3A_319, %swap3A_320], %broadcast_in_dim3A_86 {strides = array<i32>} : memref<128x256xf32, #tpu.memory_space<vmem>>, vector<16xf32>,
      }
      %while3A_273 = arith.constant 1 : i32
      scf.for %while3A_274 = %while3A_271 to %while3A_267 step %while3A_273  : i32 {
        %swap3A = arith.index_cast %while3A_274 : i32 to index
        %swap3A_275 = arith.constant 0 : index
        %swap3A_276 = tpu.vector_load %arg13[%swap3A, %swap3A_275] {strides = array<i32>} : memref<128x256xf32, #tpu.memory_space<vmem>>, vector<16xf32>,
        tpu.vector_store %arg13[%swap3A, %swap3A_275], %broadcast_in_dim3A_86 {strides = array<i32>} : memref<128x256xf32, #tpu.memory_space<vmem>>, vector<16xf32>,
        %swap3A_277 = arith.index_cast %while3A_274 : i32 to index
        %swap3A_278 = arith.constant 16 : index
        %swap3A_279 = tpu.vector_load %arg13[%swap3A_277, %swap3A_278] {strides = array<i32>} : memref<128x256xf32, #tpu.memory_space<vmem>>, vector<16xf32>,
        tpu.vector_store %arg13[%swap3A_277, %swap3A_278], %broadcast_in_dim3A_86 {strides = array<i32>} : memref<128x256xf32, #tpu.memory_space<vmem>>, vector<16xf32>,
        %swap3A_280 = arith.index_cast %while3A_274 : i32 to index
        %swap3A_281 = arith.constant 32 : index
        %swap3A_282 = tpu.vector_load %arg13[%swap3A_280, %swap3A_281] {strides = array<i32>} : memref<128x256xf32, #tpu.memory_space<vmem>>, vector<16xf32>,
        tpu.vector_store %arg13[%swap3A_280, %swap3A_281], %broadcast_in_dim3A_86 {strides = array<i32>} : memref<128x256xf32, #tpu.memory_space<vmem>>, vector<16xf32>,
        %swap3A_283 = arith.index_cast %while3A_274 : i32 to index
        %swap3A_284 = arith.constant 48 : index
        %swap3A_285 = tpu.vector_load %arg13[%swap3A_283, %swap3A_284] {strides = array<i32>} : memref<128x256xf32, #tpu.memory_space<vmem>>, vector<16xf32>,
        tpu.vector_store %arg13[%swap3A_283, %swap3A_284], %broadcast_in_dim3A_86 {strides = array<i32>} : memref<128x256xf32, #tpu.memory_space<vmem>>, vector<16xf32>,
        %swap3A_286 = arith.index_cast %while3A_274 : i32 to index
        %swap3A_287 = arith.constant 64 : index
        %swap3A_288 = tpu.vector_load %arg13[%swap3A_286, %swap3A_287] {strides = array<i32>} : memref<128x256xf32, #tpu.memory_space<vmem>>, vector<16xf32>,
        tpu.vector_store %arg13[%swap3A_286, %swap3A_287], %broadcast_in_dim3A_86 {strides = array<i32>} : memref<128x256xf32, #tpu.memory_space<vmem>>, vector<16xf32>,
        %swap3A_289 = arith.index_cast %while3A_274 : i32 to index
        %swap3A_290 = arith.constant 80 : index
        %swap3A_291 = tpu.vector_load %arg13[%swap3A_289, %swap3A_290] {strides = array<i32>} : memref<128x256xf32, #tpu.memory_space<vmem>>, vector<16xf32>,
        tpu.vector_store %arg13[%swap3A_289, %swap3A_290], %broadcast_in_dim3A_86 {strides = array<i32>} : memref<128x256xf32, #tpu.memory_space<vmem>>, vector<16xf32>,
        %swap3A_292 = arith.index_cast %while3A_274 : i32 to index
        %swap3A_293 = arith.constant 96 : index
        %swap3A_294 = tpu.vector_load %arg13[%swap3A_292, %swap3A_293] {strides = array<i32>} : memref<128x256xf32, #tpu.memory_space<vmem>>, vector<16xf32>,
        tpu.vector_store %arg13[%swap3A_292, %swap3A_293], %broadcast_in_dim3A_86 {strides = array<i32>} : memref<128x256xf32, #tpu.memory_space<vmem>>, vector<16xf32>,
        %swap3A_295 = arith.index_cast %while3A_274 : i32 to index
        %swap3A_296 = arith.constant 112 : index
        %swap3A_297 = tpu.vector_load %arg13[%swap3A_295, %swap3A_296] {strides = array<i32>} : memref<128x256xf32, #tpu.memory_space<vmem>>, vector<16xf32>,
        tpu.vector_store %arg13[%swap3A_295, %swap3A_296], %broadcast_in_dim3A_86 {strides = array<i32>} : memref<128x256xf32, #tpu.memory_space<vmem>>, vector<16xf32>,
        %swap3A_298 = arith.index_cast %while3A_274 : i32 to index
        %swap3A_299 = arith.constant 128 : index
        %swap3A_300 = tpu.vector_load %arg13[%swap3A_298, %swap3A_299] {strides = array<i32>} : memref<128x256xf32, #tpu.memory_space<vmem>>, vector<16xf32>,
        tpu.vector_store %arg13[%swap3A_298, %swap3A_299], %broadcast_in_dim3A_86 {strides = array<i32>} : memref<128x256xf32, #tpu.memory_space<vmem>>, vector<16xf32>,
        %swap3A_301 = arith.index_cast %while3A_274 : i32 to index
        %swap3A_302 = arith.constant 144 : index
        %swap3A_303 = tpu.vector_load %arg13[%swap3A_301, %swap3A_302] {strides = array<i32>} : memref<128x256xf32, #tpu.memory_space<vmem>>, vector<16xf32>,
        tpu.vector_store %arg13[%swap3A_301, %swap3A_302], %broadcast_in_dim3A_86 {strides = array<i32>} : memref<128x256xf32, #tpu.memory_space<vmem>>, vector<16xf32>,
        %swap3A_304 = arith.index_cast %while3A_274 : i32 to index
        %swap3A_305 = arith.constant 160 : index
        %swap3A_306 = tpu.vector_load %arg13[%swap3A_304, %swap3A_305] {strides = array<i32>} : memref<128x256xf32, #tpu.memory_space<vmem>>, vector<16xf32>,
        tpu.vector_store %arg13[%swap3A_304, %swap3A_305], %broadcast_in_dim3A_86 {strides = array<i32>} : memref<128x256xf32, #tpu.memory_space<vmem>>, vector<16xf32>,
        %swap3A_307 = arith.index_cast %while3A_274 : i32 to index
        %swap3A_308 = arith.constant 176 : index
        %swap3A_309 = tpu.vector_load %arg13[%swap3A_307, %swap3A_308] {strides = array<i32>} : memref<128x256xf32, #tpu.memory_space<vmem>>, vector<16xf32>,
        tpu.vector_store %arg13[%swap3A_307, %swap3A_308], %broadcast_in_dim3A_86 {strides = array<i32>} : memref<128x256xf32, #tpu.memory_space<vmem>>, vector<16xf32>,
        %swap3A_310 = arith.index_cast %while3A_274 : i32 to index
        %swap3A_311 = arith.constant 192 : index
        %swap3A_312 = tpu.vector_load %arg13[%swap3A_310, %swap3A_311] {strides = array<i32>} : memref<128x256xf32, #tpu.memory_space<vmem>>, vector<16xf32>,
        tpu.vector_store %arg13[%swap3A_310, %swap3A_311], %broadcast_in_dim3A_86 {strides = array<i32>} : memref<128x256xf32, #tpu.memory_space<vmem>>, vector<16xf32>,
        %swap3A_313 = arith.index_cast %while3A_274 : i32 to index
        %swap3A_314 = arith.constant 208 : index
        %swap3A_315 = tpu.vector_load %arg13[%swap3A_313, %swap3A_314] {strides = array<i32>} : memref<128x256xf32, #tpu.memory_space<vmem>>, vector<16xf32>,
        tpu.vector_store %arg13[%swap3A_313, %swap3A_314], %broadcast_in_dim3A_86 {strides = array<i32>} : memref<128x256xf32, #tpu.memory_space<vmem>>, vector<16xf32>,
        %swap3A_316 = arith.index_cast %while3A_274 : i32 to index
        %swap3A_317 = arith.constant 224 : index
        %swap3A_318 = tpu.vector_load %arg13[%swap3A_316, %swap3A_317] {strides = array<i32>} : memref<128x256xf32, #tpu.memory_space<vmem>>, vector<16xf32>,
        tpu.vector_store %arg13[%swap3A_316, %swap3A_317], %broadcast_in_dim3A_86 {strides = array<i32>} : memref<128x256xf32, #tpu.memory_space<vmem>>, vector<16xf32>,
        %swap3A_319 = arith.index_cast %while3A_274 : i32 to index
        %swap3A_320 = arith.constant 240 : index
        %swap3A_321 = tpu.vector_load %arg13[%swap3A_319, %swap3A_320] {strides = array<i32>} : memref<128x256xf32, #tpu.memory_space<vmem>>, vector<16xf32>,
        tpu.vector_store %arg13[%swap3A_319, %swap3A_320], %broadcast_in_dim3A_86 {strides = array<i32>} : memref<128x256xf32, #tpu.memory_space<vmem>>, vector<16xf32>,
      }
      "tpu.region"() ({
        %run_scoped3A = tpu.sem_alloc : memref<!tpu.dma_semaphore, #tpu.memory_space<semaphore_mem>>
        %dma_start3A = arith.constant 0 : i32
        %dma_start3A_274 = tpu.memref_slice %arg4[%arg1, %mul3A_147, %dma_start3A] : memref<16x2048x256xf32, #tpu.memory_space<hbm>> -> memref<1x128x256xf32, #tpu.memory_space<hbm>>
        %dma_start3A_275 = tpu.memref_squeeze %dma_start3A_274 : memref<1x128x256xf32, #tpu.memory_space<hbm>> -> memref<128x256xf32, #tpu.memory_space<hbm>>
        %dma_start3A_276 = arith.constant 0 : i32
        %dma_start3A_277 = tpu.memref_slice %arg4[%arg1, %mul3A_147, %dma_start3A_276] : memref<16x2048x256xf32, #tpu.memory_space<hbm>> -> memref<1x128x256xf32, #tpu.memory_space<hbm>>
        %dma_start3A_278 = tpu.memref_squeeze %dma_start3A_277 : memref<1x128x256xf32, #tpu.memory_space<hbm>> -> memref<128x256xf32, #tpu.memory_space<hbm>>
        tpu.enqueue_dma source(%arg13 : memref<128x256xf32, #tpu.memory_space<vmem>>) target(%dma_start3A_278 : memref<128x256xf32, #tpu.memory_space<hbm>>) target_semaphore(%run_scoped3A : memref<!tpu.dma_semaphore, #tpu.memory_space<semaphore_mem>>)
        %dma_wait3A = arith.constant 0 : i32
        %dma_wait3A_279 = tpu.memref_slice %arg4[%arg1, %mul3A_147, %dma_wait3A] : memref<16x2048x256xf32, #tpu.memory_space<hbm>> -> memref<1x128x256xf32, #tpu.memory_space<hbm>>
        %dma_wait3A_280 = tpu.memref_squeeze %dma_wait3A_279 : memref<1x128x256xf32, #tpu.memory_space<hbm>> -> memref<128x256xf32, #tpu.memory_space<hbm>>
        %dma_wait3A_281 = arith.constant 0 : i32
        %dma_wait3A_282 = tpu.memref_slice %arg4[%arg1, %mul3A_147, %dma_wait3A_281] : memref<16x2048x256xf32, #tpu.memory_space<hbm>> -> memref<1x128x256xf32, #tpu.memory_space<hbm>>
        %dma_wait3A_283 = tpu.memref_squeeze %dma_wait3A_282 : memref<1x128x256xf32, #tpu.memory_space<hbm>> -> memref<128x256xf32, #tpu.memory_space<hbm>>
        tpu.wait_dma2 semaphore(%run_scoped3A : memref<!tpu.dma_semaphore, #tpu.memory_space<semaphore_mem>>) src(%arg13 : memref<128x256xf32, #tpu.memory_space<vmem>>) dst(%dma_wait3A_283 : memref<128x256xf32, #tpu.memory_space<hbm>>)
        tpu.yield
      }) : () -> ()
    } else {
    }
    %not3A_255 = arith.constant true
    %not3A_256 = arith.xori %lt3A_148, %not3A_255 : i1
    %convert_element_type3A_257 = arith.extui %not3A_256 : i1 to i32
    %cond3A_258 = arith.constant 0 : i32
    %cond3A_259 = arith.cmpi ne, %convert_element_type3A_257, %cond3A_258 : i32
    scf.if %cond3A_259 {
      %add3A_260 = arith.constant 0 : i32
      %add3A_261 = arith.addi %mul3A_147, %add3A_260 : i32
      "tpu.region"() ({
        %run_scoped3A = tpu.sem_alloc : memref<!tpu.dma_semaphore, #tpu.memory_space<semaphore_mem>>
        %dma_start3A = arith.constant 0 : i32
        %dma_start3A_264 = tpu.memref_slice %arg4[%arg1, %add3A_261, %dma_start3A] : memref<16x2048x256xf32, #tpu.memory_space<hbm>> -> memref<1x64x256xf32, #tpu.memory_space<hbm>>
        %dma_start3A_265 = tpu.memref_squeeze %dma_start3A_264 : memref<1x64x256xf32, #tpu.memory_space<hbm>> -> memref<64x256xf32, #tpu.memory_space<hbm>>
        %dma_start3A_266 = arith.constant 0 : i32
        %dma_start3A_267 = tpu.memref_slice %arg4[%arg1, %add3A_261, %dma_start3A_266] : memref<16x2048x256xf32, #tpu.memory_space<hbm>> -> memref<1x64x256xf32, #tpu.memory_space<hbm>>
        %dma_start3A_268 = tpu.memref_squeeze %dma_start3A_267 : memref<1x64x256xf32, #tpu.memory_space<hbm>> -> memref<64x256xf32, #tpu.memory_space<hbm>>
        tpu.enqueue_dma source(%arg15 : memref<64x256xf32, #tpu.memory_space<vmem>>) target(%dma_start3A_268 : memref<64x256xf32, #tpu.memory_space<hbm>>) target_semaphore(%run_scoped3A : memref<!tpu.dma_semaphore, #tpu.memory_space<semaphore_mem>>)
        %dma_wait3A = arith.constant 0 : i32
        %dma_wait3A_269 = tpu.memref_slice %arg4[%arg1, %add3A_261, %dma_wait3A] : memref<16x2048x256xf32, #tpu.memory_space<hbm>> -> memref<1x64x256xf32, #tpu.memory_space<hbm>>
        %dma_wait3A_270 = tpu.memref_squeeze %dma_wait3A_269 : memref<1x64x256xf32, #tpu.memory_space<hbm>> -> memref<64x256xf32, #tpu.memory_space<hbm>>
        %dma_wait3A_271 = arith.constant 0 : i32
        %dma_wait3A_272 = tpu.memref_slice %arg4[%arg1, %add3A_261, %dma_wait3A_271] : memref<16x2048x256xf32, #tpu.memory_space<hbm>> -> memref<1x64x256xf32, #tpu.memory_space<hbm>>
        %dma_wait3A_273 = tpu.memref_squeeze %dma_wait3A_272 : memref<1x64x256xf32, #tpu.memory_space<hbm>> -> memref<64x256xf32, #tpu.memory_space<hbm>>
        tpu.wait_dma2 semaphore(%run_scoped3A : memref<!tpu.dma_semaphore, #tpu.memory_space<semaphore_mem>>) src(%arg15 : memref<64x256xf32, #tpu.memory_space<vmem>>) dst(%dma_wait3A_273 : memref<64x256xf32, #tpu.memory_space<hbm>>)
        tpu.yield
      }) : () -> ()
      %add3A_262 = arith.constant 64 : i32
      %add3A_263 = arith.addi %mul3A_147, %add3A_262 : i32
      "tpu.region"() ({
        %run_scoped3A = tpu.sem_alloc : memref<!tpu.dma_semaphore, #tpu.memory_space<semaphore_mem>>
        %dma_start3A = arith.constant 0 : i32
        %dma_start3A_264 = tpu.memref_slice %arg4[%arg1, %add3A_263, %dma_start3A] : memref<16x2048x256xf32, #tpu.memory_space<hbm>> -> memref<1x64x256xf32, #tpu.memory_space<hbm>>
        %dma_start3A_265 = tpu.memref_squeeze %dma_start3A_264 : memref<1x64x256xf32, #tpu.memory_space<hbm>> -> memref<64x256xf32, #tpu.memory_space<hbm>>
        %dma_start3A_266 = arith.constant 0 : i32
        %dma_start3A_267 = tpu.memref_slice %arg4[%arg1, %add3A_263, %dma_start3A_266] : memref<16x2048x256xf32, #tpu.memory_space<hbm>> -> memref<1x64x256xf32, #tpu.memory_space<hbm>>
        %dma_start3A_268 = tpu.memref_squeeze %dma_start3A_267 : memref<1x64x256xf32, #tpu.memory_space<hbm>> -> memref<64x256xf32, #tpu.memory_space<hbm>>
        tpu.enqueue_dma source(%arg15 : memref<64x256xf32, #tpu.memory_space<vmem>>) target(%dma_start3A_268 : memref<64x256xf32, #tpu.memory_space<hbm>>) target_semaphore(%run_scoped3A : memref<!tpu.dma_semaphore, #tpu.memory_space<semaphore_mem>>)
        %dma_wait3A = arith.constant 0 : i32
        %dma_wait3A_269 = tpu.memref_slice %arg4[%arg1, %add3A_263, %dma_wait3A] : memref<16x2048x256xf32, #tpu.memory_space<hbm>> -> memref<1x64x256xf32, #tpu.memory_space<hbm>>
        %dma_wait3A_270 = tpu.memref_squeeze %dma_wait3A_269 : memref<1x64x256xf32, #tpu.memory_space<hbm>> -> memref<64x256xf32, #tpu.memory_space<hbm>>
        %dma_wait3A_271 = arith.constant 0 : i32
        %dma_wait3A_272 = tpu.memref_slice %arg4[%arg1, %add3A_263, %dma_wait3A_271] : memref<16x2048x256xf32, #tpu.memory_space<hbm>> -> memref<1x64x256xf32, #tpu.memory_space<hbm>>
        %dma_wait3A_273 = tpu.memref_squeeze %dma_wait3A_272 : memref<1x64x256xf32, #tpu.memory_space<hbm>> -> memref<64x256xf32, #tpu.memory_space<hbm>>
        tpu.wait_dma2 semaphore(%run_scoped3A : memref<!tpu.dma_semaphore, #tpu.memory_space<semaphore_mem>>) src(%arg15 : memref<64x256xf32, #tpu.memory_space<vmem>>) dst(%dma_wait3A_273 : memref<64x256xf32, #tpu.memory_space<hbm>>)
        tpu.yield
      }) : () -> ()
    } else {
    }
    return
  }
}

</mosaic_0001>

<sc_bundles>
// kernel: kernel.3.cloned.1.call-start
scs
__scs_entry_jumppad:
0x0: {  	(pc) =	sbr.rel $0x88, $3  }
0x1: {  	(tag) =	ssettag $0x0;
	lr =	simm.s32 $0x1  }
0x2: {  	[smem:$0x3F9F] =	sst lr;
	_ =	strace $0xD0000000  }
0x3: {  	_ = 	snop  }
0x4: {  	_ = 	snop  }
0x5: {  	_ = 	snop  }
0x6: {  	_ = 	snop  }
0x7: {  	_ = 	snop  }
__scs_overlays_trampoline_lowered:
0x8: {  	[smem:$0x3FAE] =	sst s0  }
0x9: {  	[smem:$0x3FAF] =	sst s1  }
0xa: {  	[smem:$0x3FB0] =	sst s2  }
0xb: {  	[smem:$0x3FB1] =	sst s3  }
0xc: {  	[smem:$0x3FB2] =	sst s4  }
0xd: {  	[smem:$0x3FB3] =	sst s5  }
0xe: {  	[smem:$0x3FB4] =	sst s6  }
0xf: {  	[smem:$0x3FB5] =	sst s7  }
0x10: {  	[smem:$0x3FB6] =	sst s8  }
0x11: {  	[smem:$0x3FB7] =	sst s9;
	s0 =	simm.s32 @!p0 $0x0  }
0x12: {  	s1 =	sld [smem:$0x3F9D];
	s0 =	simm.s32 @p0 $0x1  }
0x13: {  	[smem:$0x3FB8] =	sst s0;
	s0 =	simm.s32 @!p1 $0x0  }
0x14: {  	s2 =	sld [smem:$0x3F9C];
	s0 =	simm.s32 @p1 $0x1  }
0x15: {  	[smem:$0x3FB9] =	sst s0;
	s0 =	simm.s32 @!p2 $0x0  }
0x16: {  	s3 =	sld [smem:$0x3FDB];
	s0 =	simm.s32 @p2 $0x1  }
0x17: {  	s4 =	simm.s32 $0x1BF5;
	[smem:$0x3FBB] =	sst s0  }
0x18: {  	s0 =	sld [smem:$0x3F9E];
	_ =	swait.ge [sflag:s4], $0x0  }
0x19: {  	s7 =	sld [smem:$0x3F9F]  }
0x1a: {  	s8 =	sadd.s32 $0xFFFFE003, lr  }
0x1b: {  	s9 =	sadd.s32 $0xFFFFFEF7, lr;
	s5 =	simm.s32 $0xFFFFFFFF;
	p2 =	slt.u32 s8, $0xFFFFF086  }
0x1c: {  	p1 =	slt.u32 s9, $0xF7A;
	s5 =	simm.s32 @!p2 $0x0  }
0x1d: {  	s5 =	simm.s32 @p1 $0x1;
	p0 =	seq.s32 s7, s2  }
0x1e: {  	s7 =	smul.u32 @!p0 $0xF7A, s2;
	p2 =	seq.s32 @!p0 s5, $0x0  }
0x1f: {  	s9 =	smul.u32 $0xF7A, s1;
	s8 =	simm.s32 @!p0 $0x1BF5;
	p2 =	por !p2, p0  }
0x20: {  	[sflag:s8] =	ssyncset.s32 @!p0 $0xFFFFF086;
	s6 =	sadd.s32 @!p0 s3, s7;
	s7 =	simm.s32 @!p0 $0x108  }
0x21: {  	s3 =	sadd.s32 s3, s9;
	s6 =	sadd.s32 @!p0 $0x88, s6;
	s7 =	simm.s32 @p2 $0x1082  }
0x22: {  	[simem:s7], [sflag:s8] =	dma.local @!p0 [hbm:s6], $0xF7A  }
0x23: {  	s9 =	sor.u32 $0xD0000000, s2;
	s6 =	simm.s32 $0x108;
	_ =	swait.ge @!p0 [sflag:s8], $0x0  }
0x24: {  	s3 =	sadd.s32 $0x88, s3;
	s6 =	simm.s32 @!p1 $0x1082;
	[sflag:s4] =	ssyncset.s32 $0xFFFFF086  }
0x25: {  	[simem:s6], [sflag:s4] =	dma.local [hbm:s3], $0xF7A  }
0x26: {  	[smem:$0x3F9F] =	sst s1;
	(tag) =	ssettag s2;
	_ =	strace s9  }
0x27: {  	s1 =	sld [smem:$0x3FAF]  }
0x28: {  	s2 =	sld [smem:$0x3FB0]  }
0x29: {  	s4 =	sld [smem:$0x3FB2]  }
0x2a: {  	p0 =	seq.s32 s5, $0x0;
	s5 =	sld [smem:$0x3FB3]  }
0x2b: {  	s6 =	sld [smem:$0x3FB4]  }
0x2c: {  	s7 =	sld [smem:$0x3FB5]  }
0x2d: {  	s3 =	simm.s32 $0x108;
	s8 =	sld [smem:$0x3FB6]  }
0x2e: {  	s3 =	simm.s32 @!p0 $0x1082;
	s9 =	sld [smem:$0x3FB7]  }
0x2f: {  	lr =	sadd.s32 s0, s3;
	s0 =	sld [smem:$0x3FAE]  }
0x30: {  	s3 =	sld [smem:$0x3FB1]  }
0x31: {  	[smem:$0x3FBA] =	sst s10  }
0x32: {  	s10 =	sld [smem:$0x3FB8];
	_ =	sdelay $0x3  }
0x33: {  	p0 =	seq.s32 s10, $0x1;
	s10 =	sld [smem:$0x3FBA];
	_ =	sdelay $0x3  }
0x34: {  	[smem:$0x3FBA] =	sst s10  }
0x35: {  	s10 =	sld [smem:$0x3FB9];
	_ =	sdelay $0x3  }
0x36: {  	p1 =	seq.s32 s10, $0x1;
	s10 =	sld [smem:$0x3FBA];
	_ =	sdelay $0x3  }
0x37: {  	[smem:$0x3FBA] =	sst s10  }
0x38: {  	s10 =	sld [smem:$0x3FBB]  }
0x39: {  	_ = 	snop;
	(pc) =	sbr.ind lr, $3  }
0x3a: {  	_ = 	snop  }
0x3b: {  	_ = 	snop  }
0x3c: {  	p2 =	seq.s32 s10, $0x1;
	s10 =	sld [smem:$0x3FBA]  }
0x3d: {  	_ =	shalt  }
0x3e: {  	_ =	shalt  }
0x3f: {  	_ =	shalt  }
0x40: {  	_ =	shalt  }
0x41: {  	_ =	shalt  }
0x42: {  	_ =	shalt  }
0x43: {  	_ =	shalt  }
0x44: {  	_ =	shalt  }
0x45: {  	_ =	shalt  }
0x46: {  	_ =	shalt  }
0x47: {  	_ =	shalt  }
0x48: {  	_ =	shalt  }
0x49: {  	_ =	shalt  }
0x4a: {  	_ =	shalt  }
0x4b: {  	_ =	shalt  }
0x4c: {  	_ =	shalt  }
0x4d: {  	_ =	shalt  }
0x4e: {  	_ =	shalt  }
0x4f: {  	_ =	shalt  }
0x50: {  	_ =	shalt  }
0x51: {  	_ =	shalt  }
0x52: {  	_ =	shalt  }
0x53: {  	_ =	shalt  }
0x54: {  	_ =	shalt  }
0x55: {  	_ =	shalt  }
0x56: {  	_ =	shalt  }
0x57: {  	_ =	shalt  }
0x58: {  	_ =	shalt  }
0x59: {  	_ =	shalt  }
0x5a: {  	_ =	shalt  }
0x5b: {  	_ =	shalt  }
0x5c: {  	_ =	shalt  }
0x5d: {  	_ =	shalt  }
0x5e: {  	_ =	shalt  }
0x5f: {  	_ =	shalt  }
0x60: {  	_ =	shalt  }
0x61: {  	_ =	shalt  }
0x62: {  	_ =	shalt  }
0x63: {  	_ =	shalt  }
0x64: {  	_ =	shalt  }
0x65: {  	_ =	shalt  }
0x66: {  	_ =	shalt  }
0x67: {  	_ =	shalt  }
0x68: {  	_ =	shalt  }
0x69: {  	_ =	shalt  }
0x6a: {  	_ =	shalt  }
0x6b: {  	_ =	shalt  }
0x6c: {  	_ =	shalt  }
0x6d: {  	_ =	shalt  }
0x6e: {  	_ =	shalt  }
0x6f: {  	_ =	shalt  }
0x70: {  	_ =	shalt  }
0x71: {  	_ =	shalt  }
0x72: {  	_ =	shalt  }
0x73: {  	_ =	shalt  }
0x74: {  	_ =	shalt  }
0x75: {  	_ =	shalt  }
0x76: {  	_ =	shalt  }
0x77: {  	_ =	shalt  }
0x78: {  	_ =	shalt  }
0x79: {  	_ =	shalt  }
0x7a: {  	_ =	shalt  }
0x7b: {  	_ =	shalt  }
0x7c: {  	_ =	shalt  }
0x7d: {  	_ =	shalt  }
0x7e: {  	_ =	shalt  }
0x7f: {  	_ =	shalt  }
0x80: {  	_ =	shalt  }
0x81: {  	_ =	shalt  }
0x82: {  	_ =	shalt  }
0x83: {  	_ =	shalt  }
0x84: {  	_ =	shalt  }
0x85: {  	_ =	shalt  }
0x86: {  	_ =	shalt  }
0x87: {  	_ =	shalt  }
.Lfunc_end0:
.L_simem_size_0:
called_computation_lowered:
.L_overlay_start_0:
0x88: {  	s2 =	sld [smem:$0x3FD9]  }
0x89: {  	s3 =	sld [smem:$0x3FFE];
	_ =	sdelay $0x1  }
0x8a: {  	s1 =	srdreg.scid  }
0x8b: {  	s0 =	sand.u32 $0x1, s1  }
0x8c: {  	s14 =	sshll.u32 s0, $0xA;
	s2 =	sadd.s32 s3, s2  }
0x8d: {  	s2 =	sadd.s32 s2, s14  }
0x8e: {  	[smem:$0x3FC6] =	sst s2  }
0x8f: {  	_ = 	snop  }
0x90: {  	s2 =	sld [smem:$0x3FD0];
	_ =	sdelay $0x1  }
0x91: {  	s15 =	sld [smem:$0x3FC9]  }
0x92: {  	s5 =	simm.s32 $0xA;
	s6 =	simm.s32 $0x10;
	s4 =	sld [smem:$0x3FC8]  }
0x93: {  	[smem:s6], [sflag:s5] =	dma.local [hbm:s2], $0x1  }
0x94: {  	_ =	swait.eq [sflag:s5], $0x1  }
0x95: {  	[sflag:s5] =	ssyncset.done $0x0  }
0x96: {  	[sflag:s5] =	ssyncadd.s32 $0xFFFFFFFF  }
0x97: {  	s16 =	sld [smem:$0x10];
	(tm) =	ssettm $0x1  }
0x98: {  	s17 =	sld [smem:$0x3FFB];
	_ =	sdelay $0x3  }
0x99: {  	_ =	strace s17  }
0x9a: {  	s5 =	sld [smem:$0x3FFC];
	_ =	sdelay $0x3  }
0x9b: {  	_ =	strace s5  }
0x9c: {  	s5 =	sld [smem:$0x3FFD];
	_ =	sdelay $0x3  }
0x9d: {  	_ =	strace s5  }
0x9e: {  	_ =	strace $0x8FFFFFFF  }
0x9f: {  	s18 =	sld [smem:$0x3FDB];
	_ =	sdelay $0x1  }
0xa0: {  	s19 =	simm.s32 $_scs_section_size  }
0xa1: {  	s7 =	simm.s32 $_size__tile_overlayer_lowered;
	s8 =	simm.s32 $_tile_overlayer_lowered  }
0xa2: {  	s22 =	simm.s32 $0x1BFF;
	s21 =	sshll.u32 s8, $0x1;
	s5 =	sadd.s32 s19, s18  }
0xa3: {  	s9 =	simm.s32 $0x0;
	s20 =	sshll.u32 s7, $0x1;
	s7 =	sadd.s32 s21, s5  }
0xa4: {  	[timem:s9], [sflag:s22] =	dma.local [hbm:s7], s20  }
0xa5: {  	_ =	swait.ge [sflag:s22], s20  }
0xa6: {  	s6 =	ssub.s32 $0x0, s20;
	[sflag:s22] =	ssyncset.done $0x0  }
0xa7: {  	[sflag:s22] =	ssyncadd.s32 s6;
	_ =	sdelay $0x1  }
0xa8: {  	s23 =	simm.s32 $0x1B8B  }
0xa9: {  	_ =	swait.ge [sflag:s23], $0x1  }
0xaa: {  	[sflag:s23] =	ssyncset.done $0x0  }
0xab: {  	s25 =	simm.s32 $0x1B8E;
	s24 =	sld [smem:$0x3FFE];
	[sflag:s23] =	ssyncadd.s32 $0xFFFFFFFF  }
0xac: {  	s26 =	simm.s32 $execute0_lowered;
	[smem:$0x3FD2] =	sst s25  }
0xad: {  	s7 =	sshll.u32 s26, $0x1;
	_ =	strace $0x80000046;
	[dreg:$0x1] =	wrdreg $0xFFFFFFFF  }
0xae: {  	s28 =	simm.s32 $_size_execute0_lowered;
	s5 =	sadd.s32 s5, s7;
	[dreg:$0x0] =	wrdreg $0x0  }
0xaf: {  	s7 =	sshll.u32 s28, $0x1;
	[dreg:$0x2] =	wrdreg s5  }
0xb0: {  	[dreg:$0x3] =	wrdreg s7  }
0xb1: {  	[dreg:$0x4] =	wrdreg $0xC0  }
0xb2: {  	_ =	task [dreg:s9], $0x5FFFF  }
0xb3: {  	[dreg:$0x1] =	wrdreg $0xFFFFFFFF  }
0xb4: {  	[dreg:$0x0] =	wrdreg $0x60  }
0xb5: {  	[dreg:$0x2] =	wrdreg s15  }
0xb6: {  	[dreg:$0x3] =	wrdreg s4  }
0xb7: {  	[dreg:$0x4] =	wrdreg s16  }
0xb8: {  	[dreg:$0x5] =	wrdreg s24  }
0xb9: {  	[dreg:$0x6] =	wrdreg $0x9  }
0xba: {  	_ =	task.clear_ibuf [dreg:s9], $0x7FFFF;
	_ =	strace $0x90000046  }
0xbb: {  	s29 =	simm.s32 $0x9;
	_ =	strace $0x80000048  }
0xbc: {  	_ =	swait.ge [sflag:s29], $0x1  }
0xbd: {  	[sflag:s29] =	ssyncadd.s32 $0xFFFFFFFF  }
0xbe: {  	_ =	strace $0x90000048  }
0xbf: {  	_ =	sfence  }
0xc0: {  	s30 =	sld [smem:$0x0];
	_ =	sdelay $0x2  }
0xc1: {  	s31 =	sshll.u32 s1, $0xD;
	s1 =	sshrl.u32 s1, $0x2  }
0xc2: {  	s3 =	sand.u32 $0x4000, s31;
	s1 =	sadd.s32 s1, s30  }
0xc3: {  	s0 =	sor.u32 s3, s0;
	s1 =	sshll.u32 s1, $0x11  }
0xc4: {  	s0 =	sor.u32 s1, s0  }
0xc5: {  	s0 =	sadd.s32 $0x8F2B, s0  }
0xc6: {  	[sflag:s0] =	ssyncadd.remote.s32 $0x1  }
0xc7: {  	_ =	sfence.sel $0xFFFF  }
0xc8: {  	[dreg:$0x0] =	wrdreg $0xFFFFFFFF;
	(pc) =	sbr.abs _section_cstart, $3  }
0xc9: {  	[dreg:$0x1] =	wrdreg $0xFFFFFFFF  }
0xca: {  	_ =	task.clear_ibuf [dreg:s9], $0x2FFFF;
	_ =	strace $0x9FFFFFFF  }
0xcb: {  	(tm) =	ssettm $0x7FFFFFFF  }
tec
execute0_lowered:
.L_overlay_start_1:
0x0: {  	(tag) =	ssettag $0x1  }
0x1: {  	s3 =	rddreg [dreg:$0x1]  }
0x2: {  	s14 =	rddreg [dreg:$0x2]  }
0x3: {  	s25 =	stileid.u32;
	s5 =	rddreg [dreg:$0x3];
	s1 =	simm.s32 $0x0  }
0x4: {  	s6 =	srdreg.scid;
	s2 =	sshrl.u32 s25, $0x3;
	s0 =	sshll.u32 s25, $0x7  }
0x5: {  	[smem:$0x7FF] =	sst s1;
	s11 =	sand.u32 $0x1, s6;
	s6 =	sadd.s32 s6, s25  }
0x6: {  	s15 =	sshll.u32 s25, $0x13;
	s26 =	sshll.u32 s25, $0x10;
	s4 =	sand.u32 $0x380, s0  }
0x7: {  	s23 =	sshll.u32 s2, $0xA;
	s24 =	ssub.s32 $0x2, s11;
	s2 =	sshll.u32 s2, $0xC  }
0x8: {  	s12 =	sand.u32 $0x1, s6;
	s0 =	sor.u32 s4, s23;
	s7 =	sshrl.u32 s24, $0x1  }
0x9: {  	s2 =	sor.u32 s4, s2;
	s16 =	sshll.u32 s12, $0xF;
	s0 =	sshrl.u32 s0, $0x3  }
0xa: {  	s13 =	ssub.s32 s24, s7;
	s4 =	sshrl.u32 s2, $0x3;
	s2 =	sshll.u32 s12, $0x7  }
0xb: {  	s17 =	sor.u32 s15, s16;
	s0 =	sadd.s32 s0, s5;
	s3 =	sadd.s32 s3, s4  }
0xc: {  	s4 =	sor.u32 $0x100, s2;
	s5 =	sor.u32 $0x200, s2;
	s6 =	sor.u32 $0x300, s2  }
0xd: {  	s7 =	sor.u32 $0x400, s2;
	s8 =	sor.u32 $0x500, s2;
	s9 =	sor.u32 $0x600, s2  }
0xe: {  	s10 =	sor.u32 $0x700, s2;
	s17 =	sshrl.u32 s17, $0x3;
	s18 =	sshll.u32 s4, $0x8  }
0xf: {  	s19 =	sshll.u32 s5, $0x8;
	s20 =	sshll.u32 s6, $0x8;
	s21 =	sshll.u32 s7, $0x8  }
0x10: {  	s22 =	sshll.u32 s8, $0x8;
	s23 =	sshll.u32 s9, $0x8;
	s24 =	sshll.u32 s10, $0x8  }
0x11: {  	s28 =	sadd.s32 s14, s17;
	s17 =	sadd.s32 s14, s26;
	s18 =	sor.u32 s15, s18  }
0x12: {  	s19 =	sor.u32 s15, s19;
	s20 =	sor.u32 s15, s20;
	s21 =	sor.u32 s15, s21  }
0x13: {  	s22 =	sor.u32 s15, s22;
	s23 =	sor.u32 s15, s23;
	s18 =	sshrl.u32 s18, $0x3  }
0x14: {  	s15 =	sor.u32 s15, s24;
	s26 =	sshrl.u32 s20, $0x3;
	s18 =	sadd.s32 s14, s18  }
0x15: {  	s24 =	sshrl.u32 s19, $0x3;
	s20 =	sadd.s32 s14, s26;
	[dreg:$0x6] =	wrdreg s18  }
0x16: {  	s26 =	sshrl.u32 s23, $0x3;
	s18 =	sadd.s32 s14, s24;
	[dreg:$0x8] =	wrdreg s20  }
0x17: {  	s21 =	sshrl.u32 s21, $0x3;
	s19 =	sadd.s32 s14, s26;
	[dreg:$0x7] =	wrdreg s18  }
0x18: {  	s24 =	sshrl.u32 s22, $0x3;
	s18 =	sadd.s32 s14, s21;
	[dreg:$0xb] =	wrdreg s19  }
0x19: {  	s15 =	sshrl.u32 s15, $0x3;
	[dreg:$0x9] =	wrdreg s18;
	s18 =	sadd.s32 s14, s24  }
0x1a: {  	s21 =	sshll.u32 s4, $0x5;
	s14 =	sadd.s32 s14, s15;
	[dreg:$0xa] =	wrdreg s18  }
0x1b: {  	s22 =	sadd.s32 s21, s17;
	[dreg:$0xc] =	wrdreg s14  }
0x1c: {  	s20 =	sshll.u32 s12, $0xC;
	s26 =	sshll.u32 s7, $0x5;
	[dreg:$0xe] =	wrdreg s22  }
0x1d: {  	s14 =	sadd.s32 s20, s17;
	s18 =	sadd.s32 s26, s17;
	s26 =	rddreg [dreg:$0x0]  }
0x1e: {  	s23 =	sshll.u32 s5, $0x5;
	[dreg:$0xd] =	wrdreg s14  }
0x1f: {  	s24 =	sshll.u32 s6, $0x5;
	s14 =	sadd.s32 s23, s17;
	[dreg:$0x11] =	wrdreg s18  }
0x20: {  	s19 =	sshll.u32 s8, $0x5;
	[dreg:$0xf] =	wrdreg s14;
	s14 =	sadd.s32 s24, s17  }
0x21: {  	s20 =	sshll.u32 s9, $0x5;
	[dreg:$0x10] =	wrdreg s14;
	s14 =	sadd.s32 s19, s17  }
0x22: {  	s21 =	sshll.u32 s10, $0x5;
	[dreg:$0x12] =	wrdreg s14;
	s14 =	sadd.s32 s20, s17  }
0x23: {  	s22 =	sshll.u32 s12, $0xE;
	[dreg:$0x13] =	wrdreg s14;
	s14 =	sadd.s32 s21, s17  }
0x24: {  	s30 =	sadd.s32 $0x400, s0;
	s0 =	ssub.s32 $0x0, s22;
	[dreg:$0x14] =	wrdreg s14  }
0x25: {  	s23 =	ssub.s32 $0x0, s16;
	_ =	strace $0x80000047;
	[dreg:$0x15] =	wrdreg s0  }
0x26: {  	s24 =	sadd.s32 $0x800, s28;
	[dreg:$0x16] =	wrdreg s23  }
0x27: {  	s12 =	sadd.s32 $0x4800, s28;
	[dreg:$0x17] =	wrdreg s24  }
0x28: {  	s31 =	smax.u32 s13, $0x1;
	s13 =	sadd.s32 $0x6800, s28;
	[dreg:$0x19] =	wrdreg s12  }
0x29: {  	s14 =	sadd.s32 $0x8800, s28;
	[dreg:$0x1a] =	wrdreg s13  }
0x2a: {  	s15 =	sadd.s32 $0xA800, s28;
	[dreg:$0x1b] =	wrdreg s14  }
0x2b: {  	s16 =	sadd.s32 $0xC800, s28;
	[dreg:$0x1c] =	wrdreg s15  }
0x2c: {  	[dreg:$0x1d] =	wrdreg s16  }
0x2d: {  	s17 =	sadd.s32 $0xE800, s28;
	[dreg:$0x5] =	wrdreg s28  }
0x2e: {  	s18 =	sor.u32 $0x1, s2;
	[dreg:$0x1e] =	wrdreg s17  }
0x2f: {  	s19 =	sor.u32 $0x101, s2;
	[dreg:$0x1f] =	wrdreg s18  }
0x30: {  	s20 =	sor.u32 $0x201, s2;
	[smem:$0x7F7] =	sst s19  }
0x31: {  	s29 =	simm.s32 $0x19680;
	s21 =	sor.u32 $0x301, s2;
	[smem:$0x7F8] =	sst s20  }
0x32: {  	p0 =	sne.s32 s11, $0x0;
	s22 =	sor.u32 $0x401, s2;
	[smem:$0x7F9] =	sst s21  }
0x33: {  	s0 =	sshll.u32 s25, $0x9;
	s25 =	sadd.s32 $0x2800, s28;
	[smem:$0x7FA] =	sst s22  }
0x34: {  	s23 =	sor.u32 $0x501, s2;
	s24 =	sor.u32 $0x601, s2;
	s18 =	simm.s32 $0x4  }
.Ltmp0:
0x35: {  	s20 =	simm.s32 $0x600;
	s21 =	simm.s32 $0x1680;
	(pc) =	sbr.rel .LBB2_1-.Ltmp0, $4  }
0x36: {  	s19 =	simm.s32 $0x1E80;
	s17 =	simm.s32 $0x2E80;
	[dreg:$0x18] =	wrdreg s25  }
0x37: {  	v1 =	vimm.s32 $0x0;
	v2 =	vlaneseq.u32;
	v3 =	vimm.f32 $0.0e+00;
	s22 =	simm.s32 $0x9680;
	s28 =	simm.s32 $0x2;
	[smem:$0x7FB] =	sst s23  }
0x38: {  	vm0 =	vmmov $0xffff;
	v4 =	vand.u32 $0x7, v2;
	v5 =	vshrl.u32 v2, $0x3;
	[smem:$0x7FC] =	sst s24;
	s25 =	sor.u32 $0x701, s2;
	s24 =	simm.s32 $0x2680  }
0x39: {  	v6 =	vor.u32 $0x8, v2;
	v5 =	vmul.u32 $0x8, v5;
	v0 =	vmov s0;
	s23 =	simm.s32 $0x0;
	[smem:$0x7FD] =	sst s25;
	s25 =	simm.s32 $0x11680  }
.LBB2_106:
0x3a: {  	s0 =	rddreg [dreg:$0xc]  }
0x3b: {  	[hbm4b:s0+s1] =	stream.linear.scatter [tilespmem:s29], [sflag:$0x4], $0x4000, $0x38;
	[tilespmem:$0x1D680] =	vst v63  }
0x3c: {  	_ =	swait.ge [sflag:s18], $0x4000  }
0x3d: {  	[sflag:s18] =	ssyncset.done $0x0  }
0x3e: {  	s16 =	rddreg [dreg:$0x1e];
	[sflag:s18] =	ssyncadd.s32 $0xFFFFC000  }
0x3f: {  	[hbm4b:s16+s1] =	stream.linear.scatter [tilespmem:s29], [sflag:$0x4], $0x4000, $0x38;
	[tilespmem:$0x1D680] =	vst v63  }
0x40: {  	_ =	swait.ge [sflag:s18], $0x4000  }
0x41: {  	[sflag:s18] =	ssyncset.done $0x0  }
0x42: {  	[sflag:s18] =	ssyncadd.s32 $0xFFFFC000  }
.LBB2_107:
0x43: {  	s23 =	sadd.s32 $0x1, s23  }
0x44: {  	p1 =	sne.s32 s23, s31  }
.Ltmp1:
0x45: {  	_ = 	snop;
	(pc) =	sbr.rel @!p1 .LBB2_108-.Ltmp1, $1  }
0x46: {  	_ =	sdelay $0x3  }
.LBB2_1:
0x47: {  	s0 =	simm.s32 $0x80;
	s11 =	simm.s32 $0x400  }
0x48: {  	[tilespmem:s1], [sflag:$0x4] =	stream.strided.gather [hbm4b:s3+s0], $0x200, s11, s0, $0x38;
	[tilespmem:$0x1D680] =	vst v63  }
0x49: {  	_ =	swait.ge [sflag:s18], $0x200  }
0x4a: {  	[sflag:s18] =	ssyncset.done $0x0  }
0x4b: {  	s16 =	simm.s32 $0x0;
	[sflag:s18] =	ssyncadd.s32 $0xFFFFFE00  }
0x4c: {  	v7 =	vld [tilespmem:s16+$0x0];
	_ =	sdelay $0x2  }
0x4d: {  	v8 =	vld [tilespmem:s16+$0x10];
	_ =	sdelay $0x1  }
0x4e: {  	(xrf0) =	vadd.scan.msk.s32 $0xffff, v7;
	_ =	sdelay $0x2  }
0x4f: {  	(xrf0) =	vadd.scan.msk.s32 $0xffff, v8;
	_ =	sdelay $0x2  }
0x50: {  	v9, _, _ =	vpop (xrf0)  }
0x51: {  	v9 =	vadd.s32 s1, v9  }
0x52: {  	v10 =	vbroadcast v9, $0xF  }
0x53: {  	v63, _, _ =	vpop (xrf0);
	v7 =	vsub.s32 v9, v7  }
0x54: {  	[tilespmem:s16+$0x400] =	vst v7;
	v7 =	vadd.s32 v10, v63  }
0x55: {  	[tilespmem:s16+$0x200] =	vst v9;
	(v2sf) =	vpush v7, $0xF  }
0x56: {  	[tilespmem:s16+$0x210] =	vst v7;
	v8 =	vsub.s32 v7, v8  }
0x57: {  	s0 =	simm.s32 $0x80;
	s11 =	simm.s32 $0x100;
	[tilespmem:s16+$0x410] =	vst v8  }
.LBB2_2:
0x58: {  	p1 =	sne.s32 s11, $0x780;
	s12 =	sshra.s32 s0, $0x2;
	s0 =	smov.u32 s11  }
0x59: {  	v7 =	vld [tilespmem:s12+$0x0];
	_ =	sdelay $0x2  }
0x5a: {  	v8 =	vld [tilespmem:s12+$0x10];
	_ =	sdelay $0x1  }
0x5b: {  	(xrf0) =	vadd.scan.msk.s32 $0xffff, v7;
	_ =	sdelay $0x2  }
0x5c: {  	(xrf0) =	vadd.scan.msk.s32 $0xffff, v8;
	_ =	sdelay $0x2  }
0x5d: {  	v9, _, _ =	vpop (xrf0);
	s13 =	spop (v2sf)  }
0x5e: {  	v9 =	vadd.s32 s13, v9  }
0x5f: {  	[tilespmem:s12+$0x200] =	vst v9;
	v10 =	vsub.s32 v9, v7;
	v9 =	vbroadcast v9, $0xF  }
.Ltmp2:
0x60: {  	[tilespmem:s12+$0x400] =	vst v10;
	v7, _, _ =	vpop (xrf0);
	(pc) =	sbr.rel @p1 .LBB2_2-.Ltmp2, $4  }
0x61: {  	v7 =	vadd.s32 v9, v7  }
0x62: {  	[tilespmem:s12+$0x210] =	vst v7;
	v8 =	vsub.s32 v7, v8;
	(v2sf) =	vpush v7, $0xF  }
0x63: {  	[tilespmem:s12+$0x410] =	vst v8  }
0x64: {  	s11 =	sadd.s32 $0x80, s11  }
0x65: {  	s12 =	sshra.s32 s0, $0x2  }
0x66: {  	v8 =	vld [tilespmem:s12+$0x0];
	_ =	sdelay $0x2  }
0x67: {  	v9 =	vld [tilespmem:s12+$0x10];
	_ =	sdelay $0x1  }
0x68: {  	(xrf0) =	vadd.scan.msk.s32 $0xffff, v8;
	_ =	sdelay $0x2  }
0x69: {  	(xrf0) =	vadd.scan.msk.s32 $0xffff, v9;
	_ =	sdelay $0x2  }
0x6a: {  	v7, _, _ =	vpop (xrf0);
	s15 =	spop (v2sf)  }
0x6b: {  	v10 =	vadd.s32 s15, v7  }
0x6c: {  	v7 =	vbroadcast v10, $0xF  }
0x6d: {  	v11, _, _ =	vpop (xrf0)  }
0x6e: {  	v7 =	vadd.s32 v7, v11  }
0x6f: {  	(v2sf) =	vpush v7, $0xF;
	_ =	sdelay $0xe  }
0x70: {  	s0 =	spop (v2sf)  }
0x71: {  	p1 =	slt.s32 s0, $0x800  }
0x72: {  	p2 =	slt.s32 s0, $0x1;
	s0 =	simm.s32 @!p1 $0x800  }
0x73: {  	s11 =	sand.u32 $0x7F, s0  }
0x74: {  	s13 =	sshra.s32 s0, $0x1F;
	p6 =	sne.s32 s11, $0x0  }
0x75: {  	s16 =	sshrl.u32 s13, $0x19;
	p1 =	por !p2, !p6  }
0x76: {  	s13 =	simm.s32 $0x1;
	s11 =	sadd.s32 s16, s0;
	p1 =	por !p1, !p1  }
0x77: {  	s11 =	sshra.s32 s11, $0x7;
	s13 =	simm.s32 @!p1 $0x0  }
0x78: {  	s11 =	ssub.s32 s11, s13  }
0x79: {  	s13 =	sshll.u32 s11, $0x3  }
0x7a: {  	p1 =	slt.s32 s13, $0x78  }
0x7b: {  	s13 =	simm.s32 @!p1 $0x78  }
0x7c: {  	s13 =	sadd.s32 $0x9, s13  }
0x7d: {  	s14 =	sshrl.u32 s13, $0x1F  }
0x7e: {  	p1 =	slt.s32 s11, $0xFFFFFFFF;
	s11 =	simm.s32 $0x1;
	s13 =	sadd.s32 s14, s13  }
0x7f: {  	s11 =	simm.s32 @!p1 $0x0;
	s13 =	sshra.s32 s13, $0x1  }
0x80: {  	s11 =	ssub.s32 s13, s11  }
0x81: {  	p1 =	slt.s32 s11, $0x1  }
.Ltmp3:
0x82: {  	_ = 	snop;
	(pc) =	sbr.rel @p1 .LBB2_7-.Ltmp3, $4  }
0x83: {  	[tilespmem:s12+$0x200] =	vst v10;
	v8 =	vsub.s32 v10, v8  }
0x84: {  	[tilespmem:s12+$0x400] =	vst v8  }
0x85: {  	[tilespmem:s12+$0x210] =	vst v7;
	v8 =	vsub.s32 v7, v9  }
0x86: {  	[tilespmem:s12+$0x410] =	vst v8;
	s12 =	simm.s32 $0x610  }
0x87: {  	p2 =	sne.s32 s11, $0x1  }
.Ltmp4:
0x88: {  	_ = 	snop;
	(pc) =	sbr.rel @!p2 .LBB2_6-.Ltmp4, $2  }
0x89: {  	_ =	sdelay $0x2  }
0x8a: {  	s13 =	sadd.s32 $0xFFFFFFFF, s11;
	[tilespmem:s12+$0xFFFFFFF0] =	vst v1  }
.LBB2_5:
0x8b: {  	p2 =	sne.s32 s13, $0x1  }
.Ltmp5:
0x8c: {  	_ = 	snop;
	(pc) =	sbr.rel @p2 .LBB2_5-.Ltmp5, $3  }
0x8d: {  	_ =	sdelay $0x1  }
0x8e: {  	s13 =	sadd.s32 $0xFFFFFFFF, s13;
	[tilespmem:s12+$0x0] =	vst v1;
	s12 =	sadd.s32 $0x20, s12  }
0x8f: {  	[tilespmem:s12+$0xFFFFFFF0] =	vst v1  }
.LBB2_6:
0x90: {  	[tilespmem:s12+$0x0] =	vst v1  }
.LBB2_7:
0x91: {  	s12 =	simm.s32 $0x0;
	s13 =	simm.s32 $0x10;
	s14 =	simm.s32 $0x410  }
.LBB2_8:
0x92: {  	v8 =	vld [tilespmem:s13+$0xFFFFFFF0]  }
0x93: {  	v9 =	vld [tilespmem:s14+$0xFFFFFFF0];
	_ =	sdelay $0x4  }
0x94: {  	vm1 =	vgt.s32 v8, $0x0;
	vm2 =	vlt.s32 v9, $0x800  }
0x95: {  	vm1 =	vmand vm1, vm2;
	_ =	sdelay $0x4  }
0x96: {  	v8 =	vor.u32 s12, v2  }
0x97: {  	[tilespmem:v9+s20+$0x0] =	vst.idx.msk vm1, v8  }
0x98: {  	v8 =	vld [tilespmem:s13+$0x0]  }
0x99: {  	v9 =	vld [tilespmem:s14+$0x0];
	_ =	sdelay $0x4  }
0x9a: {  	vm1 =	vgt.s32 v8, $0x0;
	vm2 =	vlt.s32 v9, $0x800  }
0x9b: {  	vm1 =	vmand vm1, vm2  }
0x9c: {  	p2 =	sne.s32 s12, $0x1E0  }
.Ltmp6:
0x9d: {  	_ = 	snop;
	(pc) =	sbr.rel @p2 .LBB2_8-.Ltmp6, $4  }
0x9e: {  	_ = 	snop  }
0x9f: {  	s15 =	sadd.s32 $0x10, s12  }
0xa0: {  	v8 =	vor.u32 s15, v2  }
0xa1: {  	s12 =	sadd.s32 $0x20, s12;
	s13 =	sadd.s32 $0x20, s13;
	s14 =	sadd.s32 $0x20, s14;
	[tilespmem:v9+s20+$0x0] =	vst.idx.msk vm1, v8  }
.Ltmp7:
0xa2: {  	(pc) =	sbr.rel @p1 .LBB2_17-.Ltmp7, $1  }
0xa3: {  	_ =	sdelay $0x3  }
0xa4: {  	p2 =	sne.s32 s11, $0x1  }
.Ltmp8:
0xa5: {  	_ = 	snop;
	(pc) =	sbr.rel @!p2 .LBB2_11-.Ltmp8, $3  }
0xa6: {  	_ =	sdelay $0x1  }
0xa7: {  	s14 =	simm.s32 $0x0;
	s15 =	simm.s32 $0x610;
	s12 =	simm.s32 $0xE10  }
0xa8: {  	v8 =	vmov s0;
	s13 =	simm.s32 $0x10;
	s11 =	sadd.s32 $0xFFFFFFFF, s11;
	p1 =	por $0x0, $0x0;
	v9 =	vld [tilespmem:s15+$0xFFFFFFF0]  }
0xa9: {  	_ =	sdelay $0x3  }
0xaa: {  	v9 =	vxor.u32 $0x80000000, v9  }
0xab: {  	(xrf0) =	vmax.scan.msk.u32 $0xffff, v9;
	_ =	sdelay $0x5  }
0xac: {  	v9, _, _ =	vpop (xrf0)  }
0xad: {  	s16 =	simm.s32 $0x0;
	v9 =	vxor.u32 $0x80000000, v9  }
0xae: {  	v10 =	vor.u32 s16, v2;
	vm1 =	vgt.s32 v9, s14  }
0xaf: {  	v9 =	vnsel vm1, s14, v9;
	vm1 =	vlt.s32 v10, v8  }
0xb0: {  	v10 =	vnsel vm1, $0x0, v9  }
0xb1: {  	v10 =	vadd.s32 v0, v10  }
0xb2: {  	[tilespmem:s12+$0xFFFFFFF0] =	vst v10  }
0xb3: {  	v10 =	vld [tilespmem:s15+$0x0];
	_ =	sdelay $0x4  }
0xb4: {  	v10 =	vxor.u32 $0x80000000, v10  }
0xb5: {  	(xrf0) =	vmax.scan.msk.u32 $0xffff, v10;
	_ =	sdelay $0x5  }
0xb6: {  	v9 =	vbroadcast v9, $0xF;
	v10, _, _ =	vpop (xrf0)  }
0xb7: {  	v10 =	vxor.u32 $0x80000000, v10  }
0xb8: {  	v11 =	vor.u32 s13, v2;
	p2 =	sne.s32 s11, $0x1;
	vm1 =	vgt.s32 v10, v9  }
.Ltmp9:
0xb9: {  	v9 =	vsel vm1, v10, v9;
	vm1 =	vlt.s32 v11, v8;
	(pc) =	sbr.rel @!p2 .LBB2_13-.Ltmp9, $4  }
0xba: {  	v10 =	vnsel vm1, $0x0, v9;
	(v2sf) =	vpush v9, $0xF  }
0xbb: {  	v10 =	vadd.s32 v0, v10  }
0xbc: {  	s11 =	sadd.s32 $0xFFFFFFFF, s11;
	s15 =	simm.s32 $0x630;
	[tilespmem:s12+$0x0] =	vst v10  }
0xbd: {  	p1 =	por $0x1, $0x1;
	s17 =	simm.s32 $0x10;
	s16 =	simm.s32 $0xE10;
	v9 =	vld [tilespmem:s15+$0xFFFFFFF0]  }
.LBB2_14:
0xbe: {  	p2 =	sne.s32 s11, $0x1;
	_ =	sdelay $0x3  }
0xbf: {  	v9 =	vxor.u32 $0x80000000, v9  }
0xc0: {  	(xrf0) =	vmax.scan.msk.u32 $0xffff, v9;
	_ =	sdelay $0x5  }
0xc1: {  	s17 =	sadd.s32 $0x20, s17;
	v9, _, _ =	vpop (xrf0);
	s19 =	spop (v2sf)  }
0xc2: {  	s24 =	sadd.s32 $0xFFFFFFF0, s17;
	v9 =	vxor.u32 $0x80000000, v9  }
0xc3: {  	v10 =	vor.u32 s24, v2;
	vm1 =	vgt.s32 v9, s19  }
0xc4: {  	v9 =	vnsel vm1, s19, v9;
	vm1 =	vlt.s32 v10, v8  }
0xc5: {  	v10 =	vnsel vm1, $0x0, v9;
	v9 =	vbroadcast v9, $0xF  }
0xc6: {  	s16 =	sadd.s32 $0x20, s16;
	v10 =	vadd.s32 v0, v10  }
0xc7: {  	[tilespmem:s16+$0xFFFFFFF0] =	vst v10  }
0xc8: {  	v10 =	vld [tilespmem:s15+$0x0];
	_ =	sdelay $0x4  }
0xc9: {  	v10 =	vxor.u32 $0x80000000, v10  }
0xca: {  	(xrf0) =	vmax.scan.msk.u32 $0xffff, v10;
	_ =	sdelay $0x5  }
0xcb: {  	v10, _, _ =	vpop (xrf0)  }
0xcc: {  	v10 =	vxor.u32 $0x80000000, v10  }
0xcd: {  	v11 =	vor.u32 s17, v2;
	vm1 =	vgt.s32 v10, v9  }
.Ltmp10:
0xce: {  	v9 =	vsel vm1, v10, v9;
	vm1 =	vlt.s32 v11, v8;
	(pc) =	sbr.rel @p2 .LBB2_14-.Ltmp10, $4  }
0xcf: {  	v10 =	vnsel vm1, $0x0, v9;
	(v2sf) =	vpush v9, $0xF  }
0xd0: {  	v9 =	vadd.s32 v0, v10  }
0xd1: {  	s15 =	sadd.s32 $0x20, s15;
	[tilespmem:s16+$0x0] =	vst v9  }
0xd2: {  	s11 =	sadd.s32 $0xFFFFFFFF, s11;
	v9 =	vld [tilespmem:s15+$0xFFFFFFF0]  }
0xd3: {  	s19 =	simm.s32 $0x1E80;
	s24 =	simm.s32 $0x2680  }
.LBB2_16:
0xd4: {  	_ =	sdelay $0x2  }
0xd5: {  	v9 =	vxor.u32 $0x80000000, v9  }
0xd6: {  	(xrf0) =	vmax.scan.msk.u32 $0xffff, v9;
	_ =	sdelay $0x4  }
0xd7: {  	s11 =	sadd.s32 @p1 $0x20, s17  }
0xd8: {  	s13 =	smov.u32 @p1 s11;
	v9, _, _ =	vpop (xrf0);
	s17 =	spop @p1 (v2sf)  }
0xd9: {  	s11 =	sadd.s32 $0xFFFFFFF0, s13;
	v9 =	vxor.u32 $0x80000000, v9;
	s14 =	smov.u32 @p1 s17  }
0xda: {  	v10 =	vor.u32 s11, v2;
	vm1 =	vgt.s32 v9, s14  }
0xdb: {  	v9 =	vnsel vm1, s14, v9;
	vm1 =	vlt.s32 v10, v8  }
0xdc: {  	s11 =	sadd.s32 @p1 $0x20, s16;
	v10 =	vnsel vm1, $0x0, v9  }
0xdd: {  	s12 =	smov.u32 @p1 s11;
	v10 =	vadd.s32 v0, v10  }
0xde: {  	[tilespmem:s12+$0xFFFFFFF0] =	vst v10  }
0xdf: {  	v10 =	vld [tilespmem:s15+$0x0];
	_ =	sdelay $0x4  }
0xe0: {  	v10 =	vxor.u32 $0x80000000, v10  }
0xe1: {  	(xrf0) =	vmax.scan.msk.u32 $0xffff, v10;
	_ =	sdelay $0x5  }
0xe2: {  	v9 =	vbroadcast v9, $0xF;
	v10, _, _ =	vpop (xrf0)  }
0xe3: {  	v10 =	vxor.u32 $0x80000000, v10  }
0xe4: {  	vm1 =	vgt.s32 v10, v9  }
0xe5: {  	v9 =	vsel vm1, v10, v9  }
0xe6: {  	(v2sf) =	vpush v9, $0xF;
	_ =	sdelay $0xb  }
0xe7: {  	v63 =	vor.u32 s13, v2  }
0xe8: {  	vm1 =	vlt.s32 v63, v8  }
0xe9: {  	v8 =	vnsel vm1, $0x0, v9  }
0xea: {  	v8 =	vadd.s32 v0, v8;
	s17 =	spop (v2sf)  }
0xeb: {  	[tilespmem:s12+$0x0] =	vst v8;
	s17 =	simm.s32 $0x2E80  }
.LBB2_17:
0xec: {  	v7 =	vbroadcast @!p0 v7, $0xF;
	_ =	sdelay $0x1  }
0xed: {  	s11 =	simm.s32 @!p0 $0x0;
	s12 =	simm.s32 @!p0 $0x1600;
	[tilespmem:$0x1600] =	vst @!p0 v7  }
0xee: {  	[hbm4b:s30+s11] =	stream.linear.scatter @!p0 [tilespmem:s12], [sflag:$0x4], $0x80, $0x38;
	[tilespmem:$0x1D680] =	vst v63  }
0xef: {  	s11 =	simm.s32 @!p0 $0x4  }
0xf0: {  	s15 =	simm.s32 $0x0;
	_ =	swait.ge @!p0 [sflag:s11], $0x80  }
0xf1: {  	s13 =	sand.u32 $0x3800, s15;
	s12 =	sand.u32 $0x380, s15;
	[sflag:s11] =	ssyncset.done @!p0 $0x0  }
0xf2: {  	s12 =	sor.u32 s12, s13;
	[sflag:s11] =	ssyncadd.s32 @!p0 $0xFFFFFF80  }
0xf3: {  	s11 =	sadd.s32 $0x19680, s12;
	[tilespmem:s12+$0x19680] =	vst v3  }
0xf4: {  	[tilespmem:s11+$0x40] =	vst v3  }
0xf5: {  	[tilespmem:s11+$0x50] =	vst v3  }
0xf6: {  	[tilespmem:s11+$0x60] =	vst v3  }
0xf7: {  	[tilespmem:s11+$0x70] =	vst v3  }
0xf8: {  	[tilespmem:s11+$0x400] =	vst v3  }
0xf9: {  	[tilespmem:s11+$0x410] =	vst v3  }
0xfa: {  	[tilespmem:s11+$0x420] =	vst v3  }
0xfb: {  	[tilespmem:s11+$0x430] =	vst v3  }
0xfc: {  	[tilespmem:s11+$0x440] =	vst v3  }
0xfd: {  	[tilespmem:s11+$0x450] =	vst v3  }
0xfe: {  	[tilespmem:s11+$0x460] =	vst v3  }
0xff: {  	[tilespmem:s11+$0x10] =	vst v3  }
0x100: {  	s16 =	simm.s32 $0x100;
	s12 =	simm.s32 $0x80;
	[tilespmem:s11+$0x20] =	vst v3  }
0x101: {  	s14 =	sand.u32 $0x3800, s16;
	s13 =	simm.s32 $0x200;
	[tilespmem:s11+$0x30] =	vst v3;
	s15 =	sand.u32 $0x380, s12  }
.LBB2_18:
0x102: {  	p1 =	sne.s32 s13, $0x3F00;
	s14 =	sor.u32 s15, s14;
	[tilespmem:s11+$0x470] =	vst v3  }
0x103: {  	s11 =	sadd.s32 $0x19680, s14;
	[tilespmem:s14+$0x19680] =	vst v3  }
0x104: {  	[tilespmem:s11+$0x10] =	vst v3  }
0x105: {  	[tilespmem:s11+$0x20] =	vst v3  }
0x106: {  	[tilespmem:s11+$0x30] =	vst v3  }
0x107: {  	[tilespmem:s11+$0x40] =	vst v3  }
0x108: {  	[tilespmem:s11+$0x50] =	vst v3  }
0x109: {  	[tilespmem:s11+$0x60] =	vst v3  }
0x10a: {  	[tilespmem:s11+$0x70] =	vst v3  }
0x10b: {  	[tilespmem:s11+$0x400] =	vst v3  }
0x10c: {  	[tilespmem:s11+$0x410] =	vst v3  }
.Ltmp11:
0x10d: {  	[tilespmem:s11+$0x420] =	vst v3;
	(pc) =	sbr.rel @p1 .LBB2_18-.Ltmp11, $4  }
0x10e: {  	[tilespmem:s11+$0x430] =	vst v3  }
0x10f: {  	[tilespmem:s11+$0x440] =	vst v3  }
0x110: {  	s12 =	sadd.s32 $0x80, s12;
	[tilespmem:s11+$0x450] =	vst v3  }
0x111: {  	s14 =	sand.u32 $0x3800, s13;
	s15 =	sand.u32 $0x380, s12;
	s13 =	sadd.s32 $0x100, s13;
	[tilespmem:s11+$0x460] =	vst v3  }
0x112: {  	s12 =	sor.u32 s15, s14;
	[tilespmem:s11+$0x470] =	vst v3  }
0x113: {  	s16 =	sadd.s32 $0x19680, s12;
	[tilespmem:s12+$0x19680] =	vst v3  }
0x114: {  	[tilespmem:s16+$0x10] =	vst v3  }
0x115: {  	[tilespmem:s16+$0x20] =	vst v3  }
0x116: {  	[tilespmem:s16+$0x30] =	vst v3  }
0x117: {  	[tilespmem:s16+$0x40] =	vst v3  }
0x118: {  	[tilespmem:s16+$0x50] =	vst v3  }
0x119: {  	[tilespmem:s16+$0x60] =	vst v3  }
0x11a: {  	[tilespmem:s16+$0x70] =	vst v3  }
0x11b: {  	[tilespmem:s16+$0x400] =	vst v3  }
0x11c: {  	[tilespmem:s16+$0x410] =	vst v3  }
0x11d: {  	p1 =	sle.s32 s0, s2;
	[tilespmem:s16+$0x420] =	vst v3  }
.Ltmp12:
0x11e: {  	[tilespmem:s16+$0x430] =	vst v3;
	(pc) =	sbr.rel @p1 .LBB2_21-.Ltmp12, $4  }
0x11f: {  	[tilespmem:s16+$0x440] =	vst v3  }
0x120: {  	[tilespmem:s16+$0x450] =	vst v3  }
0x121: {  	[tilespmem:s16+$0x460] =	vst v3  }
0x122: {  	[tilespmem:s16+$0x470] =	vst v3  }
0x123: {  	v7 =	vld [tilespmem:s2+$0xE00];
	_ =	sdelay $0x4  }
0x124: {  	v8 =	vshll.u32 v7, $0x1  }
0x125: {  	v7 =	vand.u32 $0x7, v7;
	v8 =	vand.u32 $0xFFFFFFF0, v8  }
0x126: {  	v7 =	vor.u32 v7, v8  }
0x127: {  	v8 =	vperm.xlane v7, v4;
	_ =	sdelay $0x1  }
0x128: {  	v7 =	vperm.xlane v7, v6;
	v8 =	vadd.s32 v5, v8;
	_ =	sdelay $0x1  }
0x129: {  	v7 =	vadd.s32 v5, v7;
	_ =	sdelay $0x2  }
0x12a: {  	[tilespmem:s21], [sflag:$0x1] =	stream.indirect_vreg.gather [hbm4b:s26+s1], $0x80, v8, vm0, $0xb8;
	[tilespmem:$0x1D680] =	vst v63  }
0x12b: {  	_ = 	snop  }
0x12c: {  	[tilespmem:s19], [sflag:$0x1] =	stream.indirect_vreg.gather [hbm4b:s26+s1], $0x80, v7, vm0, $0xb8;
	[tilespmem:$0x1D680] =	vst v63  }
0x12d: {  	v7 =	vld [tilespmem:s2+$0xE10];
	_ =	sdelay $0x4  }
0x12e: {  	v8 =	vshll.u32 v7, $0x1  }
0x12f: {  	v7 =	vand.u32 $0x7, v7;
	v8 =	vand.u32 $0xFFFFFFF0, v8  }
0x130: {  	v7 =	vor.u32 v7, v8  }
0x131: {  	v8 =	vperm.xlane v7, v4;
	_ =	sdelay $0x1  }
0x132: {  	v7 =	vperm.xlane v7, v6;
	v8 =	vadd.s32 v5, v8;
	_ =	sdelay $0x1  }
0x133: {  	v7 =	vadd.s32 v5, v7;
	_ =	sdelay $0x2  }
0x134: {  	[tilespmem:s24], [sflag:$0x1] =	stream.indirect_vreg.gather [hbm4b:s26+s1], $0x80, v8, vm0, $0xb8;
	[tilespmem:$0x1D680] =	vst v63  }
0x135: {  	_ = 	snop  }
0x136: {  	[tilespmem:s17], [sflag:$0x1] =	stream.indirect_vreg.gather [hbm4b:s26+s1], $0x80, v7, vm0, $0xb8;
	[tilespmem:$0x1D680] =	vst v63  }
0x137: {  	v7 =	vld [tilespmem:s2+$0xE20];
	_ =	sdelay $0x4  }
0x138: {  	v8 =	vshll.u32 v7, $0x1  }
0x139: {  	v7 =	vand.u32 $0x7, v7;
	v8 =	vand.u32 $0xFFFFFFF0, v8  }
0x13a: {  	v7 =	vor.u32 v7, v8  }
0x13b: {  	v8 =	vperm.xlane v7, v4;
	_ =	sdelay $0x1  }
0x13c: {  	v7 =	vperm.xlane v7, v6;
	v8 =	vadd.s32 v5, v8;
	_ =	sdelay $0x1  }
0x13d: {  	v7 =	vadd.s32 v5, v7;
	_ =	sdelay $0x1  }
0x13e: {  	s11 =	simm.s32 $0x3680  }
0x13f: {  	[tilespmem:s11], [sflag:$0x1] =	stream.indirect_vreg.gather [hbm4b:s26+s1], $0x80, v8, vm0, $0xb8;
	[tilespmem:$0x1D680] =	vst v63  }
0x140: {  	s16 =	simm.s32 $0x3E80  }
0x141: {  	[tilespmem:s16], [sflag:$0x1] =	stream.indirect_vreg.gather [hbm4b:s26+s1], $0x80, v7, vm0, $0xb8;
	[tilespmem:$0x1D680] =	vst v63  }
0x142: {  	v7 =	vld [tilespmem:s2+$0xE30];
	_ =	sdelay $0x4  }
0x143: {  	v8 =	vshll.u32 v7, $0x1  }
0x144: {  	v7 =	vand.u32 $0x7, v7;
	v8 =	vand.u32 $0xFFFFFFF0, v8  }
0x145: {  	v7 =	vor.u32 v7, v8  }
0x146: {  	v8 =	vperm.xlane v7, v4;
	_ =	sdelay $0x1  }
0x147: {  	v7 =	vperm.xlane v7, v6;
	v8 =	vadd.s32 v5, v8;
	_ =	sdelay $0x1  }
0x148: {  	v7 =	vadd.s32 v5, v7;
	_ =	sdelay $0x1  }
0x149: {  	s12 =	simm.s32 $0x4680  }
0x14a: {  	[tilespmem:s12], [sflag:$0x1] =	stream.indirect_vreg.gather [hbm4b:s26+s1], $0x80, v8, vm0, $0xb8;
	[tilespmem:$0x1D680] =	vst v63  }
0x14b: {  	s13 =	simm.s32 $0x4E80  }
0x14c: {  	[tilespmem:s13], [sflag:$0x1] =	stream.indirect_vreg.gather [hbm4b:s26+s1], $0x80, v7, vm0, $0xb8;
	[tilespmem:$0x1D680] =	vst v63  }
0x14d: {  	v7 =	vld [tilespmem:s2+$0xE40];
	_ =	sdelay $0x4  }
0x14e: {  	v8 =	vshll.u32 v7, $0x1  }
0x14f: {  	v7 =	vand.u32 $0x7, v7;
	v8 =	vand.u32 $0xFFFFFFF0, v8  }
0x150: {  	v7 =	vor.u32 v7, v8  }
0x151: {  	v8 =	vperm.xlane v7, v4;
	_ =	sdelay $0x1  }
0x152: {  	v7 =	vperm.xlane v7, v6;
	v8 =	vadd.s32 v5, v8;
	_ =	sdelay $0x1  }
0x153: {  	v7 =	vadd.s32 v5, v7;
	_ =	sdelay $0x1  }
0x154: {  	s14 =	simm.s32 $0x5680  }
0x155: {  	[tilespmem:s14], [sflag:$0x1] =	stream.indirect_vreg.gather [hbm4b:s26+s1], $0x80, v8, vm0, $0xb8;
	[tilespmem:$0x1D680] =	vst v63  }
0x156: {  	s15 =	simm.s32 $0x5E80  }
0x157: {  	[tilespmem:s15], [sflag:$0x1] =	stream.indirect_vreg.gather [hbm4b:s26+s1], $0x80, v7, vm0, $0xb8;
	[tilespmem:$0x1D680] =	vst v63  }
0x158: {  	v7 =	vld [tilespmem:s2+$0xE50];
	_ =	sdelay $0x4  }
0x159: {  	v8 =	vshll.u32 v7, $0x1  }
0x15a: {  	v7 =	vand.u32 $0x7, v7;
	v8 =	vand.u32 $0xFFFFFFF0, v8  }
0x15b: {  	v7 =	vor.u32 v7, v8  }
0x15c: {  	v8 =	vperm.xlane v7, v4;
	_ =	sdelay $0x1  }
0x15d: {  	v7 =	vperm.xlane v7, v6;
	v8 =	vadd.s32 v5, v8;
	_ =	sdelay $0x1  }
0x15e: {  	v7 =	vadd.s32 v5, v7;
	_ =	sdelay $0x1  }
0x15f: {  	s16 =	simm.s32 $0x6680  }
0x160: {  	[tilespmem:s16], [sflag:$0x1] =	stream.indirect_vreg.gather [hbm4b:s26+s1], $0x80, v8, vm0, $0xb8;
	[tilespmem:$0x1D680] =	vst v63  }
0x161: {  	s12 =	simm.s32 $0x6E80  }
0x162: {  	[tilespmem:s12], [sflag:$0x1] =	stream.indirect_vreg.gather [hbm4b:s26+s1], $0x80, v7, vm0, $0xb8;
	[tilespmem:$0x1D680] =	vst v63  }
0x163: {  	v7 =	vld [tilespmem:s2+$0xE60];
	_ =	sdelay $0x4  }
0x164: {  	v8 =	vshll.u32 v7, $0x1  }
0x165: {  	v7 =	vand.u32 $0x7, v7;
	v8 =	vand.u32 $0xFFFFFFF0, v8  }
0x166: {  	v7 =	vor.u32 v7, v8  }
0x167: {  	v8 =	vperm.xlane v7, v4;
	_ =	sdelay $0x1  }
0x168: {  	v7 =	vperm.xlane v7, v6;
	v8 =	vadd.s32 v5, v8;
	_ =	sdelay $0x1  }
0x169: {  	v7 =	vadd.s32 v5, v7;
	_ =	sdelay $0x1  }
0x16a: {  	s13 =	simm.s32 $0x7680  }
0x16b: {  	[tilespmem:s13], [sflag:$0x1] =	stream.indirect_vreg.gather [hbm4b:s26+s1], $0x80, v8, vm0, $0xb8;
	[tilespmem:$0x1D680] =	vst v63  }
0x16c: {  	s14 =	simm.s32 $0x7E80  }
0x16d: {  	[tilespmem:s14], [sflag:$0x1] =	stream.indirect_vreg.gather [hbm4b:s26+s1], $0x80, v7, vm0, $0xb8;
	[tilespmem:$0x1D680] =	vst v63  }
0x16e: {  	v7 =	vld [tilespmem:s2+$0xE70];
	_ =	sdelay $0x4  }
0x16f: {  	v8 =	vshll.u32 v7, $0x1  }
0x170: {  	v7 =	vand.u32 $0x7, v7;
	v8 =	vand.u32 $0xFFFFFFF0, v8  }
0x171: {  	v7 =	vor.u32 v7, v8  }
0x172: {  	v8 =	vperm.xlane v7, v4;
	_ =	sdelay $0x1  }
0x173: {  	v7 =	vperm.xlane v7, v6;
	v8 =	vadd.s32 v5, v8;
	_ =	sdelay $0x1  }
0x174: {  	v7 =	vadd.s32 v5, v7;
	_ =	sdelay $0x1  }
0x175: {  	s15 =	simm.s32 $0x8680  }
0x176: {  	[tilespmem:s15], [sflag:$0x1] =	stream.indirect_vreg.gather [hbm4b:s26+s1], $0x80, v8, vm0, $0xb8;
	[tilespmem:$0x1D680] =	vst v63  }
0x177: {  	s16 =	simm.s32 $0x8E80  }
0x178: {  	[tilespmem:s16], [sflag:$0x1] =	stream.indirect_vreg.gather [hbm4b:s26+s1], $0x80, v7, vm0, $0xb8;
	[tilespmem:$0x1D680] =	vst v63  }
.LBB2_21:
0x179: {  	p2 =	sle.s32 s0, s4  }
.Ltmp13:
0x17a: {  	_ = 	snop;
	(pc) =	sbr.rel @p2 .LBB2_23-.Ltmp13, $1  }
0x17b: {  	_ =	sdelay $0x3  }
0x17c: {  	v7 =	vld [tilespmem:s4+$0xE00];
	_ =	sdelay $0x4  }
0x17d: {  	v8 =	vshll.u32 v7, $0x1  }
0x17e: {  	v7 =	vand.u32 $0x7, v7;
	v8 =	vand.u32 $0xFFFFFFF0, v8  }
0x17f: {  	v7 =	vor.u32 v7, v8  }
0x180: {  	v8 =	vperm.xlane v7, v4;
	_ =	sdelay $0x1  }
0x181: {  	v7 =	vperm.xlane v7, v6;
	v8 =	vadd.s32 v5, v8;
	_ =	sdelay $0x1  }
0x182: {  	v7 =	vadd.s32 v5, v7;
	_ =	sdelay $0x2  }
0x183: {  	[tilespmem:s22], [sflag:$0x2] =	stream.indirect_vreg.gather [hbm4b:s26+s1], $0x80, v8, vm0, $0xb8;
	[tilespmem:$0x1D680] =	vst v63  }
0x184: {  	s11 =	simm.s32 $0x9E80  }
0x185: {  	[tilespmem:s11], [sflag:$0x2] =	stream.indirect_vreg.gather [hbm4b:s26+s1], $0x80, v7, vm0, $0xb8;
	[tilespmem:$0x1D680] =	vst v63  }
0x186: {  	v7 =	vld [tilespmem:s4+$0xE10];
	_ =	sdelay $0x4  }
0x187: {  	v8 =	vshll.u32 v7, $0x1  }
0x188: {  	v7 =	vand.u32 $0x7, v7;
	v8 =	vand.u32 $0xFFFFFFF0, v8  }
0x189: {  	v7 =	vor.u32 v7, v8  }
0x18a: {  	v8 =	vperm.xlane v7, v4;
	_ =	sdelay $0x1  }
0x18b: {  	v7 =	vperm.xlane v7, v6;
	v8 =	vadd.s32 v5, v8;
	_ =	sdelay $0x1  }
0x18c: {  	v7 =	vadd.s32 v5, v7;
	_ =	sdelay $0x1  }
0x18d: {  	s13 =	simm.s32 $0xA680  }
0x18e: {  	[tilespmem:s13], [sflag:$0x2] =	stream.indirect_vreg.gather [hbm4b:s26+s1], $0x80, v8, vm0, $0xb8;
	[tilespmem:$0x1D680] =	vst v63  }
0x18f: {  	s14 =	simm.s32 $0xAE80  }
0x190: {  	[tilespmem:s14], [sflag:$0x2] =	stream.indirect_vreg.gather [hbm4b:s26+s1], $0x80, v7, vm0, $0xb8;
	[tilespmem:$0x1D680] =	vst v63  }
0x191: {  	v7 =	vld [tilespmem:s4+$0xE20];
	_ =	sdelay $0x4  }
0x192: {  	v8 =	vshll.u32 v7, $0x1  }
0x193: {  	v7 =	vand.u32 $0x7, v7;
	v8 =	vand.u32 $0xFFFFFFF0, v8  }
0x194: {  	v7 =	vor.u32 v7, v8  }
0x195: {  	v8 =	vperm.xlane v7, v4;
	_ =	sdelay $0x1  }
0x196: {  	v7 =	vperm.xlane v7, v6;
	v8 =	vadd.s32 v5, v8;
	_ =	sdelay $0x1  }
0x197: {  	v7 =	vadd.s32 v5, v7;
	_ =	sdelay $0x1  }
0x198: {  	s15 =	simm.s32 $0xB680  }
0x199: {  	[tilespmem:s15], [sflag:$0x2] =	stream.indirect_vreg.gather [hbm4b:s26+s1], $0x80, v8, vm0, $0xb8;
	[tilespmem:$0x1D680] =	vst v63  }
0x19a: {  	s16 =	simm.s32 $0xBE80  }
0x19b: {  	[tilespmem:s16], [sflag:$0x2] =	stream.indirect_vreg.gather [hbm4b:s26+s1], $0x80, v7, vm0, $0xb8;
	[tilespmem:$0x1D680] =	vst v63  }
0x19c: {  	v7 =	vld [tilespmem:s4+$0xE30];
	_ =	sdelay $0x4  }
0x19d: {  	v8 =	vshll.u32 v7, $0x1  }
0x19e: {  	v7 =	vand.u32 $0x7, v7;
	v8 =	vand.u32 $0xFFFFFFF0, v8  }
0x19f: {  	v7 =	vor.u32 v7, v8  }
0x1a0: {  	v8 =	vperm.xlane v7, v4;
	_ =	sdelay $0x1  }
0x1a1: {  	v7 =	vperm.xlane v7, v6;
	v8 =	vadd.s32 v5, v8;
	_ =	sdelay $0x1  }
0x1a2: {  	v7 =	vadd.s32 v5, v7;
	_ =	sdelay $0x1  }
0x1a3: {  	s12 =	simm.s32 $0xC680  }
0x1a4: {  	[tilespmem:s12], [sflag:$0x2] =	stream.indirect_vreg.gather [hbm4b:s26+s1], $0x80, v8, vm0, $0xb8;
	[tilespmem:$0x1D680] =	vst v63  }
0x1a5: {  	s13 =	simm.s32 $0xCE80  }
0x1a6: {  	[tilespmem:s13], [sflag:$0x2] =	stream.indirect_vreg.gather [hbm4b:s26+s1], $0x80, v7, vm0, $0xb8;
	[tilespmem:$0x1D680] =	vst v63  }
0x1a7: {  	v7 =	vld [tilespmem:s4+$0xE40];
	_ =	sdelay $0x4  }
0x1a8: {  	v8 =	vshll.u32 v7, $0x1  }
0x1a9: {  	v7 =	vand.u32 $0x7, v7;
	v8 =	vand.u32 $0xFFFFFFF0, v8  }
0x1aa: {  	v7 =	vor.u32 v7, v8  }
0x1ab: {  	v8 =	vperm.xlane v7, v4;
	_ =	sdelay $0x1  }
0x1ac: {  	v7 =	vperm.xlane v7, v6;
	v8 =	vadd.s32 v5, v8;
	_ =	sdelay $0x1  }
0x1ad: {  	v7 =	vadd.s32 v5, v7;
	_ =	sdelay $0x1  }
0x1ae: {  	s14 =	simm.s32 $0xD680  }
0x1af: {  	[tilespmem:s14], [sflag:$0x2] =	stream.indirect_vreg.gather [hbm4b:s26+s1], $0x80, v8, vm0, $0xb8;
	[tilespmem:$0x1D680] =	vst v63  }
0x1b0: {  	s15 =	simm.s32 $0xDE80  }
0x1b1: {  	[tilespmem:s15], [sflag:$0x2] =	stream.indirect_vreg.gather [hbm4b:s26+s1], $0x80, v7, vm0, $0xb8;
	[tilespmem:$0x1D680] =	vst v63  }
0x1b2: {  	v7 =	vld [tilespmem:s4+$0xE50];
	_ =	sdelay $0x4  }
0x1b3: {  	v8 =	vshll.u32 v7, $0x1  }
0x1b4: {  	v7 =	vand.u32 $0x7, v7;
	v8 =	vand.u32 $0xFFFFFFF0, v8  }
0x1b5: {  	v7 =	vor.u32 v7, v8  }
0x1b6: {  	v8 =	vperm.xlane v7, v4;
	_ =	sdelay $0x1  }
0x1b7: {  	v7 =	vperm.xlane v7, v6;
	v8 =	vadd.s32 v5, v8;
	_ =	sdelay $0x1  }
0x1b8: {  	v7 =	vadd.s32 v5, v7;
	_ =	sdelay $0x1  }
0x1b9: {  	s16 =	simm.s32 $0xE680  }
0x1ba: {  	[tilespmem:s16], [sflag:$0x2] =	stream.indirect_vreg.gather [hbm4b:s26+s1], $0x80, v8, vm0, $0xb8;
	[tilespmem:$0x1D680] =	vst v63  }
0x1bb: {  	s12 =	simm.s32 $0xEE80  }
0x1bc: {  	[tilespmem:s12], [sflag:$0x2] =	stream.indirect_vreg.gather [hbm4b:s26+s1], $0x80, v7, vm0, $0xb8;
	[tilespmem:$0x1D680] =	vst v63  }
0x1bd: {  	v7 =	vld [tilespmem:s4+$0xE60];
	_ =	sdelay $0x4  }
0x1be: {  	v8 =	vshll.u32 v7, $0x1  }
0x1bf: {  	v7 =	vand.u32 $0x7, v7;
	v8 =	vand.u32 $0xFFFFFFF0, v8  }
0x1c0: {  	v7 =	vor.u32 v7, v8  }
0x1c1: {  	v8 =	vperm.xlane v7, v4;
	_ =	sdelay $0x1  }
0x1c2: {  	v7 =	vperm.xlane v7, v6;
	v8 =	vadd.s32 v5, v8;
	_ =	sdelay $0x1  }
0x1c3: {  	v7 =	vadd.s32 v5, v7;
	_ =	sdelay $0x1  }
0x1c4: {  	s13 =	simm.s32 $0xF680  }
0x1c5: {  	[tilespmem:s13], [sflag:$0x2] =	stream.indirect_vreg.gather [hbm4b:s26+s1], $0x80, v8, vm0, $0xb8;
	[tilespmem:$0x1D680] =	vst v63  }
0x1c6: {  	s14 =	simm.s32 $0xFE80  }
0x1c7: {  	[tilespmem:s14], [sflag:$0x2] =	stream.indirect_vreg.gather [hbm4b:s26+s1], $0x80, v7, vm0, $0xb8;
	[tilespmem:$0x1D680] =	vst v63  }
0x1c8: {  	v7 =	vld [tilespmem:s4+$0xE70];
	_ =	sdelay $0x4  }
0x1c9: {  	v8 =	vshll.u32 v7, $0x1  }
0x1ca: {  	v7 =	vand.u32 $0x7, v7;
	v8 =	vand.u32 $0xFFFFFFF0, v8  }
0x1cb: {  	v7 =	vor.u32 v7, v8  }
0x1cc: {  	v8 =	vperm.xlane v7, v4;
	_ =	sdelay $0x1  }
0x1cd: {  	v7 =	vperm.xlane v7, v6;
	v8 =	vadd.s32 v5, v8;
	_ =	sdelay $0x1  }
0x1ce: {  	v7 =	vadd.s32 v5, v7;
	_ =	sdelay $0x1  }
0x1cf: {  	s15 =	simm.s32 $0x10680  }
0x1d0: {  	[tilespmem:s15], [sflag:$0x2] =	stream.indirect_vreg.gather [hbm4b:s26+s1], $0x80, v8, vm0, $0xb8;
	[tilespmem:$0x1D680] =	vst v63  }
0x1d1: {  	s16 =	simm.s32 $0x10E80  }
0x1d2: {  	[tilespmem:s16], [sflag:$0x2] =	stream.indirect_vreg.gather [hbm4b:s26+s1], $0x80, v7, vm0, $0xb8;
	[tilespmem:$0x1D680] =	vst v63  }
.LBB2_23:
0x1d3: {  	p3 =	sle.s32 s0, s5  }
.Ltmp14:
0x1d4: {  	_ = 	snop;
	(pc) =	sbr.rel @p3 .LBB2_25-.Ltmp14, $4  }
0x1d5: {  	s11 =	simm.s32 @!p1 $0x1  }
0x1d6: {  	_ =	swait.ge @!p1 [sflag:s11], $0x8000  }
0x1d7: {  	[sflag:s11] =	ssyncset.done @!p1 $0x0  }
0x1d8: {  	[sflag:s11] =	ssyncadd.s32 @!p1 $0xFFFF8000  }
0x1d9: {  	v7 =	vld [tilespmem:s5+$0xE00];
	_ =	sdelay $0x4  }
0x1da: {  	v8 =	vshll.u32 v7, $0x1  }
0x1db: {  	v7 =	vand.u32 $0x7, v7;
	v8 =	vand.u32 $0xFFFFFFF0, v8  }
0x1dc: {  	v7 =	vor.u32 v7, v8  }
0x1dd: {  	v8 =	vperm.xlane v7, v4;
	_ =	sdelay $0x1  }
0x1de: {  	v7 =	vperm.xlane v7, v6;
	v8 =	vadd.s32 v5, v8;
	_ =	sdelay $0x1  }
0x1df: {  	v7 =	vadd.s32 v5, v7;
	_ =	sdelay $0x2  }
0x1e0: {  	[tilespmem:s25], [sflag:$0x3] =	stream.indirect_vreg.gather [hbm4b:s26+s1], $0x80, v8, vm0, $0xb8;
	[tilespmem:$0x1D680] =	vst v63  }
0x1e1: {  	s11 =	simm.s32 $0x11E80  }
0x1e2: {  	[tilespmem:s11], [sflag:$0x3] =	stream.indirect_vreg.gather [hbm4b:s26+s1], $0x80, v7, vm0, $0xb8;
	[tilespmem:$0x1D680] =	vst v63  }
0x1e3: {  	v7 =	vld [tilespmem:s5+$0xE10];
	_ =	sdelay $0x4  }
0x1e4: {  	v8 =	vshll.u32 v7, $0x1  }
0x1e5: {  	v7 =	vand.u32 $0x7, v7;
	v8 =	vand.u32 $0xFFFFFFF0, v8  }
0x1e6: {  	v7 =	vor.u32 v7, v8  }
0x1e7: {  	v8 =	vperm.xlane v7, v4;
	_ =	sdelay $0x1  }
0x1e8: {  	v7 =	vperm.xlane v7, v6;
	v8 =	vadd.s32 v5, v8;
	_ =	sdelay $0x1  }
0x1e9: {  	v7 =	vadd.s32 v5, v7;
	_ =	sdelay $0x1  }
0x1ea: {  	s13 =	simm.s32 $0x12680  }
0x1eb: {  	[tilespmem:s13], [sflag:$0x3] =	stream.indirect_vreg.gather [hbm4b:s26+s1], $0x80, v8, vm0, $0xb8;
	[tilespmem:$0x1D680] =	vst v63  }
0x1ec: {  	s14 =	simm.s32 $0x12E80  }
0x1ed: {  	[tilespmem:s14], [sflag:$0x3] =	stream.indirect_vreg.gather [hbm4b:s26+s1], $0x80, v7, vm0, $0xb8;
	[tilespmem:$0x1D680] =	vst v63  }
0x1ee: {  	v7 =	vld [tilespmem:s5+$0xE20];
	_ =	sdelay $0x4  }
0x1ef: {  	v8 =	vshll.u32 v7, $0x1  }
0x1f0: {  	v7 =	vand.u32 $0x7, v7;
	v8 =	vand.u32 $0xFFFFFFF0, v8  }
0x1f1: {  	v7 =	vor.u32 v7, v8  }
0x1f2: {  	v8 =	vperm.xlane v7, v4;
	_ =	sdelay $0x1  }
0x1f3: {  	v7 =	vperm.xlane v7, v6;
	v8 =	vadd.s32 v5, v8;
	_ =	sdelay $0x1  }
0x1f4: {  	v7 =	vadd.s32 v5, v7;
	_ =	sdelay $0x1  }
0x1f5: {  	s15 =	simm.s32 $0x13680  }
0x1f6: {  	[tilespmem:s15], [sflag:$0x3] =	stream.indirect_vreg.gather [hbm4b:s26+s1], $0x80, v8, vm0, $0xb8;
	[tilespmem:$0x1D680] =	vst v63  }
0x1f7: {  	s16 =	simm.s32 $0x13E80  }
0x1f8: {  	[tilespmem:s16], [sflag:$0x3] =	stream.indirect_vreg.gather [hbm4b:s26+s1], $0x80, v7, vm0, $0xb8;
	[tilespmem:$0x1D680] =	vst v63  }
0x1f9: {  	v7 =	vld [tilespmem:s5+$0xE30];
	_ =	sdelay $0x4  }
0x1fa: {  	v8 =	vshll.u32 v7, $0x1  }
0x1fb: {  	v7 =	vand.u32 $0x7, v7;
	v8 =	vand.u32 $0xFFFFFFF0, v8  }
0x1fc: {  	v7 =	vor.u32 v7, v8  }
0x1fd: {  	v8 =	vperm.xlane v7, v4;
	_ =	sdelay $0x1  }
0x1fe: {  	v7 =	vperm.xlane v7, v6;
	v8 =	vadd.s32 v5, v8;
	_ =	sdelay $0x1  }
0x1ff: {  	v7 =	vadd.s32 v5, v7;
	_ =	sdelay $0x1  }
0x200: {  	s12 =	simm.s32 $0x14680  }
0x201: {  	[tilespmem:s12], [sflag:$0x3] =	stream.indirect_vreg.gather [hbm4b:s26+s1], $0x80, v8, vm0, $0xb8;
	[tilespmem:$0x1D680] =	vst v63  }
0x202: {  	s13 =	simm.s32 $0x14E80  }
0x203: {  	[tilespmem:s13], [sflag:$0x3] =	stream.indirect_vreg.gather [hbm4b:s26+s1], $0x80, v7, vm0, $0xb8;
	[tilespmem:$0x1D680] =	vst v63  }
0x204: {  	v7 =	vld [tilespmem:s5+$0xE40];
	_ =	sdelay $0x4  }
0x205: {  	v8 =	vshll.u32 v7, $0x1  }
0x206: {  	v7 =	vand.u32 $0x7, v7;
	v8 =	vand.u32 $0xFFFFFFF0, v8  }
0x207: {  	v7 =	vor.u32 v7, v8  }
0x208: {  	v8 =	vperm.xlane v7, v4;
	_ =	sdelay $0x1  }
0x209: {  	v7 =	vperm.xlane v7, v6;
	v8 =	vadd.s32 v5, v8;
	_ =	sdelay $0x1  }
0x20a: {  	v7 =	vadd.s32 v5, v7;
	_ =	sdelay $0x1  }
0x20b: {  	s14 =	simm.s32 $0x15680  }
0x20c: {  	[tilespmem:s14], [sflag:$0x3] =	stream.indirect_vreg.gather [hbm4b:s26+s1], $0x80, v8, vm0, $0xb8;
	[tilespmem:$0x1D680] =	vst v63  }
0x20d: {  	s15 =	simm.s32 $0x15E80  }
0x20e: {  	[tilespmem:s15], [sflag:$0x3] =	stream.indirect_vreg.gather [hbm4b:s26+s1], $0x80, v7, vm0, $0xb8;
	[tilespmem:$0x1D680] =	vst v63  }
0x20f: {  	v7 =	vld [tilespmem:s5+$0xE50];
	_ =	sdelay $0x4  }
0x210: {  	v8 =	vshll.u32 v7, $0x1  }
0x211: {  	v7 =	vand.u32 $0x7, v7;
	v8 =	vand.u32 $0xFFFFFFF0, v8  }
0x212: {  	v7 =	vor.u32 v7, v8  }
0x213: {  	v8 =	vperm.xlane v7, v4;
	_ =	sdelay $0x1  }
0x214: {  	v7 =	vperm.xlane v7, v6;
	v8 =	vadd.s32 v5, v8;
	_ =	sdelay $0x1  }
0x215: {  	v7 =	vadd.s32 v5, v7;
	_ =	sdelay $0x1  }
0x216: {  	s16 =	simm.s32 $0x16680  }
0x217: {  	[tilespmem:s16], [sflag:$0x3] =	stream.indirect_vreg.gather [hbm4b:s26+s1], $0x80, v8, vm0, $0xb8;
	[tilespmem:$0x1D680] =	vst v63  }
0x218: {  	s12 =	simm.s32 $0x16E80  }
0x219: {  	[tilespmem:s12], [sflag:$0x3] =	stream.indirect_vreg.gather [hbm4b:s26+s1], $0x80, v7, vm0, $0xb8;
	[tilespmem:$0x1D680] =	vst v63  }
0x21a: {  	v7 =	vld [tilespmem:s5+$0xE60];
	_ =	sdelay $0x4  }
0x21b: {  	v8 =	vshll.u32 v7, $0x1  }
0x21c: {  	v7 =	vand.u32 $0x7, v7;
	v8 =	vand.u32 $0xFFFFFFF0, v8  }
0x21d: {  	v7 =	vor.u32 v7, v8  }
0x21e: {  	v8 =	vperm.xlane v7, v4;
	_ =	sdelay $0x1  }
0x21f: {  	v7 =	vperm.xlane v7, v6;
	v8 =	vadd.s32 v5, v8;
	_ =	sdelay $0x1  }
0x220: {  	v7 =	vadd.s32 v5, v7;
	_ =	sdelay $0x1  }
0x221: {  	s13 =	simm.s32 $0x17680  }
0x222: {  	[tilespmem:s13], [sflag:$0x3] =	stream.indirect_vreg.gather [hbm4b:s26+s1], $0x80, v8, vm0, $0xb8;
	[tilespmem:$0x1D680] =	vst v63  }
0x223: {  	s14 =	simm.s32 $0x17E80  }
0x224: {  	[tilespmem:s14], [sflag:$0x3] =	stream.indirect_vreg.gather [hbm4b:s26+s1], $0x80, v7, vm0, $0xb8;
	[tilespmem:$0x1D680] =	vst v63  }
0x225: {  	v7 =	vld [tilespmem:s5+$0xE70];
	_ =	sdelay $0x4  }
0x226: {  	v8 =	vshll.u32 v7, $0x1  }
0x227: {  	v7 =	vand.u32 $0x7, v7;
	v8 =	vand.u32 $0xFFFFFFF0, v8  }
0x228: {  	v7 =	vor.u32 v7, v8  }
0x229: {  	v8 =	vperm.xlane v7, v4;
	_ =	sdelay $0x1  }
0x22a: {  	v7 =	vperm.xlane v7, v6;
	v8 =	vadd.s32 v5, v8;
	_ =	sdelay $0x1  }
0x22b: {  	v7 =	vadd.s32 v5, v7;
	_ =	sdelay $0x1  }
0x22c: {  	s15 =	simm.s32 $0x18680  }
0x22d: {  	[tilespmem:s15], [sflag:$0x3] =	stream.indirect_vreg.gather [hbm4b:s26+s1], $0x80, v8, vm0, $0xb8;
	[tilespmem:$0x1D680] =	vst v63  }
0x22e: {  	s16 =	simm.s32 $0x18E80  }
0x22f: {  	[tilespmem:s16], [sflag:$0x3] =	stream.indirect_vreg.gather [hbm4b:s26+s1], $0x80, v7, vm0, $0xb8;
	[tilespmem:$0x1D680] =	vst v63  }
.LBB2_25:
.Ltmp15:
0x230: {  	(pc) =	sbr.rel @p1 .LBB2_33-.Ltmp15, $1  }
0x231: {  	_ =	sdelay $0x3  }
0x232: {  	s11 =	ssub.s32 s0, s2  }
0x233: {  	p1 =	sgt.s32 s11, $0x7F  }
.Ltmp16:
0x234: {  	_ = 	snop;
	(pc) =	sbr.rel @p1 .LBB2_32-.Ltmp16, $1  }
0x235: {  	_ =	sdelay $0x3  }
0x236: {  	s11 =	smax.u32 s11, $0x7F;
	s12 =	rddreg [dreg:$0x1f]  }
0x237: {  	s11 =	sadd.s32 s11, s12  }
0x238: {  	s11 =	ssub.s32 s11, s0  }
0x239: {  	p4 =	sne.s32 s11, $0x1  }
.Ltmp17:
0x23a: {  	_ = 	snop;
	(pc) =	sbr.rel @!p4 .LBB2_28-.Ltmp17, $4  }
0x23b: {  	s14 =	rddreg [dreg:$0x16]  }
0x23c: {  	s15 =	sshll.u32 s0, $0x8;
	s13 =	sshll.u32 s0, $0x7;
	s16 =	rddreg [dreg:$0x15]  }
0x23d: {  	p1 =	por $0x0, $0x0;
	s12 =	sadd.s32 s15, s14;
	s13 =	sadd.s32 s13, s16  }
0x23e: {  	s15 =	sand.u32 $0x7800, s12;
	s16 =	sand.u32 $0x380, s13;
	s14 =	sadd.s32 $0xFFFFFFFF, s11  }
0x23f: {  	s11 =	sor.u32 s16, s15  }
0x240: {  	[tilespmem:s11+$0x1AF0] =	vst v3  }
0x241: {  	[tilespmem:s11+$0x1680] =	vst v3  }
0x242: {  	[tilespmem:s11+$0x1690] =	vst v3  }
0x243: {  	[tilespmem:s11+$0x16A0] =	vst v3  }
0x244: {  	[tilespmem:s11+$0x16B0] =	vst v3  }
0x245: {  	[tilespmem:s11+$0x16C0] =	vst v3  }
0x246: {  	[tilespmem:s11+$0x16D0] =	vst v3  }
0x247: {  	[tilespmem:s11+$0x16E0] =	vst v3  }
0x248: {  	[tilespmem:s11+$0x16F0] =	vst v3  }
0x249: {  	p4 =	sne.s32 s14, $0x1;
	[tilespmem:s11+$0x1A80] =	vst v3  }
.Ltmp18:
0x24a: {  	[tilespmem:s11+$0x1A90] =	vst v3;
	(pc) =	sbr.rel @!p4 .LBB2_31-.Ltmp18, $4  }
0x24b: {  	[tilespmem:s11+$0x1AA0] =	vst v3  }
0x24c: {  	[tilespmem:s11+$0x1AB0] =	vst v3  }
0x24d: {  	s12 =	sadd.s32 $0x100, s12;
	s13 =	sadd.s32 $0x80, s13;
	s14 =	sadd.s32 $0xFFFFFFFF, s14;
	[tilespmem:s11+$0x1AC0] =	vst v3  }
0x24e: {  	p1 =	por $0x1, $0x1;
	s15 =	sand.u32 $0x7800, s12;
	s16 =	sand.u32 $0x380, s13;
	[tilespmem:s11+$0x1AD0] =	vst v3  }
.LBB2_30:
0x24f: {  	p4 =	sne.s32 s14, $0x1;
	[tilespmem:s11+$0x1AE0] =	vst v3;
	s11 =	sor.u32 s16, s15  }
0x250: {  	[tilespmem:s11+$0x1AF0] =	vst v3  }
0x251: {  	[tilespmem:s11+$0x1680] =	vst v3  }
0x252: {  	[tilespmem:s11+$0x1690] =	vst v3  }
0x253: {  	[tilespmem:s11+$0x16A0] =	vst v3  }
0x254: {  	[tilespmem:s11+$0x16B0] =	vst v3  }
0x255: {  	[tilespmem:s11+$0x16C0] =	vst v3  }
0x256: {  	[tilespmem:s11+$0x16D0] =	vst v3  }
0x257: {  	[tilespmem:s11+$0x16E0] =	vst v3  }
0x258: {  	[tilespmem:s11+$0x16F0] =	vst v3  }
0x259: {  	[tilespmem:s11+$0x1A80] =	vst v3  }
.Ltmp19:
0x25a: {  	[tilespmem:s11+$0x1A90] =	vst v3;
	(pc) =	sbr.rel @p4 .LBB2_30-.Ltmp19, $4  }
0x25b: {  	[tilespmem:s11+$0x1AA0] =	vst v3  }
0x25c: {  	[tilespmem:s11+$0x1AB0] =	vst v3  }
0x25d: {  	s13 =	sadd.s32 $0x80, s13;
	s12 =	sadd.s32 $0x100, s12;
	[tilespmem:s11+$0x1AC0] =	vst v3  }
0x25e: {  	s14 =	sadd.s32 $0xFFFFFFFF, s14;
	s15 =	sand.u32 $0x7800, s12;
	s16 =	sand.u32 $0x380, s13;
	[tilespmem:s11+$0x1AD0] =	vst v3  }
.LBB2_31:
0x25f: {  	s12 =	sor.u32 s16, s15;
	[tilespmem:s11+$0x1AE0] =	vst @p1 v3  }
0x260: {  	[tilespmem:s12+$0x1AF0] =	vst v3  }
0x261: {  	[tilespmem:s12+$0x1680] =	vst v3  }
0x262: {  	[tilespmem:s12+$0x1690] =	vst v3  }
0x263: {  	[tilespmem:s12+$0x16A0] =	vst v3  }
0x264: {  	[tilespmem:s12+$0x16B0] =	vst v3  }
0x265: {  	[tilespmem:s12+$0x16C0] =	vst v3  }
0x266: {  	[tilespmem:s12+$0x16D0] =	vst v3  }
0x267: {  	[tilespmem:s12+$0x16E0] =	vst v3  }
0x268: {  	[tilespmem:s12+$0x16F0] =	vst v3  }
0x269: {  	[tilespmem:s12+$0x1A80] =	vst v3  }
0x26a: {  	[tilespmem:s12+$0x1A90] =	vst v3  }
0x26b: {  	[tilespmem:s12+$0x1AA0] =	vst v3  }
0x26c: {  	[tilespmem:s12+$0x1AB0] =	vst v3  }
0x26d: {  	[tilespmem:s12+$0x1AC0] =	vst v3  }
0x26e: {  	[tilespmem:s12+$0x1AD0] =	vst v3  }
0x26f: {  	[tilespmem:s12+$0x1AE0] =	vst v3  }
.LBB2_32:
.Ltmp20:
0x270: {  	s11 =	rddreg [dreg:$0xd];
	(pc) =	sbr.rel .LBB2_34-.Ltmp20, $4  }
0x271: {  	[hbm4b:s11+s1] =	stream.linear.scatter [tilespmem:s21], [sflag:$0x4], $0x8000, $0x38;
	[tilespmem:$0x1D680] =	vst v63  }
0x272: {  	_ =	swait.ge [sflag:s18], $0x8000  }
0x273: {  	[sflag:s18] =	ssyncset.done $0x0  }
0x274: {  	[sflag:s18] =	ssyncadd.s32 $0xFFFF8000  }
.LBB2_33:
0x275: {  	s11 =	rddreg [dreg:$0x5]  }
0x276: {  	[hbm4b:s11+s1] =	stream.linear.scatter [tilespmem:s29], [sflag:$0x4], $0x4000, $0x38;
	[tilespmem:$0x1D680] =	vst v63  }
0x277: {  	_ =	swait.ge [sflag:s18], $0x4000  }
0x278: {  	[sflag:s18] =	ssyncset.done $0x0  }
0x279: {  	s16 =	rddreg [dreg:$0x17];
	[sflag:s18] =	ssyncadd.s32 $0xFFFFC000  }
0x27a: {  	[hbm4b:s16+s1] =	stream.linear.scatter [tilespmem:s29], [sflag:$0x4], $0x4000, $0x38;
	[tilespmem:$0x1D680] =	vst v63  }
0x27b: {  	_ =	swait.ge [sflag:s18], $0x4000  }
0x27c: {  	[sflag:s18] =	ssyncset.done $0x0  }
0x27d: {  	[sflag:s18] =	ssyncadd.s32 $0xFFFFC000  }
.LBB2_34:
0x27e: {  	p1 =	sle.s32 s0, s6  }
.Ltmp21:
0x27f: {  	_ = 	snop;
	(pc) =	sbr.rel @p1 .LBB2_36-.Ltmp21, $4  }
0x280: {  	s11 =	simm.s32 @!p2 $0x2  }
0x281: {  	_ =	swait.ge @!p2 [sflag:s11], $0x8000  }
0x282: {  	[sflag:s11] =	ssyncset.done @!p2 $0x0  }
0x283: {  	[sflag:s11] =	ssyncadd.s32 @!p2 $0xFFFF8000  }
0x284: {  	v7 =	vld [tilespmem:s6+$0xE00];
	_ =	sdelay $0x4  }
0x285: {  	v8 =	vshll.u32 v7, $0x1  }
0x286: {  	v7 =	vand.u32 $0x7, v7;
	v8 =	vand.u32 $0xFFFFFFF0, v8  }
0x287: {  	v7 =	vor.u32 v7, v8  }
0x288: {  	v8 =	vperm.xlane v7, v4;
	_ =	sdelay $0x1  }
0x289: {  	v7 =	vperm.xlane v7, v6;
	v8 =	vadd.s32 v5, v8;
	_ =	sdelay $0x1  }
0x28a: {  	v7 =	vadd.s32 v5, v7;
	_ =	sdelay $0x2  }
0x28b: {  	[tilespmem:s21], [sflag:$0x1] =	stream.indirect_vreg.gather [hbm4b:s26+s1], $0x80, v8, vm0, $0xb8;
	[tilespmem:$0x1D680] =	vst v63  }
0x28c: {  	_ = 	snop  }
0x28d: {  	[tilespmem:s19], [sflag:$0x1] =	stream.indirect_vreg.gather [hbm4b:s26+s1], $0x80, v7, vm0, $0xb8;
	[tilespmem:$0x1D680] =	vst v63  }
0x28e: {  	v7 =	vld [tilespmem:s6+$0xE10];
	_ =	sdelay $0x4  }
0x28f: {  	v8 =	vshll.u32 v7, $0x1  }
0x290: {  	v7 =	vand.u32 $0x7, v7;
	v8 =	vand.u32 $0xFFFFFFF0, v8  }
0x291: {  	v7 =	vor.u32 v7, v8  }
0x292: {  	v8 =	vperm.xlane v7, v4;
	_ =	sdelay $0x1  }
0x293: {  	v7 =	vperm.xlane v7, v6;
	v8 =	vadd.s32 v5, v8;
	_ =	sdelay $0x1  }
0x294: {  	v7 =	vadd.s32 v5, v7;
	_ =	sdelay $0x2  }
0x295: {  	[tilespmem:s24], [sflag:$0x1] =	stream.indirect_vreg.gather [hbm4b:s26+s1], $0x80, v8, vm0, $0xb8;
	[tilespmem:$0x1D680] =	vst v63  }
0x296: {  	_ = 	snop  }
0x297: {  	[tilespmem:s17], [sflag:$0x1] =	stream.indirect_vreg.gather [hbm4b:s26+s1], $0x80, v7, vm0, $0xb8;
	[tilespmem:$0x1D680] =	vst v63  }
0x298: {  	v7 =	vld [tilespmem:s6+$0xE20];
	_ =	sdelay $0x4  }
0x299: {  	v8 =	vshll.u32 v7, $0x1  }
0x29a: {  	v7 =	vand.u32 $0x7, v7;
	v8 =	vand.u32 $0xFFFFFFF0, v8  }
0x29b: {  	v7 =	vor.u32 v7, v8  }
0x29c: {  	v8 =	vperm.xlane v7, v4;
	_ =	sdelay $0x1  }
0x29d: {  	v7 =	vperm.xlane v7, v6;
	v8 =	vadd.s32 v5, v8;
	_ =	sdelay $0x1  }
0x29e: {  	v7 =	vadd.s32 v5, v7;
	_ =	sdelay $0x1  }
0x29f: {  	s11 =	simm.s32 $0x3680  }
0x2a0: {  	[tilespmem:s11], [sflag:$0x1] =	stream.indirect_vreg.gather [hbm4b:s26+s1], $0x80, v8, vm0, $0xb8;
	[tilespmem:$0x1D680] =	vst v63  }
0x2a1: {  	s16 =	simm.s32 $0x3E80  }
0x2a2: {  	[tilespmem:s16], [sflag:$0x1] =	stream.indirect_vreg.gather [hbm4b:s26+s1], $0x80, v7, vm0, $0xb8;
	[tilespmem:$0x1D680] =	vst v63  }
0x2a3: {  	v7 =	vld [tilespmem:s6+$0xE30];
	_ =	sdelay $0x4  }
0x2a4: {  	v8 =	vshll.u32 v7, $0x1  }
0x2a5: {  	v7 =	vand.u32 $0x7, v7;
	v8 =	vand.u32 $0xFFFFFFF0, v8  }
0x2a6: {  	v7 =	vor.u32 v7, v8  }
0x2a7: {  	v8 =	vperm.xlane v7, v4;
	_ =	sdelay $0x1  }
0x2a8: {  	v7 =	vperm.xlane v7, v6;
	v8 =	vadd.s32 v5, v8;
	_ =	sdelay $0x1  }
0x2a9: {  	v7 =	vadd.s32 v5, v7;
	_ =	sdelay $0x1  }
0x2aa: {  	s12 =	simm.s32 $0x4680  }
0x2ab: {  	[tilespmem:s12], [sflag:$0x1] =	stream.indirect_vreg.gather [hbm4b:s26+s1], $0x80, v8, vm0, $0xb8;
	[tilespmem:$0x1D680] =	vst v63  }
0x2ac: {  	s13 =	simm.s32 $0x4E80  }
0x2ad: {  	[tilespmem:s13], [sflag:$0x1] =	stream.indirect_vreg.gather [hbm4b:s26+s1], $0x80, v7, vm0, $0xb8;
	[tilespmem:$0x1D680] =	vst v63  }
0x2ae: {  	v7 =	vld [tilespmem:s6+$0xE40];
	_ =	sdelay $0x4  }
0x2af: {  	v8 =	vshll.u32 v7, $0x1  }
0x2b0: {  	v7 =	vand.u32 $0x7, v7;
	v8 =	vand.u32 $0xFFFFFFF0, v8  }
0x2b1: {  	v7 =	vor.u32 v7, v8  }
0x2b2: {  	v8 =	vperm.xlane v7, v4;
	_ =	sdelay $0x1  }
0x2b3: {  	v7 =	vperm.xlane v7, v6;
	v8 =	vadd.s32 v5, v8;
	_ =	sdelay $0x1  }
0x2b4: {  	v7 =	vadd.s32 v5, v7;
	_ =	sdelay $0x1  }
0x2b5: {  	s14 =	simm.s32 $0x5680  }
0x2b6: {  	[tilespmem:s14], [sflag:$0x1] =	stream.indirect_vreg.gather [hbm4b:s26+s1], $0x80, v8, vm0, $0xb8;
	[tilespmem:$0x1D680] =	vst v63  }
0x2b7: {  	s15 =	simm.s32 $0x5E80  }
0x2b8: {  	[tilespmem:s15], [sflag:$0x1] =	stream.indirect_vreg.gather [hbm4b:s26+s1], $0x80, v7, vm0, $0xb8;
	[tilespmem:$0x1D680] =	vst v63  }
0x2b9: {  	v7 =	vld [tilespmem:s6+$0xE50];
	_ =	sdelay $0x4  }
0x2ba: {  	v8 =	vshll.u32 v7, $0x1  }
0x2bb: {  	v7 =	vand.u32 $0x7, v7;
	v8 =	vand.u32 $0xFFFFFFF0, v8  }
0x2bc: {  	v7 =	vor.u32 v7, v8  }
0x2bd: {  	v8 =	vperm.xlane v7, v4;
	_ =	sdelay $0x1  }
0x2be: {  	v7 =	vperm.xlane v7, v6;
	v8 =	vadd.s32 v5, v8;
	_ =	sdelay $0x1  }
0x2bf: {  	v7 =	vadd.s32 v5, v7;
	_ =	sdelay $0x1  }
0x2c0: {  	s16 =	simm.s32 $0x6680  }
0x2c1: {  	[tilespmem:s16], [sflag:$0x1] =	stream.indirect_vreg.gather [hbm4b:s26+s1], $0x80, v8, vm0, $0xb8;
	[tilespmem:$0x1D680] =	vst v63  }
0x2c2: {  	s12 =	simm.s32 $0x6E80  }
0x2c3: {  	[tilespmem:s12], [sflag:$0x1] =	stream.indirect_vreg.gather [hbm4b:s26+s1], $0x80, v7, vm0, $0xb8;
	[tilespmem:$0x1D680] =	vst v63  }
0x2c4: {  	v7 =	vld [tilespmem:s6+$0xE60];
	_ =	sdelay $0x4  }
0x2c5: {  	v8 =	vshll.u32 v7, $0x1  }
0x2c6: {  	v7 =	vand.u32 $0x7, v7;
	v8 =	vand.u32 $0xFFFFFFF0, v8  }
0x2c7: {  	v7 =	vor.u32 v7, v8  }
0x2c8: {  	v8 =	vperm.xlane v7, v4;
	_ =	sdelay $0x1  }
0x2c9: {  	v7 =	vperm.xlane v7, v6;
	v8 =	vadd.s32 v5, v8;
	_ =	sdelay $0x1  }
0x2ca: {  	v7 =	vadd.s32 v5, v7;
	_ =	sdelay $0x1  }
0x2cb: {  	s13 =	simm.s32 $0x7680  }
0x2cc: {  	[tilespmem:s13], [sflag:$0x1] =	stream.indirect_vreg.gather [hbm4b:s26+s1], $0x80, v8, vm0, $0xb8;
	[tilespmem:$0x1D680] =	vst v63  }
0x2cd: {  	s14 =	simm.s32 $0x7E80  }
0x2ce: {  	[tilespmem:s14], [sflag:$0x1] =	stream.indirect_vreg.gather [hbm4b:s26+s1], $0x80, v7, vm0, $0xb8;
	[tilespmem:$0x1D680] =	vst v63  }
0x2cf: {  	v7 =	vld [tilespmem:s6+$0xE70];
	_ =	sdelay $0x4  }
0x2d0: {  	v8 =	vshll.u32 v7, $0x1  }
0x2d1: {  	v7 =	vand.u32 $0x7, v7;
	v8 =	vand.u32 $0xFFFFFFF0, v8  }
0x2d2: {  	v7 =	vor.u32 v7, v8  }
0x2d3: {  	v8 =	vperm.xlane v7, v4;
	_ =	sdelay $0x1  }
0x2d4: {  	v7 =	vperm.xlane v7, v6;
	v8 =	vadd.s32 v5, v8;
	_ =	sdelay $0x1  }
0x2d5: {  	v7 =	vadd.s32 v5, v7;
	_ =	sdelay $0x1  }
0x2d6: {  	s15 =	simm.s32 $0x8680  }
0x2d7: {  	[tilespmem:s15], [sflag:$0x1] =	stream.indirect_vreg.gather [hbm4b:s26+s1], $0x80, v8, vm0, $0xb8;
	[tilespmem:$0x1D680] =	vst v63  }
0x2d8: {  	s16 =	simm.s32 $0x8E80  }
0x2d9: {  	[tilespmem:s16], [sflag:$0x1] =	stream.indirect_vreg.gather [hbm4b:s26+s1], $0x80, v7, vm0, $0xb8;
	[tilespmem:$0x1D680] =	vst v63  }
.LBB2_36:
.Ltmp22:
0x2da: {  	(pc) =	sbr.rel @p2 .LBB2_44-.Ltmp22, $1  }
0x2db: {  	_ =	sdelay $0x3  }
0x2dc: {  	s11 =	ssub.s32 s0, s4  }
0x2dd: {  	p2 =	sgt.s32 s11, $0x7F  }
.Ltmp23:
0x2de: {  	_ = 	snop;
	(pc) =	sbr.rel @p2 .LBB2_43-.Ltmp23, $1  }
0x2df: {  	_ =	sdelay $0x3  }
0x2e0: {  	s13 =	sld [smem:$0x7F7];
	_ =	sdelay $0x1  }
0x2e1: {  	s12 =	smax.u32 s11, $0x7F  }
0x2e2: {  	s12 =	sadd.s32 s12, s13  }
0x2e3: {  	s14 =	ssub.s32 s12, s0  }
0x2e4: {  	p4 =	sne.s32 s14, $0x1  }
.Ltmp24:
0x2e5: {  	_ = 	snop;
	(pc) =	sbr.rel @!p4 .LBB2_39-.Ltmp24, $3  }
0x2e6: {  	_ =	sdelay $0x1  }
0x2e7: {  	p2 =	por $0x0, $0x0;
	s13 =	sshll.u32 s11, $0x7;
	s12 =	sshll.u32 s11, $0x8  }
0x2e8: {  	s16 =	sand.u32 $0x380, s13;
	s15 =	sand.u32 $0x7800, s12;
	s14 =	sadd.s32 $0xFFFFFFFF, s14  }
0x2e9: {  	s11 =	sor.u32 s16, s15  }
0x2ea: {  	[tilespmem:s11+$0x9AF0] =	vst v3  }
0x2eb: {  	[tilespmem:s11+$0x9680] =	vst v3  }
0x2ec: {  	[tilespmem:s11+$0x9690] =	vst v3  }
0x2ed: {  	[tilespmem:s11+$0x96A0] =	vst v3  }
0x2ee: {  	[tilespmem:s11+$0x96B0] =	vst v3  }
0x2ef: {  	[tilespmem:s11+$0x96C0] =	vst v3  }
0x2f0: {  	[tilespmem:s11+$0x96D0] =	vst v3  }
0x2f1: {  	[tilespmem:s11+$0x96E0] =	vst v3  }
0x2f2: {  	[tilespmem:s11+$0x96F0] =	vst v3  }
0x2f3: {  	p4 =	sne.s32 s14, $0x1;
	[tilespmem:s11+$0x9A80] =	vst v3  }
.Ltmp25:
0x2f4: {  	[tilespmem:s11+$0x9A90] =	vst v3;
	(pc) =	sbr.rel @!p4 .LBB2_42-.Ltmp25, $4  }
0x2f5: {  	[tilespmem:s11+$0x9AA0] =	vst v3  }
0x2f6: {  	[tilespmem:s11+$0x9AB0] =	vst v3  }
0x2f7: {  	s12 =	sadd.s32 $0x100, s12;
	s13 =	sadd.s32 $0x80, s13;
	s14 =	sadd.s32 $0xFFFFFFFF, s14;
	[tilespmem:s11+$0x9AC0] =	vst v3  }
0x2f8: {  	p2 =	por $0x1, $0x1;
	s15 =	sand.u32 $0x7800, s12;
	s16 =	sand.u32 $0x380, s13;
	[tilespmem:s11+$0x9AD0] =	vst v3  }
.LBB2_41:
0x2f9: {  	p4 =	sne.s32 s14, $0x1;
	[tilespmem:s11+$0x9AE0] =	vst v3;
	s11 =	sor.u32 s16, s15  }
0x2fa: {  	[tilespmem:s11+$0x9AF0] =	vst v3  }
0x2fb: {  	[tilespmem:s11+$0x9680] =	vst v3  }
0x2fc: {  	[tilespmem:s11+$0x9690] =	vst v3  }
0x2fd: {  	[tilespmem:s11+$0x96A0] =	vst v3  }
0x2fe: {  	[tilespmem:s11+$0x96B0] =	vst v3  }
0x2ff: {  	[tilespmem:s11+$0x96C0] =	vst v3  }
0x300: {  	[tilespmem:s11+$0x96D0] =	vst v3  }
0x301: {  	[tilespmem:s11+$0x96E0] =	vst v3  }
0x302: {  	[tilespmem:s11+$0x96F0] =	vst v3  }
0x303: {  	[tilespmem:s11+$0x9A80] =	vst v3  }
.Ltmp26:
0x304: {  	[tilespmem:s11+$0x9A90] =	vst v3;
	(pc) =	sbr.rel @p4 .LBB2_41-.Ltmp26, $4  }
0x305: {  	[tilespmem:s11+$0x9AA0] =	vst v3  }
0x306: {  	[tilespmem:s11+$0x9AB0] =	vst v3  }
0x307: {  	s13 =	sadd.s32 $0x80, s13;
	s12 =	sadd.s32 $0x100, s12;
	[tilespmem:s11+$0x9AC0] =	vst v3  }
0x308: {  	s14 =	sadd.s32 $0xFFFFFFFF, s14;
	s15 =	sand.u32 $0x7800, s12;
	s16 =	sand.u32 $0x380, s13;
	[tilespmem:s11+$0x9AD0] =	vst v3  }
.LBB2_42:
0x309: {  	s12 =	sor.u32 s16, s15;
	[tilespmem:s11+$0x9AE0] =	vst @p2 v3  }
0x30a: {  	[tilespmem:s12+$0x9AF0] =	vst v3  }
0x30b: {  	[tilespmem:s12+$0x9680] =	vst v3  }
0x30c: {  	[tilespmem:s12+$0x9690] =	vst v3  }
0x30d: {  	[tilespmem:s12+$0x96A0] =	vst v3  }
0x30e: {  	[tilespmem:s12+$0x96B0] =	vst v3  }
0x30f: {  	[tilespmem:s12+$0x96C0] =	vst v3  }
0x310: {  	[tilespmem:s12+$0x96D0] =	vst v3  }
0x311: {  	[tilespmem:s12+$0x96E0] =	vst v3  }
0x312: {  	[tilespmem:s12+$0x96F0] =	vst v3  }
0x313: {  	[tilespmem:s12+$0x9A80] =	vst v3  }
0x314: {  	[tilespmem:s12+$0x9A90] =	vst v3  }
0x315: {  	[tilespmem:s12+$0x9AA0] =	vst v3  }
0x316: {  	[tilespmem:s12+$0x9AB0] =	vst v3  }
0x317: {  	[tilespmem:s12+$0x9AC0] =	vst v3  }
0x318: {  	[tilespmem:s12+$0x9AD0] =	vst v3  }
0x319: {  	[tilespmem:s12+$0x9AE0] =	vst v3  }
.LBB2_43:
.Ltmp27:
0x31a: {  	s11 =	rddreg [dreg:$0xe];
	(pc) =	sbr.rel .LBB2_45-.Ltmp27, $4  }
0x31b: {  	[hbm4b:s11+s1] =	stream.linear.scatter [tilespmem:s22], [sflag:$0x4], $0x8000, $0x38;
	[tilespmem:$0x1D680] =	vst v63  }
0x31c: {  	_ =	swait.ge [sflag:s18], $0x8000  }
0x31d: {  	[sflag:s18] =	ssyncset.done $0x0  }
0x31e: {  	[sflag:s18] =	ssyncadd.s32 $0xFFFF8000  }
.LBB2_44:
0x31f: {  	s11 =	rddreg [dreg:$0x6]  }
0x320: {  	[hbm4b:s11+s1] =	stream.linear.scatter [tilespmem:s29], [sflag:$0x4], $0x4000, $0x38;
	[tilespmem:$0x1D680] =	vst v63  }
0x321: {  	_ =	swait.ge [sflag:s18], $0x4000  }
0x322: {  	[sflag:s18] =	ssyncset.done $0x0  }
0x323: {  	s16 =	rddreg [dreg:$0x18];
	[sflag:s18] =	ssyncadd.s32 $0xFFFFC000  }
0x324: {  	[hbm4b:s16+s1] =	stream.linear.scatter [tilespmem:s29], [sflag:$0x4], $0x4000, $0x38;
	[tilespmem:$0x1D680] =	vst v63  }
0x325: {  	_ =	swait.ge [sflag:s18], $0x4000  }
0x326: {  	[sflag:s18] =	ssyncset.done $0x0  }
0x327: {  	[sflag:s18] =	ssyncadd.s32 $0xFFFFC000  }
.LBB2_45:
0x328: {  	p2 =	sle.s32 s0, s7  }
.Ltmp28:
0x329: {  	_ = 	snop;
	(pc) =	sbr.rel @p2 .LBB2_47-.Ltmp28, $4  }
0x32a: {  	s11 =	simm.s32 @!p3 $0x3  }
0x32b: {  	_ =	swait.ge @!p3 [sflag:s11], $0x8000  }
0x32c: {  	[sflag:s11] =	ssyncset.done @!p3 $0x0  }
0x32d: {  	[sflag:s11] =	ssyncadd.s32 @!p3 $0xFFFF8000  }
0x32e: {  	v7 =	vld [tilespmem:s7+$0xE00];
	_ =	sdelay $0x4  }
0x32f: {  	v8 =	vshll.u32 v7, $0x1  }
0x330: {  	v7 =	vand.u32 $0x7, v7;
	v8 =	vand.u32 $0xFFFFFFF0, v8  }
0x331: {  	v7 =	vor.u32 v7, v8  }
0x332: {  	v8 =	vperm.xlane v7, v4;
	_ =	sdelay $0x1  }
0x333: {  	v7 =	vperm.xlane v7, v6;
	v8 =	vadd.s32 v5, v8;
	_ =	sdelay $0x1  }
0x334: {  	v7 =	vadd.s32 v5, v7;
	_ =	sdelay $0x2  }
0x335: {  	[tilespmem:s22], [sflag:$0x2] =	stream.indirect_vreg.gather [hbm4b:s26+s1], $0x80, v8, vm0, $0xb8;
	[tilespmem:$0x1D680] =	vst v63  }
0x336: {  	s11 =	simm.s32 $0x9E80  }
0x337: {  	[tilespmem:s11], [sflag:$0x2] =	stream.indirect_vreg.gather [hbm4b:s26+s1], $0x80, v7, vm0, $0xb8;
	[tilespmem:$0x1D680] =	vst v63  }
0x338: {  	v7 =	vld [tilespmem:s7+$0xE10];
	_ =	sdelay $0x4  }
0x339: {  	v8 =	vshll.u32 v7, $0x1  }
0x33a: {  	v7 =	vand.u32 $0x7, v7;
	v8 =	vand.u32 $0xFFFFFFF0, v8  }
0x33b: {  	v7 =	vor.u32 v7, v8  }
0x33c: {  	v8 =	vperm.xlane v7, v4;
	_ =	sdelay $0x1  }
0x33d: {  	v7 =	vperm.xlane v7, v6;
	v8 =	vadd.s32 v5, v8;
	_ =	sdelay $0x1  }
0x33e: {  	v7 =	vadd.s32 v5, v7;
	_ =	sdelay $0x1  }
0x33f: {  	s13 =	simm.s32 $0xA680  }
0x340: {  	[tilespmem:s13], [sflag:$0x2] =	stream.indirect_vreg.gather [hbm4b:s26+s1], $0x80, v8, vm0, $0xb8;
	[tilespmem:$0x1D680] =	vst v63  }
0x341: {  	s14 =	simm.s32 $0xAE80  }
0x342: {  	[tilespmem:s14], [sflag:$0x2] =	stream.indirect_vreg.gather [hbm4b:s26+s1], $0x80, v7, vm0, $0xb8;
	[tilespmem:$0x1D680] =	vst v63  }
0x343: {  	v7 =	vld [tilespmem:s7+$0xE20];
	_ =	sdelay $0x4  }
0x344: {  	v8 =	vshll.u32 v7, $0x1  }
0x345: {  	v7 =	vand.u32 $0x7, v7;
	v8 =	vand.u32 $0xFFFFFFF0, v8  }
0x346: {  	v7 =	vor.u32 v7, v8  }
0x347: {  	v8 =	vperm.xlane v7, v4;
	_ =	sdelay $0x1  }
0x348: {  	v7 =	vperm.xlane v7, v6;
	v8 =	vadd.s32 v5, v8;
	_ =	sdelay $0x1  }
0x349: {  	v7 =	vadd.s32 v5, v7;
	_ =	sdelay $0x1  }
0x34a: {  	s15 =	simm.s32 $0xB680  }
0x34b: {  	[tilespmem:s15], [sflag:$0x2] =	stream.indirect_vreg.gather [hbm4b:s26+s1], $0x80, v8, vm0, $0xb8;
	[tilespmem:$0x1D680] =	vst v63  }
0x34c: {  	s16 =	simm.s32 $0xBE80  }
0x34d: {  	[tilespmem:s16], [sflag:$0x2] =	stream.indirect_vreg.gather [hbm4b:s26+s1], $0x80, v7, vm0, $0xb8;
	[tilespmem:$0x1D680] =	vst v63  }
0x34e: {  	v7 =	vld [tilespmem:s7+$0xE30];
	_ =	sdelay $0x4  }
0x34f: {  	v8 =	vshll.u32 v7, $0x1  }
0x350: {  	v7 =	vand.u32 $0x7, v7;
	v8 =	vand.u32 $0xFFFFFFF0, v8  }
0x351: {  	v7 =	vor.u32 v7, v8  }
0x352: {  	v8 =	vperm.xlane v7, v4;
	_ =	sdelay $0x1  }
0x353: {  	v7 =	vperm.xlane v7, v6;
	v8 =	vadd.s32 v5, v8;
	_ =	sdelay $0x1  }
0x354: {  	v7 =	vadd.s32 v5, v7;
	_ =	sdelay $0x1  }
0x355: {  	s12 =	simm.s32 $0xC680  }
0x356: {  	[tilespmem:s12], [sflag:$0x2] =	stream.indirect_vreg.gather [hbm4b:s26+s1], $0x80, v8, vm0, $0xb8;
	[tilespmem:$0x1D680] =	vst v63  }
0x357: {  	s13 =	simm.s32 $0xCE80  }
0x358: {  	[tilespmem:s13], [sflag:$0x2] =	stream.indirect_vreg.gather [hbm4b:s26+s1], $0x80, v7, vm0, $0xb8;
	[tilespmem:$0x1D680] =	vst v63  }
0x359: {  	v7 =	vld [tilespmem:s7+$0xE40];
	_ =	sdelay $0x4  }
0x35a: {  	v8 =	vshll.u32 v7, $0x1  }
0x35b: {  	v7 =	vand.u32 $0x7, v7;
	v8 =	vand.u32 $0xFFFFFFF0, v8  }
0x35c: {  	v7 =	vor.u32 v7, v8  }
0x35d: {  	v8 =	vperm.xlane v7, v4;
	_ =	sdelay $0x1  }
0x35e: {  	v7 =	vperm.xlane v7, v6;
	v8 =	vadd.s32 v5, v8;
	_ =	sdelay $0x1  }
0x35f: {  	v7 =	vadd.s32 v5, v7;
	_ =	sdelay $0x1  }
0x360: {  	s14 =	simm.s32 $0xD680  }
0x361: {  	[tilespmem:s14], [sflag:$0x2] =	stream.indirect_vreg.gather [hbm4b:s26+s1], $0x80, v8, vm0, $0xb8;
	[tilespmem:$0x1D680] =	vst v63  }
0x362: {  	s15 =	simm.s32 $0xDE80  }
0x363: {  	[tilespmem:s15], [sflag:$0x2] =	stream.indirect_vreg.gather [hbm4b:s26+s1], $0x80, v7, vm0, $0xb8;
	[tilespmem:$0x1D680] =	vst v63  }
0x364: {  	v7 =	vld [tilespmem:s7+$0xE50];
	_ =	sdelay $0x4  }
0x365: {  	v8 =	vshll.u32 v7, $0x1  }
0x366: {  	v7 =	vand.u32 $0x7, v7;
	v8 =	vand.u32 $0xFFFFFFF0, v8  }
0x367: {  	v7 =	vor.u32 v7, v8  }
0x368: {  	v8 =	vperm.xlane v7, v4;
	_ =	sdelay $0x1  }
0x369: {  	v7 =	vperm.xlane v7, v6;
	v8 =	vadd.s32 v5, v8;
	_ =	sdelay $0x1  }
0x36a: {  	v7 =	vadd.s32 v5, v7;
	_ =	sdelay $0x1  }
0x36b: {  	s16 =	simm.s32 $0xE680  }
0x36c: {  	[tilespmem:s16], [sflag:$0x2] =	stream.indirect_vreg.gather [hbm4b:s26+s1], $0x80, v8, vm0, $0xb8;
	[tilespmem:$0x1D680] =	vst v63  }
0x36d: {  	s12 =	simm.s32 $0xEE80  }
0x36e: {  	[tilespmem:s12], [sflag:$0x2] =	stream.indirect_vreg.gather [hbm4b:s26+s1], $0x80, v7, vm0, $0xb8;
	[tilespmem:$0x1D680] =	vst v63  }
0x36f: {  	v7 =	vld [tilespmem:s7+$0xE60];
	_ =	sdelay $0x4  }
0x370: {  	v8 =	vshll.u32 v7, $0x1  }
0x371: {  	v7 =	vand.u32 $0x7, v7;
	v8 =	vand.u32 $0xFFFFFFF0, v8  }
0x372: {  	v7 =	vor.u32 v7, v8  }
0x373: {  	v8 =	vperm.xlane v7, v4;
	_ =	sdelay $0x1  }
0x374: {  	v7 =	vperm.xlane v7, v6;
	v8 =	vadd.s32 v5, v8;
	_ =	sdelay $0x1  }
0x375: {  	v7 =	vadd.s32 v5, v7;
	_ =	sdelay $0x1  }
0x376: {  	s13 =	simm.s32 $0xF680  }
0x377: {  	[tilespmem:s13], [sflag:$0x2] =	stream.indirect_vreg.gather [hbm4b:s26+s1], $0x80, v8, vm0, $0xb8;
	[tilespmem:$0x1D680] =	vst v63  }
0x378: {  	s14 =	simm.s32 $0xFE80  }
0x379: {  	[tilespmem:s14], [sflag:$0x2] =	stream.indirect_vreg.gather [hbm4b:s26+s1], $0x80, v7, vm0, $0xb8;
	[tilespmem:$0x1D680] =	vst v63  }
0x37a: {  	v7 =	vld [tilespmem:s7+$0xE70];
	_ =	sdelay $0x4  }
0x37b: {  	v8 =	vshll.u32 v7, $0x1  }
0x37c: {  	v7 =	vand.u32 $0x7, v7;
	v8 =	vand.u32 $0xFFFFFFF0, v8  }
0x37d: {  	v7 =	vor.u32 v7, v8  }
0x37e: {  	v8 =	vperm.xlane v7, v4;
	_ =	sdelay $0x1  }
0x37f: {  	v7 =	vperm.xlane v7, v6;
	v8 =	vadd.s32 v5, v8;
	_ =	sdelay $0x1  }
0x380: {  	v7 =	vadd.s32 v5, v7;
	_ =	sdelay $0x1  }
0x381: {  	s15 =	simm.s32 $0x10680  }
0x382: {  	[tilespmem:s15], [sflag:$0x2] =	stream.indirect_vreg.gather [hbm4b:s26+s1], $0x80, v8, vm0, $0xb8;
	[tilespmem:$0x1D680] =	vst v63  }
0x383: {  	s16 =	simm.s32 $0x10E80  }
0x384: {  	[tilespmem:s16], [sflag:$0x2] =	stream.indirect_vreg.gather [hbm4b:s26+s1], $0x80, v7, vm0, $0xb8;
	[tilespmem:$0x1D680] =	vst v63  }
.LBB2_47:
.Ltmp29:
0x385: {  	(pc) =	sbr.rel @p3 .LBB2_55-.Ltmp29, $1  }
0x386: {  	_ =	sdelay $0x3  }
0x387: {  	s11 =	ssub.s32 s0, s5  }
0x388: {  	p3 =	sgt.s32 s11, $0x7F  }
.Ltmp30:
0x389: {  	_ = 	snop;
	(pc) =	sbr.rel @p3 .LBB2_54-.Ltmp30, $1  }
0x38a: {  	_ =	sdelay $0x3  }
0x38b: {  	s13 =	sld [smem:$0x7F8];
	_ =	sdelay $0x1  }
0x38c: {  	s12 =	smax.u32 s11, $0x7F  }
0x38d: {  	s12 =	sadd.s32 s12, s13  }
0x38e: {  	s14 =	ssub.s32 s12, s0  }
0x38f: {  	p4 =	sne.s32 s14, $0x1  }
.Ltmp31:
0x390: {  	_ = 	snop;
	(pc) =	sbr.rel @!p4 .LBB2_50-.Ltmp31, $3  }
0x391: {  	_ =	sdelay $0x1  }
0x392: {  	p3 =	por $0x0, $0x0;
	s13 =	sshll.u32 s11, $0x7;
	s12 =	sshll.u32 s11, $0x8  }
0x393: {  	s16 =	sand.u32 $0x380, s13;
	s15 =	sand.u32 $0x7800, s12;
	s14 =	sadd.s32 $0xFFFFFFFF, s14  }
0x394: {  	s15 =	sor.u32 s16, s15  }
0x395: {  	s11 =	sadd.s32 $0x11680, s15;
	[tilespmem:s15+$0x11680] =	vst v3  }
0x396: {  	[tilespmem:s11+$0x10] =	vst v3  }
0x397: {  	[tilespmem:s11+$0x20] =	vst v3  }
0x398: {  	[tilespmem:s11+$0x30] =	vst v3  }
0x399: {  	[tilespmem:s11+$0x40] =	vst v3  }
0x39a: {  	[tilespmem:s11+$0x50] =	vst v3  }
0x39b: {  	[tilespmem:s11+$0x60] =	vst v3  }
0x39c: {  	[tilespmem:s11+$0x70] =	vst v3  }
0x39d: {  	[tilespmem:s11+$0x400] =	vst v3  }
0x39e: {  	p4 =	sne.s32 s14, $0x1;
	[tilespmem:s11+$0x410] =	vst v3  }
.Ltmp32:
0x39f: {  	[tilespmem:s11+$0x420] =	vst v3;
	(pc) =	sbr.rel @!p4 .LBB2_53-.Ltmp32, $4  }
0x3a0: {  	[tilespmem:s11+$0x430] =	vst v3  }
0x3a1: {  	[tilespmem:s11+$0x440] =	vst v3  }
0x3a2: {  	s12 =	sadd.s32 $0x100, s12;
	s13 =	sadd.s32 $0x80, s13;
	s14 =	sadd.s32 $0xFFFFFFFF, s14;
	[tilespmem:s11+$0x450] =	vst v3  }
0x3a3: {  	p3 =	por $0x1, $0x1;
	s15 =	sand.u32 $0x7800, s12;
	s16 =	sand.u32 $0x380, s13;
	[tilespmem:s11+$0x460] =	vst v3  }
.LBB2_52:
0x3a4: {  	p4 =	sne.s32 s14, $0x1;
	s15 =	sor.u32 s16, s15;
	[tilespmem:s11+$0x470] =	vst v3  }
0x3a5: {  	s11 =	sadd.s32 $0x11680, s15;
	[tilespmem:s15+$0x11680] =	vst v3  }
0x3a6: {  	[tilespmem:s11+$0x10] =	vst v3  }
0x3a7: {  	[tilespmem:s11+$0x20] =	vst v3  }
0x3a8: {  	[tilespmem:s11+$0x30] =	vst v3  }
0x3a9: {  	[tilespmem:s11+$0x40] =	vst v3  }
0x3aa: {  	[tilespmem:s11+$0x50] =	vst v3  }
0x3ab: {  	[tilespmem:s11+$0x60] =	vst v3  }
0x3ac: {  	[tilespmem:s11+$0x70] =	vst v3  }
0x3ad: {  	[tilespmem:s11+$0x400] =	vst v3  }
0x3ae: {  	[tilespmem:s11+$0x410] =	vst v3  }
.Ltmp33:
0x3af: {  	[tilespmem:s11+$0x420] =	vst v3;
	(pc) =	sbr.rel @p4 .LBB2_52-.Ltmp33, $4  }
0x3b0: {  	[tilespmem:s11+$0x430] =	vst v3  }
0x3b1: {  	[tilespmem:s11+$0x440] =	vst v3  }
0x3b2: {  	s13 =	sadd.s32 $0x80, s13;
	s12 =	sadd.s32 $0x100, s12;
	[tilespmem:s11+$0x450] =	vst v3  }
0x3b3: {  	s14 =	sadd.s32 $0xFFFFFFFF, s14;
	s15 =	sand.u32 $0x7800, s12;
	s16 =	sand.u32 $0x380, s13;
	[tilespmem:s11+$0x460] =	vst v3  }
.LBB2_53:
0x3b4: {  	s12 =	sor.u32 s16, s15;
	[tilespmem:s11+$0x470] =	vst @p3 v3  }
0x3b5: {  	s16 =	sadd.s32 $0x11680, s12;
	[tilespmem:s12+$0x11680] =	vst v3  }
0x3b6: {  	[tilespmem:s16+$0x10] =	vst v3  }
0x3b7: {  	[tilespmem:s16+$0x20] =	vst v3  }
0x3b8: {  	[tilespmem:s16+$0x30] =	vst v3  }
0x3b9: {  	[tilespmem:s16+$0x40] =	vst v3  }
0x3ba: {  	[tilespmem:s16+$0x50] =	vst v3  }
0x3bb: {  	[tilespmem:s16+$0x60] =	vst v3  }
0x3bc: {  	[tilespmem:s16+$0x70] =	vst v3  }
0x3bd: {  	[tilespmem:s16+$0x400] =	vst v3  }
0x3be: {  	[tilespmem:s16+$0x410] =	vst v3  }
0x3bf: {  	[tilespmem:s16+$0x420] =	vst v3  }
0x3c0: {  	[tilespmem:s16+$0x430] =	vst v3  }
0x3c1: {  	[tilespmem:s16+$0x440] =	vst v3  }
0x3c2: {  	[tilespmem:s16+$0x450] =	vst v3  }
0x3c3: {  	[tilespmem:s16+$0x460] =	vst v3  }
0x3c4: {  	[tilespmem:s16+$0x470] =	vst v3  }
.LBB2_54:
.Ltmp34:
0x3c5: {  	s11 =	rddreg [dreg:$0xf];
	(pc) =	sbr.rel .LBB2_56-.Ltmp34, $4  }
0x3c6: {  	[hbm4b:s11+s1] =	stream.linear.scatter [tilespmem:s25], [sflag:$0x4], $0x8000, $0x38;
	[tilespmem:$0x1D680] =	vst v63  }
0x3c7: {  	_ =	swait.ge [sflag:s18], $0x8000  }
0x3c8: {  	[sflag:s18] =	ssyncset.done $0x0  }
0x3c9: {  	[sflag:s18] =	ssyncadd.s32 $0xFFFF8000  }
.LBB2_55:
0x3ca: {  	s11 =	rddreg [dreg:$0x7]  }
0x3cb: {  	[hbm4b:s11+s1] =	stream.linear.scatter [tilespmem:s29], [sflag:$0x4], $0x4000, $0x38;
	[tilespmem:$0x1D680] =	vst v63  }
0x3cc: {  	_ =	swait.ge [sflag:s18], $0x4000  }
0x3cd: {  	[sflag:s18] =	ssyncset.done $0x0  }
0x3ce: {  	s16 =	rddreg [dreg:$0x19];
	[sflag:s18] =	ssyncadd.s32 $0xFFFFC000  }
0x3cf: {  	[hbm4b:s16+s1] =	stream.linear.scatter [tilespmem:s29], [sflag:$0x4], $0x4000, $0x38;
	[tilespmem:$0x1D680] =	vst v63  }
0x3d0: {  	_ =	swait.ge [sflag:s18], $0x4000  }
0x3d1: {  	[sflag:s18] =	ssyncset.done $0x0  }
0x3d2: {  	[sflag:s18] =	ssyncadd.s32 $0xFFFFC000  }
.LBB2_56:
0x3d3: {  	p3 =	sle.s32 s0, s8  }
.Ltmp35:
0x3d4: {  	_ = 	snop;
	(pc) =	sbr.rel @p3 .LBB2_58-.Ltmp35, $4  }
0x3d5: {  	s11 =	simm.s32 @!p1 $0x1  }
0x3d6: {  	_ =	swait.ge @!p1 [sflag:s11], $0x8000  }
0x3d7: {  	[sflag:s11] =	ssyncset.done @!p1 $0x0  }
0x3d8: {  	[sflag:s11] =	ssyncadd.s32 @!p1 $0xFFFF8000  }
0x3d9: {  	v7 =	vld [tilespmem:s8+$0xE00];
	_ =	sdelay $0x4  }
0x3da: {  	v8 =	vshll.u32 v7, $0x1  }
0x3db: {  	v7 =	vand.u32 $0x7, v7;
	v8 =	vand.u32 $0xFFFFFFF0, v8  }
0x3dc: {  	v7 =	vor.u32 v7, v8  }
0x3dd: {  	v8 =	vperm.xlane v7, v4;
	_ =	sdelay $0x1  }
0x3de: {  	v7 =	vperm.xlane v7, v6;
	v8 =	vadd.s32 v5, v8;
	_ =	sdelay $0x1  }
0x3df: {  	v7 =	vadd.s32 v5, v7;
	_ =	sdelay $0x2  }
0x3e0: {  	[tilespmem:s25], [sflag:$0x3] =	stream.indirect_vreg.gather [hbm4b:s26+s1], $0x80, v8, vm0, $0xb8;
	[tilespmem:$0x1D680] =	vst v63  }
0x3e1: {  	s11 =	simm.s32 $0x11E80  }
0x3e2: {  	[tilespmem:s11], [sflag:$0x3] =	stream.indirect_vreg.gather [hbm4b:s26+s1], $0x80, v7, vm0, $0xb8;
	[tilespmem:$0x1D680] =	vst v63  }
0x3e3: {  	v7 =	vld [tilespmem:s8+$0xE10];
	_ =	sdelay $0x4  }
0x3e4: {  	v8 =	vshll.u32 v7, $0x1  }
0x3e5: {  	v7 =	vand.u32 $0x7, v7;
	v8 =	vand.u32 $0xFFFFFFF0, v8  }
0x3e6: {  	v7 =	vor.u32 v7, v8  }
0x3e7: {  	v8 =	vperm.xlane v7, v4;
	_ =	sdelay $0x1  }
0x3e8: {  	v7 =	vperm.xlane v7, v6;
	v8 =	vadd.s32 v5, v8;
	_ =	sdelay $0x1  }
0x3e9: {  	v7 =	vadd.s32 v5, v7;
	_ =	sdelay $0x1  }
0x3ea: {  	s13 =	simm.s32 $0x12680  }
0x3eb: {  	[tilespmem:s13], [sflag:$0x3] =	stream.indirect_vreg.gather [hbm4b:s26+s1], $0x80, v8, vm0, $0xb8;
	[tilespmem:$0x1D680] =	vst v63  }
0x3ec: {  	s14 =	simm.s32 $0x12E80  }
0x3ed: {  	[tilespmem:s14], [sflag:$0x3] =	stream.indirect_vreg.gather [hbm4b:s26+s1], $0x80, v7, vm0, $0xb8;
	[tilespmem:$0x1D680] =	vst v63  }
0x3ee: {  	v7 =	vld [tilespmem:s8+$0xE20];
	_ =	sdelay $0x4  }
0x3ef: {  	v8 =	vshll.u32 v7, $0x1  }
0x3f0: {  	v7 =	vand.u32 $0x7, v7;
	v8 =	vand.u32 $0xFFFFFFF0, v8  }
0x3f1: {  	v7 =	vor.u32 v7, v8  }
0x3f2: {  	v8 =	vperm.xlane v7, v4;
	_ =	sdelay $0x1  }
0x3f3: {  	v7 =	vperm.xlane v7, v6;
	v8 =	vadd.s32 v5, v8;
	_ =	sdelay $0x1  }
0x3f4: {  	v7 =	vadd.s32 v5, v7;
	_ =	sdelay $0x1  }
0x3f5: {  	s15 =	simm.s32 $0x13680  }
0x3f6: {  	[tilespmem:s15], [sflag:$0x3] =	stream.indirect_vreg.gather [hbm4b:s26+s1], $0x80, v8, vm0, $0xb8;
	[tilespmem:$0x1D680] =	vst v63  }
0x3f7: {  	s16 =	simm.s32 $0x13E80  }
0x3f8: {  	[tilespmem:s16], [sflag:$0x3] =	stream.indirect_vreg.gather [hbm4b:s26+s1], $0x80, v7, vm0, $0xb8;
	[tilespmem:$0x1D680] =	vst v63  }
0x3f9: {  	v7 =	vld [tilespmem:s8+$0xE30];
	_ =	sdelay $0x4  }
0x3fa: {  	v8 =	vshll.u32 v7, $0x1  }
0x3fb: {  	v7 =	vand.u32 $0x7, v7;
	v8 =	vand.u32 $0xFFFFFFF0, v8  }
0x3fc: {  	v7 =	vor.u32 v7, v8  }
0x3fd: {  	v8 =	vperm.xlane v7, v4;
	_ =	sdelay $0x1  }
0x3fe: {  	v7 =	vperm.xlane v7, v6;
	v8 =	vadd.s32 v5, v8;
	_ =	sdelay $0x1  }
0x3ff: {  	v7 =	vadd.s32 v5, v7;
	_ =	sdelay $0x1  }
0x400: {  	s12 =	simm.s32 $0x14680  }
0x401: {  	[tilespmem:s12], [sflag:$0x3] =	stream.indirect_vreg.gather [hbm4b:s26+s1], $0x80, v8, vm0, $0xb8;
	[tilespmem:$0x1D680] =	vst v63  }
0x402: {  	s13 =	simm.s32 $0x14E80  }
0x403: {  	[tilespmem:s13], [sflag:$0x3] =	stream.indirect_vreg.gather [hbm4b:s26+s1], $0x80, v7, vm0, $0xb8;
	[tilespmem:$0x1D680] =	vst v63  }
0x404: {  	v7 =	vld [tilespmem:s8+$0xE40];
	_ =	sdelay $0x4  }
0x405: {  	v8 =	vshll.u32 v7, $0x1  }
0x406: {  	v7 =	vand.u32 $0x7, v7;
	v8 =	vand.u32 $0xFFFFFFF0, v8  }
0x407: {  	v7 =	vor.u32 v7, v8  }
0x408: {  	v8 =	vperm.xlane v7, v4;
	_ =	sdelay $0x1  }
0x409: {  	v7 =	vperm.xlane v7, v6;
	v8 =	vadd.s32 v5, v8;
	_ =	sdelay $0x1  }
0x40a: {  	v7 =	vadd.s32 v5, v7;
	_ =	sdelay $0x1  }
0x40b: {  	s14 =	simm.s32 $0x15680  }
0x40c: {  	[tilespmem:s14], [sflag:$0x3] =	stream.indirect_vreg.gather [hbm4b:s26+s1], $0x80, v8, vm0, $0xb8;
	[tilespmem:$0x1D680] =	vst v63  }
0x40d: {  	s15 =	simm.s32 $0x15E80  }
0x40e: {  	[tilespmem:s15], [sflag:$0x3] =	stream.indirect_vreg.gather [hbm4b:s26+s1], $0x80, v7, vm0, $0xb8;
	[tilespmem:$0x1D680] =	vst v63  }
0x40f: {  	v7 =	vld [tilespmem:s8+$0xE50];
	_ =	sdelay $0x4  }
0x410: {  	v8 =	vshll.u32 v7, $0x1  }
0x411: {  	v7 =	vand.u32 $0x7, v7;
	v8 =	vand.u32 $0xFFFFFFF0, v8  }
0x412: {  	v7 =	vor.u32 v7, v8  }
0x413: {  	v8 =	vperm.xlane v7, v4;
	_ =	sdelay $0x1  }
0x414: {  	v7 =	vperm.xlane v7, v6;
	v8 =	vadd.s32 v5, v8;
	_ =	sdelay $0x1  }
0x415: {  	v7 =	vadd.s32 v5, v7;
	_ =	sdelay $0x1  }
0x416: {  	s16 =	simm.s32 $0x16680  }
0x417: {  	[tilespmem:s16], [sflag:$0x3] =	stream.indirect_vreg.gather [hbm4b:s26+s1], $0x80, v8, vm0, $0xb8;
	[tilespmem:$0x1D680] =	vst v63  }
0x418: {  	s12 =	simm.s32 $0x16E80  }
0x419: {  	[tilespmem:s12], [sflag:$0x3] =	stream.indirect_vreg.gather [hbm4b:s26+s1], $0x80, v7, vm0, $0xb8;
	[tilespmem:$0x1D680] =	vst v63  }
0x41a: {  	v7 =	vld [tilespmem:s8+$0xE60];
	_ =	sdelay $0x4  }
0x41b: {  	v8 =	vshll.u32 v7, $0x1  }
0x41c: {  	v7 =	vand.u32 $0x7, v7;
	v8 =	vand.u32 $0xFFFFFFF0, v8  }
0x41d: {  	v7 =	vor.u32 v7, v8  }
0x41e: {  	v8 =	vperm.xlane v7, v4;
	_ =	sdelay $0x1  }
0x41f: {  	v7 =	vperm.xlane v7, v6;
	v8 =	vadd.s32 v5, v8;
	_ =	sdelay $0x1  }
0x420: {  	v7 =	vadd.s32 v5, v7;
	_ =	sdelay $0x1  }
0x421: {  	s13 =	simm.s32 $0x17680  }
0x422: {  	[tilespmem:s13], [sflag:$0x3] =	stream.indirect_vreg.gather [hbm4b:s26+s1], $0x80, v8, vm0, $0xb8;
	[tilespmem:$0x1D680] =	vst v63  }
0x423: {  	s14 =	simm.s32 $0x17E80  }
0x424: {  	[tilespmem:s14], [sflag:$0x3] =	stream.indirect_vreg.gather [hbm4b:s26+s1], $0x80, v7, vm0, $0xb8;
	[tilespmem:$0x1D680] =	vst v63  }
0x425: {  	v7 =	vld [tilespmem:s8+$0xE70];
	_ =	sdelay $0x4  }
0x426: {  	v8 =	vshll.u32 v7, $0x1  }
0x427: {  	v7 =	vand.u32 $0x7, v7;
	v8 =	vand.u32 $0xFFFFFFF0, v8  }
0x428: {  	v7 =	vor.u32 v7, v8  }
0x429: {  	v8 =	vperm.xlane v7, v4;
	_ =	sdelay $0x1  }
0x42a: {  	v7 =	vperm.xlane v7, v6;
	v8 =	vadd.s32 v5, v8;
	_ =	sdelay $0x1  }
0x42b: {  	v7 =	vadd.s32 v5, v7;
	_ =	sdelay $0x1  }
0x42c: {  	s15 =	simm.s32 $0x18680  }
0x42d: {  	[tilespmem:s15], [sflag:$0x3] =	stream.indirect_vreg.gather [hbm4b:s26+s1], $0x80, v8, vm0, $0xb8;
	[tilespmem:$0x1D680] =	vst v63  }
0x42e: {  	s16 =	simm.s32 $0x18E80  }
0x42f: {  	[tilespmem:s16], [sflag:$0x3] =	stream.indirect_vreg.gather [hbm4b:s26+s1], $0x80, v7, vm0, $0xb8;
	[tilespmem:$0x1D680] =	vst v63  }
.LBB2_58:
.Ltmp36:
0x430: {  	(pc) =	sbr.rel @p1 .LBB2_66-.Ltmp36, $1  }
0x431: {  	_ =	sdelay $0x3  }
0x432: {  	s11 =	ssub.s32 s0, s6  }
0x433: {  	p1 =	sgt.s32 s11, $0x7F  }
.Ltmp37:
0x434: {  	_ = 	snop;
	(pc) =	sbr.rel @p1 .LBB2_65-.Ltmp37, $1  }
0x435: {  	_ =	sdelay $0x3  }
0x436: {  	s13 =	sld [smem:$0x7F9];
	_ =	sdelay $0x1  }
0x437: {  	s12 =	smax.u32 s11, $0x7F  }
0x438: {  	s12 =	sadd.s32 s12, s13  }
0x439: {  	s14 =	ssub.s32 s12, s0  }
0x43a: {  	p4 =	sne.s32 s14, $0x1  }
.Ltmp38:
0x43b: {  	_ = 	snop;
	(pc) =	sbr.rel @!p4 .LBB2_61-.Ltmp38, $3  }
0x43c: {  	_ =	sdelay $0x1  }
0x43d: {  	p1 =	por $0x0, $0x0;
	s13 =	sshll.u32 s11, $0x7;
	s12 =	sshll.u32 s11, $0x8  }
0x43e: {  	s16 =	sand.u32 $0x380, s13;
	s15 =	sand.u32 $0x7800, s12;
	s14 =	sadd.s32 $0xFFFFFFFF, s14  }
0x43f: {  	s11 =	sor.u32 s16, s15  }
0x440: {  	[tilespmem:s11+$0x1AF0] =	vst v3  }
0x441: {  	[tilespmem:s11+$0x1680] =	vst v3  }
0x442: {  	[tilespmem:s11+$0x1690] =	vst v3  }
0x443: {  	[tilespmem:s11+$0x16A0] =	vst v3  }
0x444: {  	[tilespmem:s11+$0x16B0] =	vst v3  }
0x445: {  	[tilespmem:s11+$0x16C0] =	vst v3  }
0x446: {  	[tilespmem:s11+$0x16D0] =	vst v3  }
0x447: {  	[tilespmem:s11+$0x16E0] =	vst v3  }
0x448: {  	[tilespmem:s11+$0x16F0] =	vst v3  }
0x449: {  	p4 =	sne.s32 s14, $0x1;
	[tilespmem:s11+$0x1A80] =	vst v3  }
.Ltmp39:
0x44a: {  	[tilespmem:s11+$0x1A90] =	vst v3;
	(pc) =	sbr.rel @!p4 .LBB2_64-.Ltmp39, $4  }
0x44b: {  	[tilespmem:s11+$0x1AA0] =	vst v3  }
0x44c: {  	[tilespmem:s11+$0x1AB0] =	vst v3  }
0x44d: {  	s12 =	sadd.s32 $0x100, s12;
	s13 =	sadd.s32 $0x80, s13;
	s14 =	sadd.s32 $0xFFFFFFFF, s14;
	[tilespmem:s11+$0x1AC0] =	vst v3  }
0x44e: {  	p1 =	por $0x1, $0x1;
	s15 =	sand.u32 $0x7800, s12;
	s16 =	sand.u32 $0x380, s13;
	[tilespmem:s11+$0x1AD0] =	vst v3  }
.LBB2_63:
0x44f: {  	p4 =	sne.s32 s14, $0x1;
	[tilespmem:s11+$0x1AE0] =	vst v3;
	s11 =	sor.u32 s16, s15  }
0x450: {  	[tilespmem:s11+$0x1AF0] =	vst v3  }
0x451: {  	[tilespmem:s11+$0x1680] =	vst v3  }
0x452: {  	[tilespmem:s11+$0x1690] =	vst v3  }
0x453: {  	[tilespmem:s11+$0x16A0] =	vst v3  }
0x454: {  	[tilespmem:s11+$0x16B0] =	vst v3  }
0x455: {  	[tilespmem:s11+$0x16C0] =	vst v3  }
0x456: {  	[tilespmem:s11+$0x16D0] =	vst v3  }
0x457: {  	[tilespmem:s11+$0x16E0] =	vst v3  }
0x458: {  	[tilespmem:s11+$0x16F0] =	vst v3  }
0x459: {  	[tilespmem:s11+$0x1A80] =	vst v3  }
.Ltmp40:
0x45a: {  	[tilespmem:s11+$0x1A90] =	vst v3;
	(pc) =	sbr.rel @p4 .LBB2_63-.Ltmp40, $4  }
0x45b: {  	[tilespmem:s11+$0x1AA0] =	vst v3  }
0x45c: {  	[tilespmem:s11+$0x1AB0] =	vst v3  }
0x45d: {  	s13 =	sadd.s32 $0x80, s13;
	s12 =	sadd.s32 $0x100, s12;
	[tilespmem:s11+$0x1AC0] =	vst v3  }
0x45e: {  	s14 =	sadd.s32 $0xFFFFFFFF, s14;
	s15 =	sand.u32 $0x7800, s12;
	s16 =	sand.u32 $0x380, s13;
	[tilespmem:s11+$0x1AD0] =	vst v3  }
.LBB2_64:
0x45f: {  	s12 =	sor.u32 s16, s15;
	[tilespmem:s11+$0x1AE0] =	vst @p1 v3  }
0x460: {  	[tilespmem:s12+$0x1AF0] =	vst v3  }
0x461: {  	[tilespmem:s12+$0x1680] =	vst v3  }
0x462: {  	[tilespmem:s12+$0x1690] =	vst v3  }
0x463: {  	[tilespmem:s12+$0x16A0] =	vst v3  }
0x464: {  	[tilespmem:s12+$0x16B0] =	vst v3  }
0x465: {  	[tilespmem:s12+$0x16C0] =	vst v3  }
0x466: {  	[tilespmem:s12+$0x16D0] =	vst v3  }
0x467: {  	[tilespmem:s12+$0x16E0] =	vst v3  }
0x468: {  	[tilespmem:s12+$0x16F0] =	vst v3  }
0x469: {  	[tilespmem:s12+$0x1A80] =	vst v3  }
0x46a: {  	[tilespmem:s12+$0x1A90] =	vst v3  }
0x46b: {  	[tilespmem:s12+$0x1AA0] =	vst v3  }
0x46c: {  	[tilespmem:s12+$0x1AB0] =	vst v3  }
0x46d: {  	[tilespmem:s12+$0x1AC0] =	vst v3  }
0x46e: {  	[tilespmem:s12+$0x1AD0] =	vst v3  }
0x46f: {  	[tilespmem:s12+$0x1AE0] =	vst v3  }
.LBB2_65:
.Ltmp41:
0x470: {  	s11 =	rddreg [dreg:$0x10];
	(pc) =	sbr.rel .LBB2_67-.Ltmp41, $4  }
0x471: {  	[hbm4b:s11+s1] =	stream.linear.scatter [tilespmem:s21], [sflag:$0x4], $0x8000, $0x38;
	[tilespmem:$0x1D680] =	vst v63  }
0x472: {  	_ =	swait.ge [sflag:s18], $0x8000  }
0x473: {  	[sflag:s18] =	ssyncset.done $0x0  }
0x474: {  	[sflag:s18] =	ssyncadd.s32 $0xFFFF8000  }
.LBB2_66:
0x475: {  	s11 =	rddreg [dreg:$0x8]  }
0x476: {  	[hbm4b:s11+s1] =	stream.linear.scatter [tilespmem:s29], [sflag:$0x4], $0x4000, $0x38;
	[tilespmem:$0x1D680] =	vst v63  }
0x477: {  	_ =	swait.ge [sflag:s18], $0x4000  }
0x478: {  	[sflag:s18] =	ssyncset.done $0x0  }
0x479: {  	s16 =	rddreg [dreg:$0x1a];
	[sflag:s18] =	ssyncadd.s32 $0xFFFFC000  }
0x47a: {  	[hbm4b:s16+s1] =	stream.linear.scatter [tilespmem:s29], [sflag:$0x4], $0x4000, $0x38;
	[tilespmem:$0x1D680] =	vst v63  }
0x47b: {  	_ =	swait.ge [sflag:s18], $0x4000  }
0x47c: {  	[sflag:s18] =	ssyncset.done $0x0  }
0x47d: {  	[sflag:s18] =	ssyncadd.s32 $0xFFFFC000  }
.LBB2_67:
0x47e: {  	p1 =	sle.s32 s0, s9  }
.Ltmp42:
0x47f: {  	_ = 	snop;
	(pc) =	sbr.rel @p1 .LBB2_69-.Ltmp42, $4  }
0x480: {  	s11 =	simm.s32 @!p2 $0x2  }
0x481: {  	_ =	swait.ge @!p2 [sflag:s11], $0x8000  }
0x482: {  	[sflag:s11] =	ssyncset.done @!p2 $0x0  }
0x483: {  	[sflag:s11] =	ssyncadd.s32 @!p2 $0xFFFF8000  }
0x484: {  	v7 =	vld [tilespmem:s9+$0xE00];
	_ =	sdelay $0x4  }
0x485: {  	v8 =	vshll.u32 v7, $0x1  }
0x486: {  	v7 =	vand.u32 $0x7, v7;
	v8 =	vand.u32 $0xFFFFFFF0, v8  }
0x487: {  	v7 =	vor.u32 v7, v8  }
0x488: {  	v8 =	vperm.xlane v7, v4;
	_ =	sdelay $0x1  }
0x489: {  	v7 =	vperm.xlane v7, v6;
	v8 =	vadd.s32 v5, v8;
	_ =	sdelay $0x1  }
0x48a: {  	v7 =	vadd.s32 v5, v7;
	_ =	sdelay $0x2  }
0x48b: {  	[tilespmem:s21], [sflag:$0x1] =	stream.indirect_vreg.gather [hbm4b:s26+s1], $0x80, v8, vm0, $0xb8;
	[tilespmem:$0x1D680] =	vst v63  }
0x48c: {  	_ = 	snop  }
0x48d: {  	[tilespmem:s19], [sflag:$0x1] =	stream.indirect_vreg.gather [hbm4b:s26+s1], $0x80, v7, vm0, $0xb8;
	[tilespmem:$0x1D680] =	vst v63  }
0x48e: {  	v7 =	vld [tilespmem:s9+$0xE10];
	_ =	sdelay $0x4  }
0x48f: {  	v8 =	vshll.u32 v7, $0x1  }
0x490: {  	v7 =	vand.u32 $0x7, v7;
	v8 =	vand.u32 $0xFFFFFFF0, v8  }
0x491: {  	v7 =	vor.u32 v7, v8  }
0x492: {  	v8 =	vperm.xlane v7, v4;
	_ =	sdelay $0x1  }
0x493: {  	v7 =	vperm.xlane v7, v6;
	v8 =	vadd.s32 v5, v8;
	_ =	sdelay $0x1  }
0x494: {  	v7 =	vadd.s32 v5, v7;
	_ =	sdelay $0x2  }
0x495: {  	[tilespmem:s24], [sflag:$0x1] =	stream.indirect_vreg.gather [hbm4b:s26+s1], $0x80, v8, vm0, $0xb8;
	[tilespmem:$0x1D680] =	vst v63  }
0x496: {  	_ = 	snop  }
0x497: {  	[tilespmem:s17], [sflag:$0x1] =	stream.indirect_vreg.gather [hbm4b:s26+s1], $0x80, v7, vm0, $0xb8;
	[tilespmem:$0x1D680] =	vst v63  }
0x498: {  	v7 =	vld [tilespmem:s9+$0xE20];
	_ =	sdelay $0x4  }
0x499: {  	v8 =	vshll.u32 v7, $0x1  }
0x49a: {  	v7 =	vand.u32 $0x7, v7;
	v8 =	vand.u32 $0xFFFFFFF0, v8  }
0x49b: {  	v7 =	vor.u32 v7, v8  }
0x49c: {  	v8 =	vperm.xlane v7, v4;
	_ =	sdelay $0x1  }
0x49d: {  	v7 =	vperm.xlane v7, v6;
	v8 =	vadd.s32 v5, v8;
	_ =	sdelay $0x1  }
0x49e: {  	v7 =	vadd.s32 v5, v7;
	_ =	sdelay $0x1  }
0x49f: {  	s11 =	simm.s32 $0x3680  }
0x4a0: {  	[tilespmem:s11], [sflag:$0x1] =	stream.indirect_vreg.gather [hbm4b:s26+s1], $0x80, v8, vm0, $0xb8;
	[tilespmem:$0x1D680] =	vst v63  }
0x4a1: {  	s16 =	simm.s32 $0x3E80  }
0x4a2: {  	[tilespmem:s16], [sflag:$0x1] =	stream.indirect_vreg.gather [hbm4b:s26+s1], $0x80, v7, vm0, $0xb8;
	[tilespmem:$0x1D680] =	vst v63  }
0x4a3: {  	v7 =	vld [tilespmem:s9+$0xE30];
	_ =	sdelay $0x4  }
0x4a4: {  	v8 =	vshll.u32 v7, $0x1  }
0x4a5: {  	v7 =	vand.u32 $0x7, v7;
	v8 =	vand.u32 $0xFFFFFFF0, v8  }
0x4a6: {  	v7 =	vor.u32 v7, v8  }
0x4a7: {  	v8 =	vperm.xlane v7, v4;
	_ =	sdelay $0x1  }
0x4a8: {  	v7 =	vperm.xlane v7, v6;
	v8 =	vadd.s32 v5, v8;
	_ =	sdelay $0x1  }
0x4a9: {  	v7 =	vadd.s32 v5, v7;
	_ =	sdelay $0x1  }
0x4aa: {  	s12 =	simm.s32 $0x4680  }
0x4ab: {  	[tilespmem:s12], [sflag:$0x1] =	stream.indirect_vreg.gather [hbm4b:s26+s1], $0x80, v8, vm0, $0xb8;
	[tilespmem:$0x1D680] =	vst v63  }
0x4ac: {  	s13 =	simm.s32 $0x4E80  }
0x4ad: {  	[tilespmem:s13], [sflag:$0x1] =	stream.indirect_vreg.gather [hbm4b:s26+s1], $0x80, v7, vm0, $0xb8;
	[tilespmem:$0x1D680] =	vst v63  }
0x4ae: {  	v7 =	vld [tilespmem:s9+$0xE40];
	_ =	sdelay $0x4  }
0x4af: {  	v8 =	vshll.u32 v7, $0x1  }
0x4b0: {  	v7 =	vand.u32 $0x7, v7;
	v8 =	vand.u32 $0xFFFFFFF0, v8  }
0x4b1: {  	v7 =	vor.u32 v7, v8  }
0x4b2: {  	v8 =	vperm.xlane v7, v4;
	_ =	sdelay $0x1  }
0x4b3: {  	v7 =	vperm.xlane v7, v6;
	v8 =	vadd.s32 v5, v8;
	_ =	sdelay $0x1  }
0x4b4: {  	v7 =	vadd.s32 v5, v7;
	_ =	sdelay $0x1  }
0x4b5: {  	s14 =	simm.s32 $0x5680  }
0x4b6: {  	[tilespmem:s14], [sflag:$0x1] =	stream.indirect_vreg.gather [hbm4b:s26+s1], $0x80, v8, vm0, $0xb8;
	[tilespmem:$0x1D680] =	vst v63  }
0x4b7: {  	s15 =	simm.s32 $0x5E80  }
0x4b8: {  	[tilespmem:s15], [sflag:$0x1] =	stream.indirect_vreg.gather [hbm4b:s26+s1], $0x80, v7, vm0, $0xb8;
	[tilespmem:$0x1D680] =	vst v63  }
0x4b9: {  	v7 =	vld [tilespmem:s9+$0xE50];
	_ =	sdelay $0x4  }
0x4ba: {  	v8 =	vshll.u32 v7, $0x1  }
0x4bb: {  	v7 =	vand.u32 $0x7, v7;
	v8 =	vand.u32 $0xFFFFFFF0, v8  }
0x4bc: {  	v7 =	vor.u32 v7, v8  }
0x4bd: {  	v8 =	vperm.xlane v7, v4;
	_ =	sdelay $0x1  }
0x4be: {  	v7 =	vperm.xlane v7, v6;
	v8 =	vadd.s32 v5, v8;
	_ =	sdelay $0x1  }
0x4bf: {  	v7 =	vadd.s32 v5, v7;
	_ =	sdelay $0x1  }
0x4c0: {  	s16 =	simm.s32 $0x6680  }
0x4c1: {  	[tilespmem:s16], [sflag:$0x1] =	stream.indirect_vreg.gather [hbm4b:s26+s1], $0x80, v8, vm0, $0xb8;
	[tilespmem:$0x1D680] =	vst v63  }
0x4c2: {  	s12 =	simm.s32 $0x6E80  }
0x4c3: {  	[tilespmem:s12], [sflag:$0x1] =	stream.indirect_vreg.gather [hbm4b:s26+s1], $0x80, v7, vm0, $0xb8;
	[tilespmem:$0x1D680] =	vst v63  }
0x4c4: {  	v7 =	vld [tilespmem:s9+$0xE60];
	_ =	sdelay $0x4  }
0x4c5: {  	v8 =	vshll.u32 v7, $0x1  }
0x4c6: {  	v7 =	vand.u32 $0x7, v7;
	v8 =	vand.u32 $0xFFFFFFF0, v8  }
0x4c7: {  	v7 =	vor.u32 v7, v8  }
0x4c8: {  	v8 =	vperm.xlane v7, v4;
	_ =	sdelay $0x1  }
0x4c9: {  	v7 =	vperm.xlane v7, v6;
	v8 =	vadd.s32 v5, v8;
	_ =	sdelay $0x1  }
0x4ca: {  	v7 =	vadd.s32 v5, v7;
	_ =	sdelay $0x1  }
0x4cb: {  	s13 =	simm.s32 $0x7680  }
0x4cc: {  	[tilespmem:s13], [sflag:$0x1] =	stream.indirect_vreg.gather [hbm4b:s26+s1], $0x80, v8, vm0, $0xb8;
	[tilespmem:$0x1D680] =	vst v63  }
0x4cd: {  	s14 =	simm.s32 $0x7E80  }
0x4ce: {  	[tilespmem:s14], [sflag:$0x1] =	stream.indirect_vreg.gather [hbm4b:s26+s1], $0x80, v7, vm0, $0xb8;
	[tilespmem:$0x1D680] =	vst v63  }
0x4cf: {  	v7 =	vld [tilespmem:s9+$0xE70];
	_ =	sdelay $0x4  }
0x4d0: {  	v8 =	vshll.u32 v7, $0x1  }
0x4d1: {  	v7 =	vand.u32 $0x7, v7;
	v8 =	vand.u32 $0xFFFFFFF0, v8  }
0x4d2: {  	v7 =	vor.u32 v7, v8  }
0x4d3: {  	v8 =	vperm.xlane v7, v4;
	_ =	sdelay $0x1  }
0x4d4: {  	v7 =	vperm.xlane v7, v6;
	v8 =	vadd.s32 v5, v8;
	_ =	sdelay $0x1  }
0x4d5: {  	v7 =	vadd.s32 v5, v7;
	_ =	sdelay $0x1  }
0x4d6: {  	s15 =	simm.s32 $0x8680  }
0x4d7: {  	[tilespmem:s15], [sflag:$0x1] =	stream.indirect_vreg.gather [hbm4b:s26+s1], $0x80, v8, vm0, $0xb8;
	[tilespmem:$0x1D680] =	vst v63  }
0x4d8: {  	s16 =	simm.s32 $0x8E80  }
0x4d9: {  	[tilespmem:s16], [sflag:$0x1] =	stream.indirect_vreg.gather [hbm4b:s26+s1], $0x80, v7, vm0, $0xb8;
	[tilespmem:$0x1D680] =	vst v63  }
.LBB2_69:
.Ltmp43:
0x4da: {  	(pc) =	sbr.rel @p2 .LBB2_77-.Ltmp43, $1  }
0x4db: {  	_ =	sdelay $0x3  }
0x4dc: {  	s11 =	ssub.s32 s0, s7  }
0x4dd: {  	p2 =	sgt.s32 s11, $0x7F  }
.Ltmp44:
0x4de: {  	_ = 	snop;
	(pc) =	sbr.rel @p2 .LBB2_76-.Ltmp44, $1  }
0x4df: {  	_ =	sdelay $0x3  }
0x4e0: {  	s13 =	sld [smem:$0x7FA];
	_ =	sdelay $0x1  }
0x4e1: {  	s12 =	smax.u32 s11, $0x7F  }
0x4e2: {  	s12 =	sadd.s32 s12, s13  }
0x4e3: {  	s14 =	ssub.s32 s12, s0  }
0x4e4: {  	p4 =	sne.s32 s14, $0x1  }
.Ltmp45:
0x4e5: {  	_ = 	snop;
	(pc) =	sbr.rel @!p4 .LBB2_72-.Ltmp45, $3  }
0x4e6: {  	_ =	sdelay $0x1  }
0x4e7: {  	p2 =	por $0x0, $0x0;
	s13 =	sshll.u32 s11, $0x7;
	s12 =	sshll.u32 s11, $0x8  }
0x4e8: {  	s16 =	sand.u32 $0x380, s13;
	s15 =	sand.u32 $0x7800, s12;
	s14 =	sadd.s32 $0xFFFFFFFF, s14  }
0x4e9: {  	s11 =	sor.u32 s16, s15  }
0x4ea: {  	[tilespmem:s11+$0x9AF0] =	vst v3  }
0x4eb: {  	[tilespmem:s11+$0x9680] =	vst v3  }
0x4ec: {  	[tilespmem:s11+$0x9690] =	vst v3  }
0x4ed: {  	[tilespmem:s11+$0x96A0] =	vst v3  }
0x4ee: {  	[tilespmem:s11+$0x96B0] =	vst v3  }
0x4ef: {  	[tilespmem:s11+$0x96C0] =	vst v3  }
0x4f0: {  	[tilespmem:s11+$0x96D0] =	vst v3  }
0x4f1: {  	[tilespmem:s11+$0x96E0] =	vst v3  }
0x4f2: {  	[tilespmem:s11+$0x96F0] =	vst v3  }
0x4f3: {  	p4 =	sne.s32 s14, $0x1;
	[tilespmem:s11+$0x9A80] =	vst v3  }
.Ltmp46:
0x4f4: {  	[tilespmem:s11+$0x9A90] =	vst v3;
	(pc) =	sbr.rel @!p4 .LBB2_75-.Ltmp46, $4  }
0x4f5: {  	[tilespmem:s11+$0x9AA0] =	vst v3  }
0x4f6: {  	[tilespmem:s11+$0x9AB0] =	vst v3  }
0x4f7: {  	s12 =	sadd.s32 $0x100, s12;
	s13 =	sadd.s32 $0x80, s13;
	s14 =	sadd.s32 $0xFFFFFFFF, s14;
	[tilespmem:s11+$0x9AC0] =	vst v3  }
0x4f8: {  	p2 =	por $0x1, $0x1;
	s15 =	sand.u32 $0x7800, s12;
	s16 =	sand.u32 $0x380, s13;
	[tilespmem:s11+$0x9AD0] =	vst v3  }
.LBB2_74:
0x4f9: {  	p4 =	sne.s32 s14, $0x1;
	[tilespmem:s11+$0x9AE0] =	vst v3;
	s11 =	sor.u32 s16, s15  }
0x4fa: {  	[tilespmem:s11+$0x9AF0] =	vst v3  }
0x4fb: {  	[tilespmem:s11+$0x9680] =	vst v3  }
0x4fc: {  	[tilespmem:s11+$0x9690] =	vst v3  }
0x4fd: {  	[tilespmem:s11+$0x96A0] =	vst v3  }
0x4fe: {  	[tilespmem:s11+$0x96B0] =	vst v3  }
0x4ff: {  	[tilespmem:s11+$0x96C0] =	vst v3  }
0x500: {  	[tilespmem:s11+$0x96D0] =	vst v3  }
0x501: {  	[tilespmem:s11+$0x96E0] =	vst v3  }
0x502: {  	[tilespmem:s11+$0x96F0] =	vst v3  }
0x503: {  	[tilespmem:s11+$0x9A80] =	vst v3  }
.Ltmp47:
0x504: {  	[tilespmem:s11+$0x9A90] =	vst v3;
	(pc) =	sbr.rel @p4 .LBB2_74-.Ltmp47, $4  }
0x505: {  	[tilespmem:s11+$0x9AA0] =	vst v3  }
0x506: {  	[tilespmem:s11+$0x9AB0] =	vst v3  }
0x507: {  	s13 =	sadd.s32 $0x80, s13;
	s12 =	sadd.s32 $0x100, s12;
	[tilespmem:s11+$0x9AC0] =	vst v3  }
0x508: {  	s14 =	sadd.s32 $0xFFFFFFFF, s14;
	s15 =	sand.u32 $0x7800, s12;
	s16 =	sand.u32 $0x380, s13;
	[tilespmem:s11+$0x9AD0] =	vst v3  }
.LBB2_75:
0x509: {  	s12 =	sor.u32 s16, s15;
	[tilespmem:s11+$0x9AE0] =	vst @p2 v3  }
0x50a: {  	[tilespmem:s12+$0x9AF0] =	vst v3  }
0x50b: {  	[tilespmem:s12+$0x9680] =	vst v3  }
0x50c: {  	[tilespmem:s12+$0x9690] =	vst v3  }
0x50d: {  	[tilespmem:s12+$0x96A0] =	vst v3  }
0x50e: {  	[tilespmem:s12+$0x96B0] =	vst v3  }
0x50f: {  	[tilespmem:s12+$0x96C0] =	vst v3  }
0x510: {  	[tilespmem:s12+$0x96D0] =	vst v3  }
0x511: {  	[tilespmem:s12+$0x96E0] =	vst v3  }
0x512: {  	[tilespmem:s12+$0x96F0] =	vst v3  }
0x513: {  	[tilespmem:s12+$0x9A80] =	vst v3  }
0x514: {  	[tilespmem:s12+$0x9A90] =	vst v3  }
0x515: {  	[tilespmem:s12+$0x9AA0] =	vst v3  }
0x516: {  	[tilespmem:s12+$0x9AB0] =	vst v3  }
0x517: {  	[tilespmem:s12+$0x9AC0] =	vst v3  }
0x518: {  	[tilespmem:s12+$0x9AD0] =	vst v3  }
0x519: {  	[tilespmem:s12+$0x9AE0] =	vst v3  }
.LBB2_76:
.Ltmp48:
0x51a: {  	s11 =	rddreg [dreg:$0x11];
	(pc) =	sbr.rel .LBB2_78-.Ltmp48, $4  }
0x51b: {  	[hbm4b:s11+s1] =	stream.linear.scatter [tilespmem:s22], [sflag:$0x4], $0x8000, $0x38;
	[tilespmem:$0x1D680] =	vst v63  }
0x51c: {  	_ =	swait.ge [sflag:s18], $0x8000  }
0x51d: {  	[sflag:s18] =	ssyncset.done $0x0  }
0x51e: {  	[sflag:s18] =	ssyncadd.s32 $0xFFFF8000  }
.LBB2_77:
0x51f: {  	s11 =	rddreg [dreg:$0x9]  }
0x520: {  	[hbm4b:s11+s1] =	stream.linear.scatter [tilespmem:s29], [sflag:$0x4], $0x4000, $0x38;
	[tilespmem:$0x1D680] =	vst v63  }
0x521: {  	_ =	swait.ge [sflag:s18], $0x4000  }
0x522: {  	[sflag:s18] =	ssyncset.done $0x0  }
0x523: {  	s16 =	rddreg [dreg:$0x1b];
	[sflag:s18] =	ssyncadd.s32 $0xFFFFC000  }
0x524: {  	[hbm4b:s16+s1] =	stream.linear.scatter [tilespmem:s29], [sflag:$0x4], $0x4000, $0x38;
	[tilespmem:$0x1D680] =	vst v63  }
0x525: {  	_ =	swait.ge [sflag:s18], $0x4000  }
0x526: {  	[sflag:s18] =	ssyncset.done $0x0  }
0x527: {  	[sflag:s18] =	ssyncadd.s32 $0xFFFFC000  }
.LBB2_78:
0x528: {  	p2 =	sle.s32 s0, s10  }
.Ltmp49:
0x529: {  	_ = 	snop;
	(pc) =	sbr.rel @p2 .LBB2_80-.Ltmp49, $4  }
0x52a: {  	s11 =	simm.s32 @!p3 $0x3  }
0x52b: {  	_ =	swait.ge @!p3 [sflag:s11], $0x8000  }
0x52c: {  	[sflag:s11] =	ssyncset.done @!p3 $0x0  }
0x52d: {  	[sflag:s11] =	ssyncadd.s32 @!p3 $0xFFFF8000  }
0x52e: {  	v7 =	vld [tilespmem:s10+$0xE00];
	_ =	sdelay $0x4  }
0x52f: {  	v8 =	vshll.u32 v7, $0x1  }
0x530: {  	v7 =	vand.u32 $0x7, v7;
	v8 =	vand.u32 $0xFFFFFFF0, v8  }
0x531: {  	v7 =	vor.u32 v7, v8  }
0x532: {  	v8 =	vperm.xlane v7, v4;
	_ =	sdelay $0x1  }
0x533: {  	v7 =	vperm.xlane v7, v6;
	v8 =	vadd.s32 v5, v8;
	_ =	sdelay $0x1  }
0x534: {  	v7 =	vadd.s32 v5, v7;
	_ =	sdelay $0x2  }
0x535: {  	[tilespmem:s22], [sflag:$0x2] =	stream.indirect_vreg.gather [hbm4b:s26+s1], $0x80, v8, vm0, $0xb8;
	[tilespmem:$0x1D680] =	vst v63  }
0x536: {  	s11 =	simm.s32 $0x9E80  }
0x537: {  	[tilespmem:s11], [sflag:$0x2] =	stream.indirect_vreg.gather [hbm4b:s26+s1], $0x80, v7, vm0, $0xb8;
	[tilespmem:$0x1D680] =	vst v63  }
0x538: {  	v7 =	vld [tilespmem:s10+$0xE10];
	_ =	sdelay $0x4  }
0x539: {  	v8 =	vshll.u32 v7, $0x1  }
0x53a: {  	v7 =	vand.u32 $0x7, v7;
	v8 =	vand.u32 $0xFFFFFFF0, v8  }
0x53b: {  	v7 =	vor.u32 v7, v8  }
0x53c: {  	v8 =	vperm.xlane v7, v4;
	_ =	sdelay $0x1  }
0x53d: {  	v7 =	vperm.xlane v7, v6;
	v8 =	vadd.s32 v5, v8;
	_ =	sdelay $0x1  }
0x53e: {  	v7 =	vadd.s32 v5, v7;
	_ =	sdelay $0x1  }
0x53f: {  	s13 =	simm.s32 $0xA680  }
0x540: {  	[tilespmem:s13], [sflag:$0x2] =	stream.indirect_vreg.gather [hbm4b:s26+s1], $0x80, v8, vm0, $0xb8;
	[tilespmem:$0x1D680] =	vst v63  }
0x541: {  	s14 =	simm.s32 $0xAE80  }
0x542: {  	[tilespmem:s14], [sflag:$0x2] =	stream.indirect_vreg.gather [hbm4b:s26+s1], $0x80, v7, vm0, $0xb8;
	[tilespmem:$0x1D680] =	vst v63  }
0x543: {  	v7 =	vld [tilespmem:s10+$0xE20];
	_ =	sdelay $0x4  }
0x544: {  	v8 =	vshll.u32 v7, $0x1  }
0x545: {  	v7 =	vand.u32 $0x7, v7;
	v8 =	vand.u32 $0xFFFFFFF0, v8  }
0x546: {  	v7 =	vor.u32 v7, v8  }
0x547: {  	v8 =	vperm.xlane v7, v4;
	_ =	sdelay $0x1  }
0x548: {  	v7 =	vperm.xlane v7, v6;
	v8 =	vadd.s32 v5, v8;
	_ =	sdelay $0x1  }
0x549: {  	v7 =	vadd.s32 v5, v7;
	_ =	sdelay $0x1  }
0x54a: {  	s15 =	simm.s32 $0xB680  }
0x54b: {  	[tilespmem:s15], [sflag:$0x2] =	stream.indirect_vreg.gather [hbm4b:s26+s1], $0x80, v8, vm0, $0xb8;
	[tilespmem:$0x1D680] =	vst v63  }
0x54c: {  	s16 =	simm.s32 $0xBE80  }
0x54d: {  	[tilespmem:s16], [sflag:$0x2] =	stream.indirect_vreg.gather [hbm4b:s26+s1], $0x80, v7, vm0, $0xb8;
	[tilespmem:$0x1D680] =	vst v63  }
0x54e: {  	v7 =	vld [tilespmem:s10+$0xE30];
	_ =	sdelay $0x4  }
0x54f: {  	v8 =	vshll.u32 v7, $0x1  }
0x550: {  	v7 =	vand.u32 $0x7, v7;
	v8 =	vand.u32 $0xFFFFFFF0, v8  }
0x551: {  	v7 =	vor.u32 v7, v8  }
0x552: {  	v8 =	vperm.xlane v7, v4;
	_ =	sdelay $0x1  }
0x553: {  	v7 =	vperm.xlane v7, v6;
	v8 =	vadd.s32 v5, v8;
	_ =	sdelay $0x1  }
0x554: {  	v7 =	vadd.s32 v5, v7;
	_ =	sdelay $0x1  }
0x555: {  	s12 =	simm.s32 $0xC680  }
0x556: {  	[tilespmem:s12], [sflag:$0x2] =	stream.indirect_vreg.gather [hbm4b:s26+s1], $0x80, v8, vm0, $0xb8;
	[tilespmem:$0x1D680] =	vst v63  }
0x557: {  	s13 =	simm.s32 $0xCE80  }
0x558: {  	[tilespmem:s13], [sflag:$0x2] =	stream.indirect_vreg.gather [hbm4b:s26+s1], $0x80, v7, vm0, $0xb8;
	[tilespmem:$0x1D680] =	vst v63  }
0x559: {  	v7 =	vld [tilespmem:s10+$0xE40];
	_ =	sdelay $0x4  }
0x55a: {  	v8 =	vshll.u32 v7, $0x1  }
0x55b: {  	v7 =	vand.u32 $0x7, v7;
	v8 =	vand.u32 $0xFFFFFFF0, v8  }
0x55c: {  	v7 =	vor.u32 v7, v8  }
0x55d: {  	v8 =	vperm.xlane v7, v4;
	_ =	sdelay $0x1  }
0x55e: {  	v7 =	vperm.xlane v7, v6;
	v8 =	vadd.s32 v5, v8;
	_ =	sdelay $0x1  }
0x55f: {  	v7 =	vadd.s32 v5, v7;
	_ =	sdelay $0x1  }
0x560: {  	s14 =	simm.s32 $0xD680  }
0x561: {  	[tilespmem:s14], [sflag:$0x2] =	stream.indirect_vreg.gather [hbm4b:s26+s1], $0x80, v8, vm0, $0xb8;
	[tilespmem:$0x1D680] =	vst v63  }
0x562: {  	s15 =	simm.s32 $0xDE80  }
0x563: {  	[tilespmem:s15], [sflag:$0x2] =	stream.indirect_vreg.gather [hbm4b:s26+s1], $0x80, v7, vm0, $0xb8;
	[tilespmem:$0x1D680] =	vst v63  }
0x564: {  	v7 =	vld [tilespmem:s10+$0xE50];
	_ =	sdelay $0x4  }
0x565: {  	v8 =	vshll.u32 v7, $0x1  }
0x566: {  	v7 =	vand.u32 $0x7, v7;
	v8 =	vand.u32 $0xFFFFFFF0, v8  }
0x567: {  	v7 =	vor.u32 v7, v8  }
0x568: {  	v8 =	vperm.xlane v7, v4;
	_ =	sdelay $0x1  }
0x569: {  	v7 =	vperm.xlane v7, v6;
	v8 =	vadd.s32 v5, v8;
	_ =	sdelay $0x1  }
0x56a: {  	v7 =	vadd.s32 v5, v7;
	_ =	sdelay $0x1  }
0x56b: {  	s16 =	simm.s32 $0xE680  }
0x56c: {  	[tilespmem:s16], [sflag:$0x2] =	stream.indirect_vreg.gather [hbm4b:s26+s1], $0x80, v8, vm0, $0xb8;
	[tilespmem:$0x1D680] =	vst v63  }
0x56d: {  	s12 =	simm.s32 $0xEE80  }
0x56e: {  	[tilespmem:s12], [sflag:$0x2] =	stream.indirect_vreg.gather [hbm4b:s26+s1], $0x80, v7, vm0, $0xb8;
	[tilespmem:$0x1D680] =	vst v63  }
0x56f: {  	v7 =	vld [tilespmem:s10+$0xE60];
	_ =	sdelay $0x4  }
0x570: {  	v8 =	vshll.u32 v7, $0x1  }
0x571: {  	v7 =	vand.u32 $0x7, v7;
	v8 =	vand.u32 $0xFFFFFFF0, v8  }
0x572: {  	v7 =	vor.u32 v7, v8  }
0x573: {  	v8 =	vperm.xlane v7, v4;
	_ =	sdelay $0x1  }
0x574: {  	v7 =	vperm.xlane v7, v6;
	v8 =	vadd.s32 v5, v8;
	_ =	sdelay $0x1  }
0x575: {  	v7 =	vadd.s32 v5, v7;
	_ =	sdelay $0x1  }
0x576: {  	s13 =	simm.s32 $0xF680  }
0x577: {  	[tilespmem:s13], [sflag:$0x2] =	stream.indirect_vreg.gather [hbm4b:s26+s1], $0x80, v8, vm0, $0xb8;
	[tilespmem:$0x1D680] =	vst v63  }
0x578: {  	s14 =	simm.s32 $0xFE80  }
0x579: {  	[tilespmem:s14], [sflag:$0x2] =	stream.indirect_vreg.gather [hbm4b:s26+s1], $0x80, v7, vm0, $0xb8;
	[tilespmem:$0x1D680] =	vst v63  }
0x57a: {  	v7 =	vld [tilespmem:s10+$0xE70];
	_ =	sdelay $0x4  }
0x57b: {  	v8 =	vshll.u32 v7, $0x1  }
0x57c: {  	v7 =	vand.u32 $0x7, v7;
	v8 =	vand.u32 $0xFFFFFFF0, v8  }
0x57d: {  	v7 =	vor.u32 v7, v8  }
0x57e: {  	v8 =	vperm.xlane v7, v4;
	_ =	sdelay $0x1  }
0x57f: {  	v7 =	vperm.xlane v7, v6;
	v8 =	vadd.s32 v5, v8;
	_ =	sdelay $0x1  }
0x580: {  	v7 =	vadd.s32 v5, v7;
	_ =	sdelay $0x1  }
0x581: {  	s15 =	simm.s32 $0x10680  }
0x582: {  	[tilespmem:s15], [sflag:$0x2] =	stream.indirect_vreg.gather [hbm4b:s26+s1], $0x80, v8, vm0, $0xb8;
	[tilespmem:$0x1D680] =	vst v63  }
0x583: {  	s16 =	simm.s32 $0x10E80  }
0x584: {  	[tilespmem:s16], [sflag:$0x2] =	stream.indirect_vreg.gather [hbm4b:s26+s1], $0x80, v7, vm0, $0xb8;
	[tilespmem:$0x1D680] =	vst v63  }
.LBB2_80:
.Ltmp50:
0x585: {  	(pc) =	sbr.rel @p3 .LBB2_88-.Ltmp50, $1  }
0x586: {  	_ =	sdelay $0x3  }
0x587: {  	s11 =	ssub.s32 s0, s8  }
0x588: {  	p3 =	sgt.s32 s11, $0x7F  }
.Ltmp51:
0x589: {  	_ = 	snop;
	(pc) =	sbr.rel @p3 .LBB2_87-.Ltmp51, $1  }
0x58a: {  	_ =	sdelay $0x3  }
0x58b: {  	s13 =	sld [smem:$0x7FB];
	_ =	sdelay $0x1  }
0x58c: {  	s12 =	smax.u32 s11, $0x7F  }
0x58d: {  	s12 =	sadd.s32 s12, s13  }
0x58e: {  	s14 =	ssub.s32 s12, s0  }
0x58f: {  	p4 =	sne.s32 s14, $0x1  }
.Ltmp52:
0x590: {  	_ = 	snop;
	(pc) =	sbr.rel @!p4 .LBB2_83-.Ltmp52, $3  }
0x591: {  	_ =	sdelay $0x1  }
0x592: {  	p3 =	por $0x0, $0x0;
	s13 =	sshll.u32 s11, $0x7;
	s12 =	sshll.u32 s11, $0x8  }
0x593: {  	s16 =	sand.u32 $0x380, s13;
	s15 =	sand.u32 $0x7800, s12;
	s14 =	sadd.s32 $0xFFFFFFFF, s14  }
0x594: {  	s15 =	sor.u32 s16, s15  }
0x595: {  	s11 =	sadd.s32 $0x11680, s15;
	[tilespmem:s15+$0x11680] =	vst v3  }
0x596: {  	[tilespmem:s11+$0x10] =	vst v3  }
0x597: {  	[tilespmem:s11+$0x20] =	vst v3  }
0x598: {  	[tilespmem:s11+$0x30] =	vst v3  }
0x599: {  	[tilespmem:s11+$0x40] =	vst v3  }
0x59a: {  	[tilespmem:s11+$0x50] =	vst v3  }
0x59b: {  	[tilespmem:s11+$0x60] =	vst v3  }
0x59c: {  	[tilespmem:s11+$0x70] =	vst v3  }
0x59d: {  	[tilespmem:s11+$0x400] =	vst v3  }
0x59e: {  	p4 =	sne.s32 s14, $0x1;
	[tilespmem:s11+$0x410] =	vst v3  }
.Ltmp53:
0x59f: {  	[tilespmem:s11+$0x420] =	vst v3;
	(pc) =	sbr.rel @!p4 .LBB2_86-.Ltmp53, $4  }
0x5a0: {  	[tilespmem:s11+$0x430] =	vst v3  }
0x5a1: {  	[tilespmem:s11+$0x440] =	vst v3  }
0x5a2: {  	s12 =	sadd.s32 $0x100, s12;
	s13 =	sadd.s32 $0x80, s13;
	s14 =	sadd.s32 $0xFFFFFFFF, s14;
	[tilespmem:s11+$0x450] =	vst v3  }
0x5a3: {  	p3 =	por $0x1, $0x1;
	s15 =	sand.u32 $0x7800, s12;
	s16 =	sand.u32 $0x380, s13;
	[tilespmem:s11+$0x460] =	vst v3  }
.LBB2_85:
0x5a4: {  	p4 =	sne.s32 s14, $0x1;
	s15 =	sor.u32 s16, s15;
	[tilespmem:s11+$0x470] =	vst v3  }
0x5a5: {  	s11 =	sadd.s32 $0x11680, s15;
	[tilespmem:s15+$0x11680] =	vst v3  }
0x5a6: {  	[tilespmem:s11+$0x10] =	vst v3  }
0x5a7: {  	[tilespmem:s11+$0x20] =	vst v3  }
0x5a8: {  	[tilespmem:s11+$0x30] =	vst v3  }
0x5a9: {  	[tilespmem:s11+$0x40] =	vst v3  }
0x5aa: {  	[tilespmem:s11+$0x50] =	vst v3  }
0x5ab: {  	[tilespmem:s11+$0x60] =	vst v3  }
0x5ac: {  	[tilespmem:s11+$0x70] =	vst v3  }
0x5ad: {  	[tilespmem:s11+$0x400] =	vst v3  }
0x5ae: {  	[tilespmem:s11+$0x410] =	vst v3  }
.Ltmp54:
0x5af: {  	[tilespmem:s11+$0x420] =	vst v3;
	(pc) =	sbr.rel @p4 .LBB2_85-.Ltmp54, $4  }
0x5b0: {  	[tilespmem:s11+$0x430] =	vst v3  }
0x5b1: {  	[tilespmem:s11+$0x440] =	vst v3  }
0x5b2: {  	s13 =	sadd.s32 $0x80, s13;
	s12 =	sadd.s32 $0x100, s12;
	[tilespmem:s11+$0x450] =	vst v3  }
0x5b3: {  	s14 =	sadd.s32 $0xFFFFFFFF, s14;
	s15 =	sand.u32 $0x7800, s12;
	s16 =	sand.u32 $0x380, s13;
	[tilespmem:s11+$0x460] =	vst v3  }
.LBB2_86:
0x5b4: {  	s12 =	sor.u32 s16, s15;
	[tilespmem:s11+$0x470] =	vst @p3 v3  }
0x5b5: {  	s16 =	sadd.s32 $0x11680, s12;
	[tilespmem:s12+$0x11680] =	vst v3  }
0x5b6: {  	[tilespmem:s16+$0x10] =	vst v3  }
0x5b7: {  	[tilespmem:s16+$0x20] =	vst v3  }
0x5b8: {  	[tilespmem:s16+$0x30] =	vst v3  }
0x5b9: {  	[tilespmem:s16+$0x40] =	vst v3  }
0x5ba: {  	[tilespmem:s16+$0x50] =	vst v3  }
0x5bb: {  	[tilespmem:s16+$0x60] =	vst v3  }
0x5bc: {  	[tilespmem:s16+$0x70] =	vst v3  }
0x5bd: {  	[tilespmem:s16+$0x400] =	vst v3  }
0x5be: {  	[tilespmem:s16+$0x410] =	vst v3  }
0x5bf: {  	[tilespmem:s16+$0x420] =	vst v3  }
0x5c0: {  	[tilespmem:s16+$0x430] =	vst v3  }
0x5c1: {  	[tilespmem:s16+$0x440] =	vst v3  }
0x5c2: {  	[tilespmem:s16+$0x450] =	vst v3  }
0x5c3: {  	[tilespmem:s16+$0x460] =	vst v3  }
0x5c4: {  	[tilespmem:s16+$0x470] =	vst v3  }
.LBB2_87:
.Ltmp55:
0x5c5: {  	s11 =	rddreg [dreg:$0x12];
	(pc) =	sbr.rel .LBB2_89-.Ltmp55, $4  }
0x5c6: {  	[hbm4b:s11+s1] =	stream.linear.scatter [tilespmem:s25], [sflag:$0x4], $0x8000, $0x38;
	[tilespmem:$0x1D680] =	vst v63  }
0x5c7: {  	_ =	swait.ge [sflag:s18], $0x8000  }
0x5c8: {  	[sflag:s18] =	ssyncset.done $0x0  }
0x5c9: {  	[sflag:s18] =	ssyncadd.s32 $0xFFFF8000  }
.LBB2_88:
0x5ca: {  	s11 =	rddreg [dreg:$0xa]  }
0x5cb: {  	[hbm4b:s11+s1] =	stream.linear.scatter [tilespmem:s29], [sflag:$0x4], $0x4000, $0x38;
	[tilespmem:$0x1D680] =	vst v63  }
0x5cc: {  	_ =	swait.ge [sflag:s18], $0x4000  }
0x5cd: {  	[sflag:s18] =	ssyncset.done $0x0  }
0x5ce: {  	s16 =	rddreg [dreg:$0x1c];
	[sflag:s18] =	ssyncadd.s32 $0xFFFFC000  }
0x5cf: {  	[hbm4b:s16+s1] =	stream.linear.scatter [tilespmem:s29], [sflag:$0x4], $0x4000, $0x38;
	[tilespmem:$0x1D680] =	vst v63  }
0x5d0: {  	_ =	swait.ge [sflag:s18], $0x4000  }
0x5d1: {  	[sflag:s18] =	ssyncset.done $0x0  }
0x5d2: {  	[sflag:s18] =	ssyncadd.s32 $0xFFFFC000  }
.LBB2_89:
.Ltmp56:
0x5d3: {  	(pc) =	sbr.rel @p1 .LBB2_97-.Ltmp56, $1  }
0x5d4: {  	_ =	sdelay $0x3  }
0x5d5: {  	s11 =	ssub.s32 s0, s9  }
0x5d6: {  	p1 =	sgt.s32 s11, $0x7F  }
.Ltmp57:
0x5d7: {  	_ = 	snop;
	(pc) =	sbr.rel @p1 .LBB2_96-.Ltmp57, $4  }
0x5d8: {  	s12 =	simm.s32 $0x1  }
0x5d9: {  	_ =	swait.ge [sflag:s12], $0x8000  }
0x5da: {  	[sflag:s12] =	ssyncset.done $0x0  }
0x5db: {  	[sflag:s12] =	ssyncadd.s32 $0xFFFF8000  }
0x5dc: {  	s13 =	sld [smem:$0x7FC];
	_ =	sdelay $0x1  }
0x5dd: {  	s12 =	smax.u32 s11, $0x7F  }
0x5de: {  	s12 =	sadd.s32 s12, s13  }
0x5df: {  	s14 =	ssub.s32 s12, s0  }
0x5e0: {  	p3 =	sne.s32 s14, $0x1  }
.Ltmp58:
0x5e1: {  	_ = 	snop;
	(pc) =	sbr.rel @!p3 .LBB2_92-.Ltmp58, $3  }
0x5e2: {  	_ =	sdelay $0x1  }
0x5e3: {  	p1 =	por $0x0, $0x0;
	s13 =	sshll.u32 s11, $0x7;
	s12 =	sshll.u32 s11, $0x8  }
0x5e4: {  	s16 =	sand.u32 $0x380, s13;
	s15 =	sand.u32 $0x7800, s12;
	s14 =	sadd.s32 $0xFFFFFFFF, s14  }
0x5e5: {  	s11 =	sor.u32 s16, s15  }
0x5e6: {  	[tilespmem:s11+$0x1AF0] =	vst v3  }
0x5e7: {  	[tilespmem:s11+$0x1680] =	vst v3  }
0x5e8: {  	[tilespmem:s11+$0x1690] =	vst v3  }
0x5e9: {  	[tilespmem:s11+$0x16A0] =	vst v3  }
0x5ea: {  	[tilespmem:s11+$0x16B0] =	vst v3  }
0x5eb: {  	[tilespmem:s11+$0x16C0] =	vst v3  }
0x5ec: {  	[tilespmem:s11+$0x16D0] =	vst v3  }
0x5ed: {  	[tilespmem:s11+$0x16E0] =	vst v3  }
0x5ee: {  	[tilespmem:s11+$0x16F0] =	vst v3  }
0x5ef: {  	p3 =	sne.s32 s14, $0x1;
	[tilespmem:s11+$0x1A80] =	vst v3  }
.Ltmp59:
0x5f0: {  	[tilespmem:s11+$0x1A90] =	vst v3;
	(pc) =	sbr.rel @!p3 .LBB2_95-.Ltmp59, $4  }
0x5f1: {  	[tilespmem:s11+$0x1AA0] =	vst v3  }
0x5f2: {  	[tilespmem:s11+$0x1AB0] =	vst v3  }
0x5f3: {  	s12 =	sadd.s32 $0x100, s12;
	s13 =	sadd.s32 $0x80, s13;
	s14 =	sadd.s32 $0xFFFFFFFF, s14;
	[tilespmem:s11+$0x1AC0] =	vst v3  }
0x5f4: {  	p1 =	por $0x1, $0x1;
	s15 =	sand.u32 $0x7800, s12;
	s16 =	sand.u32 $0x380, s13;
	[tilespmem:s11+$0x1AD0] =	vst v3  }
.LBB2_94:
0x5f5: {  	p3 =	sne.s32 s14, $0x1;
	[tilespmem:s11+$0x1AE0] =	vst v3;
	s11 =	sor.u32 s16, s15  }
0x5f6: {  	[tilespmem:s11+$0x1AF0] =	vst v3  }
0x5f7: {  	[tilespmem:s11+$0x1680] =	vst v3  }
0x5f8: {  	[tilespmem:s11+$0x1690] =	vst v3  }
0x5f9: {  	[tilespmem:s11+$0x16A0] =	vst v3  }
0x5fa: {  	[tilespmem:s11+$0x16B0] =	vst v3  }
0x5fb: {  	[tilespmem:s11+$0x16C0] =	vst v3  }
0x5fc: {  	[tilespmem:s11+$0x16D0] =	vst v3  }
0x5fd: {  	[tilespmem:s11+$0x16E0] =	vst v3  }
0x5fe: {  	[tilespmem:s11+$0x16F0] =	vst v3  }
0x5ff: {  	[tilespmem:s11+$0x1A80] =	vst v3  }
.Ltmp60:
0x600: {  	[tilespmem:s11+$0x1A90] =	vst v3;
	(pc) =	sbr.rel @p3 .LBB2_94-.Ltmp60, $4  }
0x601: {  	[tilespmem:s11+$0x1AA0] =	vst v3  }
0x602: {  	[tilespmem:s11+$0x1AB0] =	vst v3  }
0x603: {  	s13 =	sadd.s32 $0x80, s13;
	s12 =	sadd.s32 $0x100, s12;
	[tilespmem:s11+$0x1AC0] =	vst v3  }
0x604: {  	s14 =	sadd.s32 $0xFFFFFFFF, s14;
	s15 =	sand.u32 $0x7800, s12;
	s16 =	sand.u32 $0x380, s13;
	[tilespmem:s11+$0x1AD0] =	vst v3  }
.LBB2_95:
0x605: {  	s12 =	sor.u32 s16, s15;
	[tilespmem:s11+$0x1AE0] =	vst @p1 v3  }
0x606: {  	[tilespmem:s12+$0x1AF0] =	vst v3  }
0x607: {  	[tilespmem:s12+$0x1680] =	vst v3  }
0x608: {  	[tilespmem:s12+$0x1690] =	vst v3  }
0x609: {  	[tilespmem:s12+$0x16A0] =	vst v3  }
0x60a: {  	[tilespmem:s12+$0x16B0] =	vst v3  }
0x60b: {  	[tilespmem:s12+$0x16C0] =	vst v3  }
0x60c: {  	[tilespmem:s12+$0x16D0] =	vst v3  }
0x60d: {  	[tilespmem:s12+$0x16E0] =	vst v3  }
0x60e: {  	[tilespmem:s12+$0x16F0] =	vst v3  }
0x60f: {  	[tilespmem:s12+$0x1A80] =	vst v3  }
0x610: {  	[tilespmem:s12+$0x1A90] =	vst v3  }
0x611: {  	[tilespmem:s12+$0x1AA0] =	vst v3  }
0x612: {  	[tilespmem:s12+$0x1AB0] =	vst v3  }
0x613: {  	[tilespmem:s12+$0x1AC0] =	vst v3  }
0x614: {  	[tilespmem:s12+$0x1AD0] =	vst v3  }
0x615: {  	[tilespmem:s12+$0x1AE0] =	vst v3  }
.LBB2_96:
.Ltmp61:
0x616: {  	s11 =	rddreg [dreg:$0x13];
	(pc) =	sbr.rel .LBB2_98-.Ltmp61, $4  }
0x617: {  	[hbm4b:s11+s1] =	stream.linear.scatter [tilespmem:s21], [sflag:$0x4], $0x8000, $0x38;
	[tilespmem:$0x1D680] =	vst v63  }
0x618: {  	_ =	swait.ge [sflag:s18], $0x8000  }
0x619: {  	[sflag:s18] =	ssyncset.done $0x0  }
0x61a: {  	[sflag:s18] =	ssyncadd.s32 $0xFFFF8000  }
.LBB2_97:
0x61b: {  	s11 =	rddreg [dreg:$0xb]  }
0x61c: {  	[hbm4b:s11+s1] =	stream.linear.scatter [tilespmem:s29], [sflag:$0x4], $0x4000, $0x38;
	[tilespmem:$0x1D680] =	vst v63  }
0x61d: {  	_ =	swait.ge [sflag:s18], $0x4000  }
0x61e: {  	[sflag:s18] =	ssyncset.done $0x0  }
0x61f: {  	s16 =	rddreg [dreg:$0x1d];
	[sflag:s18] =	ssyncadd.s32 $0xFFFFC000  }
0x620: {  	[hbm4b:s16+s1] =	stream.linear.scatter [tilespmem:s29], [sflag:$0x4], $0x4000, $0x38;
	[tilespmem:$0x1D680] =	vst v63  }
0x621: {  	_ =	swait.ge [sflag:s18], $0x4000  }
0x622: {  	[sflag:s18] =	ssyncset.done $0x0  }
0x623: {  	[sflag:s18] =	ssyncadd.s32 $0xFFFFC000  }
.LBB2_98:
.Ltmp62:
0x624: {  	(pc) =	sbr.rel @p2 .LBB2_106-.Ltmp62, $1  }
0x625: {  	_ =	sdelay $0x3  }
0x626: {  	s12 =	ssub.s32 s0, s10  }
0x627: {  	p1 =	sgt.s32 s12, $0x7F  }
.Ltmp63:
0x628: {  	_ = 	snop;
	(pc) =	sbr.rel @p1 .LBB2_105-.Ltmp63, $4  }
0x629: {  	_ = 	snop  }
0x62a: {  	_ =	swait.ge [sflag:s28], $0x8000  }
0x62b: {  	[sflag:s28] =	ssyncset.done $0x0  }
0x62c: {  	[sflag:s28] =	ssyncadd.s32 $0xFFFF8000  }
0x62d: {  	s13 =	sld [smem:$0x7FD];
	_ =	sdelay $0x1  }
0x62e: {  	s11 =	smax.u32 s12, $0x7F  }
0x62f: {  	s11 =	sadd.s32 s11, s13  }
0x630: {  	s0 =	ssub.s32 s11, s0  }
0x631: {  	p2 =	sne.s32 s0, $0x1  }
.Ltmp64:
0x632: {  	_ = 	snop;
	(pc) =	sbr.rel @!p2 .LBB2_101-.Ltmp64, $3  }
0x633: {  	_ =	sdelay $0x1  }
0x634: {  	p1 =	por $0x0, $0x0;
	s11 =	sshll.u32 s12, $0x8;
	s12 =	sshll.u32 s12, $0x7  }
0x635: {  	s14 =	sand.u32 $0x7800, s11;
	s15 =	sand.u32 $0x380, s12;
	s13 =	sadd.s32 $0xFFFFFFFF, s0  }
0x636: {  	s0 =	sor.u32 s15, s14  }
0x637: {  	[tilespmem:s0+$0x9AF0] =	vst v3  }
0x638: {  	[tilespmem:s0+$0x9680] =	vst v3  }
0x639: {  	[tilespmem:s0+$0x9690] =	vst v3  }
0x63a: {  	[tilespmem:s0+$0x96A0] =	vst v3  }
0x63b: {  	[tilespmem:s0+$0x96B0] =	vst v3  }
0x63c: {  	[tilespmem:s0+$0x96C0] =	vst v3  }
0x63d: {  	[tilespmem:s0+$0x96D0] =	vst v3  }
0x63e: {  	[tilespmem:s0+$0x96E0] =	vst v3  }
0x63f: {  	[tilespmem:s0+$0x96F0] =	vst v3  }
0x640: {  	p2 =	sne.s32 s13, $0x1;
	[tilespmem:s0+$0x9A80] =	vst v3  }
.Ltmp65:
0x641: {  	[tilespmem:s0+$0x9A90] =	vst v3;
	(pc) =	sbr.rel @!p2 .LBB2_104-.Ltmp65, $4  }
0x642: {  	[tilespmem:s0+$0x9AA0] =	vst v3  }
0x643: {  	[tilespmem:s0+$0x9AB0] =	vst v3  }
0x644: {  	s11 =	sadd.s32 $0x100, s11;
	s12 =	sadd.s32 $0x80, s12;
	s13 =	sadd.s32 $0xFFFFFFFF, s13;
	[tilespmem:s0+$0x9AC0] =	vst v3  }
0x645: {  	p1 =	por $0x1, $0x1;
	s14 =	sand.u32 $0x7800, s11;
	s15 =	sand.u32 $0x380, s12;
	[tilespmem:s0+$0x9AD0] =	vst v3  }
.LBB2_103:
0x646: {  	p2 =	sne.s32 s13, $0x1;
	[tilespmem:s0+$0x9AE0] =	vst v3;
	s0 =	sor.u32 s15, s14  }
0x647: {  	[tilespmem:s0+$0x9AF0] =	vst v3  }
0x648: {  	[tilespmem:s0+$0x9680] =	vst v3  }
0x649: {  	[tilespmem:s0+$0x9690] =	vst v3  }
0x64a: {  	[tilespmem:s0+$0x96A0] =	vst v3  }
0x64b: {  	[tilespmem:s0+$0x96B0] =	vst v3  }
0x64c: {  	[tilespmem:s0+$0x96C0] =	vst v3  }
0x64d: {  	[tilespmem:s0+$0x96D0] =	vst v3  }
0x64e: {  	[tilespmem:s0+$0x96E0] =	vst v3  }
0x64f: {  	[tilespmem:s0+$0x96F0] =	vst v3  }
0x650: {  	[tilespmem:s0+$0x9A80] =	vst v3  }
.Ltmp66:
0x651: {  	[tilespmem:s0+$0x9A90] =	vst v3;
	(pc) =	sbr.rel @p2 .LBB2_103-.Ltmp66, $4  }
0x652: {  	[tilespmem:s0+$0x9AA0] =	vst v3  }
0x653: {  	[tilespmem:s0+$0x9AB0] =	vst v3  }
0x654: {  	s12 =	sadd.s32 $0x80, s12;
	s11 =	sadd.s32 $0x100, s11;
	[tilespmem:s0+$0x9AC0] =	vst v3  }
0x655: {  	s13 =	sadd.s32 $0xFFFFFFFF, s13;
	s14 =	sand.u32 $0x7800, s11;
	s15 =	sand.u32 $0x380, s12;
	[tilespmem:s0+$0x9AD0] =	vst v3  }
.LBB2_104:
0x656: {  	s11 =	sor.u32 s15, s14;
	[tilespmem:s0+$0x9AE0] =	vst @p1 v3  }
0x657: {  	[tilespmem:s11+$0x9AF0] =	vst v3  }
0x658: {  	[tilespmem:s11+$0x9680] =	vst v3  }
0x659: {  	[tilespmem:s11+$0x9690] =	vst v3  }
0x65a: {  	[tilespmem:s11+$0x96A0] =	vst v3  }
0x65b: {  	[tilespmem:s11+$0x96B0] =	vst v3  }
0x65c: {  	[tilespmem:s11+$0x96C0] =	vst v3  }
0x65d: {  	[tilespmem:s11+$0x96D0] =	vst v3  }
0x65e: {  	[tilespmem:s11+$0x96E0] =	vst v3  }
0x65f: {  	[tilespmem:s11+$0x96F0] =	vst v3  }
0x660: {  	[tilespmem:s11+$0x9A80] =	vst v3  }
0x661: {  	[tilespmem:s11+$0x9A90] =	vst v3  }
0x662: {  	[tilespmem:s11+$0x9AA0] =	vst v3  }
0x663: {  	[tilespmem:s11+$0x9AB0] =	vst v3  }
0x664: {  	[tilespmem:s11+$0x9AC0] =	vst v3  }
0x665: {  	[tilespmem:s11+$0x9AD0] =	vst v3  }
0x666: {  	[tilespmem:s11+$0x9AE0] =	vst v3  }
.LBB2_105:
.Ltmp67:
0x667: {  	s0 =	rddreg [dreg:$0x14];
	(pc) =	sbr.rel .LBB2_107-.Ltmp67, $4  }
0x668: {  	[hbm4b:s0+s1] =	stream.linear.scatter [tilespmem:s22], [sflag:$0x4], $0x8000, $0x38;
	[tilespmem:$0x1D680] =	vst v63  }
0x669: {  	_ =	swait.ge [sflag:s18], $0x8000  }
0x66a: {  	[sflag:s18] =	ssyncset.done $0x0  }
0x66b: {  	[sflag:s18] =	ssyncadd.s32 $0xFFFF8000  }
.LBB2_11:
.Ltmp68:
0x66c: {  	(pc) =	sbr.rel .LBB2_16-.Ltmp68, $2  }
0x66d: {  	_ =	sdelay $0x2  }
0x66e: {  	s17 =	simm.s32 $0x10;
	s16 =	simm.s32 $0xE10  }
.LBB2_13:
.Ltmp69:
0x66f: {  	(pc) =	sbr.rel .LBB2_16-.Ltmp69, $3  }
0x670: {  	_ =	sdelay $0x1  }
0x671: {  	s17 =	simm.s32 $0x10  }
0x672: {  	s16 =	simm.s32 $0xE10;
	s19 =	simm.s32 $0x1E80;
	s24 =	simm.s32 $0x2680  }
.LBB2_28:
.Ltmp70:
0x673: {  	(pc) =	sbr.rel .LBB2_31-.Ltmp70, $2  }
0x674: {  	_ =	sdelay $0x2  }
0x675: {  	_ = 	snop  }
.LBB2_39:
.Ltmp71:
0x676: {  	(pc) =	sbr.rel .LBB2_42-.Ltmp71, $2  }
0x677: {  	_ =	sdelay $0x2  }
0x678: {  	_ = 	snop  }
.LBB2_50:
.Ltmp72:
0x679: {  	(pc) =	sbr.rel .LBB2_53-.Ltmp72, $2  }
0x67a: {  	_ =	sdelay $0x2  }
0x67b: {  	_ = 	snop  }
.LBB2_61:
.Ltmp73:
0x67c: {  	(pc) =	sbr.rel .LBB2_64-.Ltmp73, $2  }
0x67d: {  	_ =	sdelay $0x2  }
0x67e: {  	_ = 	snop  }
.LBB2_72:
.Ltmp74:
0x67f: {  	(pc) =	sbr.rel .LBB2_75-.Ltmp74, $2  }
0x680: {  	_ =	sdelay $0x2  }
0x681: {  	_ = 	snop  }
.LBB2_83:
.Ltmp75:
0x682: {  	(pc) =	sbr.rel .LBB2_86-.Ltmp75, $2  }
0x683: {  	_ =	sdelay $0x2  }
0x684: {  	_ = 	snop  }
.LBB2_92:
.Ltmp76:
0x685: {  	(pc) =	sbr.rel .LBB2_95-.Ltmp76, $2  }
0x686: {  	_ =	sdelay $0x2  }
0x687: {  	_ = 	snop  }
.LBB2_101:
.Ltmp77:
0x688: {  	(pc) =	sbr.rel .LBB2_104-.Ltmp77, $2  }
0x689: {  	_ =	sdelay $0x2  }
0x68a: {  	_ = 	snop  }
.LBB2_108:
0x68b: {  	_ =	sfence.sel $0x180000  }
0x68c: {  	[bflag:$0x0] =	sbarrier.arrive $0xFFFF  }
0x68d: {  	_ =	strace $0x90000047  }
0x68e: {  	s0 =	stileid.u32;
	[bflag:$0x2] =	sbarrier.arrive $0xFFFF  }
0x68f: {  	p0 =	sne.s32 s0, $0x0;
	s0 =	rddreg [dreg:$0x4]  }
0x690: {  	s0 =	sadd.s32 @!p0 $0x100000, s0  }
0x691: {  	[sflag:s0] =	ssyncadd.tile.s32 @!p0 $0x1;
	_ =	shalt  }
.Lfunc_end2:
_tile_overlayer_lowered:
.L_overlay_start_2:
0x692: {  	(tag) =	ssettag $0x2  }
0x693: {  	s0 =	rddreg [dreg:$0x0];
	s2 =	stileid.u32  }
0x694: {  	s1 =	rddreg [dreg:$0x1];
	p0 =	sne.s32 s2, $0x0  }
0x695: {  	s3 =	rddreg [dreg:$0x2];
	[bflag:$0x3] =	sbarrier.arrive $0xFFFF;
	s2 =	simm.s32 @!p0 $0x1C04  }
0x696: {  	[timem:s3], [sflag:s2] =	dma.local @!p0 [hbm:s0], s1  }
0x697: {  	s0 =	simm.s32 @!p0 $0x4  }
0x698: {  	_ =	swait.ge @!p0 [sflag:s0], s1  }
0x699: {  	s1 =	ssub.s32 @!p0 $0x0, s1;
	[sflag:s0] =	ssyncset.done @!p0 $0x0  }
0x69a: {  	[sflag:s0] =	ssyncadd.s32 @!p0 s1  }
0x69b: {  	[bflag:$0x3] =	sbarrier.arrive $0xFFFF  }
0x69c: {  	_ =	shalt  }

</sc_bundles>
